<compile_context>
chip_gen: v7x
topology: tpu7x:2x2x1
jax: 0.10.2.dev20260603
libtpu: 0.0.44.dev20260713+nightly
codegen_flags: <defaults>
</compile_context>

<pallas_src>
import jax
import jax.numpy as jnp
from jax import lax
from jax.experimental import pallas as pl
from jax.experimental.pallas import tpu as pltpu
from jax.experimental.pallas import tpu_sc as plsc

_NUM_NODES = 1000000
_NUM_CHANNELS = 32
_BATCH = 16384

_INFO = plsc.get_sparse_core_info()
_NC = _INFO.num_cores
_NS = _INFO.num_subcores
_NW = _NC * _NS
_B_PER_W = _BATCH // _NW
_G = 16
_NGROUPS = _B_PER_W // _G


def _make_gather():
    mesh = plsc.VectorSubcoreMesh(core_axis_name="c", subcore_axis_name="s")

    @pl.kernel(
        mesh=mesh,
        out_type=jax.ShapeDtypeStruct((_NUM_CHANNELS, _BATCH), jnp.float32),
        scratch_types=[
            pltpu.VMEM((_B_PER_W,), jnp.int32),
            pltpu.VMEM((_G, _NUM_CHANNELS, 128), jnp.float32),
            pltpu.VMEM((_NUM_CHANNELS, _B_PER_W), jnp.float32),
            pltpu.SemaphoreType.DMA((_G,)),
        ],
        compiler_params=pltpu.CompilerParams(needs_layout_passes=False),
    )
    def gather(idx_hbm, table_hbm, out_hbm, idx_v, ring, out_v, sems):
        wid = lax.axis_index("s") * _NC + lax.axis_index("c")
        base = wid * _B_PER_W
        pltpu.sync_copy(idx_hbm.at[pl.ds(base, _B_PER_W)], idx_v)
        iota = lax.iota(jnp.int32, 16)

        def extract(g, j):
            nv = idx_v[pl.ds(g * _G, _G)]
            return jnp.sum(jnp.where(iota == j, nv, 0))

        def fire(g, j):
            n = extract(g, j)
            gbase = pl.multiple_of((n >> 7) * 128, 128)
            for o in range(_NUM_CHANNELS // 8):
                pltpu.async_copy(
                    table_hbm.at[pl.ds(o * 8, 8), pl.ds(gbase, 128)],
                    ring.at[j, pl.ds(o * 8, 8)],
                    sems.at[j],
                )

        for j in range(_G):
            fire(0, j)

        def group(g, _):
            for j in range(_G):
                pltpu.make_async_copy(
                    table_hbm.at[:, pl.ds(0, 128)], ring.at[j], sems.at[j]
                ).wait()
                col = extract(g, j) & 127
                cv = jnp.full((16,), col, jnp.int32)
                jv = jnp.full((16,), j, jnp.int32)
                i = g * _G + j
                iv = jnp.full((16,), i, jnp.int32)
                v0 = plsc.load_gather(ring, [jv, iota, cv])
                v1 = plsc.load_gather(ring, [jv, iota + 16, cv])
                plsc.store_scatter(out_v, [iota, iv], v0)
                plsc.store_scatter(out_v, [iota + 16, iv], v1)

                @pl.when(g < _NGROUPS - 1)
                def _():
                    fire(g + 1, j)

            return _

        lax.fori_loop(0, _NGROUPS, group, None)
        pltpu.sync_copy(out_v, out_hbm.at[:, pl.ds(base, _B_PER_W)])

    return gather


_gather = _make_gather()


@jax.jit
def kernel(x_indices, embedding_weight):
    idx = x_indices.astype(jnp.int32)
    table_t = embedding_weight.T
    out_t = _gather(idx, table_t)
    return out_t.T

# --- scband reference (transcript-rebuilt; emitter-appended) ---
"""Pipeline reference for scband-versatile-embedding-41901700939855 (READ-ONLY COPY).

The authoritative reference and input builder live on the scoring server;
editing this copy changes nothing except your own understanding.
"""

import jax, jax.numpy as jnp
import numpy as np

NUM_NODES = 1000000
NUM_CHANNELS = 32
BATCH = 16384

def setup_inputs(seed: int = 0) -> dict:
    key = jax.random.key(seed)
    k1, k2 = jax.random.split(key)
    x_indices = jax.random.randint(k1, (BATCH,), 0, NUM_NODES, dtype=jnp.int64 if jax.config.jax_enable_x64 else jnp.int32)
    # nn.Embedding default init: N(0, 1)
    embedding_weight = jax.random.normal(k2, (NUM_NODES, NUM_CHANNELS), dtype=jnp.float32)
    return {"x_indices": x_indices, "embedding_weight": embedding_weight}

def reference(x_indices, embedding_weight):
    # VersatileEmbedding with embedding_type='Embedding': return self.embedding(x_indices.squeeze())
    idx = jnp.squeeze(x_indices)
    return jnp.take(embedding_weight, idx, axis=0)

if __name__ == "__main__":
    import jax
    _d = setup_inputs()
    print(jax.jit(kernel)(*tuple(_d.values())))

</pallas_src>

<mosaic_0001>
#map = affine_map<(d0, d1) -> (0)>
#map1 = affine_map<(d0, d1) -> (0, 0)>
module attributes {stable_mosaic.version = 14 : i64} {
  func.func @gather(%arg0: i32, %arg1: i32, %arg2: memref<16384xi32, #tpu.memory_space<hbm>>, %arg3: memref<32x1000000xf32, #tpu.memory_space<hbm>>, %arg4: memref<32x16384xf32, #tpu.memory_space<hbm>>, %arg5: memref<512xi32, #tpu.memory_space<vmem>>, %arg6: memref<16x32x128xf32, #tpu.memory_space<vmem>>, %arg7: memref<32x512xf32, #tpu.memory_space<vmem>>, %arg8: memref<16x!tpu.dma_semaphore, #tpu.memory_space<semaphore_mem>>) attributes {dimension_semantics = [#tpu.dimension_semantics<core_parallel>, #tpu.dimension_semantics<subcore_parallel>], iteration_bounds = array<i64: 2, 16>, scalar_prefetch = 0 : i64, scratch_operands = 4 : i64, tpu.core_type = #tpu.core_type<sc_vector_subcore>, window_params = [{transform_indices = #map}, {transform_indices = #map1}, {transform_indices = #map1}]} {
    %mul3A = arith.constant 2 : i32
    %mul3A_0 = arith.muli %arg1, %mul3A : i32
    %add3A = arith.addi %mul3A_0, %arg0 : i32
    %mul3A_1 = arith.constant 512 : i32
    %mul3A_2 = arith.muli %add3A, %mul3A_1 : i32
    "tpu.region"() ({
      %run_scoped3A = tpu.sem_alloc : memref<!tpu.dma_semaphore, #tpu.memory_space<semaphore_mem>>
      %dma_start3A_1294 = tpu.memref_slice %arg2[%mul3A_2] : memref<16384xi32, #tpu.memory_space<hbm>> -> memref<512xi32, #tpu.memory_space<hbm>>
      %dma_start3A_1295 = tpu.memref_slice %arg2[%mul3A_2] : memref<16384xi32, #tpu.memory_space<hbm>> -> memref<512xi32, #tpu.memory_space<hbm>>
      tpu.enqueue_dma source(%dma_start3A_1295 : memref<512xi32, #tpu.memory_space<hbm>>) target(%arg5 : memref<512xi32, #tpu.memory_space<vmem>>) target_semaphore(%run_scoped3A : memref<!tpu.dma_semaphore, #tpu.memory_space<semaphore_mem>>)
      %dma_wait3A = tpu.memref_slice %arg2[%mul3A_2] : memref<16384xi32, #tpu.memory_space<hbm>> -> memref<512xi32, #tpu.memory_space<hbm>>
      %dma_wait3A_1296 = tpu.memref_slice %arg2[%mul3A_2] : memref<16384xi32, #tpu.memory_space<hbm>> -> memref<512xi32, #tpu.memory_space<hbm>>
      tpu.wait_dma2 semaphore(%run_scoped3A : memref<!tpu.dma_semaphore, #tpu.memory_space<semaphore_mem>>) src(%dma_wait3A_1296 : memref<512xi32, #tpu.memory_space<hbm>>) dst(%arg5 : memref<512xi32, #tpu.memory_space<vmem>>)
      tpu.yield
    }) : () -> ()
    %iota3A = tpu.iota {dimensions = array<i32: 0>} : vector<16xi32>
    %get3A = arith.constant 0 : index
    %get3A_3 = tpu.vector_load %arg5[%get3A] {strides = array<i32>} : memref<512xi32, #tpu.memory_space<vmem>>, vector<16xi32>,
    %eq3A = arith.constant 0 : i32
    %eq3A_4 = vector.broadcast %eq3A : i32 to vector<16xi32>
    %eq3A_5 = arith.cmpi eq, %iota3A, %eq3A_4 : vector<16xi32>
    %jit3A = arith.constant 0 : i32
    %broadcast_in_dim3A = vector.broadcast %jit3A : i32 to vector<16xi32>
    %select_n3A = arith.select %eq3A_5, %get3A_3, %broadcast_in_dim3A : vector<16xi1>, vector<16xi32>
    %reduce_sum3A = arith.constant true
    %reduce_sum3A_6 = vector.broadcast %reduce_sum3A : i1 to vector<16xi1>
    %reduce_sum3A_7 = tpu.scan <sum>, %select_n3A masked %reduce_sum3A_6 : vector<16xi32>, vector<16xi1> -> vector<16xi32>
    %reduce_sum3A_8 = vector.extract %reduce_sum3A_7[15] : i32 from vector<16xi32>
    %shift_right_arithmetic3A = arith.constant 7 : i32
    %shift_right_arithmetic3A_9 = arith.shrsi %reduce_sum3A_8, %shift_right_arithmetic3A : i32
    %mul3A_10 = arith.constant 128 : i32
    %mul3A_11 = arith.muli %shift_right_arithmetic3A_9, %mul3A_10 : i32
    %multiple_of3A = tpu.assume_multiple %mul3A_11, 128 : i32
    %dma_start3A = arith.constant 0 : i32
    %dma_start3A_12 = arith.constant 0 : i32
    %dma_start3A_13 = arith.constant 0 : i32
    %dma_start3A_14 = arith.constant 0 : i32
    %dma_start3A_15 = tpu.memref_slice %arg6[%dma_start3A, %dma_start3A_13, %dma_start3A_14] : memref<16x32x128xf32, #tpu.memory_space<vmem>> -> memref<1x8x128xf32, #tpu.memory_space<vmem>>
    %dma_start3A_16 = tpu.memref_squeeze %dma_start3A_15 : memref<1x8x128xf32, #tpu.memory_space<vmem>> -> memref<8x128xf32, #tpu.memory_space<vmem>>
    %dma_start3A_17 = arith.constant 0 : i32
    %dma_start3A_18 = tpu.memref_slice %arg3[%dma_start3A_17, %multiple_of3A] : memref<32x1000000xf32, #tpu.memory_space<hbm>> -> memref<8x128xf32, #tpu.memory_space<hbm>>
    %dma_start3A_19 = tpu.memref_slice %arg8[%dma_start3A_12] : memref<16x!tpu.dma_semaphore, #tpu.memory_space<semaphore_mem>> -> memref<1x!tpu.dma_semaphore, #tpu.memory_space<semaphore_mem>>
    %dma_start3A_20 = tpu.memref_squeeze %dma_start3A_19 : memref<1x!tpu.dma_semaphore, #tpu.memory_space<semaphore_mem>> -> memref<!tpu.dma_semaphore, #tpu.memory_space<semaphore_mem>>
    %dma_start3A_21 = arith.constant 0 : i32
    %dma_start3A_22 = arith.constant 0 : i32
    %dma_start3A_23 = tpu.memref_slice %arg6[%dma_start3A, %dma_start3A_21, %dma_start3A_22] : memref<16x32x128xf32, #tpu.memory_space<vmem>> -> memref<1x8x128xf32, #tpu.memory_space<vmem>>
    %dma_start3A_24 = tpu.memref_squeeze %dma_start3A_23 : memref<1x8x128xf32, #tpu.memory_space<vmem>> -> memref<8x128xf32, #tpu.memory_space<vmem>>
    %dma_start3A_25 = arith.constant 0 : i32
    %dma_start3A_26 = tpu.memref_slice %arg3[%dma_start3A_25, %multiple_of3A] : memref<32x1000000xf32, #tpu.memory_space<hbm>> -> memref<8x128xf32, #tpu.memory_space<hbm>>
    tpu.enqueue_dma source(%dma_start3A_26 : memref<8x128xf32, #tpu.memory_space<hbm>>) target(%dma_start3A_24 : memref<8x128xf32, #tpu.memory_space<vmem>>) target_semaphore(%dma_start3A_20 : memref<!tpu.dma_semaphore, #tpu.memory_space<semaphore_mem>>)
    %dma_start3A_27 = arith.constant 0 : i32
    %dma_start3A_28 = arith.constant 0 : i32
    %dma_start3A_29 = arith.constant 8 : i32
    %dma_start3A_30 = arith.constant 0 : i32
    %dma_start3A_31 = tpu.memref_slice %arg6[%dma_start3A_27, %dma_start3A_29, %dma_start3A_30] : memref<16x32x128xf32, #tpu.memory_space<vmem>> -> memref<1x8x128xf32, #tpu.memory_space<vmem>>
    %dma_start3A_32 = tpu.memref_squeeze %dma_start3A_31 : memref<1x8x128xf32, #tpu.memory_space<vmem>> -> memref<8x128xf32, #tpu.memory_space<vmem>>
    %dma_start3A_33 = arith.constant 8 : i32
    %dma_start3A_34 = tpu.memref_slice %arg3[%dma_start3A_33, %multiple_of3A] : memref<32x1000000xf32, #tpu.memory_space<hbm>> -> memref<8x128xf32, #tpu.memory_space<hbm>>
    %dma_start3A_35 = tpu.memref_slice %arg8[%dma_start3A_28] : memref<16x!tpu.dma_semaphore, #tpu.memory_space<semaphore_mem>> -> memref<1x!tpu.dma_semaphore, #tpu.memory_space<semaphore_mem>>
    %dma_start3A_36 = tpu.memref_squeeze %dma_start3A_35 : memref<1x!tpu.dma_semaphore, #tpu.memory_space<semaphore_mem>> -> memref<!tpu.dma_semaphore, #tpu.memory_space<semaphore_mem>>
    %dma_start3A_37 = arith.constant 8 : i32
    %dma_start3A_38 = arith.constant 0 : i32
    %dma_start3A_39 = tpu.memref_slice %arg6[%dma_start3A_27, %dma_start3A_37, %dma_start3A_38] : memref<16x32x128xf32, #tpu.memory_space<vmem>> -> memref<1x8x128xf32, #tpu.memory_space<vmem>>
    %dma_start3A_40 = tpu.memref_squeeze %dma_start3A_39 : memref<1x8x128xf32, #tpu.memory_space<vmem>> -> memref<8x128xf32, #tpu.memory_space<vmem>>
    %dma_start3A_41 = arith.constant 8 : i32
    %dma_start3A_42 = tpu.memref_slice %arg3[%dma_start3A_41, %multiple_of3A] : memref<32x1000000xf32, #tpu.memory_space<hbm>> -> memref<8x128xf32, #tpu.memory_space<hbm>>
    tpu.enqueue_dma source(%dma_start3A_42 : memref<8x128xf32, #tpu.memory_space<hbm>>) target(%dma_start3A_40 : memref<8x128xf32, #tpu.memory_space<vmem>>) target_semaphore(%dma_start3A_36 : memref<!tpu.dma_semaphore, #tpu.memory_space<semaphore_mem>>)
    %dma_start3A_43 = arith.constant 0 : i32
    %dma_start3A_44 = arith.constant 0 : i32
    %dma_start3A_45 = arith.constant 16 : i32
    %dma_start3A_46 = arith.constant 0 : i32
    %dma_start3A_47 = tpu.memref_slice %arg6[%dma_start3A_43, %dma_start3A_45, %dma_start3A_46] : memref<16x32x128xf32, #tpu.memory_space<vmem>> -> memref<1x8x128xf32, #tpu.memory_space<vmem>>
    %dma_start3A_48 = tpu.memref_squeeze %dma_start3A_47 : memref<1x8x128xf32, #tpu.memory_space<vmem>> -> memref<8x128xf32, #tpu.memory_space<vmem>>
    %dma_start3A_49 = arith.constant 16 : i32
    %dma_start3A_50 = tpu.memref_slice %arg3[%dma_start3A_49, %multiple_of3A] : memref<32x1000000xf32, #tpu.memory_space<hbm>> -> memref<8x128xf32, #tpu.memory_space<hbm>>
    %dma_start3A_51 = tpu.memref_slice %arg8[%dma_start3A_44] : memref<16x!tpu.dma_semaphore, #tpu.memory_space<semaphore_mem>> -> memref<1x!tpu.dma_semaphore, #tpu.memory_space<semaphore_mem>>
    %dma_start3A_52 = tpu.memref_squeeze %dma_start3A_51 : memref<1x!tpu.dma_semaphore, #tpu.memory_space<semaphore_mem>> -> memref<!tpu.dma_semaphore, #tpu.memory_space<semaphore_mem>>
    %dma_start3A_53 = arith.constant 16 : i32
    %dma_start3A_54 = arith.constant 0 : i32
    %dma_start3A_55 = tpu.memref_slice %arg6[%dma_start3A_43, %dma_start3A_53, %dma_start3A_54] : memref<16x32x128xf32, #tpu.memory_space<vmem>> -> memref<1x8x128xf32, #tpu.memory_space<vmem>>
    %dma_start3A_56 = tpu.memref_squeeze %dma_start3A_55 : memref<1x8x128xf32, #tpu.memory_space<vmem>> -> memref<8x128xf32, #tpu.memory_space<vmem>>
    %dma_start3A_57 = arith.constant 16 : i32
    %dma_start3A_58 = tpu.memref_slice %arg3[%dma_start3A_57, %multiple_of3A] : memref<32x1000000xf32, #tpu.memory_space<hbm>> -> memref<8x128xf32, #tpu.memory_space<hbm>>
    tpu.enqueue_dma source(%dma_start3A_58 : memref<8x128xf32, #tpu.memory_space<hbm>>) target(%dma_start3A_56 : memref<8x128xf32, #tpu.memory_space<vmem>>) target_semaphore(%dma_start3A_52 : memref<!tpu.dma_semaphore, #tpu.memory_space<semaphore_mem>>)
    %dma_start3A_59 = arith.constant 0 : i32
    %dma_start3A_60 = arith.constant 0 : i32
    %dma_start3A_61 = arith.constant 24 : i32
    %dma_start3A_62 = arith.constant 0 : i32
    %dma_start3A_63 = tpu.memref_slice %arg6[%dma_start3A_59, %dma_start3A_61, %dma_start3A_62] : memref<16x32x128xf32, #tpu.memory_space<vmem>> -> memref<1x8x128xf32, #tpu.memory_space<vmem>>
    %dma_start3A_64 = tpu.memref_squeeze %dma_start3A_63 : memref<1x8x128xf32, #tpu.memory_space<vmem>> -> memref<8x128xf32, #tpu.memory_space<vmem>>
    %dma_start3A_65 = arith.constant 24 : i32
    %dma_start3A_66 = tpu.memref_slice %arg3[%dma_start3A_65, %multiple_of3A] : memref<32x1000000xf32, #tpu.memory_space<hbm>> -> memref<8x128xf32, #tpu.memory_space<hbm>>
    %dma_start3A_67 = tpu.memref_slice %arg8[%dma_start3A_60] : memref<16x!tpu.dma_semaphore, #tpu.memory_space<semaphore_mem>> -> memref<1x!tpu.dma_semaphore, #tpu.memory_space<semaphore_mem>>
    %dma_start3A_68 = tpu.memref_squeeze %dma_start3A_67 : memref<1x!tpu.dma_semaphore, #tpu.memory_space<semaphore_mem>> -> memref<!tpu.dma_semaphore, #tpu.memory_space<semaphore_mem>>
    %dma_start3A_69 = arith.constant 24 : i32
    %dma_start3A_70 = arith.constant 0 : i32
    %dma_start3A_71 = tpu.memref_slice %arg6[%dma_start3A_59, %dma_start3A_69, %dma_start3A_70] : memref<16x32x128xf32, #tpu.memory_space<vmem>> -> memref<1x8x128xf32, #tpu.memory_space<vmem>>
    %dma_start3A_72 = tpu.memref_squeeze %dma_start3A_71 : memref<1x8x128xf32, #tpu.memory_space<vmem>> -> memref<8x128xf32, #tpu.memory_space<vmem>>
    %dma_start3A_73 = arith.constant 24 : i32
    %dma_start3A_74 = tpu.memref_slice %arg3[%dma_start3A_73, %multiple_of3A] : memref<32x1000000xf32, #tpu.memory_space<hbm>> -> memref<8x128xf32, #tpu.memory_space<hbm>>
    tpu.enqueue_dma source(%dma_start3A_74 : memref<8x128xf32, #tpu.memory_space<hbm>>) target(%dma_start3A_72 : memref<8x128xf32, #tpu.memory_space<vmem>>) target_semaphore(%dma_start3A_68 : memref<!tpu.dma_semaphore, #tpu.memory_space<semaphore_mem>>)
    %get3A_75 = arith.constant 0 : index
    %get3A_76 = tpu.vector_load %arg5[%get3A_75] {strides = array<i32>} : memref<512xi32, #tpu.memory_space<vmem>>, vector<16xi32>,
    %eq3A_77 = arith.constant 1 : i32
    %eq3A_78 = vector.broadcast %eq3A_77 : i32 to vector<16xi32>
    %eq3A_79 = arith.cmpi eq, %iota3A, %eq3A_78 : vector<16xi32>
    %jit3A_80 = arith.constant 0 : i32
    %broadcast_in_dim3A_81 = vector.broadcast %jit3A_80 : i32 to vector<16xi32>
    %select_n3A_82 = arith.select %eq3A_79, %get3A_76, %broadcast_in_dim3A_81 : vector<16xi1>, vector<16xi32>
    %reduce_sum3A_83 = arith.constant true
    %reduce_sum3A_84 = vector.broadcast %reduce_sum3A_83 : i1 to vector<16xi1>
    %reduce_sum3A_85 = tpu.scan <sum>, %select_n3A_82 masked %reduce_sum3A_84 : vector<16xi32>, vector<16xi1> -> vector<16xi32>
    %reduce_sum3A_86 = vector.extract %reduce_sum3A_85[15] : i32 from vector<16xi32>
    %shift_right_arithmetic3A_87 = arith.constant 7 : i32
    %shift_right_arithmetic3A_88 = arith.shrsi %reduce_sum3A_86, %shift_right_arithmetic3A_87 : i32
    %mul3A_89 = arith.constant 128 : i32
    %mul3A_90 = arith.muli %shift_right_arithmetic3A_88, %mul3A_89 : i32
    %multiple_of3A_91 = tpu.assume_multiple %mul3A_90, 128 : i32
    %dma_start3A_92 = arith.constant 1 : i32
    %dma_start3A_93 = arith.constant 1 : i32
    %dma_start3A_94 = arith.constant 0 : i32
    %dma_start3A_95 = arith.constant 0 : i32
    %dma_start3A_96 = tpu.memref_slice %arg6[%dma_start3A_92, %dma_start3A_94, %dma_start3A_95] : memref<16x32x128xf32, #tpu.memory_space<vmem>> -> memref<1x8x128xf32, #tpu.memory_space<vmem>>
    %dma_start3A_97 = tpu.memref_squeeze %dma_start3A_96 : memref<1x8x128xf32, #tpu.memory_space<vmem>> -> memref<8x128xf32, #tpu.memory_space<vmem>>
    %dma_start3A_98 = arith.constant 0 : i32
    %dma_start3A_99 = tpu.memref_slice %arg3[%dma_start3A_98, %multiple_of3A_91] : memref<32x1000000xf32, #tpu.memory_space<hbm>> -> memref<8x128xf32, #tpu.memory_space<hbm>>
    %dma_start3A_100 = tpu.memref_slice %arg8[%dma_start3A_93] : memref<16x!tpu.dma_semaphore, #tpu.memory_space<semaphore_mem>> -> memref<1x!tpu.dma_semaphore, #tpu.memory_space<semaphore_mem>>
    %dma_start3A_101 = tpu.memref_squeeze %dma_start3A_100 : memref<1x!tpu.dma_semaphore, #tpu.memory_space<semaphore_mem>> -> memref<!tpu.dma_semaphore, #tpu.memory_space<semaphore_mem>>
    %dma_start3A_102 = arith.constant 0 : i32
    %dma_start3A_103 = arith.constant 0 : i32
    %dma_start3A_104 = tpu.memref_slice %arg6[%dma_start3A_92, %dma_start3A_102, %dma_start3A_103] : memref<16x32x128xf32, #tpu.memory_space<vmem>> -> memref<1x8x128xf32, #tpu.memory_space<vmem>>
    %dma_start3A_105 = tpu.memref_squeeze %dma_start3A_104 : memref<1x8x128xf32, #tpu.memory_space<vmem>> -> memref<8x128xf32, #tpu.memory_space<vmem>>
    %dma_start3A_106 = arith.constant 0 : i32
    %dma_start3A_107 = tpu.memref_slice %arg3[%dma_start3A_106, %multiple_of3A_91] : memref<32x1000000xf32, #tpu.memory_space<hbm>> -> memref<8x128xf32, #tpu.memory_space<hbm>>
    tpu.enqueue_dma source(%dma_start3A_107 : memref<8x128xf32, #tpu.memory_space<hbm>>) target(%dma_start3A_105 : memref<8x128xf32, #tpu.memory_space<vmem>>) target_semaphore(%dma_start3A_101 : memref<!tpu.dma_semaphore, #tpu.memory_space<semaphore_mem>>)
    %dma_start3A_108 = arith.constant 1 : i32
    %dma_start3A_109 = arith.constant 1 : i32
    %dma_start3A_110 = arith.constant 8 : i32
    %dma_start3A_111 = arith.constant 0 : i32
    %dma_start3A_112 = tpu.memref_slice %arg6[%dma_start3A_108, %dma_start3A_110, %dma_start3A_111] : memref<16x32x128xf32, #tpu.memory_space<vmem>> -> memref<1x8x128xf32, #tpu.memory_space<vmem>>
    %dma_start3A_113 = tpu.memref_squeeze %dma_start3A_112 : memref<1x8x128xf32, #tpu.memory_space<vmem>> -> memref<8x128xf32, #tpu.memory_space<vmem>>
    %dma_start3A_114 = arith.constant 8 : i32
    %dma_start3A_115 = tpu.memref_slice %arg3[%dma_start3A_114, %multiple_of3A_91] : memref<32x1000000xf32, #tpu.memory_space<hbm>> -> memref<8x128xf32, #tpu.memory_space<hbm>>
    %dma_start3A_116 = tpu.memref_slice %arg8[%dma_start3A_109] : memref<16x!tpu.dma_semaphore, #tpu.memory_space<semaphore_mem>> -> memref<1x!tpu.dma_semaphore, #tpu.memory_space<semaphore_mem>>
    %dma_start3A_117 = tpu.memref_squeeze %dma_start3A_116 : memref<1x!tpu.dma_semaphore, #tpu.memory_space<semaphore_mem>> -> memref<!tpu.dma_semaphore, #tpu.memory_space<semaphore_mem>>
    %dma_start3A_118 = arith.constant 8 : i32
    %dma_start3A_119 = arith.constant 0 : i32
    %dma_start3A_120 = tpu.memref_slice %arg6[%dma_start3A_108, %dma_start3A_118, %dma_start3A_119] : memref<16x32x128xf32, #tpu.memory_space<vmem>> -> memref<1x8x128xf32, #tpu.memory_space<vmem>>
    %dma_start3A_121 = tpu.memref_squeeze %dma_start3A_120 : memref<1x8x128xf32, #tpu.memory_space<vmem>> -> memref<8x128xf32, #tpu.memory_space<vmem>>
    %dma_start3A_122 = arith.constant 8 : i32
    %dma_start3A_123 = tpu.memref_slice %arg3[%dma_start3A_122, %multiple_of3A_91] : memref<32x1000000xf32, #tpu.memory_space<hbm>> -> memref<8x128xf32, #tpu.memory_space<hbm>>
    tpu.enqueue_dma source(%dma_start3A_123 : memref<8x128xf32, #tpu.memory_space<hbm>>) target(%dma_start3A_121 : memref<8x128xf32, #tpu.memory_space<vmem>>) target_semaphore(%dma_start3A_117 : memref<!tpu.dma_semaphore, #tpu.memory_space<semaphore_mem>>)
    %dma_start3A_124 = arith.constant 1 : i32
    %dma_start3A_125 = arith.constant 1 : i32
    %dma_start3A_126 = arith.constant 16 : i32
    %dma_start3A_127 = arith.constant 0 : i32
    %dma_start3A_128 = tpu.memref_slice %arg6[%dma_start3A_124, %dma_start3A_126, %dma_start3A_127] : memref<16x32x128xf32, #tpu.memory_space<vmem>> -> memref<1x8x128xf32, #tpu.memory_space<vmem>>
    %dma_start3A_129 = tpu.memref_squeeze %dma_start3A_128 : memref<1x8x128xf32, #tpu.memory_space<vmem>> -> memref<8x128xf32, #tpu.memory_space<vmem>>
    %dma_start3A_130 = arith.constant 16 : i32
    %dma_start3A_131 = tpu.memref_slice %arg3[%dma_start3A_130, %multiple_of3A_91] : memref<32x1000000xf32, #tpu.memory_space<hbm>> -> memref<8x128xf32, #tpu.memory_space<hbm>>
    %dma_start3A_132 = tpu.memref_slice %arg8[%dma_start3A_125] : memref<16x!tpu.dma_semaphore, #tpu.memory_space<semaphore_mem>> -> memref<1x!tpu.dma_semaphore, #tpu.memory_space<semaphore_mem>>
    %dma_start3A_133 = tpu.memref_squeeze %dma_start3A_132 : memref<1x!tpu.dma_semaphore, #tpu.memory_space<semaphore_mem>> -> memref<!tpu.dma_semaphore, #tpu.memory_space<semaphore_mem>>
    %dma_start3A_134 = arith.constant 16 : i32
    %dma_start3A_135 = arith.constant 0 : i32
    %dma_start3A_136 = tpu.memref_slice %arg6[%dma_start3A_124, %dma_start3A_134, %dma_start3A_135] : memref<16x32x128xf32, #tpu.memory_space<vmem>> -> memref<1x8x128xf32, #tpu.memory_space<vmem>>
    %dma_start3A_137 = tpu.memref_squeeze %dma_start3A_136 : memref<1x8x128xf32, #tpu.memory_space<vmem>> -> memref<8x128xf32, #tpu.memory_space<vmem>>
    %dma_start3A_138 = arith.constant 16 : i32
    %dma_start3A_139 = tpu.memref_slice %arg3[%dma_start3A_138, %multiple_of3A_91] : memref<32x1000000xf32, #tpu.memory_space<hbm>> -> memref<8x128xf32, #tpu.memory_space<hbm>>
    tpu.enqueue_dma source(%dma_start3A_139 : memref<8x128xf32, #tpu.memory_space<hbm>>) target(%dma_start3A_137 : memref<8x128xf32, #tpu.memory_space<vmem>>) target_semaphore(%dma_start3A_133 : memref<!tpu.dma_semaphore, #tpu.memory_space<semaphore_mem>>)
    %dma_start3A_140 = arith.constant 1 : i32
    %dma_start3A_141 = arith.constant 1 : i32
    %dma_start3A_142 = arith.constant 24 : i32
    %dma_start3A_143 = arith.constant 0 : i32
    %dma_start3A_144 = tpu.memref_slice %arg6[%dma_start3A_140, %dma_start3A_142, %dma_start3A_143] : memref<16x32x128xf32, #tpu.memory_space<vmem>> -> memref<1x8x128xf32, #tpu.memory_space<vmem>>
    %dma_start3A_145 = tpu.memref_squeeze %dma_start3A_144 : memref<1x8x128xf32, #tpu.memory_space<vmem>> -> memref<8x128xf32, #tpu.memory_space<vmem>>
    %dma_start3A_146 = arith.constant 24 : i32
    %dma_start3A_147 = tpu.memref_slice %arg3[%dma_start3A_146, %multiple_of3A_91] : memref<32x1000000xf32, #tpu.memory_space<hbm>> -> memref<8x128xf32, #tpu.memory_space<hbm>>
    %dma_start3A_148 = tpu.memref_slice %arg8[%dma_start3A_141] : memref<16x!tpu.dma_semaphore, #tpu.memory_space<semaphore_mem>> -> memref<1x!tpu.dma_semaphore, #tpu.memory_space<semaphore_mem>>
    %dma_start3A_149 = tpu.memref_squeeze %dma_start3A_148 : memref<1x!tpu.dma_semaphore, #tpu.memory_space<semaphore_mem>> -> memref<!tpu.dma_semaphore, #tpu.memory_space<semaphore_mem>>
    %dma_start3A_150 = arith.constant 24 : i32
    %dma_start3A_151 = arith.constant 0 : i32
    %dma_start3A_152 = tpu.memref_slice %arg6[%dma_start3A_140, %dma_start3A_150, %dma_start3A_151] : memref<16x32x128xf32, #tpu.memory_space<vmem>> -> memref<1x8x128xf32, #tpu.memory_space<vmem>>
    %dma_start3A_153 = tpu.memref_squeeze %dma_start3A_152 : memref<1x8x128xf32, #tpu.memory_space<vmem>> -> memref<8x128xf32, #tpu.memory_space<vmem>>
    %dma_start3A_154 = arith.constant 24 : i32
    %dma_start3A_155 = tpu.memref_slice %arg3[%dma_start3A_154, %multiple_of3A_91] : memref<32x1000000xf32, #tpu.memory_space<hbm>> -> memref<8x128xf32, #tpu.memory_space<hbm>>
    tpu.enqueue_dma source(%dma_start3A_155 : memref<8x128xf32, #tpu.memory_space<hbm>>) target(%dma_start3A_153 : memref<8x128xf32, #tpu.memory_space<vmem>>) target_semaphore(%dma_start3A_149 : memref<!tpu.dma_semaphore, #tpu.memory_space<semaphore_mem>>)
    %get3A_156 = arith.constant 0 : index
    %get3A_157 = tpu.vector_load %arg5[%get3A_156] {strides = array<i32>} : memref<512xi32, #tpu.memory_space<vmem>>, vector<16xi32>,
    %eq3A_158 = arith.constant 2 : i32
    %eq3A_159 = vector.broadcast %eq3A_158 : i32 to vector<16xi32>
    %eq3A_160 = arith.cmpi eq, %iota3A, %eq3A_159 : vector<16xi32>
    %jit3A_161 = arith.constant 0 : i32
    %broadcast_in_dim3A_162 = vector.broadcast %jit3A_161 : i32 to vector<16xi32>
    %select_n3A_163 = arith.select %eq3A_160, %get3A_157, %broadcast_in_dim3A_162 : vector<16xi1>, vector<16xi32>
    %reduce_sum3A_164 = arith.constant true
    %reduce_sum3A_165 = vector.broadcast %reduce_sum3A_164 : i1 to vector<16xi1>
    %reduce_sum3A_166 = tpu.scan <sum>, %select_n3A_163 masked %reduce_sum3A_165 : vector<16xi32>, vector<16xi1> -> vector<16xi32>
    %reduce_sum3A_167 = vector.extract %reduce_sum3A_166[15] : i32 from vector<16xi32>
    %shift_right_arithmetic3A_168 = arith.constant 7 : i32
    %shift_right_arithmetic3A_169 = arith.shrsi %reduce_sum3A_167, %shift_right_arithmetic3A_168 : i32
    %mul3A_170 = arith.constant 128 : i32
    %mul3A_171 = arith.muli %shift_right_arithmetic3A_169, %mul3A_170 : i32
    %multiple_of3A_172 = tpu.assume_multiple %mul3A_171, 128 : i32
    %dma_start3A_173 = arith.constant 2 : i32
    %dma_start3A_174 = arith.constant 2 : i32
    %dma_start3A_175 = arith.constant 0 : i32
    %dma_start3A_176 = arith.constant 0 : i32
    %dma_start3A_177 = tpu.memref_slice %arg6[%dma_start3A_173, %dma_start3A_175, %dma_start3A_176] : memref<16x32x128xf32, #tpu.memory_space<vmem>> -> memref<1x8x128xf32, #tpu.memory_space<vmem>>
    %dma_start3A_178 = tpu.memref_squeeze %dma_start3A_177 : memref<1x8x128xf32, #tpu.memory_space<vmem>> -> memref<8x128xf32, #tpu.memory_space<vmem>>
    %dma_start3A_179 = arith.constant 0 : i32
    %dma_start3A_180 = tpu.memref_slice %arg3[%dma_start3A_179, %multiple_of3A_172] : memref<32x1000000xf32, #tpu.memory_space<hbm>> -> memref<8x128xf32, #tpu.memory_space<hbm>>
    %dma_start3A_181 = tpu.memref_slice %arg8[%dma_start3A_174] : memref<16x!tpu.dma_semaphore, #tpu.memory_space<semaphore_mem>> -> memref<1x!tpu.dma_semaphore, #tpu.memory_space<semaphore_mem>>
    %dma_start3A_182 = tpu.memref_squeeze %dma_start3A_181 : memref<1x!tpu.dma_semaphore, #tpu.memory_space<semaphore_mem>> -> memref<!tpu.dma_semaphore, #tpu.memory_space<semaphore_mem>>
    %dma_start3A_183 = arith.constant 0 : i32
    %dma_start3A_184 = arith.constant 0 : i32
    %dma_start3A_185 = tpu.memref_slice %arg6[%dma_start3A_173, %dma_start3A_183, %dma_start3A_184] : memref<16x32x128xf32, #tpu.memory_space<vmem>> -> memref<1x8x128xf32, #tpu.memory_space<vmem>>
    %dma_start3A_186 = tpu.memref_squeeze %dma_start3A_185 : memref<1x8x128xf32, #tpu.memory_space<vmem>> -> memref<8x128xf32, #tpu.memory_space<vmem>>
    %dma_start3A_187 = arith.constant 0 : i32
    %dma_start3A_188 = tpu.memref_slice %arg3[%dma_start3A_187, %multiple_of3A_172] : memref<32x1000000xf32, #tpu.memory_space<hbm>> -> memref<8x128xf32, #tpu.memory_space<hbm>>
    tpu.enqueue_dma source(%dma_start3A_188 : memref<8x128xf32, #tpu.memory_space<hbm>>) target(%dma_start3A_186 : memref<8x128xf32, #tpu.memory_space<vmem>>) target_semaphore(%dma_start3A_182 : memref<!tpu.dma_semaphore, #tpu.memory_space<semaphore_mem>>)
    %dma_start3A_189 = arith.constant 2 : i32
    %dma_start3A_190 = arith.constant 2 : i32
    %dma_start3A_191 = arith.constant 8 : i32
    %dma_start3A_192 = arith.constant 0 : i32
    %dma_start3A_193 = tpu.memref_slice %arg6[%dma_start3A_189, %dma_start3A_191, %dma_start3A_192] : memref<16x32x128xf32, #tpu.memory_space<vmem>> -> memref<1x8x128xf32, #tpu.memory_space<vmem>>
    %dma_start3A_194 = tpu.memref_squeeze %dma_start3A_193 : memref<1x8x128xf32, #tpu.memory_space<vmem>> -> memref<8x128xf32, #tpu.memory_space<vmem>>
    %dma_start3A_195 = arith.constant 8 : i32
    %dma_start3A_196 = tpu.memref_slice %arg3[%dma_start3A_195, %multiple_of3A_172] : memref<32x1000000xf32, #tpu.memory_space<hbm>> -> memref<8x128xf32, #tpu.memory_space<hbm>>
    %dma_start3A_197 = tpu.memref_slice %arg8[%dma_start3A_190] : memref<16x!tpu.dma_semaphore, #tpu.memory_space<semaphore_mem>> -> memref<1x!tpu.dma_semaphore, #tpu.memory_space<semaphore_mem>>
    %dma_start3A_198 = tpu.memref_squeeze %dma_start3A_197 : memref<1x!tpu.dma_semaphore, #tpu.memory_space<semaphore_mem>> -> memref<!tpu.dma_semaphore, #tpu.memory_space<semaphore_mem>>
    %dma_start3A_199 = arith.constant 8 : i32
    %dma_start3A_200 = arith.constant 0 : i32
    %dma_start3A_201 = tpu.memref_slice %arg6[%dma_start3A_189, %dma_start3A_199, %dma_start3A_200] : memref<16x32x128xf32, #tpu.memory_space<vmem>> -> memref<1x8x128xf32, #tpu.memory_space<vmem>>
    %dma_start3A_202 = tpu.memref_squeeze %dma_start3A_201 : memref<1x8x128xf32, #tpu.memory_space<vmem>> -> memref<8x128xf32, #tpu.memory_space<vmem>>
    %dma_start3A_203 = arith.constant 8 : i32
    %dma_start3A_204 = tpu.memref_slice %arg3[%dma_start3A_203, %multiple_of3A_172] : memref<32x1000000xf32, #tpu.memory_space<hbm>> -> memref<8x128xf32, #tpu.memory_space<hbm>>
    tpu.enqueue_dma source(%dma_start3A_204 : memref<8x128xf32, #tpu.memory_space<hbm>>) target(%dma_start3A_202 : memref<8x128xf32, #tpu.memory_space<vmem>>) target_semaphore(%dma_start3A_198 : memref<!tpu.dma_semaphore, #tpu.memory_space<semaphore_mem>>)
    %dma_start3A_205 = arith.constant 2 : i32
    %dma_start3A_206 = arith.constant 2 : i32
    %dma_start3A_207 = arith.constant 16 : i32
    %dma_start3A_208 = arith.constant 0 : i32
    %dma_start3A_209 = tpu.memref_slice %arg6[%dma_start3A_205, %dma_start3A_207, %dma_start3A_208] : memref<16x32x128xf32, #tpu.memory_space<vmem>> -> memref<1x8x128xf32, #tpu.memory_space<vmem>>
    %dma_start3A_210 = tpu.memref_squeeze %dma_start3A_209 : memref<1x8x128xf32, #tpu.memory_space<vmem>> -> memref<8x128xf32, #tpu.memory_space<vmem>>
    %dma_start3A_211 = arith.constant 16 : i32
    %dma_start3A_212 = tpu.memref_slice %arg3[%dma_start3A_211, %multiple_of3A_172] : memref<32x1000000xf32, #tpu.memory_space<hbm>> -> memref<8x128xf32, #tpu.memory_space<hbm>>
    %dma_start3A_213 = tpu.memref_slice %arg8[%dma_start3A_206] : memref<16x!tpu.dma_semaphore, #tpu.memory_space<semaphore_mem>> -> memref<1x!tpu.dma_semaphore, #tpu.memory_space<semaphore_mem>>
    %dma_start3A_214 = tpu.memref_squeeze %dma_start3A_213 : memref<1x!tpu.dma_semaphore, #tpu.memory_space<semaphore_mem>> -> memref<!tpu.dma_semaphore, #tpu.memory_space<semaphore_mem>>
    %dma_start3A_215 = arith.constant 16 : i32
    %dma_start3A_216 = arith.constant 0 : i32
    %dma_start3A_217 = tpu.memref_slice %arg6[%dma_start3A_205, %dma_start3A_215, %dma_start3A_216] : memref<16x32x128xf32, #tpu.memory_space<vmem>> -> memref<1x8x128xf32, #tpu.memory_space<vmem>>
    %dma_start3A_218 = tpu.memref_squeeze %dma_start3A_217 : memref<1x8x128xf32, #tpu.memory_space<vmem>> -> memref<8x128xf32, #tpu.memory_space<vmem>>
    %dma_start3A_219 = arith.constant 16 : i32
    %dma_start3A_220 = tpu.memref_slice %arg3[%dma_start3A_219, %multiple_of3A_172] : memref<32x1000000xf32, #tpu.memory_space<hbm>> -> memref<8x128xf32, #tpu.memory_space<hbm>>
    tpu.enqueue_dma source(%dma_start3A_220 : memref<8x128xf32, #tpu.memory_space<hbm>>) target(%dma_start3A_218 : memref<8x128xf32, #tpu.memory_space<vmem>>) target_semaphore(%dma_start3A_214 : memref<!tpu.dma_semaphore, #tpu.memory_space<semaphore_mem>>)
    %dma_start3A_221 = arith.constant 2 : i32
    %dma_start3A_222 = arith.constant 2 : i32
    %dma_start3A_223 = arith.constant 24 : i32
    %dma_start3A_224 = arith.constant 0 : i32
    %dma_start3A_225 = tpu.memref_slice %arg6[%dma_start3A_221, %dma_start3A_223, %dma_start3A_224] : memref<16x32x128xf32, #tpu.memory_space<vmem>> -> memref<1x8x128xf32, #tpu.memory_space<vmem>>
    %dma_start3A_226 = tpu.memref_squeeze %dma_start3A_225 : memref<1x8x128xf32, #tpu.memory_space<vmem>> -> memref<8x128xf32, #tpu.memory_space<vmem>>
    %dma_start3A_227 = arith.constant 24 : i32
    %dma_start3A_228 = tpu.memref_slice %arg3[%dma_start3A_227, %multiple_of3A_172] : memref<32x1000000xf32, #tpu.memory_space<hbm>> -> memref<8x128xf32, #tpu.memory_space<hbm>>
    %dma_start3A_229 = tpu.memref_slice %arg8[%dma_start3A_222] : memref<16x!tpu.dma_semaphore, #tpu.memory_space<semaphore_mem>> -> memref<1x!tpu.dma_semaphore, #tpu.memory_space<semaphore_mem>>
    %dma_start3A_230 = tpu.memref_squeeze %dma_start3A_229 : memref<1x!tpu.dma_semaphore, #tpu.memory_space<semaphore_mem>> -> memref<!tpu.dma_semaphore, #tpu.memory_space<semaphore_mem>>
    %dma_start3A_231 = arith.constant 24 : i32
    %dma_start3A_232 = arith.constant 0 : i32
    %dma_start3A_233 = tpu.memref_slice %arg6[%dma_start3A_221, %dma_start3A_231, %dma_start3A_232] : memref<16x32x128xf32, #tpu.memory_space<vmem>> -> memref<1x8x128xf32, #tpu.memory_space<vmem>>
    %dma_start3A_234 = tpu.memref_squeeze %dma_start3A_233 : memref<1x8x128xf32, #tpu.memory_space<vmem>> -> memref<8x128xf32, #tpu.memory_space<vmem>>
    %dma_start3A_235 = arith.constant 24 : i32
    %dma_start3A_236 = tpu.memref_slice %arg3[%dma_start3A_235, %multiple_of3A_172] : memref<32x1000000xf32, #tpu.memory_space<hbm>> -> memref<8x128xf32, #tpu.memory_space<hbm>>
    tpu.enqueue_dma source(%dma_start3A_236 : memref<8x128xf32, #tpu.memory_space<hbm>>) target(%dma_start3A_234 : memref<8x128xf32, #tpu.memory_space<vmem>>) target_semaphore(%dma_start3A_230 : memref<!tpu.dma_semaphore, #tpu.memory_space<semaphore_mem>>)
    %get3A_237 = arith.constant 0 : index
    %get3A_238 = tpu.vector_load %arg5[%get3A_237] {strides = array<i32>} : memref<512xi32, #tpu.memory_space<vmem>>, vector<16xi32>,
    %eq3A_239 = arith.constant 3 : i32
    %eq3A_240 = vector.broadcast %eq3A_239 : i32 to vector<16xi32>
    %eq3A_241 = arith.cmpi eq, %iota3A, %eq3A_240 : vector<16xi32>
    %jit3A_242 = arith.constant 0 : i32
    %broadcast_in_dim3A_243 = vector.broadcast %jit3A_242 : i32 to vector<16xi32>
    %select_n3A_244 = arith.select %eq3A_241, %get3A_238, %broadcast_in_dim3A_243 : vector<16xi1>, vector<16xi32>
    %reduce_sum3A_245 = arith.constant true
    %reduce_sum3A_246 = vector.broadcast %reduce_sum3A_245 : i1 to vector<16xi1>
    %reduce_sum3A_247 = tpu.scan <sum>, %select_n3A_244 masked %reduce_sum3A_246 : vector<16xi32>, vector<16xi1> -> vector<16xi32>
    %reduce_sum3A_248 = vector.extract %reduce_sum3A_247[15] : i32 from vector<16xi32>
    %shift_right_arithmetic3A_249 = arith.constant 7 : i32
    %shift_right_arithmetic3A_250 = arith.shrsi %reduce_sum3A_248, %shift_right_arithmetic3A_249 : i32
    %mul3A_251 = arith.constant 128 : i32
    %mul3A_252 = arith.muli %shift_right_arithmetic3A_250, %mul3A_251 : i32
    %multiple_of3A_253 = tpu.assume_multiple %mul3A_252, 128 : i32
    %dma_start3A_254 = arith.constant 3 : i32
    %dma_start3A_255 = arith.constant 3 : i32
    %dma_start3A_256 = arith.constant 0 : i32
    %dma_start3A_257 = arith.constant 0 : i32
    %dma_start3A_258 = tpu.memref_slice %arg6[%dma_start3A_254, %dma_start3A_256, %dma_start3A_257] : memref<16x32x128xf32, #tpu.memory_space<vmem>> -> memref<1x8x128xf32, #tpu.memory_space<vmem>>
    %dma_start3A_259 = tpu.memref_squeeze %dma_start3A_258 : memref<1x8x128xf32, #tpu.memory_space<vmem>> -> memref<8x128xf32, #tpu.memory_space<vmem>>
    %dma_start3A_260 = arith.constant 0 : i32
    %dma_start3A_261 = tpu.memref_slice %arg3[%dma_start3A_260, %multiple_of3A_253] : memref<32x1000000xf32, #tpu.memory_space<hbm>> -> memref<8x128xf32, #tpu.memory_space<hbm>>
    %dma_start3A_262 = tpu.memref_slice %arg8[%dma_start3A_255] : memref<16x!tpu.dma_semaphore, #tpu.memory_space<semaphore_mem>> -> memref<1x!tpu.dma_semaphore, #tpu.memory_space<semaphore_mem>>
    %dma_start3A_263 = tpu.memref_squeeze %dma_start3A_262 : memref<1x!tpu.dma_semaphore, #tpu.memory_space<semaphore_mem>> -> memref<!tpu.dma_semaphore, #tpu.memory_space<semaphore_mem>>
    %dma_start3A_264 = arith.constant 0 : i32
    %dma_start3A_265 = arith.constant 0 : i32
    %dma_start3A_266 = tpu.memref_slice %arg6[%dma_start3A_254, %dma_start3A_264, %dma_start3A_265] : memref<16x32x128xf32, #tpu.memory_space<vmem>> -> memref<1x8x128xf32, #tpu.memory_space<vmem>>
    %dma_start3A_267 = tpu.memref_squeeze %dma_start3A_266 : memref<1x8x128xf32, #tpu.memory_space<vmem>> -> memref<8x128xf32, #tpu.memory_space<vmem>>
    %dma_start3A_268 = arith.constant 0 : i32
    %dma_start3A_269 = tpu.memref_slice %arg3[%dma_start3A_268, %multiple_of3A_253] : memref<32x1000000xf32, #tpu.memory_space<hbm>> -> memref<8x128xf32, #tpu.memory_space<hbm>>
    tpu.enqueue_dma source(%dma_start3A_269 : memref<8x128xf32, #tpu.memory_space<hbm>>) target(%dma_start3A_267 : memref<8x128xf32, #tpu.memory_space<vmem>>) target_semaphore(%dma_start3A_263 : memref<!tpu.dma_semaphore, #tpu.memory_space<semaphore_mem>>)
    %dma_start3A_270 = arith.constant 3 : i32
    %dma_start3A_271 = arith.constant 3 : i32
    %dma_start3A_272 = arith.constant 8 : i32
    %dma_start3A_273 = arith.constant 0 : i32
    %dma_start3A_274 = tpu.memref_slice %arg6[%dma_start3A_270, %dma_start3A_272, %dma_start3A_273] : memref<16x32x128xf32, #tpu.memory_space<vmem>> -> memref<1x8x128xf32, #tpu.memory_space<vmem>>
    %dma_start3A_275 = tpu.memref_squeeze %dma_start3A_274 : memref<1x8x128xf32, #tpu.memory_space<vmem>> -> memref<8x128xf32, #tpu.memory_space<vmem>>
    %dma_start3A_276 = arith.constant 8 : i32
    %dma_start3A_277 = tpu.memref_slice %arg3[%dma_start3A_276, %multiple_of3A_253] : memref<32x1000000xf32, #tpu.memory_space<hbm>> -> memref<8x128xf32, #tpu.memory_space<hbm>>
    %dma_start3A_278 = tpu.memref_slice %arg8[%dma_start3A_271] : memref<16x!tpu.dma_semaphore, #tpu.memory_space<semaphore_mem>> -> memref<1x!tpu.dma_semaphore, #tpu.memory_space<semaphore_mem>>
    %dma_start3A_279 = tpu.memref_squeeze %dma_start3A_278 : memref<1x!tpu.dma_semaphore, #tpu.memory_space<semaphore_mem>> -> memref<!tpu.dma_semaphore, #tpu.memory_space<semaphore_mem>>
    %dma_start3A_280 = arith.constant 8 : i32
    %dma_start3A_281 = arith.constant 0 : i32
    %dma_start3A_282 = tpu.memref_slice %arg6[%dma_start3A_270, %dma_start3A_280, %dma_start3A_281] : memref<16x32x128xf32, #tpu.memory_space<vmem>> -> memref<1x8x128xf32, #tpu.memory_space<vmem>>
    %dma_start3A_283 = tpu.memref_squeeze %dma_start3A_282 : memref<1x8x128xf32, #tpu.memory_space<vmem>> -> memref<8x128xf32, #tpu.memory_space<vmem>>
    %dma_start3A_284 = arith.constant 8 : i32
    %dma_start3A_285 = tpu.memref_slice %arg3[%dma_start3A_284, %multiple_of3A_253] : memref<32x1000000xf32, #tpu.memory_space<hbm>> -> memref<8x128xf32, #tpu.memory_space<hbm>>
    tpu.enqueue_dma source(%dma_start3A_285 : memref<8x128xf32, #tpu.memory_space<hbm>>) target(%dma_start3A_283 : memref<8x128xf32, #tpu.memory_space<vmem>>) target_semaphore(%dma_start3A_279 : memref<!tpu.dma_semaphore, #tpu.memory_space<semaphore_mem>>)
    %dma_start3A_286 = arith.constant 3 : i32
    %dma_start3A_287 = arith.constant 3 : i32
    %dma_start3A_288 = arith.constant 16 : i32
    %dma_start3A_289 = arith.constant 0 : i32
    %dma_start3A_290 = tpu.memref_slice %arg6[%dma_start3A_286, %dma_start3A_288, %dma_start3A_289] : memref<16x32x128xf32, #tpu.memory_space<vmem>> -> memref<1x8x128xf32, #tpu.memory_space<vmem>>
    %dma_start3A_291 = tpu.memref_squeeze %dma_start3A_290 : memref<1x8x128xf32, #tpu.memory_space<vmem>> -> memref<8x128xf32, #tpu.memory_space<vmem>>
    %dma_start3A_292 = arith.constant 16 : i32
    %dma_start3A_293 = tpu.memref_slice %arg3[%dma_start3A_292, %multiple_of3A_253] : memref<32x1000000xf32, #tpu.memory_space<hbm>> -> memref<8x128xf32, #tpu.memory_space<hbm>>
    %dma_start3A_294 = tpu.memref_slice %arg8[%dma_start3A_287] : memref<16x!tpu.dma_semaphore, #tpu.memory_space<semaphore_mem>> -> memref<1x!tpu.dma_semaphore, #tpu.memory_space<semaphore_mem>>
    %dma_start3A_295 = tpu.memref_squeeze %dma_start3A_294 : memref<1x!tpu.dma_semaphore, #tpu.memory_space<semaphore_mem>> -> memref<!tpu.dma_semaphore, #tpu.memory_space<semaphore_mem>>
    %dma_start3A_296 = arith.constant 16 : i32
    %dma_start3A_297 = arith.constant 0 : i32
    %dma_start3A_298 = tpu.memref_slice %arg6[%dma_start3A_286, %dma_start3A_296, %dma_start3A_297] : memref<16x32x128xf32, #tpu.memory_space<vmem>> -> memref<1x8x128xf32, #tpu.memory_space<vmem>>
    %dma_start3A_299 = tpu.memref_squeeze %dma_start3A_298 : memref<1x8x128xf32, #tpu.memory_space<vmem>> -> memref<8x128xf32, #tpu.memory_space<vmem>>
    %dma_start3A_300 = arith.constant 16 : i32
    %dma_start3A_301 = tpu.memref_slice %arg3[%dma_start3A_300, %multiple_of3A_253] : memref<32x1000000xf32, #tpu.memory_space<hbm>> -> memref<8x128xf32, #tpu.memory_space<hbm>>
    tpu.enqueue_dma source(%dma_start3A_301 : memref<8x128xf32, #tpu.memory_space<hbm>>) target(%dma_start3A_299 : memref<8x128xf32, #tpu.memory_space<vmem>>) target_semaphore(%dma_start3A_295 : memref<!tpu.dma_semaphore, #tpu.memory_space<semaphore_mem>>)
    %dma_start3A_302 = arith.constant 3 : i32
    %dma_start3A_303 = arith.constant 3 : i32
    %dma_start3A_304 = arith.constant 24 : i32
    %dma_start3A_305 = arith.constant 0 : i32
    %dma_start3A_306 = tpu.memref_slice %arg6[%dma_start3A_302, %dma_start3A_304, %dma_start3A_305] : memref<16x32x128xf32, #tpu.memory_space<vmem>> -> memref<1x8x128xf32, #tpu.memory_space<vmem>>
    %dma_start3A_307 = tpu.memref_squeeze %dma_start3A_306 : memref<1x8x128xf32, #tpu.memory_space<vmem>> -> memref<8x128xf32, #tpu.memory_space<vmem>>
    %dma_start3A_308 = arith.constant 24 : i32
    %dma_start3A_309 = tpu.memref_slice %arg3[%dma_start3A_308, %multiple_of3A_253] : memref<32x1000000xf32, #tpu.memory_space<hbm>> -> memref<8x128xf32, #tpu.memory_space<hbm>>
    %dma_start3A_310 = tpu.memref_slice %arg8[%dma_start3A_303] : memref<16x!tpu.dma_semaphore, #tpu.memory_space<semaphore_mem>> -> memref<1x!tpu.dma_semaphore, #tpu.memory_space<semaphore_mem>>
    %dma_start3A_311 = tpu.memref_squeeze %dma_start3A_310 : memref<1x!tpu.dma_semaphore, #tpu.memory_space<semaphore_mem>> -> memref<!tpu.dma_semaphore, #tpu.memory_space<semaphore_mem>>
    %dma_start3A_312 = arith.constant 24 : i32
    %dma_start3A_313 = arith.constant 0 : i32
    %dma_start3A_314 = tpu.memref_slice %arg6[%dma_start3A_302, %dma_start3A_312, %dma_start3A_313] : memref<16x32x128xf32, #tpu.memory_space<vmem>> -> memref<1x8x128xf32, #tpu.memory_space<vmem>>
    %dma_start3A_315 = tpu.memref_squeeze %dma_start3A_314 : memref<1x8x128xf32, #tpu.memory_space<vmem>> -> memref<8x128xf32, #tpu.memory_space<vmem>>
    %dma_start3A_316 = arith.constant 24 : i32
    %dma_start3A_317 = tpu.memref_slice %arg3[%dma_start3A_316, %multiple_of3A_253] : memref<32x1000000xf32, #tpu.memory_space<hbm>> -> memref<8x128xf32, #tpu.memory_space<hbm>>
    tpu.enqueue_dma source(%dma_start3A_317 : memref<8x128xf32, #tpu.memory_space<hbm>>) target(%dma_start3A_315 : memref<8x128xf32, #tpu.memory_space<vmem>>) target_semaphore(%dma_start3A_311 : memref<!tpu.dma_semaphore, #tpu.memory_space<semaphore_mem>>)
    %get3A_318 = arith.constant 0 : index
    %get3A_319 = tpu.vector_load %arg5[%get3A_318] {strides = array<i32>} : memref<512xi32, #tpu.memory_space<vmem>>, vector<16xi32>,
    %eq3A_320 = arith.constant 4 : i32
    %eq3A_321 = vector.broadcast %eq3A_320 : i32 to vector<16xi32>
    %eq3A_322 = arith.cmpi eq, %iota3A, %eq3A_321 : vector<16xi32>
    %jit3A_323 = arith.constant 0 : i32
    %broadcast_in_dim3A_324 = vector.broadcast %jit3A_323 : i32 to vector<16xi32>
    %select_n3A_325 = arith.select %eq3A_322, %get3A_319, %broadcast_in_dim3A_324 : vector<16xi1>, vector<16xi32>
    %reduce_sum3A_326 = arith.constant true
    %reduce_sum3A_327 = vector.broadcast %reduce_sum3A_326 : i1 to vector<16xi1>
    %reduce_sum3A_328 = tpu.scan <sum>, %select_n3A_325 masked %reduce_sum3A_327 : vector<16xi32>, vector<16xi1> -> vector<16xi32>
    %reduce_sum3A_329 = vector.extract %reduce_sum3A_328[15] : i32 from vector<16xi32>
    %shift_right_arithmetic3A_330 = arith.constant 7 : i32
    %shift_right_arithmetic3A_331 = arith.shrsi %reduce_sum3A_329, %shift_right_arithmetic3A_330 : i32
    %mul3A_332 = arith.constant 128 : i32
    %mul3A_333 = arith.muli %shift_right_arithmetic3A_331, %mul3A_332 : i32
    %multiple_of3A_334 = tpu.assume_multiple %mul3A_333, 128 : i32
    %dma_start3A_335 = arith.constant 4 : i32
    %dma_start3A_336 = arith.constant 4 : i32
    %dma_start3A_337 = arith.constant 0 : i32
    %dma_start3A_338 = arith.constant 0 : i32
    %dma_start3A_339 = tpu.memref_slice %arg6[%dma_start3A_335, %dma_start3A_337, %dma_start3A_338] : memref<16x32x128xf32, #tpu.memory_space<vmem>> -> memref<1x8x128xf32, #tpu.memory_space<vmem>>
    %dma_start3A_340 = tpu.memref_squeeze %dma_start3A_339 : memref<1x8x128xf32, #tpu.memory_space<vmem>> -> memref<8x128xf32, #tpu.memory_space<vmem>>
    %dma_start3A_341 = arith.constant 0 : i32
    %dma_start3A_342 = tpu.memref_slice %arg3[%dma_start3A_341, %multiple_of3A_334] : memref<32x1000000xf32, #tpu.memory_space<hbm>> -> memref<8x128xf32, #tpu.memory_space<hbm>>
    %dma_start3A_343 = tpu.memref_slice %arg8[%dma_start3A_336] : memref<16x!tpu.dma_semaphore, #tpu.memory_space<semaphore_mem>> -> memref<1x!tpu.dma_semaphore, #tpu.memory_space<semaphore_mem>>
    %dma_start3A_344 = tpu.memref_squeeze %dma_start3A_343 : memref<1x!tpu.dma_semaphore, #tpu.memory_space<semaphore_mem>> -> memref<!tpu.dma_semaphore, #tpu.memory_space<semaphore_mem>>
    %dma_start3A_345 = arith.constant 0 : i32
    %dma_start3A_346 = arith.constant 0 : i32
    %dma_start3A_347 = tpu.memref_slice %arg6[%dma_start3A_335, %dma_start3A_345, %dma_start3A_346] : memref<16x32x128xf32, #tpu.memory_space<vmem>> -> memref<1x8x128xf32, #tpu.memory_space<vmem>>
    %dma_start3A_348 = tpu.memref_squeeze %dma_start3A_347 : memref<1x8x128xf32, #tpu.memory_space<vmem>> -> memref<8x128xf32, #tpu.memory_space<vmem>>
    %dma_start3A_349 = arith.constant 0 : i32
    %dma_start3A_350 = tpu.memref_slice %arg3[%dma_start3A_349, %multiple_of3A_334] : memref<32x1000000xf32, #tpu.memory_space<hbm>> -> memref<8x128xf32, #tpu.memory_space<hbm>>
    tpu.enqueue_dma source(%dma_start3A_350 : memref<8x128xf32, #tpu.memory_space<hbm>>) target(%dma_start3A_348 : memref<8x128xf32, #tpu.memory_space<vmem>>) target_semaphore(%dma_start3A_344 : memref<!tpu.dma_semaphore, #tpu.memory_space<semaphore_mem>>)
    %dma_start3A_351 = arith.constant 4 : i32
    %dma_start3A_352 = arith.constant 4 : i32
    %dma_start3A_353 = arith.constant 8 : i32
    %dma_start3A_354 = arith.constant 0 : i32
    %dma_start3A_355 = tpu.memref_slice %arg6[%dma_start3A_351, %dma_start3A_353, %dma_start3A_354] : memref<16x32x128xf32, #tpu.memory_space<vmem>> -> memref<1x8x128xf32, #tpu.memory_space<vmem>>
    %dma_start3A_356 = tpu.memref_squeeze %dma_start3A_355 : memref<1x8x128xf32, #tpu.memory_space<vmem>> -> memref<8x128xf32, #tpu.memory_space<vmem>>
    %dma_start3A_357 = arith.constant 8 : i32
    %dma_start3A_358 = tpu.memref_slice %arg3[%dma_start3A_357, %multiple_of3A_334] : memref<32x1000000xf32, #tpu.memory_space<hbm>> -> memref<8x128xf32, #tpu.memory_space<hbm>>
    %dma_start3A_359 = tpu.memref_slice %arg8[%dma_start3A_352] : memref<16x!tpu.dma_semaphore, #tpu.memory_space<semaphore_mem>> -> memref<1x!tpu.dma_semaphore, #tpu.memory_space<semaphore_mem>>
    %dma_start3A_360 = tpu.memref_squeeze %dma_start3A_359 : memref<1x!tpu.dma_semaphore, #tpu.memory_space<semaphore_mem>> -> memref<!tpu.dma_semaphore, #tpu.memory_space<semaphore_mem>>
    %dma_start3A_361 = arith.constant 8 : i32
    %dma_start3A_362 = arith.constant 0 : i32
    %dma_start3A_363 = tpu.memref_slice %arg6[%dma_start3A_351, %dma_start3A_361, %dma_start3A_362] : memref<16x32x128xf32, #tpu.memory_space<vmem>> -> memref<1x8x128xf32, #tpu.memory_space<vmem>>
    %dma_start3A_364 = tpu.memref_squeeze %dma_start3A_363 : memref<1x8x128xf32, #tpu.memory_space<vmem>> -> memref<8x128xf32, #tpu.memory_space<vmem>>
    %dma_start3A_365 = arith.constant 8 : i32
    %dma_start3A_366 = tpu.memref_slice %arg3[%dma_start3A_365, %multiple_of3A_334] : memref<32x1000000xf32, #tpu.memory_space<hbm>> -> memref<8x128xf32, #tpu.memory_space<hbm>>
    tpu.enqueue_dma source(%dma_start3A_366 : memref<8x128xf32, #tpu.memory_space<hbm>>) target(%dma_start3A_364 : memref<8x128xf32, #tpu.memory_space<vmem>>) target_semaphore(%dma_start3A_360 : memref<!tpu.dma_semaphore, #tpu.memory_space<semaphore_mem>>)
    %dma_start3A_367 = arith.constant 4 : i32
    %dma_start3A_368 = arith.constant 4 : i32
    %dma_start3A_369 = arith.constant 16 : i32
    %dma_start3A_370 = arith.constant 0 : i32
    %dma_start3A_371 = tpu.memref_slice %arg6[%dma_start3A_367, %dma_start3A_369, %dma_start3A_370] : memref<16x32x128xf32, #tpu.memory_space<vmem>> -> memref<1x8x128xf32, #tpu.memory_space<vmem>>
    %dma_start3A_372 = tpu.memref_squeeze %dma_start3A_371 : memref<1x8x128xf32, #tpu.memory_space<vmem>> -> memref<8x128xf32, #tpu.memory_space<vmem>>
    %dma_start3A_373 = arith.constant 16 : i32
    %dma_start3A_374 = tpu.memref_slice %arg3[%dma_start3A_373, %multiple_of3A_334] : memref<32x1000000xf32, #tpu.memory_space<hbm>> -> memref<8x128xf32, #tpu.memory_space<hbm>>
    %dma_start3A_375 = tpu.memref_slice %arg8[%dma_start3A_368] : memref<16x!tpu.dma_semaphore, #tpu.memory_space<semaphore_mem>> -> memref<1x!tpu.dma_semaphore, #tpu.memory_space<semaphore_mem>>
    %dma_start3A_376 = tpu.memref_squeeze %dma_start3A_375 : memref<1x!tpu.dma_semaphore, #tpu.memory_space<semaphore_mem>> -> memref<!tpu.dma_semaphore, #tpu.memory_space<semaphore_mem>>
    %dma_start3A_377 = arith.constant 16 : i32
    %dma_start3A_378 = arith.constant 0 : i32
    %dma_start3A_379 = tpu.memref_slice %arg6[%dma_start3A_367, %dma_start3A_377, %dma_start3A_378] : memref<16x32x128xf32, #tpu.memory_space<vmem>> -> memref<1x8x128xf32, #tpu.memory_space<vmem>>
    %dma_start3A_380 = tpu.memref_squeeze %dma_start3A_379 : memref<1x8x128xf32, #tpu.memory_space<vmem>> -> memref<8x128xf32, #tpu.memory_space<vmem>>
    %dma_start3A_381 = arith.constant 16 : i32
    %dma_start3A_382 = tpu.memref_slice %arg3[%dma_start3A_381, %multiple_of3A_334] : memref<32x1000000xf32, #tpu.memory_space<hbm>> -> memref<8x128xf32, #tpu.memory_space<hbm>>
    tpu.enqueue_dma source(%dma_start3A_382 : memref<8x128xf32, #tpu.memory_space<hbm>>) target(%dma_start3A_380 : memref<8x128xf32, #tpu.memory_space<vmem>>) target_semaphore(%dma_start3A_376 : memref<!tpu.dma_semaphore, #tpu.memory_space<semaphore_mem>>)
    %dma_start3A_383 = arith.constant 4 : i32
    %dma_start3A_384 = arith.constant 4 : i32
    %dma_start3A_385 = arith.constant 24 : i32
    %dma_start3A_386 = arith.constant 0 : i32
    %dma_start3A_387 = tpu.memref_slice %arg6[%dma_start3A_383, %dma_start3A_385, %dma_start3A_386] : memref<16x32x128xf32, #tpu.memory_space<vmem>> -> memref<1x8x128xf32, #tpu.memory_space<vmem>>
    %dma_start3A_388 = tpu.memref_squeeze %dma_start3A_387 : memref<1x8x128xf32, #tpu.memory_space<vmem>> -> memref<8x128xf32, #tpu.memory_space<vmem>>
    %dma_start3A_389 = arith.constant 24 : i32
    %dma_start3A_390 = tpu.memref_slice %arg3[%dma_start3A_389, %multiple_of3A_334] : memref<32x1000000xf32, #tpu.memory_space<hbm>> -> memref<8x128xf32, #tpu.memory_space<hbm>>
    %dma_start3A_391 = tpu.memref_slice %arg8[%dma_start3A_384] : memref<16x!tpu.dma_semaphore, #tpu.memory_space<semaphore_mem>> -> memref<1x!tpu.dma_semaphore, #tpu.memory_space<semaphore_mem>>
    %dma_start3A_392 = tpu.memref_squeeze %dma_start3A_391 : memref<1x!tpu.dma_semaphore, #tpu.memory_space<semaphore_mem>> -> memref<!tpu.dma_semaphore, #tpu.memory_space<semaphore_mem>>
    %dma_start3A_393 = arith.constant 24 : i32
    %dma_start3A_394 = arith.constant 0 : i32
    %dma_start3A_395 = tpu.memref_slice %arg6[%dma_start3A_383, %dma_start3A_393, %dma_start3A_394] : memref<16x32x128xf32, #tpu.memory_space<vmem>> -> memref<1x8x128xf32, #tpu.memory_space<vmem>>
    %dma_start3A_396 = tpu.memref_squeeze %dma_start3A_395 : memref<1x8x128xf32, #tpu.memory_space<vmem>> -> memref<8x128xf32, #tpu.memory_space<vmem>>
    %dma_start3A_397 = arith.constant 24 : i32
    %dma_start3A_398 = tpu.memref_slice %arg3[%dma_start3A_397, %multiple_of3A_334] : memref<32x1000000xf32, #tpu.memory_space<hbm>> -> memref<8x128xf32, #tpu.memory_space<hbm>>
    tpu.enqueue_dma source(%dma_start3A_398 : memref<8x128xf32, #tpu.memory_space<hbm>>) target(%dma_start3A_396 : memref<8x128xf32, #tpu.memory_space<vmem>>) target_semaphore(%dma_start3A_392 : memref<!tpu.dma_semaphore, #tpu.memory_space<semaphore_mem>>)
    %get3A_399 = arith.constant 0 : index
    %get3A_400 = tpu.vector_load %arg5[%get3A_399] {strides = array<i32>} : memref<512xi32, #tpu.memory_space<vmem>>, vector<16xi32>,
    %eq3A_401 = arith.constant 5 : i32
    %eq3A_402 = vector.broadcast %eq3A_401 : i32 to vector<16xi32>
    %eq3A_403 = arith.cmpi eq, %iota3A, %eq3A_402 : vector<16xi32>
    %jit3A_404 = arith.constant 0 : i32
    %broadcast_in_dim3A_405 = vector.broadcast %jit3A_404 : i32 to vector<16xi32>
    %select_n3A_406 = arith.select %eq3A_403, %get3A_400, %broadcast_in_dim3A_405 : vector<16xi1>, vector<16xi32>
    %reduce_sum3A_407 = arith.constant true
    %reduce_sum3A_408 = vector.broadcast %reduce_sum3A_407 : i1 to vector<16xi1>
    %reduce_sum3A_409 = tpu.scan <sum>, %select_n3A_406 masked %reduce_sum3A_408 : vector<16xi32>, vector<16xi1> -> vector<16xi32>
    %reduce_sum3A_410 = vector.extract %reduce_sum3A_409[15] : i32 from vector<16xi32>
    %shift_right_arithmetic3A_411 = arith.constant 7 : i32
    %shift_right_arithmetic3A_412 = arith.shrsi %reduce_sum3A_410, %shift_right_arithmetic3A_411 : i32
    %mul3A_413 = arith.constant 128 : i32
    %mul3A_414 = arith.muli %shift_right_arithmetic3A_412, %mul3A_413 : i32
    %multiple_of3A_415 = tpu.assume_multiple %mul3A_414, 128 : i32
    %dma_start3A_416 = arith.constant 5 : i32
    %dma_start3A_417 = arith.constant 5 : i32
    %dma_start3A_418 = arith.constant 0 : i32
    %dma_start3A_419 = arith.constant 0 : i32
    %dma_start3A_420 = tpu.memref_slice %arg6[%dma_start3A_416, %dma_start3A_418, %dma_start3A_419] : memref<16x32x128xf32, #tpu.memory_space<vmem>> -> memref<1x8x128xf32, #tpu.memory_space<vmem>>
    %dma_start3A_421 = tpu.memref_squeeze %dma_start3A_420 : memref<1x8x128xf32, #tpu.memory_space<vmem>> -> memref<8x128xf32, #tpu.memory_space<vmem>>
    %dma_start3A_422 = arith.constant 0 : i32
    %dma_start3A_423 = tpu.memref_slice %arg3[%dma_start3A_422, %multiple_of3A_415] : memref<32x1000000xf32, #tpu.memory_space<hbm>> -> memref<8x128xf32, #tpu.memory_space<hbm>>
    %dma_start3A_424 = tpu.memref_slice %arg8[%dma_start3A_417] : memref<16x!tpu.dma_semaphore, #tpu.memory_space<semaphore_mem>> -> memref<1x!tpu.dma_semaphore, #tpu.memory_space<semaphore_mem>>
    %dma_start3A_425 = tpu.memref_squeeze %dma_start3A_424 : memref<1x!tpu.dma_semaphore, #tpu.memory_space<semaphore_mem>> -> memref<!tpu.dma_semaphore, #tpu.memory_space<semaphore_mem>>
    %dma_start3A_426 = arith.constant 0 : i32
    %dma_start3A_427 = arith.constant 0 : i32
    %dma_start3A_428 = tpu.memref_slice %arg6[%dma_start3A_416, %dma_start3A_426, %dma_start3A_427] : memref<16x32x128xf32, #tpu.memory_space<vmem>> -> memref<1x8x128xf32, #tpu.memory_space<vmem>>
    %dma_start3A_429 = tpu.memref_squeeze %dma_start3A_428 : memref<1x8x128xf32, #tpu.memory_space<vmem>> -> memref<8x128xf32, #tpu.memory_space<vmem>>
    %dma_start3A_430 = arith.constant 0 : i32
    %dma_start3A_431 = tpu.memref_slice %arg3[%dma_start3A_430, %multiple_of3A_415] : memref<32x1000000xf32, #tpu.memory_space<hbm>> -> memref<8x128xf32, #tpu.memory_space<hbm>>
    tpu.enqueue_dma source(%dma_start3A_431 : memref<8x128xf32, #tpu.memory_space<hbm>>) target(%dma_start3A_429 : memref<8x128xf32, #tpu.memory_space<vmem>>) target_semaphore(%dma_start3A_425 : memref<!tpu.dma_semaphore, #tpu.memory_space<semaphore_mem>>)
    %dma_start3A_432 = arith.constant 5 : i32
    %dma_start3A_433 = arith.constant 5 : i32
    %dma_start3A_434 = arith.constant 8 : i32
    %dma_start3A_435 = arith.constant 0 : i32
    %dma_start3A_436 = tpu.memref_slice %arg6[%dma_start3A_432, %dma_start3A_434, %dma_start3A_435] : memref<16x32x128xf32, #tpu.memory_space<vmem>> -> memref<1x8x128xf32, #tpu.memory_space<vmem>>
    %dma_start3A_437 = tpu.memref_squeeze %dma_start3A_436 : memref<1x8x128xf32, #tpu.memory_space<vmem>> -> memref<8x128xf32, #tpu.memory_space<vmem>>
    %dma_start3A_438 = arith.constant 8 : i32
    %dma_start3A_439 = tpu.memref_slice %arg3[%dma_start3A_438, %multiple_of3A_415] : memref<32x1000000xf32, #tpu.memory_space<hbm>> -> memref<8x128xf32, #tpu.memory_space<hbm>>
    %dma_start3A_440 = tpu.memref_slice %arg8[%dma_start3A_433] : memref<16x!tpu.dma_semaphore, #tpu.memory_space<semaphore_mem>> -> memref<1x!tpu.dma_semaphore, #tpu.memory_space<semaphore_mem>>
    %dma_start3A_441 = tpu.memref_squeeze %dma_start3A_440 : memref<1x!tpu.dma_semaphore, #tpu.memory_space<semaphore_mem>> -> memref<!tpu.dma_semaphore, #tpu.memory_space<semaphore_mem>>
    %dma_start3A_442 = arith.constant 8 : i32
    %dma_start3A_443 = arith.constant 0 : i32
    %dma_start3A_444 = tpu.memref_slice %arg6[%dma_start3A_432, %dma_start3A_442, %dma_start3A_443] : memref<16x32x128xf32, #tpu.memory_space<vmem>> -> memref<1x8x128xf32, #tpu.memory_space<vmem>>
    %dma_start3A_445 = tpu.memref_squeeze %dma_start3A_444 : memref<1x8x128xf32, #tpu.memory_space<vmem>> -> memref<8x128xf32, #tpu.memory_space<vmem>>
    %dma_start3A_446 = arith.constant 8 : i32
    %dma_start3A_447 = tpu.memref_slice %arg3[%dma_start3A_446, %multiple_of3A_415] : memref<32x1000000xf32, #tpu.memory_space<hbm>> -> memref<8x128xf32, #tpu.memory_space<hbm>>
    tpu.enqueue_dma source(%dma_start3A_447 : memref<8x128xf32, #tpu.memory_space<hbm>>) target(%dma_start3A_445 : memref<8x128xf32, #tpu.memory_space<vmem>>) target_semaphore(%dma_start3A_441 : memref<!tpu.dma_semaphore, #tpu.memory_space<semaphore_mem>>)
    %dma_start3A_448 = arith.constant 5 : i32
    %dma_start3A_449 = arith.constant 5 : i32
    %dma_start3A_450 = arith.constant 16 : i32
    %dma_start3A_451 = arith.constant 0 : i32
    %dma_start3A_452 = tpu.memref_slice %arg6[%dma_start3A_448, %dma_start3A_450, %dma_start3A_451] : memref<16x32x128xf32, #tpu.memory_space<vmem>> -> memref<1x8x128xf32, #tpu.memory_space<vmem>>
    %dma_start3A_453 = tpu.memref_squeeze %dma_start3A_452 : memref<1x8x128xf32, #tpu.memory_space<vmem>> -> memref<8x128xf32, #tpu.memory_space<vmem>>
    %dma_start3A_454 = arith.constant 16 : i32
    %dma_start3A_455 = tpu.memref_slice %arg3[%dma_start3A_454, %multiple_of3A_415] : memref<32x1000000xf32, #tpu.memory_space<hbm>> -> memref<8x128xf32, #tpu.memory_space<hbm>>
    %dma_start3A_456 = tpu.memref_slice %arg8[%dma_start3A_449] : memref<16x!tpu.dma_semaphore, #tpu.memory_space<semaphore_mem>> -> memref<1x!tpu.dma_semaphore, #tpu.memory_space<semaphore_mem>>
    %dma_start3A_457 = tpu.memref_squeeze %dma_start3A_456 : memref<1x!tpu.dma_semaphore, #tpu.memory_space<semaphore_mem>> -> memref<!tpu.dma_semaphore, #tpu.memory_space<semaphore_mem>>
    %dma_start3A_458 = arith.constant 16 : i32
    %dma_start3A_459 = arith.constant 0 : i32
    %dma_start3A_460 = tpu.memref_slice %arg6[%dma_start3A_448, %dma_start3A_458, %dma_start3A_459] : memref<16x32x128xf32, #tpu.memory_space<vmem>> -> memref<1x8x128xf32, #tpu.memory_space<vmem>>
    %dma_start3A_461 = tpu.memref_squeeze %dma_start3A_460 : memref<1x8x128xf32, #tpu.memory_space<vmem>> -> memref<8x128xf32, #tpu.memory_space<vmem>>
    %dma_start3A_462 = arith.constant 16 : i32
    %dma_start3A_463 = tpu.memref_slice %arg3[%dma_start3A_462, %multiple_of3A_415] : memref<32x1000000xf32, #tpu.memory_space<hbm>> -> memref<8x128xf32, #tpu.memory_space<hbm>>
    tpu.enqueue_dma source(%dma_start3A_463 : memref<8x128xf32, #tpu.memory_space<hbm>>) target(%dma_start3A_461 : memref<8x128xf32, #tpu.memory_space<vmem>>) target_semaphore(%dma_start3A_457 : memref<!tpu.dma_semaphore, #tpu.memory_space<semaphore_mem>>)
    %dma_start3A_464 = arith.constant 5 : i32
    %dma_start3A_465 = arith.constant 5 : i32
    %dma_start3A_466 = arith.constant 24 : i32
    %dma_start3A_467 = arith.constant 0 : i32
    %dma_start3A_468 = tpu.memref_slice %arg6[%dma_start3A_464, %dma_start3A_466, %dma_start3A_467] : memref<16x32x128xf32, #tpu.memory_space<vmem>> -> memref<1x8x128xf32, #tpu.memory_space<vmem>>
    %dma_start3A_469 = tpu.memref_squeeze %dma_start3A_468 : memref<1x8x128xf32, #tpu.memory_space<vmem>> -> memref<8x128xf32, #tpu.memory_space<vmem>>
    %dma_start3A_470 = arith.constant 24 : i32
    %dma_start3A_471 = tpu.memref_slice %arg3[%dma_start3A_470, %multiple_of3A_415] : memref<32x1000000xf32, #tpu.memory_space<hbm>> -> memref<8x128xf32, #tpu.memory_space<hbm>>
    %dma_start3A_472 = tpu.memref_slice %arg8[%dma_start3A_465] : memref<16x!tpu.dma_semaphore, #tpu.memory_space<semaphore_mem>> -> memref<1x!tpu.dma_semaphore, #tpu.memory_space<semaphore_mem>>
    %dma_start3A_473 = tpu.memref_squeeze %dma_start3A_472 : memref<1x!tpu.dma_semaphore, #tpu.memory_space<semaphore_mem>> -> memref<!tpu.dma_semaphore, #tpu.memory_space<semaphore_mem>>
    %dma_start3A_474 = arith.constant 24 : i32
    %dma_start3A_475 = arith.constant 0 : i32
    %dma_start3A_476 = tpu.memref_slice %arg6[%dma_start3A_464, %dma_start3A_474, %dma_start3A_475] : memref<16x32x128xf32, #tpu.memory_space<vmem>> -> memref<1x8x128xf32, #tpu.memory_space<vmem>>
    %dma_start3A_477 = tpu.memref_squeeze %dma_start3A_476 : memref<1x8x128xf32, #tpu.memory_space<vmem>> -> memref<8x128xf32, #tpu.memory_space<vmem>>
    %dma_start3A_478 = arith.constant 24 : i32
    %dma_start3A_479 = tpu.memref_slice %arg3[%dma_start3A_478, %multiple_of3A_415] : memref<32x1000000xf32, #tpu.memory_space<hbm>> -> memref<8x128xf32, #tpu.memory_space<hbm>>
    tpu.enqueue_dma source(%dma_start3A_479 : memref<8x128xf32, #tpu.memory_space<hbm>>) target(%dma_start3A_477 : memref<8x128xf32, #tpu.memory_space<vmem>>) target_semaphore(%dma_start3A_473 : memref<!tpu.dma_semaphore, #tpu.memory_space<semaphore_mem>>)
    %get3A_480 = arith.constant 0 : index
    %get3A_481 = tpu.vector_load %arg5[%get3A_480] {strides = array<i32>} : memref<512xi32, #tpu.memory_space<vmem>>, vector<16xi32>,
    %eq3A_482 = arith.constant 6 : i32
    %eq3A_483 = vector.broadcast %eq3A_482 : i32 to vector<16xi32>
    %eq3A_484 = arith.cmpi eq, %iota3A, %eq3A_483 : vector<16xi32>
    %jit3A_485 = arith.constant 0 : i32
    %broadcast_in_dim3A_486 = vector.broadcast %jit3A_485 : i32 to vector<16xi32>
    %select_n3A_487 = arith.select %eq3A_484, %get3A_481, %broadcast_in_dim3A_486 : vector<16xi1>, vector<16xi32>
    %reduce_sum3A_488 = arith.constant true
    %reduce_sum3A_489 = vector.broadcast %reduce_sum3A_488 : i1 to vector<16xi1>
    %reduce_sum3A_490 = tpu.scan <sum>, %select_n3A_487 masked %reduce_sum3A_489 : vector<16xi32>, vector<16xi1> -> vector<16xi32>
    %reduce_sum3A_491 = vector.extract %reduce_sum3A_490[15] : i32 from vector<16xi32>
    %shift_right_arithmetic3A_492 = arith.constant 7 : i32
    %shift_right_arithmetic3A_493 = arith.shrsi %reduce_sum3A_491, %shift_right_arithmetic3A_492 : i32
    %mul3A_494 = arith.constant 128 : i32
    %mul3A_495 = arith.muli %shift_right_arithmetic3A_493, %mul3A_494 : i32
    %multiple_of3A_496 = tpu.assume_multiple %mul3A_495, 128 : i32
    %dma_start3A_497 = arith.constant 6 : i32
    %dma_start3A_498 = arith.constant 6 : i32
    %dma_start3A_499 = arith.constant 0 : i32
    %dma_start3A_500 = arith.constant 0 : i32
    %dma_start3A_501 = tpu.memref_slice %arg6[%dma_start3A_497, %dma_start3A_499, %dma_start3A_500] : memref<16x32x128xf32, #tpu.memory_space<vmem>> -> memref<1x8x128xf32, #tpu.memory_space<vmem>>
    %dma_start3A_502 = tpu.memref_squeeze %dma_start3A_501 : memref<1x8x128xf32, #tpu.memory_space<vmem>> -> memref<8x128xf32, #tpu.memory_space<vmem>>
    %dma_start3A_503 = arith.constant 0 : i32
    %dma_start3A_504 = tpu.memref_slice %arg3[%dma_start3A_503, %multiple_of3A_496] : memref<32x1000000xf32, #tpu.memory_space<hbm>> -> memref<8x128xf32, #tpu.memory_space<hbm>>
    %dma_start3A_505 = tpu.memref_slice %arg8[%dma_start3A_498] : memref<16x!tpu.dma_semaphore, #tpu.memory_space<semaphore_mem>> -> memref<1x!tpu.dma_semaphore, #tpu.memory_space<semaphore_mem>>
    %dma_start3A_506 = tpu.memref_squeeze %dma_start3A_505 : memref<1x!tpu.dma_semaphore, #tpu.memory_space<semaphore_mem>> -> memref<!tpu.dma_semaphore, #tpu.memory_space<semaphore_mem>>
    %dma_start3A_507 = arith.constant 0 : i32
    %dma_start3A_508 = arith.constant 0 : i32
    %dma_start3A_509 = tpu.memref_slice %arg6[%dma_start3A_497, %dma_start3A_507, %dma_start3A_508] : memref<16x32x128xf32, #tpu.memory_space<vmem>> -> memref<1x8x128xf32, #tpu.memory_space<vmem>>
    %dma_start3A_510 = tpu.memref_squeeze %dma_start3A_509 : memref<1x8x128xf32, #tpu.memory_space<vmem>> -> memref<8x128xf32, #tpu.memory_space<vmem>>
    %dma_start3A_511 = arith.constant 0 : i32
    %dma_start3A_512 = tpu.memref_slice %arg3[%dma_start3A_511, %multiple_of3A_496] : memref<32x1000000xf32, #tpu.memory_space<hbm>> -> memref<8x128xf32, #tpu.memory_space<hbm>>
    tpu.enqueue_dma source(%dma_start3A_512 : memref<8x128xf32, #tpu.memory_space<hbm>>) target(%dma_start3A_510 : memref<8x128xf32, #tpu.memory_space<vmem>>) target_semaphore(%dma_start3A_506 : memref<!tpu.dma_semaphore, #tpu.memory_space<semaphore_mem>>)
    %dma_start3A_513 = arith.constant 6 : i32
    %dma_start3A_514 = arith.constant 6 : i32
    %dma_start3A_515 = arith.constant 8 : i32
    %dma_start3A_516 = arith.constant 0 : i32
    %dma_start3A_517 = tpu.memref_slice %arg6[%dma_start3A_513, %dma_start3A_515, %dma_start3A_516] : memref<16x32x128xf32, #tpu.memory_space<vmem>> -> memref<1x8x128xf32, #tpu.memory_space<vmem>>
    %dma_start3A_518 = tpu.memref_squeeze %dma_start3A_517 : memref<1x8x128xf32, #tpu.memory_space<vmem>> -> memref<8x128xf32, #tpu.memory_space<vmem>>
    %dma_start3A_519 = arith.constant 8 : i32
    %dma_start3A_520 = tpu.memref_slice %arg3[%dma_start3A_519, %multiple_of3A_496] : memref<32x1000000xf32, #tpu.memory_space<hbm>> -> memref<8x128xf32, #tpu.memory_space<hbm>>
    %dma_start3A_521 = tpu.memref_slice %arg8[%dma_start3A_514] : memref<16x!tpu.dma_semaphore, #tpu.memory_space<semaphore_mem>> -> memref<1x!tpu.dma_semaphore, #tpu.memory_space<semaphore_mem>>
    %dma_start3A_522 = tpu.memref_squeeze %dma_start3A_521 : memref<1x!tpu.dma_semaphore, #tpu.memory_space<semaphore_mem>> -> memref<!tpu.dma_semaphore, #tpu.memory_space<semaphore_mem>>
    %dma_start3A_523 = arith.constant 8 : i32
    %dma_start3A_524 = arith.constant 0 : i32
    %dma_start3A_525 = tpu.memref_slice %arg6[%dma_start3A_513, %dma_start3A_523, %dma_start3A_524] : memref<16x32x128xf32, #tpu.memory_space<vmem>> -> memref<1x8x128xf32, #tpu.memory_space<vmem>>
    %dma_start3A_526 = tpu.memref_squeeze %dma_start3A_525 : memref<1x8x128xf32, #tpu.memory_space<vmem>> -> memref<8x128xf32, #tpu.memory_space<vmem>>
    %dma_start3A_527 = arith.constant 8 : i32
    %dma_start3A_528 = tpu.memref_slice %arg3[%dma_start3A_527, %multiple_of3A_496] : memref<32x1000000xf32, #tpu.memory_space<hbm>> -> memref<8x128xf32, #tpu.memory_space<hbm>>
    tpu.enqueue_dma source(%dma_start3A_528 : memref<8x128xf32, #tpu.memory_space<hbm>>) target(%dma_start3A_526 : memref<8x128xf32, #tpu.memory_space<vmem>>) target_semaphore(%dma_start3A_522 : memref<!tpu.dma_semaphore, #tpu.memory_space<semaphore_mem>>)
    %dma_start3A_529 = arith.constant 6 : i32
    %dma_start3A_530 = arith.constant 6 : i32
    %dma_start3A_531 = arith.constant 16 : i32
    %dma_start3A_532 = arith.constant 0 : i32
    %dma_start3A_533 = tpu.memref_slice %arg6[%dma_start3A_529, %dma_start3A_531, %dma_start3A_532] : memref<16x32x128xf32, #tpu.memory_space<vmem>> -> memref<1x8x128xf32, #tpu.memory_space<vmem>>
    %dma_start3A_534 = tpu.memref_squeeze %dma_start3A_533 : memref<1x8x128xf32, #tpu.memory_space<vmem>> -> memref<8x128xf32, #tpu.memory_space<vmem>>
    %dma_start3A_535 = arith.constant 16 : i32
    %dma_start3A_536 = tpu.memref_slice %arg3[%dma_start3A_535, %multiple_of3A_496] : memref<32x1000000xf32, #tpu.memory_space<hbm>> -> memref<8x128xf32, #tpu.memory_space<hbm>>
    %dma_start3A_537 = tpu.memref_slice %arg8[%dma_start3A_530] : memref<16x!tpu.dma_semaphore, #tpu.memory_space<semaphore_mem>> -> memref<1x!tpu.dma_semaphore, #tpu.memory_space<semaphore_mem>>
    %dma_start3A_538 = tpu.memref_squeeze %dma_start3A_537 : memref<1x!tpu.dma_semaphore, #tpu.memory_space<semaphore_mem>> -> memref<!tpu.dma_semaphore, #tpu.memory_space<semaphore_mem>>
    %dma_start3A_539 = arith.constant 16 : i32
    %dma_start3A_540 = arith.constant 0 : i32
    %dma_start3A_541 = tpu.memref_slice %arg6[%dma_start3A_529, %dma_start3A_539, %dma_start3A_540] : memref<16x32x128xf32, #tpu.memory_space<vmem>> -> memref<1x8x128xf32, #tpu.memory_space<vmem>>
    %dma_start3A_542 = tpu.memref_squeeze %dma_start3A_541 : memref<1x8x128xf32, #tpu.memory_space<vmem>> -> memref<8x128xf32, #tpu.memory_space<vmem>>
    %dma_start3A_543 = arith.constant 16 : i32
    %dma_start3A_544 = tpu.memref_slice %arg3[%dma_start3A_543, %multiple_of3A_496] : memref<32x1000000xf32, #tpu.memory_space<hbm>> -> memref<8x128xf32, #tpu.memory_space<hbm>>
    tpu.enqueue_dma source(%dma_start3A_544 : memref<8x128xf32, #tpu.memory_space<hbm>>) target(%dma_start3A_542 : memref<8x128xf32, #tpu.memory_space<vmem>>) target_semaphore(%dma_start3A_538 : memref<!tpu.dma_semaphore, #tpu.memory_space<semaphore_mem>>)
    %dma_start3A_545 = arith.constant 6 : i32
    %dma_start3A_546 = arith.constant 6 : i32
    %dma_start3A_547 = arith.constant 24 : i32
    %dma_start3A_548 = arith.constant 0 : i32
    %dma_start3A_549 = tpu.memref_slice %arg6[%dma_start3A_545, %dma_start3A_547, %dma_start3A_548] : memref<16x32x128xf32, #tpu.memory_space<vmem>> -> memref<1x8x128xf32, #tpu.memory_space<vmem>>
    %dma_start3A_550 = tpu.memref_squeeze %dma_start3A_549 : memref<1x8x128xf32, #tpu.memory_space<vmem>> -> memref<8x128xf32, #tpu.memory_space<vmem>>
    %dma_start3A_551 = arith.constant 24 : i32
    %dma_start3A_552 = tpu.memref_slice %arg3[%dma_start3A_551, %multiple_of3A_496] : memref<32x1000000xf32, #tpu.memory_space<hbm>> -> memref<8x128xf32, #tpu.memory_space<hbm>>
    %dma_start3A_553 = tpu.memref_slice %arg8[%dma_start3A_546] : memref<16x!tpu.dma_semaphore, #tpu.memory_space<semaphore_mem>> -> memref<1x!tpu.dma_semaphore, #tpu.memory_space<semaphore_mem>>
    %dma_start3A_554 = tpu.memref_squeeze %dma_start3A_553 : memref<1x!tpu.dma_semaphore, #tpu.memory_space<semaphore_mem>> -> memref<!tpu.dma_semaphore, #tpu.memory_space<semaphore_mem>>
    %dma_start3A_555 = arith.constant 24 : i32
    %dma_start3A_556 = arith.constant 0 : i32
    %dma_start3A_557 = tpu.memref_slice %arg6[%dma_start3A_545, %dma_start3A_555, %dma_start3A_556] : memref<16x32x128xf32, #tpu.memory_space<vmem>> -> memref<1x8x128xf32, #tpu.memory_space<vmem>>
    %dma_start3A_558 = tpu.memref_squeeze %dma_start3A_557 : memref<1x8x128xf32, #tpu.memory_space<vmem>> -> memref<8x128xf32, #tpu.memory_space<vmem>>
    %dma_start3A_559 = arith.constant 24 : i32
    %dma_start3A_560 = tpu.memref_slice %arg3[%dma_start3A_559, %multiple_of3A_496] : memref<32x1000000xf32, #tpu.memory_space<hbm>> -> memref<8x128xf32, #tpu.memory_space<hbm>>
    tpu.enqueue_dma source(%dma_start3A_560 : memref<8x128xf32, #tpu.memory_space<hbm>>) target(%dma_start3A_558 : memref<8x128xf32, #tpu.memory_space<vmem>>) target_semaphore(%dma_start3A_554 : memref<!tpu.dma_semaphore, #tpu.memory_space<semaphore_mem>>)
    %get3A_561 = arith.constant 0 : index
    %get3A_562 = tpu.vector_load %arg5[%get3A_561] {strides = array<i32>} : memref<512xi32, #tpu.memory_space<vmem>>, vector<16xi32>,
    %eq3A_563 = arith.constant 7 : i32
    %eq3A_564 = vector.broadcast %eq3A_563 : i32 to vector<16xi32>
    %eq3A_565 = arith.cmpi eq, %iota3A, %eq3A_564 : vector<16xi32>
    %jit3A_566 = arith.constant 0 : i32
    %broadcast_in_dim3A_567 = vector.broadcast %jit3A_566 : i32 to vector<16xi32>
    %select_n3A_568 = arith.select %eq3A_565, %get3A_562, %broadcast_in_dim3A_567 : vector<16xi1>, vector<16xi32>
    %reduce_sum3A_569 = arith.constant true
    %reduce_sum3A_570 = vector.broadcast %reduce_sum3A_569 : i1 to vector<16xi1>
    %reduce_sum3A_571 = tpu.scan <sum>, %select_n3A_568 masked %reduce_sum3A_570 : vector<16xi32>, vector<16xi1> -> vector<16xi32>
    %reduce_sum3A_572 = vector.extract %reduce_sum3A_571[15] : i32 from vector<16xi32>
    %shift_right_arithmetic3A_573 = arith.constant 7 : i32
    %shift_right_arithmetic3A_574 = arith.shrsi %reduce_sum3A_572, %shift_right_arithmetic3A_573 : i32
    %mul3A_575 = arith.constant 128 : i32
    %mul3A_576 = arith.muli %shift_right_arithmetic3A_574, %mul3A_575 : i32
    %multiple_of3A_577 = tpu.assume_multiple %mul3A_576, 128 : i32
    %dma_start3A_578 = arith.constant 7 : i32
    %dma_start3A_579 = arith.constant 7 : i32
    %dma_start3A_580 = arith.constant 0 : i32
    %dma_start3A_581 = arith.constant 0 : i32
    %dma_start3A_582 = tpu.memref_slice %arg6[%dma_start3A_578, %dma_start3A_580, %dma_start3A_581] : memref<16x32x128xf32, #tpu.memory_space<vmem>> -> memref<1x8x128xf32, #tpu.memory_space<vmem>>
    %dma_start3A_583 = tpu.memref_squeeze %dma_start3A_582 : memref<1x8x128xf32, #tpu.memory_space<vmem>> -> memref<8x128xf32, #tpu.memory_space<vmem>>
    %dma_start3A_584 = arith.constant 0 : i32
    %dma_start3A_585 = tpu.memref_slice %arg3[%dma_start3A_584, %multiple_of3A_577] : memref<32x1000000xf32, #tpu.memory_space<hbm>> -> memref<8x128xf32, #tpu.memory_space<hbm>>
    %dma_start3A_586 = tpu.memref_slice %arg8[%dma_start3A_579] : memref<16x!tpu.dma_semaphore, #tpu.memory_space<semaphore_mem>> -> memref<1x!tpu.dma_semaphore, #tpu.memory_space<semaphore_mem>>
    %dma_start3A_587 = tpu.memref_squeeze %dma_start3A_586 : memref<1x!tpu.dma_semaphore, #tpu.memory_space<semaphore_mem>> -> memref<!tpu.dma_semaphore, #tpu.memory_space<semaphore_mem>>
    %dma_start3A_588 = arith.constant 0 : i32
    %dma_start3A_589 = arith.constant 0 : i32
    %dma_start3A_590 = tpu.memref_slice %arg6[%dma_start3A_578, %dma_start3A_588, %dma_start3A_589] : memref<16x32x128xf32, #tpu.memory_space<vmem>> -> memref<1x8x128xf32, #tpu.memory_space<vmem>>
    %dma_start3A_591 = tpu.memref_squeeze %dma_start3A_590 : memref<1x8x128xf32, #tpu.memory_space<vmem>> -> memref<8x128xf32, #tpu.memory_space<vmem>>
    %dma_start3A_592 = arith.constant 0 : i32
    %dma_start3A_593 = tpu.memref_slice %arg3[%dma_start3A_592, %multiple_of3A_577] : memref<32x1000000xf32, #tpu.memory_space<hbm>> -> memref<8x128xf32, #tpu.memory_space<hbm>>
    tpu.enqueue_dma source(%dma_start3A_593 : memref<8x128xf32, #tpu.memory_space<hbm>>) target(%dma_start3A_591 : memref<8x128xf32, #tpu.memory_space<vmem>>) target_semaphore(%dma_start3A_587 : memref<!tpu.dma_semaphore, #tpu.memory_space<semaphore_mem>>)
    %dma_start3A_594 = arith.constant 7 : i32
    %dma_start3A_595 = arith.constant 7 : i32
    %dma_start3A_596 = arith.constant 8 : i32
    %dma_start3A_597 = arith.constant 0 : i32
    %dma_start3A_598 = tpu.memref_slice %arg6[%dma_start3A_594, %dma_start3A_596, %dma_start3A_597] : memref<16x32x128xf32, #tpu.memory_space<vmem>> -> memref<1x8x128xf32, #tpu.memory_space<vmem>>
    %dma_start3A_599 = tpu.memref_squeeze %dma_start3A_598 : memref<1x8x128xf32, #tpu.memory_space<vmem>> -> memref<8x128xf32, #tpu.memory_space<vmem>>
    %dma_start3A_600 = arith.constant 8 : i32
    %dma_start3A_601 = tpu.memref_slice %arg3[%dma_start3A_600, %multiple_of3A_577] : memref<32x1000000xf32, #tpu.memory_space<hbm>> -> memref<8x128xf32, #tpu.memory_space<hbm>>
    %dma_start3A_602 = tpu.memref_slice %arg8[%dma_start3A_595] : memref<16x!tpu.dma_semaphore, #tpu.memory_space<semaphore_mem>> -> memref<1x!tpu.dma_semaphore, #tpu.memory_space<semaphore_mem>>
    %dma_start3A_603 = tpu.memref_squeeze %dma_start3A_602 : memref<1x!tpu.dma_semaphore, #tpu.memory_space<semaphore_mem>> -> memref<!tpu.dma_semaphore, #tpu.memory_space<semaphore_mem>>
    %dma_start3A_604 = arith.constant 8 : i32
    %dma_start3A_605 = arith.constant 0 : i32
    %dma_start3A_606 = tpu.memref_slice %arg6[%dma_start3A_594, %dma_start3A_604, %dma_start3A_605] : memref<16x32x128xf32, #tpu.memory_space<vmem>> -> memref<1x8x128xf32, #tpu.memory_space<vmem>>
    %dma_start3A_607 = tpu.memref_squeeze %dma_start3A_606 : memref<1x8x128xf32, #tpu.memory_space<vmem>> -> memref<8x128xf32, #tpu.memory_space<vmem>>
    %dma_start3A_608 = arith.constant 8 : i32
    %dma_start3A_609 = tpu.memref_slice %arg3[%dma_start3A_608, %multiple_of3A_577] : memref<32x1000000xf32, #tpu.memory_space<hbm>> -> memref<8x128xf32, #tpu.memory_space<hbm>>
    tpu.enqueue_dma source(%dma_start3A_609 : memref<8x128xf32, #tpu.memory_space<hbm>>) target(%dma_start3A_607 : memref<8x128xf32, #tpu.memory_space<vmem>>) target_semaphore(%dma_start3A_603 : memref<!tpu.dma_semaphore, #tpu.memory_space<semaphore_mem>>)
    %dma_start3A_610 = arith.constant 7 : i32
    %dma_start3A_611 = arith.constant 7 : i32
    %dma_start3A_612 = arith.constant 16 : i32
    %dma_start3A_613 = arith.constant 0 : i32
    %dma_start3A_614 = tpu.memref_slice %arg6[%dma_start3A_610, %dma_start3A_612, %dma_start3A_613] : memref<16x32x128xf32, #tpu.memory_space<vmem>> -> memref<1x8x128xf32, #tpu.memory_space<vmem>>
    %dma_start3A_615 = tpu.memref_squeeze %dma_start3A_614 : memref<1x8x128xf32, #tpu.memory_space<vmem>> -> memref<8x128xf32, #tpu.memory_space<vmem>>
    %dma_start3A_616 = arith.constant 16 : i32
    %dma_start3A_617 = tpu.memref_slice %arg3[%dma_start3A_616, %multiple_of3A_577] : memref<32x1000000xf32, #tpu.memory_space<hbm>> -> memref<8x128xf32, #tpu.memory_space<hbm>>
    %dma_start3A_618 = tpu.memref_slice %arg8[%dma_start3A_611] : memref<16x!tpu.dma_semaphore, #tpu.memory_space<semaphore_mem>> -> memref<1x!tpu.dma_semaphore, #tpu.memory_space<semaphore_mem>>
    %dma_start3A_619 = tpu.memref_squeeze %dma_start3A_618 : memref<1x!tpu.dma_semaphore, #tpu.memory_space<semaphore_mem>> -> memref<!tpu.dma_semaphore, #tpu.memory_space<semaphore_mem>>
    %dma_start3A_620 = arith.constant 16 : i32
    %dma_start3A_621 = arith.constant 0 : i32
    %dma_start3A_622 = tpu.memref_slice %arg6[%dma_start3A_610, %dma_start3A_620, %dma_start3A_621] : memref<16x32x128xf32, #tpu.memory_space<vmem>> -> memref<1x8x128xf32, #tpu.memory_space<vmem>>
    %dma_start3A_623 = tpu.memref_squeeze %dma_start3A_622 : memref<1x8x128xf32, #tpu.memory_space<vmem>> -> memref<8x128xf32, #tpu.memory_space<vmem>>
    %dma_start3A_624 = arith.constant 16 : i32
    %dma_start3A_625 = tpu.memref_slice %arg3[%dma_start3A_624, %multiple_of3A_577] : memref<32x1000000xf32, #tpu.memory_space<hbm>> -> memref<8x128xf32, #tpu.memory_space<hbm>>
    tpu.enqueue_dma source(%dma_start3A_625 : memref<8x128xf32, #tpu.memory_space<hbm>>) target(%dma_start3A_623 : memref<8x128xf32, #tpu.memory_space<vmem>>) target_semaphore(%dma_start3A_619 : memref<!tpu.dma_semaphore, #tpu.memory_space<semaphore_mem>>)
    %dma_start3A_626 = arith.constant 7 : i32
    %dma_start3A_627 = arith.constant 7 : i32
    %dma_start3A_628 = arith.constant 24 : i32
    %dma_start3A_629 = arith.constant 0 : i32
    %dma_start3A_630 = tpu.memref_slice %arg6[%dma_start3A_626, %dma_start3A_628, %dma_start3A_629] : memref<16x32x128xf32, #tpu.memory_space<vmem>> -> memref<1x8x128xf32, #tpu.memory_space<vmem>>
    %dma_start3A_631 = tpu.memref_squeeze %dma_start3A_630 : memref<1x8x128xf32, #tpu.memory_space<vmem>> -> memref<8x128xf32, #tpu.memory_space<vmem>>
    %dma_start3A_632 = arith.constant 24 : i32
    %dma_start3A_633 = tpu.memref_slice %arg3[%dma_start3A_632, %multiple_of3A_577] : memref<32x1000000xf32, #tpu.memory_space<hbm>> -> memref<8x128xf32, #tpu.memory_space<hbm>>
    %dma_start3A_634 = tpu.memref_slice %arg8[%dma_start3A_627] : memref<16x!tpu.dma_semaphore, #tpu.memory_space<semaphore_mem>> -> memref<1x!tpu.dma_semaphore, #tpu.memory_space<semaphore_mem>>
    %dma_start3A_635 = tpu.memref_squeeze %dma_start3A_634 : memref<1x!tpu.dma_semaphore, #tpu.memory_space<semaphore_mem>> -> memref<!tpu.dma_semaphore, #tpu.memory_space<semaphore_mem>>
    %dma_start3A_636 = arith.constant 24 : i32
    %dma_start3A_637 = arith.constant 0 : i32
    %dma_start3A_638 = tpu.memref_slice %arg6[%dma_start3A_626, %dma_start3A_636, %dma_start3A_637] : memref<16x32x128xf32, #tpu.memory_space<vmem>> -> memref<1x8x128xf32, #tpu.memory_space<vmem>>
    %dma_start3A_639 = tpu.memref_squeeze %dma_start3A_638 : memref<1x8x128xf32, #tpu.memory_space<vmem>> -> memref<8x128xf32, #tpu.memory_space<vmem>>
    %dma_start3A_640 = arith.constant 24 : i32
    %dma_start3A_641 = tpu.memref_slice %arg3[%dma_start3A_640, %multiple_of3A_577] : memref<32x1000000xf32, #tpu.memory_space<hbm>> -> memref<8x128xf32, #tpu.memory_space<hbm>>
    tpu.enqueue_dma source(%dma_start3A_641 : memref<8x128xf32, #tpu.memory_space<hbm>>) target(%dma_start3A_639 : memref<8x128xf32, #tpu.memory_space<vmem>>) target_semaphore(%dma_start3A_635 : memref<!tpu.dma_semaphore, #tpu.memory_space<semaphore_mem>>)
    %get3A_642 = arith.constant 0 : index
    %get3A_643 = tpu.vector_load %arg5[%get3A_642] {strides = array<i32>} : memref<512xi32, #tpu.memory_space<vmem>>, vector<16xi32>,
    %eq3A_644 = arith.constant 8 : i32
    %eq3A_645 = vector.broadcast %eq3A_644 : i32 to vector<16xi32>
    %eq3A_646 = arith.cmpi eq, %iota3A, %eq3A_645 : vector<16xi32>
    %jit3A_647 = arith.constant 0 : i32
    %broadcast_in_dim3A_648 = vector.broadcast %jit3A_647 : i32 to vector<16xi32>
    %select_n3A_649 = arith.select %eq3A_646, %get3A_643, %broadcast_in_dim3A_648 : vector<16xi1>, vector<16xi32>
    %reduce_sum3A_650 = arith.constant true
    %reduce_sum3A_651 = vector.broadcast %reduce_sum3A_650 : i1 to vector<16xi1>
    %reduce_sum3A_652 = tpu.scan <sum>, %select_n3A_649 masked %reduce_sum3A_651 : vector<16xi32>, vector<16xi1> -> vector<16xi32>
    %reduce_sum3A_653 = vector.extract %reduce_sum3A_652[15] : i32 from vector<16xi32>
    %shift_right_arithmetic3A_654 = arith.constant 7 : i32
    %shift_right_arithmetic3A_655 = arith.shrsi %reduce_sum3A_653, %shift_right_arithmetic3A_654 : i32
    %mul3A_656 = arith.constant 128 : i32
    %mul3A_657 = arith.muli %shift_right_arithmetic3A_655, %mul3A_656 : i32
    %multiple_of3A_658 = tpu.assume_multiple %mul3A_657, 128 : i32
    %dma_start3A_659 = arith.constant 8 : i32
    %dma_start3A_660 = arith.constant 8 : i32
    %dma_start3A_661 = arith.constant 0 : i32
    %dma_start3A_662 = arith.constant 0 : i32
    %dma_start3A_663 = tpu.memref_slice %arg6[%dma_start3A_659, %dma_start3A_661, %dma_start3A_662] : memref<16x32x128xf32, #tpu.memory_space<vmem>> -> memref<1x8x128xf32, #tpu.memory_space<vmem>>
    %dma_start3A_664 = tpu.memref_squeeze %dma_start3A_663 : memref<1x8x128xf32, #tpu.memory_space<vmem>> -> memref<8x128xf32, #tpu.memory_space<vmem>>
    %dma_start3A_665 = arith.constant 0 : i32
    %dma_start3A_666 = tpu.memref_slice %arg3[%dma_start3A_665, %multiple_of3A_658] : memref<32x1000000xf32, #tpu.memory_space<hbm>> -> memref<8x128xf32, #tpu.memory_space<hbm>>
    %dma_start3A_667 = tpu.memref_slice %arg8[%dma_start3A_660] : memref<16x!tpu.dma_semaphore, #tpu.memory_space<semaphore_mem>> -> memref<1x!tpu.dma_semaphore, #tpu.memory_space<semaphore_mem>>
    %dma_start3A_668 = tpu.memref_squeeze %dma_start3A_667 : memref<1x!tpu.dma_semaphore, #tpu.memory_space<semaphore_mem>> -> memref<!tpu.dma_semaphore, #tpu.memory_space<semaphore_mem>>
    %dma_start3A_669 = arith.constant 0 : i32
    %dma_start3A_670 = arith.constant 0 : i32
    %dma_start3A_671 = tpu.memref_slice %arg6[%dma_start3A_659, %dma_start3A_669, %dma_start3A_670] : memref<16x32x128xf32, #tpu.memory_space<vmem>> -> memref<1x8x128xf32, #tpu.memory_space<vmem>>
    %dma_start3A_672 = tpu.memref_squeeze %dma_start3A_671 : memref<1x8x128xf32, #tpu.memory_space<vmem>> -> memref<8x128xf32, #tpu.memory_space<vmem>>
    %dma_start3A_673 = arith.constant 0 : i32
    %dma_start3A_674 = tpu.memref_slice %arg3[%dma_start3A_673, %multiple_of3A_658] : memref<32x1000000xf32, #tpu.memory_space<hbm>> -> memref<8x128xf32, #tpu.memory_space<hbm>>
    tpu.enqueue_dma source(%dma_start3A_674 : memref<8x128xf32, #tpu.memory_space<hbm>>) target(%dma_start3A_672 : memref<8x128xf32, #tpu.memory_space<vmem>>) target_semaphore(%dma_start3A_668 : memref<!tpu.dma_semaphore, #tpu.memory_space<semaphore_mem>>)
    %dma_start3A_675 = arith.constant 8 : i32
    %dma_start3A_676 = arith.constant 8 : i32
    %dma_start3A_677 = arith.constant 8 : i32
    %dma_start3A_678 = arith.constant 0 : i32
    %dma_start3A_679 = tpu.memref_slice %arg6[%dma_start3A_675, %dma_start3A_677, %dma_start3A_678] : memref<16x32x128xf32, #tpu.memory_space<vmem>> -> memref<1x8x128xf32, #tpu.memory_space<vmem>>
    %dma_start3A_680 = tpu.memref_squeeze %dma_start3A_679 : memref<1x8x128xf32, #tpu.memory_space<vmem>> -> memref<8x128xf32, #tpu.memory_space<vmem>>
    %dma_start3A_681 = arith.constant 8 : i32
    %dma_start3A_682 = tpu.memref_slice %arg3[%dma_start3A_681, %multiple_of3A_658] : memref<32x1000000xf32, #tpu.memory_space<hbm>> -> memref<8x128xf32, #tpu.memory_space<hbm>>
    %dma_start3A_683 = tpu.memref_slice %arg8[%dma_start3A_676] : memref<16x!tpu.dma_semaphore, #tpu.memory_space<semaphore_mem>> -> memref<1x!tpu.dma_semaphore, #tpu.memory_space<semaphore_mem>>
    %dma_start3A_684 = tpu.memref_squeeze %dma_start3A_683 : memref<1x!tpu.dma_semaphore, #tpu.memory_space<semaphore_mem>> -> memref<!tpu.dma_semaphore, #tpu.memory_space<semaphore_mem>>
    %dma_start3A_685 = arith.constant 8 : i32
    %dma_start3A_686 = arith.constant 0 : i32
    %dma_start3A_687 = tpu.memref_slice %arg6[%dma_start3A_675, %dma_start3A_685, %dma_start3A_686] : memref<16x32x128xf32, #tpu.memory_space<vmem>> -> memref<1x8x128xf32, #tpu.memory_space<vmem>>
    %dma_start3A_688 = tpu.memref_squeeze %dma_start3A_687 : memref<1x8x128xf32, #tpu.memory_space<vmem>> -> memref<8x128xf32, #tpu.memory_space<vmem>>
    %dma_start3A_689 = arith.constant 8 : i32
    %dma_start3A_690 = tpu.memref_slice %arg3[%dma_start3A_689, %multiple_of3A_658] : memref<32x1000000xf32, #tpu.memory_space<hbm>> -> memref<8x128xf32, #tpu.memory_space<hbm>>
    tpu.enqueue_dma source(%dma_start3A_690 : memref<8x128xf32, #tpu.memory_space<hbm>>) target(%dma_start3A_688 : memref<8x128xf32, #tpu.memory_space<vmem>>) target_semaphore(%dma_start3A_684 : memref<!tpu.dma_semaphore, #tpu.memory_space<semaphore_mem>>)
    %dma_start3A_691 = arith.constant 8 : i32
    %dma_start3A_692 = arith.constant 8 : i32
    %dma_start3A_693 = arith.constant 16 : i32
    %dma_start3A_694 = arith.constant 0 : i32
    %dma_start3A_695 = tpu.memref_slice %arg6[%dma_start3A_691, %dma_start3A_693, %dma_start3A_694] : memref<16x32x128xf32, #tpu.memory_space<vmem>> -> memref<1x8x128xf32, #tpu.memory_space<vmem>>
    %dma_start3A_696 = tpu.memref_squeeze %dma_start3A_695 : memref<1x8x128xf32, #tpu.memory_space<vmem>> -> memref<8x128xf32, #tpu.memory_space<vmem>>
    %dma_start3A_697 = arith.constant 16 : i32
    %dma_start3A_698 = tpu.memref_slice %arg3[%dma_start3A_697, %multiple_of3A_658] : memref<32x1000000xf32, #tpu.memory_space<hbm>> -> memref<8x128xf32, #tpu.memory_space<hbm>>
    %dma_start3A_699 = tpu.memref_slice %arg8[%dma_start3A_692] : memref<16x!tpu.dma_semaphore, #tpu.memory_space<semaphore_mem>> -> memref<1x!tpu.dma_semaphore, #tpu.memory_space<semaphore_mem>>
    %dma_start3A_700 = tpu.memref_squeeze %dma_start3A_699 : memref<1x!tpu.dma_semaphore, #tpu.memory_space<semaphore_mem>> -> memref<!tpu.dma_semaphore, #tpu.memory_space<semaphore_mem>>
    %dma_start3A_701 = arith.constant 16 : i32
    %dma_start3A_702 = arith.constant 0 : i32
    %dma_start3A_703 = tpu.memref_slice %arg6[%dma_start3A_691, %dma_start3A_701, %dma_start3A_702] : memref<16x32x128xf32, #tpu.memory_space<vmem>> -> memref<1x8x128xf32, #tpu.memory_space<vmem>>
    %dma_start3A_704 = tpu.memref_squeeze %dma_start3A_703 : memref<1x8x128xf32, #tpu.memory_space<vmem>> -> memref<8x128xf32, #tpu.memory_space<vmem>>
    %dma_start3A_705 = arith.constant 16 : i32
    %dma_start3A_706 = tpu.memref_slice %arg3[%dma_start3A_705, %multiple_of3A_658] : memref<32x1000000xf32, #tpu.memory_space<hbm>> -> memref<8x128xf32, #tpu.memory_space<hbm>>
    tpu.enqueue_dma source(%dma_start3A_706 : memref<8x128xf32, #tpu.memory_space<hbm>>) target(%dma_start3A_704 : memref<8x128xf32, #tpu.memory_space<vmem>>) target_semaphore(%dma_start3A_700 : memref<!tpu.dma_semaphore, #tpu.memory_space<semaphore_mem>>)
    %dma_start3A_707 = arith.constant 8 : i32
    %dma_start3A_708 = arith.constant 8 : i32
    %dma_start3A_709 = arith.constant 24 : i32
    %dma_start3A_710 = arith.constant 0 : i32
    %dma_start3A_711 = tpu.memref_slice %arg6[%dma_start3A_707, %dma_start3A_709, %dma_start3A_710] : memref<16x32x128xf32, #tpu.memory_space<vmem>> -> memref<1x8x128xf32, #tpu.memory_space<vmem>>
    %dma_start3A_712 = tpu.memref_squeeze %dma_start3A_711 : memref<1x8x128xf32, #tpu.memory_space<vmem>> -> memref<8x128xf32, #tpu.memory_space<vmem>>
    %dma_start3A_713 = arith.constant 24 : i32
    %dma_start3A_714 = tpu.memref_slice %arg3[%dma_start3A_713, %multiple_of3A_658] : memref<32x1000000xf32, #tpu.memory_space<hbm>> -> memref<8x128xf32, #tpu.memory_space<hbm>>
    %dma_start3A_715 = tpu.memref_slice %arg8[%dma_start3A_708] : memref<16x!tpu.dma_semaphore, #tpu.memory_space<semaphore_mem>> -> memref<1x!tpu.dma_semaphore, #tpu.memory_space<semaphore_mem>>
    %dma_start3A_716 = tpu.memref_squeeze %dma_start3A_715 : memref<1x!tpu.dma_semaphore, #tpu.memory_space<semaphore_mem>> -> memref<!tpu.dma_semaphore, #tpu.memory_space<semaphore_mem>>
    %dma_start3A_717 = arith.constant 24 : i32
    %dma_start3A_718 = arith.constant 0 : i32
    %dma_start3A_719 = tpu.memref_slice %arg6[%dma_start3A_707, %dma_start3A_717, %dma_start3A_718] : memref<16x32x128xf32, #tpu.memory_space<vmem>> -> memref<1x8x128xf32, #tpu.memory_space<vmem>>
    %dma_start3A_720 = tpu.memref_squeeze %dma_start3A_719 : memref<1x8x128xf32, #tpu.memory_space<vmem>> -> memref<8x128xf32, #tpu.memory_space<vmem>>
    %dma_start3A_721 = arith.constant 24 : i32
    %dma_start3A_722 = tpu.memref_slice %arg3[%dma_start3A_721, %multiple_of3A_658] : memref<32x1000000xf32, #tpu.memory_space<hbm>> -> memref<8x128xf32, #tpu.memory_space<hbm>>
    tpu.enqueue_dma source(%dma_start3A_722 : memref<8x128xf32, #tpu.memory_space<hbm>>) target(%dma_start3A_720 : memref<8x128xf32, #tpu.memory_space<vmem>>) target_semaphore(%dma_start3A_716 : memref<!tpu.dma_semaphore, #tpu.memory_space<semaphore_mem>>)
    %get3A_723 = arith.constant 0 : index
    %get3A_724 = tpu.vector_load %arg5[%get3A_723] {strides = array<i32>} : memref<512xi32, #tpu.memory_space<vmem>>, vector<16xi32>,
    %eq3A_725 = arith.constant 9 : i32
    %eq3A_726 = vector.broadcast %eq3A_725 : i32 to vector<16xi32>
    %eq3A_727 = arith.cmpi eq, %iota3A, %eq3A_726 : vector<16xi32>
    %jit3A_728 = arith.constant 0 : i32
    %broadcast_in_dim3A_729 = vector.broadcast %jit3A_728 : i32 to vector<16xi32>
    %select_n3A_730 = arith.select %eq3A_727, %get3A_724, %broadcast_in_dim3A_729 : vector<16xi1>, vector<16xi32>
    %reduce_sum3A_731 = arith.constant true
    %reduce_sum3A_732 = vector.broadcast %reduce_sum3A_731 : i1 to vector<16xi1>
    %reduce_sum3A_733 = tpu.scan <sum>, %select_n3A_730 masked %reduce_sum3A_732 : vector<16xi32>, vector<16xi1> -> vector<16xi32>
    %reduce_sum3A_734 = vector.extract %reduce_sum3A_733[15] : i32 from vector<16xi32>
    %shift_right_arithmetic3A_735 = arith.constant 7 : i32
    %shift_right_arithmetic3A_736 = arith.shrsi %reduce_sum3A_734, %shift_right_arithmetic3A_735 : i32
    %mul3A_737 = arith.constant 128 : i32
    %mul3A_738 = arith.muli %shift_right_arithmetic3A_736, %mul3A_737 : i32
    %multiple_of3A_739 = tpu.assume_multiple %mul3A_738, 128 : i32
    %dma_start3A_740 = arith.constant 9 : i32
    %dma_start3A_741 = arith.constant 9 : i32
    %dma_start3A_742 = arith.constant 0 : i32
    %dma_start3A_743 = arith.constant 0 : i32
    %dma_start3A_744 = tpu.memref_slice %arg6[%dma_start3A_740, %dma_start3A_742, %dma_start3A_743] : memref<16x32x128xf32, #tpu.memory_space<vmem>> -> memref<1x8x128xf32, #tpu.memory_space<vmem>>
    %dma_start3A_745 = tpu.memref_squeeze %dma_start3A_744 : memref<1x8x128xf32, #tpu.memory_space<vmem>> -> memref<8x128xf32, #tpu.memory_space<vmem>>
    %dma_start3A_746 = arith.constant 0 : i32
    %dma_start3A_747 = tpu.memref_slice %arg3[%dma_start3A_746, %multiple_of3A_739] : memref<32x1000000xf32, #tpu.memory_space<hbm>> -> memref<8x128xf32, #tpu.memory_space<hbm>>
    %dma_start3A_748 = tpu.memref_slice %arg8[%dma_start3A_741] : memref<16x!tpu.dma_semaphore, #tpu.memory_space<semaphore_mem>> -> memref<1x!tpu.dma_semaphore, #tpu.memory_space<semaphore_mem>>
    %dma_start3A_749 = tpu.memref_squeeze %dma_start3A_748 : memref<1x!tpu.dma_semaphore, #tpu.memory_space<semaphore_mem>> -> memref<!tpu.dma_semaphore, #tpu.memory_space<semaphore_mem>>
    %dma_start3A_750 = arith.constant 0 : i32
    %dma_start3A_751 = arith.constant 0 : i32
    %dma_start3A_752 = tpu.memref_slice %arg6[%dma_start3A_740, %dma_start3A_750, %dma_start3A_751] : memref<16x32x128xf32, #tpu.memory_space<vmem>> -> memref<1x8x128xf32, #tpu.memory_space<vmem>>
    %dma_start3A_753 = tpu.memref_squeeze %dma_start3A_752 : memref<1x8x128xf32, #tpu.memory_space<vmem>> -> memref<8x128xf32, #tpu.memory_space<vmem>>
    %dma_start3A_754 = arith.constant 0 : i32
    %dma_start3A_755 = tpu.memref_slice %arg3[%dma_start3A_754, %multiple_of3A_739] : memref<32x1000000xf32, #tpu.memory_space<hbm>> -> memref<8x128xf32, #tpu.memory_space<hbm>>
    tpu.enqueue_dma source(%dma_start3A_755 : memref<8x128xf32, #tpu.memory_space<hbm>>) target(%dma_start3A_753 : memref<8x128xf32, #tpu.memory_space<vmem>>) target_semaphore(%dma_start3A_749 : memref<!tpu.dma_semaphore, #tpu.memory_space<semaphore_mem>>)
    %dma_start3A_756 = arith.constant 9 : i32
    %dma_start3A_757 = arith.constant 9 : i32
    %dma_start3A_758 = arith.constant 8 : i32
    %dma_start3A_759 = arith.constant 0 : i32
    %dma_start3A_760 = tpu.memref_slice %arg6[%dma_start3A_756, %dma_start3A_758, %dma_start3A_759] : memref<16x32x128xf32, #tpu.memory_space<vmem>> -> memref<1x8x128xf32, #tpu.memory_space<vmem>>
    %dma_start3A_761 = tpu.memref_squeeze %dma_start3A_760 : memref<1x8x128xf32, #tpu.memory_space<vmem>> -> memref<8x128xf32, #tpu.memory_space<vmem>>
    %dma_start3A_762 = arith.constant 8 : i32
    %dma_start3A_763 = tpu.memref_slice %arg3[%dma_start3A_762, %multiple_of3A_739] : memref<32x1000000xf32, #tpu.memory_space<hbm>> -> memref<8x128xf32, #tpu.memory_space<hbm>>
    %dma_start3A_764 = tpu.memref_slice %arg8[%dma_start3A_757] : memref<16x!tpu.dma_semaphore, #tpu.memory_space<semaphore_mem>> -> memref<1x!tpu.dma_semaphore, #tpu.memory_space<semaphore_mem>>
    %dma_start3A_765 = tpu.memref_squeeze %dma_start3A_764 : memref<1x!tpu.dma_semaphore, #tpu.memory_space<semaphore_mem>> -> memref<!tpu.dma_semaphore, #tpu.memory_space<semaphore_mem>>
    %dma_start3A_766 = arith.constant 8 : i32
    %dma_start3A_767 = arith.constant 0 : i32
    %dma_start3A_768 = tpu.memref_slice %arg6[%dma_start3A_756, %dma_start3A_766, %dma_start3A_767] : memref<16x32x128xf32, #tpu.memory_space<vmem>> -> memref<1x8x128xf32, #tpu.memory_space<vmem>>
    %dma_start3A_769 = tpu.memref_squeeze %dma_start3A_768 : memref<1x8x128xf32, #tpu.memory_space<vmem>> -> memref<8x128xf32, #tpu.memory_space<vmem>>
    %dma_start3A_770 = arith.constant 8 : i32
    %dma_start3A_771 = tpu.memref_slice %arg3[%dma_start3A_770, %multiple_of3A_739] : memref<32x1000000xf32, #tpu.memory_space<hbm>> -> memref<8x128xf32, #tpu.memory_space<hbm>>
    tpu.enqueue_dma source(%dma_start3A_771 : memref<8x128xf32, #tpu.memory_space<hbm>>) target(%dma_start3A_769 : memref<8x128xf32, #tpu.memory_space<vmem>>) target_semaphore(%dma_start3A_765 : memref<!tpu.dma_semaphore, #tpu.memory_space<semaphore_mem>>)
    %dma_start3A_772 = arith.constant 9 : i32
    %dma_start3A_773 = arith.constant 9 : i32
    %dma_start3A_774 = arith.constant 16 : i32
    %dma_start3A_775 = arith.constant 0 : i32
    %dma_start3A_776 = tpu.memref_slice %arg6[%dma_start3A_772, %dma_start3A_774, %dma_start3A_775] : memref<16x32x128xf32, #tpu.memory_space<vmem>> -> memref<1x8x128xf32, #tpu.memory_space<vmem>>
    %dma_start3A_777 = tpu.memref_squeeze %dma_start3A_776 : memref<1x8x128xf32, #tpu.memory_space<vmem>> -> memref<8x128xf32, #tpu.memory_space<vmem>>
    %dma_start3A_778 = arith.constant 16 : i32
    %dma_start3A_779 = tpu.memref_slice %arg3[%dma_start3A_778, %multiple_of3A_739] : memref<32x1000000xf32, #tpu.memory_space<hbm>> -> memref<8x128xf32, #tpu.memory_space<hbm>>
    %dma_start3A_780 = tpu.memref_slice %arg8[%dma_start3A_773] : memref<16x!tpu.dma_semaphore, #tpu.memory_space<semaphore_mem>> -> memref<1x!tpu.dma_semaphore, #tpu.memory_space<semaphore_mem>>
    %dma_start3A_781 = tpu.memref_squeeze %dma_start3A_780 : memref<1x!tpu.dma_semaphore, #tpu.memory_space<semaphore_mem>> -> memref<!tpu.dma_semaphore, #tpu.memory_space<semaphore_mem>>
    %dma_start3A_782 = arith.constant 16 : i32
    %dma_start3A_783 = arith.constant 0 : i32
    %dma_start3A_784 = tpu.memref_slice %arg6[%dma_start3A_772, %dma_start3A_782, %dma_start3A_783] : memref<16x32x128xf32, #tpu.memory_space<vmem>> -> memref<1x8x128xf32, #tpu.memory_space<vmem>>
    %dma_start3A_785 = tpu.memref_squeeze %dma_start3A_784 : memref<1x8x128xf32, #tpu.memory_space<vmem>> -> memref<8x128xf32, #tpu.memory_space<vmem>>
    %dma_start3A_786 = arith.constant 16 : i32
    %dma_start3A_787 = tpu.memref_slice %arg3[%dma_start3A_786, %multiple_of3A_739] : memref<32x1000000xf32, #tpu.memory_space<hbm>> -> memref<8x128xf32, #tpu.memory_space<hbm>>
    tpu.enqueue_dma source(%dma_start3A_787 : memref<8x128xf32, #tpu.memory_space<hbm>>) target(%dma_start3A_785 : memref<8x128xf32, #tpu.memory_space<vmem>>) target_semaphore(%dma_start3A_781 : memref<!tpu.dma_semaphore, #tpu.memory_space<semaphore_mem>>)
    %dma_start3A_788 = arith.constant 9 : i32
    %dma_start3A_789 = arith.constant 9 : i32
    %dma_start3A_790 = arith.constant 24 : i32
    %dma_start3A_791 = arith.constant 0 : i32
    %dma_start3A_792 = tpu.memref_slice %arg6[%dma_start3A_788, %dma_start3A_790, %dma_start3A_791] : memref<16x32x128xf32, #tpu.memory_space<vmem>> -> memref<1x8x128xf32, #tpu.memory_space<vmem>>
    %dma_start3A_793 = tpu.memref_squeeze %dma_start3A_792 : memref<1x8x128xf32, #tpu.memory_space<vmem>> -> memref<8x128xf32, #tpu.memory_space<vmem>>
    %dma_start3A_794 = arith.constant 24 : i32
    %dma_start3A_795 = tpu.memref_slice %arg3[%dma_start3A_794, %multiple_of3A_739] : memref<32x1000000xf32, #tpu.memory_space<hbm>> -> memref<8x128xf32, #tpu.memory_space<hbm>>
    %dma_start3A_796 = tpu.memref_slice %arg8[%dma_start3A_789] : memref<16x!tpu.dma_semaphore, #tpu.memory_space<semaphore_mem>> -> memref<1x!tpu.dma_semaphore, #tpu.memory_space<semaphore_mem>>
    %dma_start3A_797 = tpu.memref_squeeze %dma_start3A_796 : memref<1x!tpu.dma_semaphore, #tpu.memory_space<semaphore_mem>> -> memref<!tpu.dma_semaphore, #tpu.memory_space<semaphore_mem>>
    %dma_start3A_798 = arith.constant 24 : i32
    %dma_start3A_799 = arith.constant 0 : i32
    %dma_start3A_800 = tpu.memref_slice %arg6[%dma_start3A_788, %dma_start3A_798, %dma_start3A_799] : memref<16x32x128xf32, #tpu.memory_space<vmem>> -> memref<1x8x128xf32, #tpu.memory_space<vmem>>
    %dma_start3A_801 = tpu.memref_squeeze %dma_start3A_800 : memref<1x8x128xf32, #tpu.memory_space<vmem>> -> memref<8x128xf32, #tpu.memory_space<vmem>>
    %dma_start3A_802 = arith.constant 24 : i32
    %dma_start3A_803 = tpu.memref_slice %arg3[%dma_start3A_802, %multiple_of3A_739] : memref<32x1000000xf32, #tpu.memory_space<hbm>> -> memref<8x128xf32, #tpu.memory_space<hbm>>
    tpu.enqueue_dma source(%dma_start3A_803 : memref<8x128xf32, #tpu.memory_space<hbm>>) target(%dma_start3A_801 : memref<8x128xf32, #tpu.memory_space<vmem>>) target_semaphore(%dma_start3A_797 : memref<!tpu.dma_semaphore, #tpu.memory_space<semaphore_mem>>)
    %get3A_804 = arith.constant 0 : index
    %get3A_805 = tpu.vector_load %arg5[%get3A_804] {strides = array<i32>} : memref<512xi32, #tpu.memory_space<vmem>>, vector<16xi32>,
    %eq3A_806 = arith.constant 10 : i32
    %eq3A_807 = vector.broadcast %eq3A_806 : i32 to vector<16xi32>
    %eq3A_808 = arith.cmpi eq, %iota3A, %eq3A_807 : vector<16xi32>
    %jit3A_809 = arith.constant 0 : i32
    %broadcast_in_dim3A_810 = vector.broadcast %jit3A_809 : i32 to vector<16xi32>
    %select_n3A_811 = arith.select %eq3A_808, %get3A_805, %broadcast_in_dim3A_810 : vector<16xi1>, vector<16xi32>
    %reduce_sum3A_812 = arith.constant true
    %reduce_sum3A_813 = vector.broadcast %reduce_sum3A_812 : i1 to vector<16xi1>
    %reduce_sum3A_814 = tpu.scan <sum>, %select_n3A_811 masked %reduce_sum3A_813 : vector<16xi32>, vector<16xi1> -> vector<16xi32>
    %reduce_sum3A_815 = vector.extract %reduce_sum3A_814[15] : i32 from vector<16xi32>
    %shift_right_arithmetic3A_816 = arith.constant 7 : i32
    %shift_right_arithmetic3A_817 = arith.shrsi %reduce_sum3A_815, %shift_right_arithmetic3A_816 : i32
    %mul3A_818 = arith.constant 128 : i32
    %mul3A_819 = arith.muli %shift_right_arithmetic3A_817, %mul3A_818 : i32
    %multiple_of3A_820 = tpu.assume_multiple %mul3A_819, 128 : i32
    %dma_start3A_821 = arith.constant 10 : i32
    %dma_start3A_822 = arith.constant 10 : i32
    %dma_start3A_823 = arith.constant 0 : i32
    %dma_start3A_824 = arith.constant 0 : i32
    %dma_start3A_825 = tpu.memref_slice %arg6[%dma_start3A_821, %dma_start3A_823, %dma_start3A_824] : memref<16x32x128xf32, #tpu.memory_space<vmem>> -> memref<1x8x128xf32, #tpu.memory_space<vmem>>
    %dma_start3A_826 = tpu.memref_squeeze %dma_start3A_825 : memref<1x8x128xf32, #tpu.memory_space<vmem>> -> memref<8x128xf32, #tpu.memory_space<vmem>>
    %dma_start3A_827 = arith.constant 0 : i32
    %dma_start3A_828 = tpu.memref_slice %arg3[%dma_start3A_827, %multiple_of3A_820] : memref<32x1000000xf32, #tpu.memory_space<hbm>> -> memref<8x128xf32, #tpu.memory_space<hbm>>
    %dma_start3A_829 = tpu.memref_slice %arg8[%dma_start3A_822] : memref<16x!tpu.dma_semaphore, #tpu.memory_space<semaphore_mem>> -> memref<1x!tpu.dma_semaphore, #tpu.memory_space<semaphore_mem>>
    %dma_start3A_830 = tpu.memref_squeeze %dma_start3A_829 : memref<1x!tpu.dma_semaphore, #tpu.memory_space<semaphore_mem>> -> memref<!tpu.dma_semaphore, #tpu.memory_space<semaphore_mem>>
    %dma_start3A_831 = arith.constant 0 : i32
    %dma_start3A_832 = arith.constant 0 : i32
    %dma_start3A_833 = tpu.memref_slice %arg6[%dma_start3A_821, %dma_start3A_831, %dma_start3A_832] : memref<16x32x128xf32, #tpu.memory_space<vmem>> -> memref<1x8x128xf32, #tpu.memory_space<vmem>>
    %dma_start3A_834 = tpu.memref_squeeze %dma_start3A_833 : memref<1x8x128xf32, #tpu.memory_space<vmem>> -> memref<8x128xf32, #tpu.memory_space<vmem>>
    %dma_start3A_835 = arith.constant 0 : i32
    %dma_start3A_836 = tpu.memref_slice %arg3[%dma_start3A_835, %multiple_of3A_820] : memref<32x1000000xf32, #tpu.memory_space<hbm>> -> memref<8x128xf32, #tpu.memory_space<hbm>>
    tpu.enqueue_dma source(%dma_start3A_836 : memref<8x128xf32, #tpu.memory_space<hbm>>) target(%dma_start3A_834 : memref<8x128xf32, #tpu.memory_space<vmem>>) target_semaphore(%dma_start3A_830 : memref<!tpu.dma_semaphore, #tpu.memory_space<semaphore_mem>>)
    %dma_start3A_837 = arith.constant 10 : i32
    %dma_start3A_838 = arith.constant 10 : i32
    %dma_start3A_839 = arith.constant 8 : i32
    %dma_start3A_840 = arith.constant 0 : i32
    %dma_start3A_841 = tpu.memref_slice %arg6[%dma_start3A_837, %dma_start3A_839, %dma_start3A_840] : memref<16x32x128xf32, #tpu.memory_space<vmem>> -> memref<1x8x128xf32, #tpu.memory_space<vmem>>
    %dma_start3A_842 = tpu.memref_squeeze %dma_start3A_841 : memref<1x8x128xf32, #tpu.memory_space<vmem>> -> memref<8x128xf32, #tpu.memory_space<vmem>>
    %dma_start3A_843 = arith.constant 8 : i32
    %dma_start3A_844 = tpu.memref_slice %arg3[%dma_start3A_843, %multiple_of3A_820] : memref<32x1000000xf32, #tpu.memory_space<hbm>> -> memref<8x128xf32, #tpu.memory_space<hbm>>
    %dma_start3A_845 = tpu.memref_slice %arg8[%dma_start3A_838] : memref<16x!tpu.dma_semaphore, #tpu.memory_space<semaphore_mem>> -> memref<1x!tpu.dma_semaphore, #tpu.memory_space<semaphore_mem>>
    %dma_start3A_846 = tpu.memref_squeeze %dma_start3A_845 : memref<1x!tpu.dma_semaphore, #tpu.memory_space<semaphore_mem>> -> memref<!tpu.dma_semaphore, #tpu.memory_space<semaphore_mem>>
    %dma_start3A_847 = arith.constant 8 : i32
    %dma_start3A_848 = arith.constant 0 : i32
    %dma_start3A_849 = tpu.memref_slice %arg6[%dma_start3A_837, %dma_start3A_847, %dma_start3A_848] : memref<16x32x128xf32, #tpu.memory_space<vmem>> -> memref<1x8x128xf32, #tpu.memory_space<vmem>>
    %dma_start3A_850 = tpu.memref_squeeze %dma_start3A_849 : memref<1x8x128xf32, #tpu.memory_space<vmem>> -> memref<8x128xf32, #tpu.memory_space<vmem>>
    %dma_start3A_851 = arith.constant 8 : i32
    %dma_start3A_852 = tpu.memref_slice %arg3[%dma_start3A_851, %multiple_of3A_820] : memref<32x1000000xf32, #tpu.memory_space<hbm>> -> memref<8x128xf32, #tpu.memory_space<hbm>>
    tpu.enqueue_dma source(%dma_start3A_852 : memref<8x128xf32, #tpu.memory_space<hbm>>) target(%dma_start3A_850 : memref<8x128xf32, #tpu.memory_space<vmem>>) target_semaphore(%dma_start3A_846 : memref<!tpu.dma_semaphore, #tpu.memory_space<semaphore_mem>>)
    %dma_start3A_853 = arith.constant 10 : i32
    %dma_start3A_854 = arith.constant 10 : i32
    %dma_start3A_855 = arith.constant 16 : i32
    %dma_start3A_856 = arith.constant 0 : i32
    %dma_start3A_857 = tpu.memref_slice %arg6[%dma_start3A_853, %dma_start3A_855, %dma_start3A_856] : memref<16x32x128xf32, #tpu.memory_space<vmem>> -> memref<1x8x128xf32, #tpu.memory_space<vmem>>
    %dma_start3A_858 = tpu.memref_squeeze %dma_start3A_857 : memref<1x8x128xf32, #tpu.memory_space<vmem>> -> memref<8x128xf32, #tpu.memory_space<vmem>>
    %dma_start3A_859 = arith.constant 16 : i32
    %dma_start3A_860 = tpu.memref_slice %arg3[%dma_start3A_859, %multiple_of3A_820] : memref<32x1000000xf32, #tpu.memory_space<hbm>> -> memref<8x128xf32, #tpu.memory_space<hbm>>
    %dma_start3A_861 = tpu.memref_slice %arg8[%dma_start3A_854] : memref<16x!tpu.dma_semaphore, #tpu.memory_space<semaphore_mem>> -> memref<1x!tpu.dma_semaphore, #tpu.memory_space<semaphore_mem>>
    %dma_start3A_862 = tpu.memref_squeeze %dma_start3A_861 : memref<1x!tpu.dma_semaphore, #tpu.memory_space<semaphore_mem>> -> memref<!tpu.dma_semaphore, #tpu.memory_space<semaphore_mem>>
    %dma_start3A_863 = arith.constant 16 : i32
    %dma_start3A_864 = arith.constant 0 : i32
    %dma_start3A_865 = tpu.memref_slice %arg6[%dma_start3A_853, %dma_start3A_863, %dma_start3A_864] : memref<16x32x128xf32, #tpu.memory_space<vmem>> -> memref<1x8x128xf32, #tpu.memory_space<vmem>>
    %dma_start3A_866 = tpu.memref_squeeze %dma_start3A_865 : memref<1x8x128xf32, #tpu.memory_space<vmem>> -> memref<8x128xf32, #tpu.memory_space<vmem>>
    %dma_start3A_867 = arith.constant 16 : i32
    %dma_start3A_868 = tpu.memref_slice %arg3[%dma_start3A_867, %multiple_of3A_820] : memref<32x1000000xf32, #tpu.memory_space<hbm>> -> memref<8x128xf32, #tpu.memory_space<hbm>>
    tpu.enqueue_dma source(%dma_start3A_868 : memref<8x128xf32, #tpu.memory_space<hbm>>) target(%dma_start3A_866 : memref<8x128xf32, #tpu.memory_space<vmem>>) target_semaphore(%dma_start3A_862 : memref<!tpu.dma_semaphore, #tpu.memory_space<semaphore_mem>>)
    %dma_start3A_869 = arith.constant 10 : i32
    %dma_start3A_870 = arith.constant 10 : i32
    %dma_start3A_871 = arith.constant 24 : i32
    %dma_start3A_872 = arith.constant 0 : i32
    %dma_start3A_873 = tpu.memref_slice %arg6[%dma_start3A_869, %dma_start3A_871, %dma_start3A_872] : memref<16x32x128xf32, #tpu.memory_space<vmem>> -> memref<1x8x128xf32, #tpu.memory_space<vmem>>
    %dma_start3A_874 = tpu.memref_squeeze %dma_start3A_873 : memref<1x8x128xf32, #tpu.memory_space<vmem>> -> memref<8x128xf32, #tpu.memory_space<vmem>>
    %dma_start3A_875 = arith.constant 24 : i32
    %dma_start3A_876 = tpu.memref_slice %arg3[%dma_start3A_875, %multiple_of3A_820] : memref<32x1000000xf32, #tpu.memory_space<hbm>> -> memref<8x128xf32, #tpu.memory_space<hbm>>
    %dma_start3A_877 = tpu.memref_slice %arg8[%dma_start3A_870] : memref<16x!tpu.dma_semaphore, #tpu.memory_space<semaphore_mem>> -> memref<1x!tpu.dma_semaphore, #tpu.memory_space<semaphore_mem>>
    %dma_start3A_878 = tpu.memref_squeeze %dma_start3A_877 : memref<1x!tpu.dma_semaphore, #tpu.memory_space<semaphore_mem>> -> memref<!tpu.dma_semaphore, #tpu.memory_space<semaphore_mem>>
    %dma_start3A_879 = arith.constant 24 : i32
    %dma_start3A_880 = arith.constant 0 : i32
    %dma_start3A_881 = tpu.memref_slice %arg6[%dma_start3A_869, %dma_start3A_879, %dma_start3A_880] : memref<16x32x128xf32, #tpu.memory_space<vmem>> -> memref<1x8x128xf32, #tpu.memory_space<vmem>>
    %dma_start3A_882 = tpu.memref_squeeze %dma_start3A_881 : memref<1x8x128xf32, #tpu.memory_space<vmem>> -> memref<8x128xf32, #tpu.memory_space<vmem>>
    %dma_start3A_883 = arith.constant 24 : i32
    %dma_start3A_884 = tpu.memref_slice %arg3[%dma_start3A_883, %multiple_of3A_820] : memref<32x1000000xf32, #tpu.memory_space<hbm>> -> memref<8x128xf32, #tpu.memory_space<hbm>>
    tpu.enqueue_dma source(%dma_start3A_884 : memref<8x128xf32, #tpu.memory_space<hbm>>) target(%dma_start3A_882 : memref<8x128xf32, #tpu.memory_space<vmem>>) target_semaphore(%dma_start3A_878 : memref<!tpu.dma_semaphore, #tpu.memory_space<semaphore_mem>>)
    %get3A_885 = arith.constant 0 : index
    %get3A_886 = tpu.vector_load %arg5[%get3A_885] {strides = array<i32>} : memref<512xi32, #tpu.memory_space<vmem>>, vector<16xi32>,
    %eq3A_887 = arith.constant 11 : i32
    %eq3A_888 = vector.broadcast %eq3A_887 : i32 to vector<16xi32>
    %eq3A_889 = arith.cmpi eq, %iota3A, %eq3A_888 : vector<16xi32>
    %jit3A_890 = arith.constant 0 : i32
    %broadcast_in_dim3A_891 = vector.broadcast %jit3A_890 : i32 to vector<16xi32>
    %select_n3A_892 = arith.select %eq3A_889, %get3A_886, %broadcast_in_dim3A_891 : vector<16xi1>, vector<16xi32>
    %reduce_sum3A_893 = arith.constant true
    %reduce_sum3A_894 = vector.broadcast %reduce_sum3A_893 : i1 to vector<16xi1>
    %reduce_sum3A_895 = tpu.scan <sum>, %select_n3A_892 masked %reduce_sum3A_894 : vector<16xi32>, vector<16xi1> -> vector<16xi32>
    %reduce_sum3A_896 = vector.extract %reduce_sum3A_895[15] : i32 from vector<16xi32>
    %shift_right_arithmetic3A_897 = arith.constant 7 : i32
    %shift_right_arithmetic3A_898 = arith.shrsi %reduce_sum3A_896, %shift_right_arithmetic3A_897 : i32
    %mul3A_899 = arith.constant 128 : i32
    %mul3A_900 = arith.muli %shift_right_arithmetic3A_898, %mul3A_899 : i32
    %multiple_of3A_901 = tpu.assume_multiple %mul3A_900, 128 : i32
    %dma_start3A_902 = arith.constant 11 : i32
    %dma_start3A_903 = arith.constant 11 : i32
    %dma_start3A_904 = arith.constant 0 : i32
    %dma_start3A_905 = arith.constant 0 : i32
    %dma_start3A_906 = tpu.memref_slice %arg6[%dma_start3A_902, %dma_start3A_904, %dma_start3A_905] : memref<16x32x128xf32, #tpu.memory_space<vmem>> -> memref<1x8x128xf32, #tpu.memory_space<vmem>>
    %dma_start3A_907 = tpu.memref_squeeze %dma_start3A_906 : memref<1x8x128xf32, #tpu.memory_space<vmem>> -> memref<8x128xf32, #tpu.memory_space<vmem>>
    %dma_start3A_908 = arith.constant 0 : i32
    %dma_start3A_909 = tpu.memref_slice %arg3[%dma_start3A_908, %multiple_of3A_901] : memref<32x1000000xf32, #tpu.memory_space<hbm>> -> memref<8x128xf32, #tpu.memory_space<hbm>>
    %dma_start3A_910 = tpu.memref_slice %arg8[%dma_start3A_903] : memref<16x!tpu.dma_semaphore, #tpu.memory_space<semaphore_mem>> -> memref<1x!tpu.dma_semaphore, #tpu.memory_space<semaphore_mem>>
    %dma_start3A_911 = tpu.memref_squeeze %dma_start3A_910 : memref<1x!tpu.dma_semaphore, #tpu.memory_space<semaphore_mem>> -> memref<!tpu.dma_semaphore, #tpu.memory_space<semaphore_mem>>
    %dma_start3A_912 = arith.constant 0 : i32
    %dma_start3A_913 = arith.constant 0 : i32
    %dma_start3A_914 = tpu.memref_slice %arg6[%dma_start3A_902, %dma_start3A_912, %dma_start3A_913] : memref<16x32x128xf32, #tpu.memory_space<vmem>> -> memref<1x8x128xf32, #tpu.memory_space<vmem>>
    %dma_start3A_915 = tpu.memref_squeeze %dma_start3A_914 : memref<1x8x128xf32, #tpu.memory_space<vmem>> -> memref<8x128xf32, #tpu.memory_space<vmem>>
    %dma_start3A_916 = arith.constant 0 : i32
    %dma_start3A_917 = tpu.memref_slice %arg3[%dma_start3A_916, %multiple_of3A_901] : memref<32x1000000xf32, #tpu.memory_space<hbm>> -> memref<8x128xf32, #tpu.memory_space<hbm>>
    tpu.enqueue_dma source(%dma_start3A_917 : memref<8x128xf32, #tpu.memory_space<hbm>>) target(%dma_start3A_915 : memref<8x128xf32, #tpu.memory_space<vmem>>) target_semaphore(%dma_start3A_911 : memref<!tpu.dma_semaphore, #tpu.memory_space<semaphore_mem>>)
    %dma_start3A_918 = arith.constant 11 : i32
    %dma_start3A_919 = arith.constant 11 : i32
    %dma_start3A_920 = arith.constant 8 : i32
    %dma_start3A_921 = arith.constant 0 : i32
    %dma_start3A_922 = tpu.memref_slice %arg6[%dma_start3A_918, %dma_start3A_920, %dma_start3A_921] : memref<16x32x128xf32, #tpu.memory_space<vmem>> -> memref<1x8x128xf32, #tpu.memory_space<vmem>>
    %dma_start3A_923 = tpu.memref_squeeze %dma_start3A_922 : memref<1x8x128xf32, #tpu.memory_space<vmem>> -> memref<8x128xf32, #tpu.memory_space<vmem>>
    %dma_start3A_924 = arith.constant 8 : i32
    %dma_start3A_925 = tpu.memref_slice %arg3[%dma_start3A_924, %multiple_of3A_901] : memref<32x1000000xf32, #tpu.memory_space<hbm>> -> memref<8x128xf32, #tpu.memory_space<hbm>>
    %dma_start3A_926 = tpu.memref_slice %arg8[%dma_start3A_919] : memref<16x!tpu.dma_semaphore, #tpu.memory_space<semaphore_mem>> -> memref<1x!tpu.dma_semaphore, #tpu.memory_space<semaphore_mem>>
    %dma_start3A_927 = tpu.memref_squeeze %dma_start3A_926 : memref<1x!tpu.dma_semaphore, #tpu.memory_space<semaphore_mem>> -> memref<!tpu.dma_semaphore, #tpu.memory_space<semaphore_mem>>
    %dma_start3A_928 = arith.constant 8 : i32
    %dma_start3A_929 = arith.constant 0 : i32
    %dma_start3A_930 = tpu.memref_slice %arg6[%dma_start3A_918, %dma_start3A_928, %dma_start3A_929] : memref<16x32x128xf32, #tpu.memory_space<vmem>> -> memref<1x8x128xf32, #tpu.memory_space<vmem>>
    %dma_start3A_931 = tpu.memref_squeeze %dma_start3A_930 : memref<1x8x128xf32, #tpu.memory_space<vmem>> -> memref<8x128xf32, #tpu.memory_space<vmem>>
    %dma_start3A_932 = arith.constant 8 : i32
    %dma_start3A_933 = tpu.memref_slice %arg3[%dma_start3A_932, %multiple_of3A_901] : memref<32x1000000xf32, #tpu.memory_space<hbm>> -> memref<8x128xf32, #tpu.memory_space<hbm>>
    tpu.enqueue_dma source(%dma_start3A_933 : memref<8x128xf32, #tpu.memory_space<hbm>>) target(%dma_start3A_931 : memref<8x128xf32, #tpu.memory_space<vmem>>) target_semaphore(%dma_start3A_927 : memref<!tpu.dma_semaphore, #tpu.memory_space<semaphore_mem>>)
    %dma_start3A_934 = arith.constant 11 : i32
    %dma_start3A_935 = arith.constant 11 : i32
    %dma_start3A_936 = arith.constant 16 : i32
    %dma_start3A_937 = arith.constant 0 : i32
    %dma_start3A_938 = tpu.memref_slice %arg6[%dma_start3A_934, %dma_start3A_936, %dma_start3A_937] : memref<16x32x128xf32, #tpu.memory_space<vmem>> -> memref<1x8x128xf32, #tpu.memory_space<vmem>>
    %dma_start3A_939 = tpu.memref_squeeze %dma_start3A_938 : memref<1x8x128xf32, #tpu.memory_space<vmem>> -> memref<8x128xf32, #tpu.memory_space<vmem>>
    %dma_start3A_940 = arith.constant 16 : i32
    %dma_start3A_941 = tpu.memref_slice %arg3[%dma_start3A_940, %multiple_of3A_901] : memref<32x1000000xf32, #tpu.memory_space<hbm>> -> memref<8x128xf32, #tpu.memory_space<hbm>>
    %dma_start3A_942 = tpu.memref_slice %arg8[%dma_start3A_935] : memref<16x!tpu.dma_semaphore, #tpu.memory_space<semaphore_mem>> -> memref<1x!tpu.dma_semaphore, #tpu.memory_space<semaphore_mem>>
    %dma_start3A_943 = tpu.memref_squeeze %dma_start3A_942 : memref<1x!tpu.dma_semaphore, #tpu.memory_space<semaphore_mem>> -> memref<!tpu.dma_semaphore, #tpu.memory_space<semaphore_mem>>
    %dma_start3A_944 = arith.constant 16 : i32
    %dma_start3A_945 = arith.constant 0 : i32
    %dma_start3A_946 = tpu.memref_slice %arg6[%dma_start3A_934, %dma_start3A_944, %dma_start3A_945] : memref<16x32x128xf32, #tpu.memory_space<vmem>> -> memref<1x8x128xf32, #tpu.memory_space<vmem>>
    %dma_start3A_947 = tpu.memref_squeeze %dma_start3A_946 : memref<1x8x128xf32, #tpu.memory_space<vmem>> -> memref<8x128xf32, #tpu.memory_space<vmem>>
    %dma_start3A_948 = arith.constant 16 : i32
    %dma_start3A_949 = tpu.memref_slice %arg3[%dma_start3A_948, %multiple_of3A_901] : memref<32x1000000xf32, #tpu.memory_space<hbm>> -> memref<8x128xf32, #tpu.memory_space<hbm>>
    tpu.enqueue_dma source(%dma_start3A_949 : memref<8x128xf32, #tpu.memory_space<hbm>>) target(%dma_start3A_947 : memref<8x128xf32, #tpu.memory_space<vmem>>) target_semaphore(%dma_start3A_943 : memref<!tpu.dma_semaphore, #tpu.memory_space<semaphore_mem>>)
    %dma_start3A_950 = arith.constant 11 : i32
    %dma_start3A_951 = arith.constant 11 : i32
    %dma_start3A_952 = arith.constant 24 : i32
    %dma_start3A_953 = arith.constant 0 : i32
    %dma_start3A_954 = tpu.memref_slice %arg6[%dma_start3A_950, %dma_start3A_952, %dma_start3A_953] : memref<16x32x128xf32, #tpu.memory_space<vmem>> -> memref<1x8x128xf32, #tpu.memory_space<vmem>>
    %dma_start3A_955 = tpu.memref_squeeze %dma_start3A_954 : memref<1x8x128xf32, #tpu.memory_space<vmem>> -> memref<8x128xf32, #tpu.memory_space<vmem>>
    %dma_start3A_956 = arith.constant 24 : i32
    %dma_start3A_957 = tpu.memref_slice %arg3[%dma_start3A_956, %multiple_of3A_901] : memref<32x1000000xf32, #tpu.memory_space<hbm>> -> memref<8x128xf32, #tpu.memory_space<hbm>>
    %dma_start3A_958 = tpu.memref_slice %arg8[%dma_start3A_951] : memref<16x!tpu.dma_semaphore, #tpu.memory_space<semaphore_mem>> -> memref<1x!tpu.dma_semaphore, #tpu.memory_space<semaphore_mem>>
    %dma_start3A_959 = tpu.memref_squeeze %dma_start3A_958 : memref<1x!tpu.dma_semaphore, #tpu.memory_space<semaphore_mem>> -> memref<!tpu.dma_semaphore, #tpu.memory_space<semaphore_mem>>
    %dma_start3A_960 = arith.constant 24 : i32
    %dma_start3A_961 = arith.constant 0 : i32
    %dma_start3A_962 = tpu.memref_slice %arg6[%dma_start3A_950, %dma_start3A_960, %dma_start3A_961] : memref<16x32x128xf32, #tpu.memory_space<vmem>> -> memref<1x8x128xf32, #tpu.memory_space<vmem>>
    %dma_start3A_963 = tpu.memref_squeeze %dma_start3A_962 : memref<1x8x128xf32, #tpu.memory_space<vmem>> -> memref<8x128xf32, #tpu.memory_space<vmem>>
    %dma_start3A_964 = arith.constant 24 : i32
    %dma_start3A_965 = tpu.memref_slice %arg3[%dma_start3A_964, %multiple_of3A_901] : memref<32x1000000xf32, #tpu.memory_space<hbm>> -> memref<8x128xf32, #tpu.memory_space<hbm>>
    tpu.enqueue_dma source(%dma_start3A_965 : memref<8x128xf32, #tpu.memory_space<hbm>>) target(%dma_start3A_963 : memref<8x128xf32, #tpu.memory_space<vmem>>) target_semaphore(%dma_start3A_959 : memref<!tpu.dma_semaphore, #tpu.memory_space<semaphore_mem>>)
    %get3A_966 = arith.constant 0 : index
    %get3A_967 = tpu.vector_load %arg5[%get3A_966] {strides = array<i32>} : memref<512xi32, #tpu.memory_space<vmem>>, vector<16xi32>,
    %eq3A_968 = arith.constant 12 : i32
    %eq3A_969 = vector.broadcast %eq3A_968 : i32 to vector<16xi32>
    %eq3A_970 = arith.cmpi eq, %iota3A, %eq3A_969 : vector<16xi32>
    %jit3A_971 = arith.constant 0 : i32
    %broadcast_in_dim3A_972 = vector.broadcast %jit3A_971 : i32 to vector<16xi32>
    %select_n3A_973 = arith.select %eq3A_970, %get3A_967, %broadcast_in_dim3A_972 : vector<16xi1>, vector<16xi32>
    %reduce_sum3A_974 = arith.constant true
    %reduce_sum3A_975 = vector.broadcast %reduce_sum3A_974 : i1 to vector<16xi1>
    %reduce_sum3A_976 = tpu.scan <sum>, %select_n3A_973 masked %reduce_sum3A_975 : vector<16xi32>, vector<16xi1> -> vector<16xi32>
    %reduce_sum3A_977 = vector.extract %reduce_sum3A_976[15] : i32 from vector<16xi32>
    %shift_right_arithmetic3A_978 = arith.constant 7 : i32
    %shift_right_arithmetic3A_979 = arith.shrsi %reduce_sum3A_977, %shift_right_arithmetic3A_978 : i32
    %mul3A_980 = arith.constant 128 : i32
    %mul3A_981 = arith.muli %shift_right_arithmetic3A_979, %mul3A_980 : i32
    %multiple_of3A_982 = tpu.assume_multiple %mul3A_981, 128 : i32
    %dma_start3A_983 = arith.constant 12 : i32
    %dma_start3A_984 = arith.constant 12 : i32
    %dma_start3A_985 = arith.constant 0 : i32
    %dma_start3A_986 = arith.constant 0 : i32
    %dma_start3A_987 = tpu.memref_slice %arg6[%dma_start3A_983, %dma_start3A_985, %dma_start3A_986] : memref<16x32x128xf32, #tpu.memory_space<vmem>> -> memref<1x8x128xf32, #tpu.memory_space<vmem>>
    %dma_start3A_988 = tpu.memref_squeeze %dma_start3A_987 : memref<1x8x128xf32, #tpu.memory_space<vmem>> -> memref<8x128xf32, #tpu.memory_space<vmem>>
    %dma_start3A_989 = arith.constant 0 : i32
    %dma_start3A_990 = tpu.memref_slice %arg3[%dma_start3A_989, %multiple_of3A_982] : memref<32x1000000xf32, #tpu.memory_space<hbm>> -> memref<8x128xf32, #tpu.memory_space<hbm>>
    %dma_start3A_991 = tpu.memref_slice %arg8[%dma_start3A_984] : memref<16x!tpu.dma_semaphore, #tpu.memory_space<semaphore_mem>> -> memref<1x!tpu.dma_semaphore, #tpu.memory_space<semaphore_mem>>
    %dma_start3A_992 = tpu.memref_squeeze %dma_start3A_991 : memref<1x!tpu.dma_semaphore, #tpu.memory_space<semaphore_mem>> -> memref<!tpu.dma_semaphore, #tpu.memory_space<semaphore_mem>>
    %dma_start3A_993 = arith.constant 0 : i32
    %dma_start3A_994 = arith.constant 0 : i32
    %dma_start3A_995 = tpu.memref_slice %arg6[%dma_start3A_983, %dma_start3A_993, %dma_start3A_994] : memref<16x32x128xf32, #tpu.memory_space<vmem>> -> memref<1x8x128xf32, #tpu.memory_space<vmem>>
    %dma_start3A_996 = tpu.memref_squeeze %dma_start3A_995 : memref<1x8x128xf32, #tpu.memory_space<vmem>> -> memref<8x128xf32, #tpu.memory_space<vmem>>
    %dma_start3A_997 = arith.constant 0 : i32
    %dma_start3A_998 = tpu.memref_slice %arg3[%dma_start3A_997, %multiple_of3A_982] : memref<32x1000000xf32, #tpu.memory_space<hbm>> -> memref<8x128xf32, #tpu.memory_space<hbm>>
    tpu.enqueue_dma source(%dma_start3A_998 : memref<8x128xf32, #tpu.memory_space<hbm>>) target(%dma_start3A_996 : memref<8x128xf32, #tpu.memory_space<vmem>>) target_semaphore(%dma_start3A_992 : memref<!tpu.dma_semaphore, #tpu.memory_space<semaphore_mem>>)
    %dma_start3A_999 = arith.constant 12 : i32
    %dma_start3A_1000 = arith.constant 12 : i32
    %dma_start3A_1001 = arith.constant 8 : i32
    %dma_start3A_1002 = arith.constant 0 : i32
    %dma_start3A_1003 = tpu.memref_slice %arg6[%dma_start3A_999, %dma_start3A_1001, %dma_start3A_1002] : memref<16x32x128xf32, #tpu.memory_space<vmem>> -> memref<1x8x128xf32, #tpu.memory_space<vmem>>
    %dma_start3A_1004 = tpu.memref_squeeze %dma_start3A_1003 : memref<1x8x128xf32, #tpu.memory_space<vmem>> -> memref<8x128xf32, #tpu.memory_space<vmem>>
    %dma_start3A_1005 = arith.constant 8 : i32
    %dma_start3A_1006 = tpu.memref_slice %arg3[%dma_start3A_1005, %multiple_of3A_982] : memref<32x1000000xf32, #tpu.memory_space<hbm>> -> memref<8x128xf32, #tpu.memory_space<hbm>>
    %dma_start3A_1007 = tpu.memref_slice %arg8[%dma_start3A_1000] : memref<16x!tpu.dma_semaphore, #tpu.memory_space<semaphore_mem>> -> memref<1x!tpu.dma_semaphore, #tpu.memory_space<semaphore_mem>>
    %dma_start3A_1008 = tpu.memref_squeeze %dma_start3A_1007 : memref<1x!tpu.dma_semaphore, #tpu.memory_space<semaphore_mem>> -> memref<!tpu.dma_semaphore, #tpu.memory_space<semaphore_mem>>
    %dma_start3A_1009 = arith.constant 8 : i32
    %dma_start3A_1010 = arith.constant 0 : i32
    %dma_start3A_1011 = tpu.memref_slice %arg6[%dma_start3A_999, %dma_start3A_1009, %dma_start3A_1010] : memref<16x32x128xf32, #tpu.memory_space<vmem>> -> memref<1x8x128xf32, #tpu.memory_space<vmem>>
    %dma_start3A_1012 = tpu.memref_squeeze %dma_start3A_1011 : memref<1x8x128xf32, #tpu.memory_space<vmem>> -> memref<8x128xf32, #tpu.memory_space<vmem>>
    %dma_start3A_1013 = arith.constant 8 : i32
    %dma_start3A_1014 = tpu.memref_slice %arg3[%dma_start3A_1013, %multiple_of3A_982] : memref<32x1000000xf32, #tpu.memory_space<hbm>> -> memref<8x128xf32, #tpu.memory_space<hbm>>
    tpu.enqueue_dma source(%dma_start3A_1014 : memref<8x128xf32, #tpu.memory_space<hbm>>) target(%dma_start3A_1012 : memref<8x128xf32, #tpu.memory_space<vmem>>) target_semaphore(%dma_start3A_1008 : memref<!tpu.dma_semaphore, #tpu.memory_space<semaphore_mem>>)
    %dma_start3A_1015 = arith.constant 12 : i32
    %dma_start3A_1016 = arith.constant 12 : i32
    %dma_start3A_1017 = arith.constant 16 : i32
    %dma_start3A_1018 = arith.constant 0 : i32
    %dma_start3A_1019 = tpu.memref_slice %arg6[%dma_start3A_1015, %dma_start3A_1017, %dma_start3A_1018] : memref<16x32x128xf32, #tpu.memory_space<vmem>> -> memref<1x8x128xf32, #tpu.memory_space<vmem>>
    %dma_start3A_1020 = tpu.memref_squeeze %dma_start3A_1019 : memref<1x8x128xf32, #tpu.memory_space<vmem>> -> memref<8x128xf32, #tpu.memory_space<vmem>>
    %dma_start3A_1021 = arith.constant 16 : i32
    %dma_start3A_1022 = tpu.memref_slice %arg3[%dma_start3A_1021, %multiple_of3A_982] : memref<32x1000000xf32, #tpu.memory_space<hbm>> -> memref<8x128xf32, #tpu.memory_space<hbm>>
    %dma_start3A_1023 = tpu.memref_slice %arg8[%dma_start3A_1016] : memref<16x!tpu.dma_semaphore, #tpu.memory_space<semaphore_mem>> -> memref<1x!tpu.dma_semaphore, #tpu.memory_space<semaphore_mem>>
    %dma_start3A_1024 = tpu.memref_squeeze %dma_start3A_1023 : memref<1x!tpu.dma_semaphore, #tpu.memory_space<semaphore_mem>> -> memref<!tpu.dma_semaphore, #tpu.memory_space<semaphore_mem>>
    %dma_start3A_1025 = arith.constant 16 : i32
    %dma_start3A_1026 = arith.constant 0 : i32
    %dma_start3A_1027 = tpu.memref_slice %arg6[%dma_start3A_1015, %dma_start3A_1025, %dma_start3A_1026] : memref<16x32x128xf32, #tpu.memory_space<vmem>> -> memref<1x8x128xf32, #tpu.memory_space<vmem>>
    %dma_start3A_1028 = tpu.memref_squeeze %dma_start3A_1027 : memref<1x8x128xf32, #tpu.memory_space<vmem>> -> memref<8x128xf32, #tpu.memory_space<vmem>>
    %dma_start3A_1029 = arith.constant 16 : i32
    %dma_start3A_1030 = tpu.memref_slice %arg3[%dma_start3A_1029, %multiple_of3A_982] : memref<32x1000000xf32, #tpu.memory_space<hbm>> -> memref<8x128xf32, #tpu.memory_space<hbm>>
    tpu.enqueue_dma source(%dma_start3A_1030 : memref<8x128xf32, #tpu.memory_space<hbm>>) target(%dma_start3A_1028 : memref<8x128xf32, #tpu.memory_space<vmem>>) target_semaphore(%dma_start3A_1024 : memref<!tpu.dma_semaphore, #tpu.memory_space<semaphore_mem>>)
    %dma_start3A_1031 = arith.constant 12 : i32
    %dma_start3A_1032 = arith.constant 12 : i32
    %dma_start3A_1033 = arith.constant 24 : i32
    %dma_start3A_1034 = arith.constant 0 : i32
    %dma_start3A_1035 = tpu.memref_slice %arg6[%dma_start3A_1031, %dma_start3A_1033, %dma_start3A_1034] : memref<16x32x128xf32, #tpu.memory_space<vmem>> -> memref<1x8x128xf32, #tpu.memory_space<vmem>>
    %dma_start3A_1036 = tpu.memref_squeeze %dma_start3A_1035 : memref<1x8x128xf32, #tpu.memory_space<vmem>> -> memref<8x128xf32, #tpu.memory_space<vmem>>
    %dma_start3A_1037 = arith.constant 24 : i32
    %dma_start3A_1038 = tpu.memref_slice %arg3[%dma_start3A_1037, %multiple_of3A_982] : memref<32x1000000xf32, #tpu.memory_space<hbm>> -> memref<8x128xf32, #tpu.memory_space<hbm>>
    %dma_start3A_1039 = tpu.memref_slice %arg8[%dma_start3A_1032] : memref<16x!tpu.dma_semaphore, #tpu.memory_space<semaphore_mem>> -> memref<1x!tpu.dma_semaphore, #tpu.memory_space<semaphore_mem>>
    %dma_start3A_1040 = tpu.memref_squeeze %dma_start3A_1039 : memref<1x!tpu.dma_semaphore, #tpu.memory_space<semaphore_mem>> -> memref<!tpu.dma_semaphore, #tpu.memory_space<semaphore_mem>>
    %dma_start3A_1041 = arith.constant 24 : i32
    %dma_start3A_1042 = arith.constant 0 : i32
    %dma_start3A_1043 = tpu.memref_slice %arg6[%dma_start3A_1031, %dma_start3A_1041, %dma_start3A_1042] : memref<16x32x128xf32, #tpu.memory_space<vmem>> -> memref<1x8x128xf32, #tpu.memory_space<vmem>>
    %dma_start3A_1044 = tpu.memref_squeeze %dma_start3A_1043 : memref<1x8x128xf32, #tpu.memory_space<vmem>> -> memref<8x128xf32, #tpu.memory_space<vmem>>
    %dma_start3A_1045 = arith.constant 24 : i32
    %dma_start3A_1046 = tpu.memref_slice %arg3[%dma_start3A_1045, %multiple_of3A_982] : memref<32x1000000xf32, #tpu.memory_space<hbm>> -> memref<8x128xf32, #tpu.memory_space<hbm>>
    tpu.enqueue_dma source(%dma_start3A_1046 : memref<8x128xf32, #tpu.memory_space<hbm>>) target(%dma_start3A_1044 : memref<8x128xf32, #tpu.memory_space<vmem>>) target_semaphore(%dma_start3A_1040 : memref<!tpu.dma_semaphore, #tpu.memory_space<semaphore_mem>>)
    %get3A_1047 = arith.constant 0 : index
    %get3A_1048 = tpu.vector_load %arg5[%get3A_1047] {strides = array<i32>} : memref<512xi32, #tpu.memory_space<vmem>>, vector<16xi32>,
    %eq3A_1049 = arith.constant 13 : i32
    %eq3A_1050 = vector.broadcast %eq3A_1049 : i32 to vector<16xi32>
    %eq3A_1051 = arith.cmpi eq, %iota3A, %eq3A_1050 : vector<16xi32>
    %jit3A_1052 = arith.constant 0 : i32
    %broadcast_in_dim3A_1053 = vector.broadcast %jit3A_1052 : i32 to vector<16xi32>
    %select_n3A_1054 = arith.select %eq3A_1051, %get3A_1048, %broadcast_in_dim3A_1053 : vector<16xi1>, vector<16xi32>
    %reduce_sum3A_1055 = arith.constant true
    %reduce_sum3A_1056 = vector.broadcast %reduce_sum3A_1055 : i1 to vector<16xi1>
    %reduce_sum3A_1057 = tpu.scan <sum>, %select_n3A_1054 masked %reduce_sum3A_1056 : vector<16xi32>, vector<16xi1> -> vector<16xi32>
    %reduce_sum3A_1058 = vector.extract %reduce_sum3A_1057[15] : i32 from vector<16xi32>
    %shift_right_arithmetic3A_1059 = arith.constant 7 : i32
    %shift_right_arithmetic3A_1060 = arith.shrsi %reduce_sum3A_1058, %shift_right_arithmetic3A_1059 : i32
    %mul3A_1061 = arith.constant 128 : i32
    %mul3A_1062 = arith.muli %shift_right_arithmetic3A_1060, %mul3A_1061 : i32
    %multiple_of3A_1063 = tpu.assume_multiple %mul3A_1062, 128 : i32
    %dma_start3A_1064 = arith.constant 13 : i32
    %dma_start3A_1065 = arith.constant 13 : i32
    %dma_start3A_1066 = arith.constant 0 : i32
    %dma_start3A_1067 = arith.constant 0 : i32
    %dma_start3A_1068 = tpu.memref_slice %arg6[%dma_start3A_1064, %dma_start3A_1066, %dma_start3A_1067] : memref<16x32x128xf32, #tpu.memory_space<vmem>> -> memref<1x8x128xf32, #tpu.memory_space<vmem>>
    %dma_start3A_1069 = tpu.memref_squeeze %dma_start3A_1068 : memref<1x8x128xf32, #tpu.memory_space<vmem>> -> memref<8x128xf32, #tpu.memory_space<vmem>>
    %dma_start3A_1070 = arith.constant 0 : i32
    %dma_start3A_1071 = tpu.memref_slice %arg3[%dma_start3A_1070, %multiple_of3A_1063] : memref<32x1000000xf32, #tpu.memory_space<hbm>> -> memref<8x128xf32, #tpu.memory_space<hbm>>
    %dma_start3A_1072 = tpu.memref_slice %arg8[%dma_start3A_1065] : memref<16x!tpu.dma_semaphore, #tpu.memory_space<semaphore_mem>> -> memref<1x!tpu.dma_semaphore, #tpu.memory_space<semaphore_mem>>
    %dma_start3A_1073 = tpu.memref_squeeze %dma_start3A_1072 : memref<1x!tpu.dma_semaphore, #tpu.memory_space<semaphore_mem>> -> memref<!tpu.dma_semaphore, #tpu.memory_space<semaphore_mem>>
    %dma_start3A_1074 = arith.constant 0 : i32
    %dma_start3A_1075 = arith.constant 0 : i32
    %dma_start3A_1076 = tpu.memref_slice %arg6[%dma_start3A_1064, %dma_start3A_1074, %dma_start3A_1075] : memref<16x32x128xf32, #tpu.memory_space<vmem>> -> memref<1x8x128xf32, #tpu.memory_space<vmem>>
    %dma_start3A_1077 = tpu.memref_squeeze %dma_start3A_1076 : memref<1x8x128xf32, #tpu.memory_space<vmem>> -> memref<8x128xf32, #tpu.memory_space<vmem>>
    %dma_start3A_1078 = arith.constant 0 : i32
    %dma_start3A_1079 = tpu.memref_slice %arg3[%dma_start3A_1078, %multiple_of3A_1063] : memref<32x1000000xf32, #tpu.memory_space<hbm>> -> memref<8x128xf32, #tpu.memory_space<hbm>>
    tpu.enqueue_dma source(%dma_start3A_1079 : memref<8x128xf32, #tpu.memory_space<hbm>>) target(%dma_start3A_1077 : memref<8x128xf32, #tpu.memory_space<vmem>>) target_semaphore(%dma_start3A_1073 : memref<!tpu.dma_semaphore, #tpu.memory_space<semaphore_mem>>)
    %dma_start3A_1080 = arith.constant 13 : i32
    %dma_start3A_1081 = arith.constant 13 : i32
    %dma_start3A_1082 = arith.constant 8 : i32
    %dma_start3A_1083 = arith.constant 0 : i32
    %dma_start3A_1084 = tpu.memref_slice %arg6[%dma_start3A_1080, %dma_start3A_1082, %dma_start3A_1083] : memref<16x32x128xf32, #tpu.memory_space<vmem>> -> memref<1x8x128xf32, #tpu.memory_space<vmem>>
    %dma_start3A_1085 = tpu.memref_squeeze %dma_start3A_1084 : memref<1x8x128xf32, #tpu.memory_space<vmem>> -> memref<8x128xf32, #tpu.memory_space<vmem>>
    %dma_start3A_1086 = arith.constant 8 : i32
    %dma_start3A_1087 = tpu.memref_slice %arg3[%dma_start3A_1086, %multiple_of3A_1063] : memref<32x1000000xf32, #tpu.memory_space<hbm>> -> memref<8x128xf32, #tpu.memory_space<hbm>>
    %dma_start3A_1088 = tpu.memref_slice %arg8[%dma_start3A_1081] : memref<16x!tpu.dma_semaphore, #tpu.memory_space<semaphore_mem>> -> memref<1x!tpu.dma_semaphore, #tpu.memory_space<semaphore_mem>>
    %dma_start3A_1089 = tpu.memref_squeeze %dma_start3A_1088 : memref<1x!tpu.dma_semaphore, #tpu.memory_space<semaphore_mem>> -> memref<!tpu.dma_semaphore, #tpu.memory_space<semaphore_mem>>
    %dma_start3A_1090 = arith.constant 8 : i32
    %dma_start3A_1091 = arith.constant 0 : i32
    %dma_start3A_1092 = tpu.memref_slice %arg6[%dma_start3A_1080, %dma_start3A_1090, %dma_start3A_1091] : memref<16x32x128xf32, #tpu.memory_space<vmem>> -> memref<1x8x128xf32, #tpu.memory_space<vmem>>
    %dma_start3A_1093 = tpu.memref_squeeze %dma_start3A_1092 : memref<1x8x128xf32, #tpu.memory_space<vmem>> -> memref<8x128xf32, #tpu.memory_space<vmem>>
    %dma_start3A_1094 = arith.constant 8 : i32
    %dma_start3A_1095 = tpu.memref_slice %arg3[%dma_start3A_1094, %multiple_of3A_1063] : memref<32x1000000xf32, #tpu.memory_space<hbm>> -> memref<8x128xf32, #tpu.memory_space<hbm>>
    tpu.enqueue_dma source(%dma_start3A_1095 : memref<8x128xf32, #tpu.memory_space<hbm>>) target(%dma_start3A_1093 : memref<8x128xf32, #tpu.memory_space<vmem>>) target_semaphore(%dma_start3A_1089 : memref<!tpu.dma_semaphore, #tpu.memory_space<semaphore_mem>>)
    %dma_start3A_1096 = arith.constant 13 : i32
    %dma_start3A_1097 = arith.constant 13 : i32
    %dma_start3A_1098 = arith.constant 16 : i32
    %dma_start3A_1099 = arith.constant 0 : i32
    %dma_start3A_1100 = tpu.memref_slice %arg6[%dma_start3A_1096, %dma_start3A_1098, %dma_start3A_1099] : memref<16x32x128xf32, #tpu.memory_space<vmem>> -> memref<1x8x128xf32, #tpu.memory_space<vmem>>
    %dma_start3A_1101 = tpu.memref_squeeze %dma_start3A_1100 : memref<1x8x128xf32, #tpu.memory_space<vmem>> -> memref<8x128xf32, #tpu.memory_space<vmem>>
    %dma_start3A_1102 = arith.constant 16 : i32
    %dma_start3A_1103 = tpu.memref_slice %arg3[%dma_start3A_1102, %multiple_of3A_1063] : memref<32x1000000xf32, #tpu.memory_space<hbm>> -> memref<8x128xf32, #tpu.memory_space<hbm>>
    %dma_start3A_1104 = tpu.memref_slice %arg8[%dma_start3A_1097] : memref<16x!tpu.dma_semaphore, #tpu.memory_space<semaphore_mem>> -> memref<1x!tpu.dma_semaphore, #tpu.memory_space<semaphore_mem>>
    %dma_start3A_1105 = tpu.memref_squeeze %dma_start3A_1104 : memref<1x!tpu.dma_semaphore, #tpu.memory_space<semaphore_mem>> -> memref<!tpu.dma_semaphore, #tpu.memory_space<semaphore_mem>>
    %dma_start3A_1106 = arith.constant 16 : i32
    %dma_start3A_1107 = arith.constant 0 : i32
    %dma_start3A_1108 = tpu.memref_slice %arg6[%dma_start3A_1096, %dma_start3A_1106, %dma_start3A_1107] : memref<16x32x128xf32, #tpu.memory_space<vmem>> -> memref<1x8x128xf32, #tpu.memory_space<vmem>>
    %dma_start3A_1109 = tpu.memref_squeeze %dma_start3A_1108 : memref<1x8x128xf32, #tpu.memory_space<vmem>> -> memref<8x128xf32, #tpu.memory_space<vmem>>
    %dma_start3A_1110 = arith.constant 16 : i32
    %dma_start3A_1111 = tpu.memref_slice %arg3[%dma_start3A_1110, %multiple_of3A_1063] : memref<32x1000000xf32, #tpu.memory_space<hbm>> -> memref<8x128xf32, #tpu.memory_space<hbm>>
    tpu.enqueue_dma source(%dma_start3A_1111 : memref<8x128xf32, #tpu.memory_space<hbm>>) target(%dma_start3A_1109 : memref<8x128xf32, #tpu.memory_space<vmem>>) target_semaphore(%dma_start3A_1105 : memref<!tpu.dma_semaphore, #tpu.memory_space<semaphore_mem>>)
    %dma_start3A_1112 = arith.constant 13 : i32
    %dma_start3A_1113 = arith.constant 13 : i32
    %dma_start3A_1114 = arith.constant 24 : i32
    %dma_start3A_1115 = arith.constant 0 : i32
    %dma_start3A_1116 = tpu.memref_slice %arg6[%dma_start3A_1112, %dma_start3A_1114, %dma_start3A_1115] : memref<16x32x128xf32, #tpu.memory_space<vmem>> -> memref<1x8x128xf32, #tpu.memory_space<vmem>>
    %dma_start3A_1117 = tpu.memref_squeeze %dma_start3A_1116 : memref<1x8x128xf32, #tpu.memory_space<vmem>> -> memref<8x128xf32, #tpu.memory_space<vmem>>
    %dma_start3A_1118 = arith.constant 24 : i32
    %dma_start3A_1119 = tpu.memref_slice %arg3[%dma_start3A_1118, %multiple_of3A_1063] : memref<32x1000000xf32, #tpu.memory_space<hbm>> -> memref<8x128xf32, #tpu.memory_space<hbm>>
    %dma_start3A_1120 = tpu.memref_slice %arg8[%dma_start3A_1113] : memref<16x!tpu.dma_semaphore, #tpu.memory_space<semaphore_mem>> -> memref<1x!tpu.dma_semaphore, #tpu.memory_space<semaphore_mem>>
    %dma_start3A_1121 = tpu.memref_squeeze %dma_start3A_1120 : memref<1x!tpu.dma_semaphore, #tpu.memory_space<semaphore_mem>> -> memref<!tpu.dma_semaphore, #tpu.memory_space<semaphore_mem>>
    %dma_start3A_1122 = arith.constant 24 : i32
    %dma_start3A_1123 = arith.constant 0 : i32
    %dma_start3A_1124 = tpu.memref_slice %arg6[%dma_start3A_1112, %dma_start3A_1122, %dma_start3A_1123] : memref<16x32x128xf32, #tpu.memory_space<vmem>> -> memref<1x8x128xf32, #tpu.memory_space<vmem>>
    %dma_start3A_1125 = tpu.memref_squeeze %dma_start3A_1124 : memref<1x8x128xf32, #tpu.memory_space<vmem>> -> memref<8x128xf32, #tpu.memory_space<vmem>>
    %dma_start3A_1126 = arith.constant 24 : i32
    %dma_start3A_1127 = tpu.memref_slice %arg3[%dma_start3A_1126, %multiple_of3A_1063] : memref<32x1000000xf32, #tpu.memory_space<hbm>> -> memref<8x128xf32, #tpu.memory_space<hbm>>
    tpu.enqueue_dma source(%dma_start3A_1127 : memref<8x128xf32, #tpu.memory_space<hbm>>) target(%dma_start3A_1125 : memref<8x128xf32, #tpu.memory_space<vmem>>) target_semaphore(%dma_start3A_1121 : memref<!tpu.dma_semaphore, #tpu.memory_space<semaphore_mem>>)
    %get3A_1128 = arith.constant 0 : index
    %get3A_1129 = tpu.vector_load %arg5[%get3A_1128] {strides = array<i32>} : memref<512xi32, #tpu.memory_space<vmem>>, vector<16xi32>,
    %eq3A_1130 = arith.constant 14 : i32
    %eq3A_1131 = vector.broadcast %eq3A_1130 : i32 to vector<16xi32>
    %eq3A_1132 = arith.cmpi eq, %iota3A, %eq3A_1131 : vector<16xi32>
    %jit3A_1133 = arith.constant 0 : i32
    %broadcast_in_dim3A_1134 = vector.broadcast %jit3A_1133 : i32 to vector<16xi32>
    %select_n3A_1135 = arith.select %eq3A_1132, %get3A_1129, %broadcast_in_dim3A_1134 : vector<16xi1>, vector<16xi32>
    %reduce_sum3A_1136 = arith.constant true
    %reduce_sum3A_1137 = vector.broadcast %reduce_sum3A_1136 : i1 to vector<16xi1>
    %reduce_sum3A_1138 = tpu.scan <sum>, %select_n3A_1135 masked %reduce_sum3A_1137 : vector<16xi32>, vector<16xi1> -> vector<16xi32>
    %reduce_sum3A_1139 = vector.extract %reduce_sum3A_1138[15] : i32 from vector<16xi32>
    %shift_right_arithmetic3A_1140 = arith.constant 7 : i32
    %shift_right_arithmetic3A_1141 = arith.shrsi %reduce_sum3A_1139, %shift_right_arithmetic3A_1140 : i32
    %mul3A_1142 = arith.constant 128 : i32
    %mul3A_1143 = arith.muli %shift_right_arithmetic3A_1141, %mul3A_1142 : i32
    %multiple_of3A_1144 = tpu.assume_multiple %mul3A_1143, 128 : i32
    %dma_start3A_1145 = arith.constant 14 : i32
    %dma_start3A_1146 = arith.constant 14 : i32
    %dma_start3A_1147 = arith.constant 0 : i32
    %dma_start3A_1148 = arith.constant 0 : i32
    %dma_start3A_1149 = tpu.memref_slice %arg6[%dma_start3A_1145, %dma_start3A_1147, %dma_start3A_1148] : memref<16x32x128xf32, #tpu.memory_space<vmem>> -> memref<1x8x128xf32, #tpu.memory_space<vmem>>
    %dma_start3A_1150 = tpu.memref_squeeze %dma_start3A_1149 : memref<1x8x128xf32, #tpu.memory_space<vmem>> -> memref<8x128xf32, #tpu.memory_space<vmem>>
    %dma_start3A_1151 = arith.constant 0 : i32
    %dma_start3A_1152 = tpu.memref_slice %arg3[%dma_start3A_1151, %multiple_of3A_1144] : memref<32x1000000xf32, #tpu.memory_space<hbm>> -> memref<8x128xf32, #tpu.memory_space<hbm>>
    %dma_start3A_1153 = tpu.memref_slice %arg8[%dma_start3A_1146] : memref<16x!tpu.dma_semaphore, #tpu.memory_space<semaphore_mem>> -> memref<1x!tpu.dma_semaphore, #tpu.memory_space<semaphore_mem>>
    %dma_start3A_1154 = tpu.memref_squeeze %dma_start3A_1153 : memref<1x!tpu.dma_semaphore, #tpu.memory_space<semaphore_mem>> -> memref<!tpu.dma_semaphore, #tpu.memory_space<semaphore_mem>>
    %dma_start3A_1155 = arith.constant 0 : i32
    %dma_start3A_1156 = arith.constant 0 : i32
    %dma_start3A_1157 = tpu.memref_slice %arg6[%dma_start3A_1145, %dma_start3A_1155, %dma_start3A_1156] : memref<16x32x128xf32, #tpu.memory_space<vmem>> -> memref<1x8x128xf32, #tpu.memory_space<vmem>>
    %dma_start3A_1158 = tpu.memref_squeeze %dma_start3A_1157 : memref<1x8x128xf32, #tpu.memory_space<vmem>> -> memref<8x128xf32, #tpu.memory_space<vmem>>
    %dma_start3A_1159 = arith.constant 0 : i32
    %dma_start3A_1160 = tpu.memref_slice %arg3[%dma_start3A_1159, %multiple_of3A_1144] : memref<32x1000000xf32, #tpu.memory_space<hbm>> -> memref<8x128xf32, #tpu.memory_space<hbm>>
    tpu.enqueue_dma source(%dma_start3A_1160 : memref<8x128xf32, #tpu.memory_space<hbm>>) target(%dma_start3A_1158 : memref<8x128xf32, #tpu.memory_space<vmem>>) target_semaphore(%dma_start3A_1154 : memref<!tpu.dma_semaphore, #tpu.memory_space<semaphore_mem>>)
    %dma_start3A_1161 = arith.constant 14 : i32
    %dma_start3A_1162 = arith.constant 14 : i32
    %dma_start3A_1163 = arith.constant 8 : i32
    %dma_start3A_1164 = arith.constant 0 : i32
    %dma_start3A_1165 = tpu.memref_slice %arg6[%dma_start3A_1161, %dma_start3A_1163, %dma_start3A_1164] : memref<16x32x128xf32, #tpu.memory_space<vmem>> -> memref<1x8x128xf32, #tpu.memory_space<vmem>>
    %dma_start3A_1166 = tpu.memref_squeeze %dma_start3A_1165 : memref<1x8x128xf32, #tpu.memory_space<vmem>> -> memref<8x128xf32, #tpu.memory_space<vmem>>
    %dma_start3A_1167 = arith.constant 8 : i32
    %dma_start3A_1168 = tpu.memref_slice %arg3[%dma_start3A_1167, %multiple_of3A_1144] : memref<32x1000000xf32, #tpu.memory_space<hbm>> -> memref<8x128xf32, #tpu.memory_space<hbm>>
    %dma_start3A_1169 = tpu.memref_slice %arg8[%dma_start3A_1162] : memref<16x!tpu.dma_semaphore, #tpu.memory_space<semaphore_mem>> -> memref<1x!tpu.dma_semaphore, #tpu.memory_space<semaphore_mem>>
    %dma_start3A_1170 = tpu.memref_squeeze %dma_start3A_1169 : memref<1x!tpu.dma_semaphore, #tpu.memory_space<semaphore_mem>> -> memref<!tpu.dma_semaphore, #tpu.memory_space<semaphore_mem>>
    %dma_start3A_1171 = arith.constant 8 : i32
    %dma_start3A_1172 = arith.constant 0 : i32
    %dma_start3A_1173 = tpu.memref_slice %arg6[%dma_start3A_1161, %dma_start3A_1171, %dma_start3A_1172] : memref<16x32x128xf32, #tpu.memory_space<vmem>> -> memref<1x8x128xf32, #tpu.memory_space<vmem>>
    %dma_start3A_1174 = tpu.memref_squeeze %dma_start3A_1173 : memref<1x8x128xf32, #tpu.memory_space<vmem>> -> memref<8x128xf32, #tpu.memory_space<vmem>>
    %dma_start3A_1175 = arith.constant 8 : i32
    %dma_start3A_1176 = tpu.memref_slice %arg3[%dma_start3A_1175, %multiple_of3A_1144] : memref<32x1000000xf32, #tpu.memory_space<hbm>> -> memref<8x128xf32, #tpu.memory_space<hbm>>
    tpu.enqueue_dma source(%dma_start3A_1176 : memref<8x128xf32, #tpu.memory_space<hbm>>) target(%dma_start3A_1174 : memref<8x128xf32, #tpu.memory_space<vmem>>) target_semaphore(%dma_start3A_1170 : memref<!tpu.dma_semaphore, #tpu.memory_space<semaphore_mem>>)
    %dma_start3A_1177 = arith.constant 14 : i32
    %dma_start3A_1178 = arith.constant 14 : i32
    %dma_start3A_1179 = arith.constant 16 : i32
    %dma_start3A_1180 = arith.constant 0 : i32
    %dma_start3A_1181 = tpu.memref_slice %arg6[%dma_start3A_1177, %dma_start3A_1179, %dma_start3A_1180] : memref<16x32x128xf32, #tpu.memory_space<vmem>> -> memref<1x8x128xf32, #tpu.memory_space<vmem>>
    %dma_start3A_1182 = tpu.memref_squeeze %dma_start3A_1181 : memref<1x8x128xf32, #tpu.memory_space<vmem>> -> memref<8x128xf32, #tpu.memory_space<vmem>>
    %dma_start3A_1183 = arith.constant 16 : i32
    %dma_start3A_1184 = tpu.memref_slice %arg3[%dma_start3A_1183, %multiple_of3A_1144] : memref<32x1000000xf32, #tpu.memory_space<hbm>> -> memref<8x128xf32, #tpu.memory_space<hbm>>
    %dma_start3A_1185 = tpu.memref_slice %arg8[%dma_start3A_1178] : memref<16x!tpu.dma_semaphore, #tpu.memory_space<semaphore_mem>> -> memref<1x!tpu.dma_semaphore, #tpu.memory_space<semaphore_mem>>
    %dma_start3A_1186 = tpu.memref_squeeze %dma_start3A_1185 : memref<1x!tpu.dma_semaphore, #tpu.memory_space<semaphore_mem>> -> memref<!tpu.dma_semaphore, #tpu.memory_space<semaphore_mem>>
    %dma_start3A_1187 = arith.constant 16 : i32
    %dma_start3A_1188 = arith.constant 0 : i32
    %dma_start3A_1189 = tpu.memref_slice %arg6[%dma_start3A_1177, %dma_start3A_1187, %dma_start3A_1188] : memref<16x32x128xf32, #tpu.memory_space<vmem>> -> memref<1x8x128xf32, #tpu.memory_space<vmem>>
    %dma_start3A_1190 = tpu.memref_squeeze %dma_start3A_1189 : memref<1x8x128xf32, #tpu.memory_space<vmem>> -> memref<8x128xf32, #tpu.memory_space<vmem>>
    %dma_start3A_1191 = arith.constant 16 : i32
    %dma_start3A_1192 = tpu.memref_slice %arg3[%dma_start3A_1191, %multiple_of3A_1144] : memref<32x1000000xf32, #tpu.memory_space<hbm>> -> memref<8x128xf32, #tpu.memory_space<hbm>>
    tpu.enqueue_dma source(%dma_start3A_1192 : memref<8x128xf32, #tpu.memory_space<hbm>>) target(%dma_start3A_1190 : memref<8x128xf32, #tpu.memory_space<vmem>>) target_semaphore(%dma_start3A_1186 : memref<!tpu.dma_semaphore, #tpu.memory_space<semaphore_mem>>)
    %dma_start3A_1193 = arith.constant 14 : i32
    %dma_start3A_1194 = arith.constant 14 : i32
    %dma_start3A_1195 = arith.constant 24 : i32
    %dma_start3A_1196 = arith.constant 0 : i32
    %dma_start3A_1197 = tpu.memref_slice %arg6[%dma_start3A_1193, %dma_start3A_1195, %dma_start3A_1196] : memref<16x32x128xf32, #tpu.memory_space<vmem>> -> memref<1x8x128xf32, #tpu.memory_space<vmem>>
    %dma_start3A_1198 = tpu.memref_squeeze %dma_start3A_1197 : memref<1x8x128xf32, #tpu.memory_space<vmem>> -> memref<8x128xf32, #tpu.memory_space<vmem>>
    %dma_start3A_1199 = arith.constant 24 : i32
    %dma_start3A_1200 = tpu.memref_slice %arg3[%dma_start3A_1199, %multiple_of3A_1144] : memref<32x1000000xf32, #tpu.memory_space<hbm>> -> memref<8x128xf32, #tpu.memory_space<hbm>>
    %dma_start3A_1201 = tpu.memref_slice %arg8[%dma_start3A_1194] : memref<16x!tpu.dma_semaphore, #tpu.memory_space<semaphore_mem>> -> memref<1x!tpu.dma_semaphore, #tpu.memory_space<semaphore_mem>>
    %dma_start3A_1202 = tpu.memref_squeeze %dma_start3A_1201 : memref<1x!tpu.dma_semaphore, #tpu.memory_space<semaphore_mem>> -> memref<!tpu.dma_semaphore, #tpu.memory_space<semaphore_mem>>
    %dma_start3A_1203 = arith.constant 24 : i32
    %dma_start3A_1204 = arith.constant 0 : i32
    %dma_start3A_1205 = tpu.memref_slice %arg6[%dma_start3A_1193, %dma_start3A_1203, %dma_start3A_1204] : memref<16x32x128xf32, #tpu.memory_space<vmem>> -> memref<1x8x128xf32, #tpu.memory_space<vmem>>
    %dma_start3A_1206 = tpu.memref_squeeze %dma_start3A_1205 : memref<1x8x128xf32, #tpu.memory_space<vmem>> -> memref<8x128xf32, #tpu.memory_space<vmem>>
    %dma_start3A_1207 = arith.constant 24 : i32
    %dma_start3A_1208 = tpu.memref_slice %arg3[%dma_start3A_1207, %multiple_of3A_1144] : memref<32x1000000xf32, #tpu.memory_space<hbm>> -> memref<8x128xf32, #tpu.memory_space<hbm>>
    tpu.enqueue_dma source(%dma_start3A_1208 : memref<8x128xf32, #tpu.memory_space<hbm>>) target(%dma_start3A_1206 : memref<8x128xf32, #tpu.memory_space<vmem>>) target_semaphore(%dma_start3A_1202 : memref<!tpu.dma_semaphore, #tpu.memory_space<semaphore_mem>>)
    %get3A_1209 = arith.constant 0 : index
    %get3A_1210 = tpu.vector_load %arg5[%get3A_1209] {strides = array<i32>} : memref<512xi32, #tpu.memory_space<vmem>>, vector<16xi32>,
    %eq3A_1211 = arith.constant 15 : i32
    %eq3A_1212 = vector.broadcast %eq3A_1211 : i32 to vector<16xi32>
    %eq3A_1213 = arith.cmpi eq, %iota3A, %eq3A_1212 : vector<16xi32>
    %jit3A_1214 = arith.constant 0 : i32
    %broadcast_in_dim3A_1215 = vector.broadcast %jit3A_1214 : i32 to vector<16xi32>
    %select_n3A_1216 = arith.select %eq3A_1213, %get3A_1210, %broadcast_in_dim3A_1215 : vector<16xi1>, vector<16xi32>
    %reduce_sum3A_1217 = arith.constant true
    %reduce_sum3A_1218 = vector.broadcast %reduce_sum3A_1217 : i1 to vector<16xi1>
    %reduce_sum3A_1219 = tpu.scan <sum>, %select_n3A_1216 masked %reduce_sum3A_1218 : vector<16xi32>, vector<16xi1> -> vector<16xi32>
    %reduce_sum3A_1220 = vector.extract %reduce_sum3A_1219[15] : i32 from vector<16xi32>
    %shift_right_arithmetic3A_1221 = arith.constant 7 : i32
    %shift_right_arithmetic3A_1222 = arith.shrsi %reduce_sum3A_1220, %shift_right_arithmetic3A_1221 : i32
    %mul3A_1223 = arith.constant 128 : i32
    %mul3A_1224 = arith.muli %shift_right_arithmetic3A_1222, %mul3A_1223 : i32
    %multiple_of3A_1225 = tpu.assume_multiple %mul3A_1224, 128 : i32
    %dma_start3A_1226 = arith.constant 15 : i32
    %dma_start3A_1227 = arith.constant 15 : i32
    %dma_start3A_1228 = arith.constant 0 : i32
    %dma_start3A_1229 = arith.constant 0 : i32
    %dma_start3A_1230 = tpu.memref_slice %arg6[%dma_start3A_1226, %dma_start3A_1228, %dma_start3A_1229] : memref<16x32x128xf32, #tpu.memory_space<vmem>> -> memref<1x8x128xf32, #tpu.memory_space<vmem>>
    %dma_start3A_1231 = tpu.memref_squeeze %dma_start3A_1230 : memref<1x8x128xf32, #tpu.memory_space<vmem>> -> memref<8x128xf32, #tpu.memory_space<vmem>>
    %dma_start3A_1232 = arith.constant 0 : i32
    %dma_start3A_1233 = tpu.memref_slice %arg3[%dma_start3A_1232, %multiple_of3A_1225] : memref<32x1000000xf32, #tpu.memory_space<hbm>> -> memref<8x128xf32, #tpu.memory_space<hbm>>
    %dma_start3A_1234 = tpu.memref_slice %arg8[%dma_start3A_1227] : memref<16x!tpu.dma_semaphore, #tpu.memory_space<semaphore_mem>> -> memref<1x!tpu.dma_semaphore, #tpu.memory_space<semaphore_mem>>
    %dma_start3A_1235 = tpu.memref_squeeze %dma_start3A_1234 : memref<1x!tpu.dma_semaphore, #tpu.memory_space<semaphore_mem>> -> memref<!tpu.dma_semaphore, #tpu.memory_space<semaphore_mem>>
    %dma_start3A_1236 = arith.constant 0 : i32
    %dma_start3A_1237 = arith.constant 0 : i32
    %dma_start3A_1238 = tpu.memref_slice %arg6[%dma_start3A_1226, %dma_start3A_1236, %dma_start3A_1237] : memref<16x32x128xf32, #tpu.memory_space<vmem>> -> memref<1x8x128xf32, #tpu.memory_space<vmem>>
    %dma_start3A_1239 = tpu.memref_squeeze %dma_start3A_1238 : memref<1x8x128xf32, #tpu.memory_space<vmem>> -> memref<8x128xf32, #tpu.memory_space<vmem>>
    %dma_start3A_1240 = arith.constant 0 : i32
    %dma_start3A_1241 = tpu.memref_slice %arg3[%dma_start3A_1240, %multiple_of3A_1225] : memref<32x1000000xf32, #tpu.memory_space<hbm>> -> memref<8x128xf32, #tpu.memory_space<hbm>>
    tpu.enqueue_dma source(%dma_start3A_1241 : memref<8x128xf32, #tpu.memory_space<hbm>>) target(%dma_start3A_1239 : memref<8x128xf32, #tpu.memory_space<vmem>>) target_semaphore(%dma_start3A_1235 : memref<!tpu.dma_semaphore, #tpu.memory_space<semaphore_mem>>)
    %dma_start3A_1242 = arith.constant 15 : i32
    %dma_start3A_1243 = arith.constant 15 : i32
    %dma_start3A_1244 = arith.constant 8 : i32
    %dma_start3A_1245 = arith.constant 0 : i32
    %dma_start3A_1246 = tpu.memref_slice %arg6[%dma_start3A_1242, %dma_start3A_1244, %dma_start3A_1245] : memref<16x32x128xf32, #tpu.memory_space<vmem>> -> memref<1x8x128xf32, #tpu.memory_space<vmem>>
    %dma_start3A_1247 = tpu.memref_squeeze %dma_start3A_1246 : memref<1x8x128xf32, #tpu.memory_space<vmem>> -> memref<8x128xf32, #tpu.memory_space<vmem>>
    %dma_start3A_1248 = arith.constant 8 : i32
    %dma_start3A_1249 = tpu.memref_slice %arg3[%dma_start3A_1248, %multiple_of3A_1225] : memref<32x1000000xf32, #tpu.memory_space<hbm>> -> memref<8x128xf32, #tpu.memory_space<hbm>>
    %dma_start3A_1250 = tpu.memref_slice %arg8[%dma_start3A_1243] : memref<16x!tpu.dma_semaphore, #tpu.memory_space<semaphore_mem>> -> memref<1x!tpu.dma_semaphore, #tpu.memory_space<semaphore_mem>>
    %dma_start3A_1251 = tpu.memref_squeeze %dma_start3A_1250 : memref<1x!tpu.dma_semaphore, #tpu.memory_space<semaphore_mem>> -> memref<!tpu.dma_semaphore, #tpu.memory_space<semaphore_mem>>
    %dma_start3A_1252 = arith.constant 8 : i32
    %dma_start3A_1253 = arith.constant 0 : i32
    %dma_start3A_1254 = tpu.memref_slice %arg6[%dma_start3A_1242, %dma_start3A_1252, %dma_start3A_1253] : memref<16x32x128xf32, #tpu.memory_space<vmem>> -> memref<1x8x128xf32, #tpu.memory_space<vmem>>
    %dma_start3A_1255 = tpu.memref_squeeze %dma_start3A_1254 : memref<1x8x128xf32, #tpu.memory_space<vmem>> -> memref<8x128xf32, #tpu.memory_space<vmem>>
    %dma_start3A_1256 = arith.constant 8 : i32
    %dma_start3A_1257 = tpu.memref_slice %arg3[%dma_start3A_1256, %multiple_of3A_1225] : memref<32x1000000xf32, #tpu.memory_space<hbm>> -> memref<8x128xf32, #tpu.memory_space<hbm>>
    tpu.enqueue_dma source(%dma_start3A_1257 : memref<8x128xf32, #tpu.memory_space<hbm>>) target(%dma_start3A_1255 : memref<8x128xf32, #tpu.memory_space<vmem>>) target_semaphore(%dma_start3A_1251 : memref<!tpu.dma_semaphore, #tpu.memory_space<semaphore_mem>>)
    %dma_start3A_1258 = arith.constant 15 : i32
    %dma_start3A_1259 = arith.constant 15 : i32
    %dma_start3A_1260 = arith.constant 16 : i32
    %dma_start3A_1261 = arith.constant 0 : i32
    %dma_start3A_1262 = tpu.memref_slice %arg6[%dma_start3A_1258, %dma_start3A_1260, %dma_start3A_1261] : memref<16x32x128xf32, #tpu.memory_space<vmem>> -> memref<1x8x128xf32, #tpu.memory_space<vmem>>
    %dma_start3A_1263 = tpu.memref_squeeze %dma_start3A_1262 : memref<1x8x128xf32, #tpu.memory_space<vmem>> -> memref<8x128xf32, #tpu.memory_space<vmem>>
    %dma_start3A_1264 = arith.constant 16 : i32
    %dma_start3A_1265 = tpu.memref_slice %arg3[%dma_start3A_1264, %multiple_of3A_1225] : memref<32x1000000xf32, #tpu.memory_space<hbm>> -> memref<8x128xf32, #tpu.memory_space<hbm>>
    %dma_start3A_1266 = tpu.memref_slice %arg8[%dma_start3A_1259] : memref<16x!tpu.dma_semaphore, #tpu.memory_space<semaphore_mem>> -> memref<1x!tpu.dma_semaphore, #tpu.memory_space<semaphore_mem>>
    %dma_start3A_1267 = tpu.memref_squeeze %dma_start3A_1266 : memref<1x!tpu.dma_semaphore, #tpu.memory_space<semaphore_mem>> -> memref<!tpu.dma_semaphore, #tpu.memory_space<semaphore_mem>>
    %dma_start3A_1268 = arith.constant 16 : i32
    %dma_start3A_1269 = arith.constant 0 : i32
    %dma_start3A_1270 = tpu.memref_slice %arg6[%dma_start3A_1258, %dma_start3A_1268, %dma_start3A_1269] : memref<16x32x128xf32, #tpu.memory_space<vmem>> -> memref<1x8x128xf32, #tpu.memory_space<vmem>>
    %dma_start3A_1271 = tpu.memref_squeeze %dma_start3A_1270 : memref<1x8x128xf32, #tpu.memory_space<vmem>> -> memref<8x128xf32, #tpu.memory_space<vmem>>
    %dma_start3A_1272 = arith.constant 16 : i32
    %dma_start3A_1273 = tpu.memref_slice %arg3[%dma_start3A_1272, %multiple_of3A_1225] : memref<32x1000000xf32, #tpu.memory_space<hbm>> -> memref<8x128xf32, #tpu.memory_space<hbm>>
    tpu.enqueue_dma source(%dma_start3A_1273 : memref<8x128xf32, #tpu.memory_space<hbm>>) target(%dma_start3A_1271 : memref<8x128xf32, #tpu.memory_space<vmem>>) target_semaphore(%dma_start3A_1267 : memref<!tpu.dma_semaphore, #tpu.memory_space<semaphore_mem>>)
    %dma_start3A_1274 = arith.constant 15 : i32
    %dma_start3A_1275 = arith.constant 15 : i32
    %dma_start3A_1276 = arith.constant 24 : i32
    %dma_start3A_1277 = arith.constant 0 : i32
    %dma_start3A_1278 = tpu.memref_slice %arg6[%dma_start3A_1274, %dma_start3A_1276, %dma_start3A_1277] : memref<16x32x128xf32, #tpu.memory_space<vmem>> -> memref<1x8x128xf32, #tpu.memory_space<vmem>>
    %dma_start3A_1279 = tpu.memref_squeeze %dma_start3A_1278 : memref<1x8x128xf32, #tpu.memory_space<vmem>> -> memref<8x128xf32, #tpu.memory_space<vmem>>
    %dma_start3A_1280 = arith.constant 24 : i32
    %dma_start3A_1281 = tpu.memref_slice %arg3[%dma_start3A_1280, %multiple_of3A_1225] : memref<32x1000000xf32, #tpu.memory_space<hbm>> -> memref<8x128xf32, #tpu.memory_space<hbm>>
    %dma_start3A_1282 = tpu.memref_slice %arg8[%dma_start3A_1275] : memref<16x!tpu.dma_semaphore, #tpu.memory_space<semaphore_mem>> -> memref<1x!tpu.dma_semaphore, #tpu.memory_space<semaphore_mem>>
    %dma_start3A_1283 = tpu.memref_squeeze %dma_start3A_1282 : memref<1x!tpu.dma_semaphore, #tpu.memory_space<semaphore_mem>> -> memref<!tpu.dma_semaphore, #tpu.memory_space<semaphore_mem>>
    %dma_start3A_1284 = arith.constant 24 : i32
    %dma_start3A_1285 = arith.constant 0 : i32
    %dma_start3A_1286 = tpu.memref_slice %arg6[%dma_start3A_1274, %dma_start3A_1284, %dma_start3A_1285] : memref<16x32x128xf32, #tpu.memory_space<vmem>> -> memref<1x8x128xf32, #tpu.memory_space<vmem>>
    %dma_start3A_1287 = tpu.memref_squeeze %dma_start3A_1286 : memref<1x8x128xf32, #tpu.memory_space<vmem>> -> memref<8x128xf32, #tpu.memory_space<vmem>>
    %dma_start3A_1288 = arith.constant 24 : i32
    %dma_start3A_1289 = tpu.memref_slice %arg3[%dma_start3A_1288, %multiple_of3A_1225] : memref<32x1000000xf32, #tpu.memory_space<hbm>> -> memref<8x128xf32, #tpu.memory_space<hbm>>
    tpu.enqueue_dma source(%dma_start3A_1289 : memref<8x128xf32, #tpu.memory_space<hbm>>) target(%dma_start3A_1287 : memref<8x128xf32, #tpu.memory_space<vmem>>) target_semaphore(%dma_start3A_1283 : memref<!tpu.dma_semaphore, #tpu.memory_space<semaphore_mem>>)
    %scan3A = arith.constant 0 : i32
    %scan3A_1290 = arith.constant 32 : i32
    %scan3A_1291 = arith.addi %scan3A, %scan3A_1290 : i32
    %scan3A_1292 = arith.constant 1 : i32
    scf.for %scan3A_1294 = %scan3A to %scan3A_1291 step %scan3A_1292  : i32 {
      %dma_wait3A = arith.constant 0 : i32
      %dma_wait3A_1295 = arith.constant 0 : i32
      %dma_wait3A_1296 = arith.constant 0 : i32
      %dma_wait3A_1297 = arith.constant 0 : i32
      %dma_wait3A_1298 = tpu.memref_slice %arg6[%dma_wait3A, %dma_wait3A_1296, %dma_wait3A_1297] : memref<16x32x128xf32, #tpu.memory_space<vmem>> -> memref<1x32x128xf32, #tpu.memory_space<vmem>>
      %dma_wait3A_1299 = tpu.memref_squeeze %dma_wait3A_1298 : memref<1x32x128xf32, #tpu.memory_space<vmem>> -> memref<32x128xf32, #tpu.memory_space<vmem>>
      %dma_wait3A_1300 = arith.constant 0 : i32
      %dma_wait3A_1301 = arith.constant 0 : i32
      %dma_wait3A_1302 = tpu.memref_slice %arg3[%dma_wait3A_1300, %dma_wait3A_1301] : memref<32x1000000xf32, #tpu.memory_space<hbm>> -> memref<32x128xf32, #tpu.memory_space<hbm>>
      %dma_wait3A_1303 = tpu.memref_slice %arg8[%dma_wait3A_1295] : memref<16x!tpu.dma_semaphore, #tpu.memory_space<semaphore_mem>> -> memref<1x!tpu.dma_semaphore, #tpu.memory_space<semaphore_mem>>
      %dma_wait3A_1304 = tpu.memref_squeeze %dma_wait3A_1303 : memref<1x!tpu.dma_semaphore, #tpu.memory_space<semaphore_mem>> -> memref<!tpu.dma_semaphore, #tpu.memory_space<semaphore_mem>>
      %dma_wait3A_1305 = arith.constant 0 : i32
      %dma_wait3A_1306 = arith.constant 0 : i32
      %dma_wait3A_1307 = tpu.memref_slice %arg6[%dma_wait3A, %dma_wait3A_1305, %dma_wait3A_1306] : memref<16x32x128xf32, #tpu.memory_space<vmem>> -> memref<1x32x128xf32, #tpu.memory_space<vmem>>
      %dma_wait3A_1308 = tpu.memref_squeeze %dma_wait3A_1307 : memref<1x32x128xf32, #tpu.memory_space<vmem>> -> memref<32x128xf32, #tpu.memory_space<vmem>>
      %dma_wait3A_1309 = arith.constant 0 : i32
      %dma_wait3A_1310 = arith.constant 0 : i32
      %dma_wait3A_1311 = tpu.memref_slice %arg3[%dma_wait3A_1309, %dma_wait3A_1310] : memref<32x1000000xf32, #tpu.memory_space<hbm>> -> memref<32x128xf32, #tpu.memory_space<hbm>>
      tpu.wait_dma2 semaphore(%dma_wait3A_1304 : memref<!tpu.dma_semaphore, #tpu.memory_space<semaphore_mem>>) src(%dma_wait3A_1311 : memref<32x128xf32, #tpu.memory_space<hbm>>) dst(%dma_wait3A_1308 : memref<32x128xf32, #tpu.memory_space<vmem>>)
      %mul3A_1312 = arith.constant 16 : i32
      %mul3A_1313 = arith.muli %scan3A_1294, %mul3A_1312 : i32
      %get3A_1314 = arith.index_cast %mul3A_1313 : i32 to index
      %get3A_1315 = tpu.vector_load %arg5[%get3A_1314] {strides = array<i32>} : memref<512xi32, #tpu.memory_space<vmem>>, vector<16xi32>,
      %eq3A_1316 = arith.constant 0 : i32
      %eq3A_1317 = vector.broadcast %eq3A_1316 : i32 to vector<16xi32>
      %eq3A_1318 = arith.cmpi eq, %iota3A, %eq3A_1317 : vector<16xi32>
      %jit3A_1319 = arith.constant 0 : i32
      %broadcast_in_dim3A_1320 = vector.broadcast %jit3A_1319 : i32 to vector<16xi32>
      %select_n3A_1321 = arith.select %eq3A_1318, %get3A_1315, %broadcast_in_dim3A_1320 : vector<16xi1>, vector<16xi32>
      %reduce_sum3A_1322 = arith.constant true
      %reduce_sum3A_1323 = vector.broadcast %reduce_sum3A_1322 : i1 to vector<16xi1>
      %reduce_sum3A_1324 = tpu.scan <sum>, %select_n3A_1321 masked %reduce_sum3A_1323 : vector<16xi32>, vector<16xi1> -> vector<16xi32>
      %reduce_sum3A_1325 = vector.extract %reduce_sum3A_1324[15] : i32 from vector<16xi32>
      %and3A = arith.constant 127 : i32
      %and3A_1326 = arith.andi %reduce_sum3A_1325, %and3A : i32
      %broadcast_in_dim3A_1327 = vector.broadcast %and3A_1326 : i32 to vector<16xi32>
      %broadcast_in_dim3A_1328 = arith.constant 0 : i32
      %broadcast_in_dim3A_1329 = vector.broadcast %broadcast_in_dim3A_1328 : i32 to vector<16xi32>
      %mul3A_1330 = arith.constant 16 : i32
      %mul3A_1331 = arith.muli %scan3A_1294, %mul3A_1330 : i32
      %add3A_1332 = arith.constant 0 : i32
      %add3A_1333 = arith.addi %mul3A_1331, %add3A_1332 : i32
      %broadcast_in_dim3A_1334 = vector.broadcast %add3A_1333 : i32 to vector<16xi32>
      %gather3A = tpu.vector_load_idx %arg6[%broadcast_in_dim3A_1329, %iota3A, %broadcast_in_dim3A_1327] : memref<16x32x128xf32, #tpu.memory_space<vmem>>[vector<16xi32>, vector<16xi32>, vector<16xi32>], vector<16xf32>,
      %add3A_1335 = arith.constant 16 : i32
      %add3A_1336 = vector.broadcast %add3A_1335 : i32 to vector<16xi32>
      %add3A_1337 = arith.addi %iota3A, %add3A_1336 : vector<16xi32>
      %gather3A_1338 = tpu.vector_load_idx %arg6[%broadcast_in_dim3A_1329, %add3A_1337, %broadcast_in_dim3A_1327] : memref<16x32x128xf32, #tpu.memory_space<vmem>>[vector<16xi32>, vector<16xi32>, vector<16xi32>], vector<16xf32>,
      tpu.vector_store_idx %arg7[%iota3A, %broadcast_in_dim3A_1334], %gather3A : memref<32x512xf32, #tpu.memory_space<vmem>>[vector<16xi32>, vector<16xi32>], vector<16xf32>,
      %add3A_1339 = arith.constant 16 : i32
      %add3A_1340 = vector.broadcast %add3A_1339 : i32 to vector<16xi32>
      %add3A_1341 = arith.addi %iota3A, %add3A_1340 : vector<16xi32>
      tpu.vector_store_idx %arg7[%add3A_1341, %broadcast_in_dim3A_1334], %gather3A_1338 : memref<32x512xf32, #tpu.memory_space<vmem>>[vector<16xi32>, vector<16xi32>], vector<16xf32>,
      %lt3A = arith.constant 31 : i32
      %lt3A_1342 = arith.cmpi slt, %scan3A_1294, %lt3A : i32
      %convert_element_type3A = arith.extui %lt3A_1342 : i1 to i32
      %cond3A = arith.constant 0 : i32
      %cond3A_1343 = arith.cmpi ne, %convert_element_type3A, %cond3A : i32
      scf.if %cond3A_1343 {
        %add3A_2169 = arith.constant 1 : i32
        %add3A_2170 = arith.addi %scan3A_1294, %add3A_2169 : i32
        %mul3A_2171 = arith.constant 16 : i32
        %mul3A_2172 = arith.muli %add3A_2170, %mul3A_2171 : i32
        %get3A_2173 = arith.index_cast %mul3A_2172 : i32 to index
        %get3A_2174 = tpu.vector_load %arg5[%get3A_2173] {strides = array<i32>} : memref<512xi32, #tpu.memory_space<vmem>>, vector<16xi32>,
        %eq3A_2175 = arith.constant 0 : i32
        %eq3A_2176 = vector.broadcast %eq3A_2175 : i32 to vector<16xi32>
        %eq3A_2177 = arith.cmpi eq, %iota3A, %eq3A_2176 : vector<16xi32>
        %jit3A_2178 = arith.constant 0 : i32
        %broadcast_in_dim3A_2179 = vector.broadcast %jit3A_2178 : i32 to vector<16xi32>
        %select_n3A_2180 = arith.select %eq3A_2177, %get3A_2174, %broadcast_in_dim3A_2179 : vector<16xi1>, vector<16xi32>
        %reduce_sum3A_2181 = arith.constant true
        %reduce_sum3A_2182 = vector.broadcast %reduce_sum3A_2181 : i1 to vector<16xi1>
        %reduce_sum3A_2183 = tpu.scan <sum>, %select_n3A_2180 masked %reduce_sum3A_2182 : vector<16xi32>, vector<16xi1> -> vector<16xi32>
        %reduce_sum3A_2184 = vector.extract %reduce_sum3A_2183[15] : i32 from vector<16xi32>
        %shift_right_arithmetic3A_2185 = arith.constant 7 : i32
        %shift_right_arithmetic3A_2186 = arith.shrsi %reduce_sum3A_2184, %shift_right_arithmetic3A_2185 : i32
        %mul3A_2187 = arith.constant 128 : i32
        %mul3A_2188 = arith.muli %shift_right_arithmetic3A_2186, %mul3A_2187 : i32
        %multiple_of3A_2189 = tpu.assume_multiple %mul3A_2188, 128 : i32
        %dma_start3A_2190 = arith.constant 0 : i32
        %dma_start3A_2191 = arith.constant 0 : i32
        %dma_start3A_2192 = arith.constant 0 : i32
        %dma_start3A_2193 = arith.constant 0 : i32
        %dma_start3A_2194 = tpu.memref_slice %arg6[%dma_start3A_2190, %dma_start3A_2192, %dma_start3A_2193] : memref<16x32x128xf32, #tpu.memory_space<vmem>> -> memref<1x8x128xf32, #tpu.memory_space<vmem>>
        %dma_start3A_2195 = tpu.memref_squeeze %dma_start3A_2194 : memref<1x8x128xf32, #tpu.memory_space<vmem>> -> memref<8x128xf32, #tpu.memory_space<vmem>>
        %dma_start3A_2196 = arith.constant 0 : i32
        %dma_start3A_2197 = tpu.memref_slice %arg3[%dma_start3A_2196, %multiple_of3A_2189] : memref<32x1000000xf32, #tpu.memory_space<hbm>> -> memref<8x128xf32, #tpu.memory_space<hbm>>
        %dma_start3A_2198 = tpu.memref_slice %arg8[%dma_start3A_2191] : memref<16x!tpu.dma_semaphore, #tpu.memory_space<semaphore_mem>> -> memref<1x!tpu.dma_semaphore, #tpu.memory_space<semaphore_mem>>
        %dma_start3A_2199 = tpu.memref_squeeze %dma_start3A_2198 : memref<1x!tpu.dma_semaphore, #tpu.memory_space<semaphore_mem>> -> memref<!tpu.dma_semaphore, #tpu.memory_space<semaphore_mem>>
        %dma_start3A_2200 = arith.constant 0 : i32
        %dma_start3A_2201 = arith.constant 0 : i32
        %dma_start3A_2202 = tpu.memref_slice %arg6[%dma_start3A_2190, %dma_start3A_2200, %dma_start3A_2201] : memref<16x32x128xf32, #tpu.memory_space<vmem>> -> memref<1x8x128xf32, #tpu.memory_space<vmem>>
        %dma_start3A_2203 = tpu.memref_squeeze %dma_start3A_2202 : memref<1x8x128xf32, #tpu.memory_space<vmem>> -> memref<8x128xf32, #tpu.memory_space<vmem>>
        %dma_start3A_2204 = arith.constant 0 : i32
        %dma_start3A_2205 = tpu.memref_slice %arg3[%dma_start3A_2204, %multiple_of3A_2189] : memref<32x1000000xf32, #tpu.memory_space<hbm>> -> memref<8x128xf32, #tpu.memory_space<hbm>>
        tpu.enqueue_dma source(%dma_start3A_2205 : memref<8x128xf32, #tpu.memory_space<hbm>>) target(%dma_start3A_2203 : memref<8x128xf32, #tpu.memory_space<vmem>>) target_semaphore(%dma_start3A_2199 : memref<!tpu.dma_semaphore, #tpu.memory_space<semaphore_mem>>)
        %dma_start3A_2206 = arith.constant 0 : i32
        %dma_start3A_2207 = arith.constant 0 : i32
        %dma_start3A_2208 = arith.constant 8 : i32
        %dma_start3A_2209 = arith.constant 0 : i32
        %dma_start3A_2210 = tpu.memref_slice %arg6[%dma_start3A_2206, %dma_start3A_2208, %dma_start3A_2209] : memref<16x32x128xf32, #tpu.memory_space<vmem>> -> memref<1x8x128xf32, #tpu.memory_space<vmem>>
        %dma_start3A_2211 = tpu.memref_squeeze %dma_start3A_2210 : memref<1x8x128xf32, #tpu.memory_space<vmem>> -> memref<8x128xf32, #tpu.memory_space<vmem>>
        %dma_start3A_2212 = arith.constant 8 : i32
        %dma_start3A_2213 = tpu.memref_slice %arg3[%dma_start3A_2212, %multiple_of3A_2189] : memref<32x1000000xf32, #tpu.memory_space<hbm>> -> memref<8x128xf32, #tpu.memory_space<hbm>>
        %dma_start3A_2214 = tpu.memref_slice %arg8[%dma_start3A_2207] : memref<16x!tpu.dma_semaphore, #tpu.memory_space<semaphore_mem>> -> memref<1x!tpu.dma_semaphore, #tpu.memory_space<semaphore_mem>>
        %dma_start3A_2215 = tpu.memref_squeeze %dma_start3A_2214 : memref<1x!tpu.dma_semaphore, #tpu.memory_space<semaphore_mem>> -> memref<!tpu.dma_semaphore, #tpu.memory_space<semaphore_mem>>
        %dma_start3A_2216 = arith.constant 8 : i32
        %dma_start3A_2217 = arith.constant 0 : i32
        %dma_start3A_2218 = tpu.memref_slice %arg6[%dma_start3A_2206, %dma_start3A_2216, %dma_start3A_2217] : memref<16x32x128xf32, #tpu.memory_space<vmem>> -> memref<1x8x128xf32, #tpu.memory_space<vmem>>
        %dma_start3A_2219 = tpu.memref_squeeze %dma_start3A_2218 : memref<1x8x128xf32, #tpu.memory_space<vmem>> -> memref<8x128xf32, #tpu.memory_space<vmem>>
        %dma_start3A_2220 = arith.constant 8 : i32
        %dma_start3A_2221 = tpu.memref_slice %arg3[%dma_start3A_2220, %multiple_of3A_2189] : memref<32x1000000xf32, #tpu.memory_space<hbm>> -> memref<8x128xf32, #tpu.memory_space<hbm>>
        tpu.enqueue_dma source(%dma_start3A_2221 : memref<8x128xf32, #tpu.memory_space<hbm>>) target(%dma_start3A_2219 : memref<8x128xf32, #tpu.memory_space<vmem>>) target_semaphore(%dma_start3A_2215 : memref<!tpu.dma_semaphore, #tpu.memory_space<semaphore_mem>>)
        %dma_start3A_2222 = arith.constant 0 : i32
        %dma_start3A_2223 = arith.constant 0 : i32
        %dma_start3A_2224 = arith.constant 16 : i32
        %dma_start3A_2225 = arith.constant 0 : i32
        %dma_start3A_2226 = tpu.memref_slice %arg6[%dma_start3A_2222, %dma_start3A_2224, %dma_start3A_2225] : memref<16x32x128xf32, #tpu.memory_space<vmem>> -> memref<1x8x128xf32, #tpu.memory_space<vmem>>
        %dma_start3A_2227 = tpu.memref_squeeze %dma_start3A_2226 : memref<1x8x128xf32, #tpu.memory_space<vmem>> -> memref<8x128xf32, #tpu.memory_space<vmem>>
        %dma_start3A_2228 = arith.constant 16 : i32
        %dma_start3A_2229 = tpu.memref_slice %arg3[%dma_start3A_2228, %multiple_of3A_2189] : memref<32x1000000xf32, #tpu.memory_space<hbm>> -> memref<8x128xf32, #tpu.memory_space<hbm>>
        %dma_start3A_2230 = tpu.memref_slice %arg8[%dma_start3A_2223] : memref<16x!tpu.dma_semaphore, #tpu.memory_space<semaphore_mem>> -> memref<1x!tpu.dma_semaphore, #tpu.memory_space<semaphore_mem>>
        %dma_start3A_2231 = tpu.memref_squeeze %dma_start3A_2230 : memref<1x!tpu.dma_semaphore, #tpu.memory_space<semaphore_mem>> -> memref<!tpu.dma_semaphore, #tpu.memory_space<semaphore_mem>>
        %dma_start3A_2232 = arith.constant 16 : i32
        %dma_start3A_2233 = arith.constant 0 : i32
        %dma_start3A_2234 = tpu.memref_slice %arg6[%dma_start3A_2222, %dma_start3A_2232, %dma_start3A_2233] : memref<16x32x128xf32, #tpu.memory_space<vmem>> -> memref<1x8x128xf32, #tpu.memory_space<vmem>>
        %dma_start3A_2235 = tpu.memref_squeeze %dma_start3A_2234 : memref<1x8x128xf32, #tpu.memory_space<vmem>> -> memref<8x128xf32, #tpu.memory_space<vmem>>
        %dma_start3A_2236 = arith.constant 16 : i32
        %dma_start3A_2237 = tpu.memref_slice %arg3[%dma_start3A_2236, %multiple_of3A_2189] : memref<32x1000000xf32, #tpu.memory_space<hbm>> -> memref<8x128xf32, #tpu.memory_space<hbm>>
        tpu.enqueue_dma source(%dma_start3A_2237 : memref<8x128xf32, #tpu.memory_space<hbm>>) target(%dma_start3A_2235 : memref<8x128xf32, #tpu.memory_space<vmem>>) target_semaphore(%dma_start3A_2231 : memref<!tpu.dma_semaphore, #tpu.memory_space<semaphore_mem>>)
        %dma_start3A_2238 = arith.constant 0 : i32
        %dma_start3A_2239 = arith.constant 0 : i32
        %dma_start3A_2240 = arith.constant 24 : i32
        %dma_start3A_2241 = arith.constant 0 : i32
        %dma_start3A_2242 = tpu.memref_slice %arg6[%dma_start3A_2238, %dma_start3A_2240, %dma_start3A_2241] : memref<16x32x128xf32, #tpu.memory_space<vmem>> -> memref<1x8x128xf32, #tpu.memory_space<vmem>>
        %dma_start3A_2243 = tpu.memref_squeeze %dma_start3A_2242 : memref<1x8x128xf32, #tpu.memory_space<vmem>> -> memref<8x128xf32, #tpu.memory_space<vmem>>
        %dma_start3A_2244 = arith.constant 24 : i32
        %dma_start3A_2245 = tpu.memref_slice %arg3[%dma_start3A_2244, %multiple_of3A_2189] : memref<32x1000000xf32, #tpu.memory_space<hbm>> -> memref<8x128xf32, #tpu.memory_space<hbm>>
        %dma_start3A_2246 = tpu.memref_slice %arg8[%dma_start3A_2239] : memref<16x!tpu.dma_semaphore, #tpu.memory_space<semaphore_mem>> -> memref<1x!tpu.dma_semaphore, #tpu.memory_space<semaphore_mem>>
        %dma_start3A_2247 = tpu.memref_squeeze %dma_start3A_2246 : memref<1x!tpu.dma_semaphore, #tpu.memory_space<semaphore_mem>> -> memref<!tpu.dma_semaphore, #tpu.memory_space<semaphore_mem>>
        %dma_start3A_2248 = arith.constant 24 : i32
        %dma_start3A_2249 = arith.constant 0 : i32
        %dma_start3A_2250 = tpu.memref_slice %arg6[%dma_start3A_2238, %dma_start3A_2248, %dma_start3A_2249] : memref<16x32x128xf32, #tpu.memory_space<vmem>> -> memref<1x8x128xf32, #tpu.memory_space<vmem>>
        %dma_start3A_2251 = tpu.memref_squeeze %dma_start3A_2250 : memref<1x8x128xf32, #tpu.memory_space<vmem>> -> memref<8x128xf32, #tpu.memory_space<vmem>>
        %dma_start3A_2252 = arith.constant 24 : i32
        %dma_start3A_2253 = tpu.memref_slice %arg3[%dma_start3A_2252, %multiple_of3A_2189] : memref<32x1000000xf32, #tpu.memory_space<hbm>> -> memref<8x128xf32, #tpu.memory_space<hbm>>
        tpu.enqueue_dma source(%dma_start3A_2253 : memref<8x128xf32, #tpu.memory_space<hbm>>) target(%dma_start3A_2251 : memref<8x128xf32, #tpu.memory_space<vmem>>) target_semaphore(%dma_start3A_2247 : memref<!tpu.dma_semaphore, #tpu.memory_space<semaphore_mem>>)
      } else {
      }
      %dma_wait3A_1344 = arith.constant 1 : i32
      %dma_wait3A_1345 = arith.constant 1 : i32
      %dma_wait3A_1346 = arith.constant 0 : i32
      %dma_wait3A_1347 = arith.constant 0 : i32
      %dma_wait3A_1348 = tpu.memref_slice %arg6[%dma_wait3A_1344, %dma_wait3A_1346, %dma_wait3A_1347] : memref<16x32x128xf32, #tpu.memory_space<vmem>> -> memref<1x32x128xf32, #tpu.memory_space<vmem>>
      %dma_wait3A_1349 = tpu.memref_squeeze %dma_wait3A_1348 : memref<1x32x128xf32, #tpu.memory_space<vmem>> -> memref<32x128xf32, #tpu.memory_space<vmem>>
      %dma_wait3A_1350 = arith.constant 0 : i32
      %dma_wait3A_1351 = arith.constant 0 : i32
      %dma_wait3A_1352 = tpu.memref_slice %arg3[%dma_wait3A_1350, %dma_wait3A_1351] : memref<32x1000000xf32, #tpu.memory_space<hbm>> -> memref<32x128xf32, #tpu.memory_space<hbm>>
      %dma_wait3A_1353 = tpu.memref_slice %arg8[%dma_wait3A_1345] : memref<16x!tpu.dma_semaphore, #tpu.memory_space<semaphore_mem>> -> memref<1x!tpu.dma_semaphore, #tpu.memory_space<semaphore_mem>>
      %dma_wait3A_1354 = tpu.memref_squeeze %dma_wait3A_1353 : memref<1x!tpu.dma_semaphore, #tpu.memory_space<semaphore_mem>> -> memref<!tpu.dma_semaphore, #tpu.memory_space<semaphore_mem>>
      %dma_wait3A_1355 = arith.constant 0 : i32
      %dma_wait3A_1356 = arith.constant 0 : i32
      %dma_wait3A_1357 = tpu.memref_slice %arg6[%dma_wait3A_1344, %dma_wait3A_1355, %dma_wait3A_1356] : memref<16x32x128xf32, #tpu.memory_space<vmem>> -> memref<1x32x128xf32, #tpu.memory_space<vmem>>
      %dma_wait3A_1358 = tpu.memref_squeeze %dma_wait3A_1357 : memref<1x32x128xf32, #tpu.memory_space<vmem>> -> memref<32x128xf32, #tpu.memory_space<vmem>>
      %dma_wait3A_1359 = arith.constant 0 : i32
      %dma_wait3A_1360 = arith.constant 0 : i32
      %dma_wait3A_1361 = tpu.memref_slice %arg3[%dma_wait3A_1359, %dma_wait3A_1360] : memref<32x1000000xf32, #tpu.memory_space<hbm>> -> memref<32x128xf32, #tpu.memory_space<hbm>>
      tpu.wait_dma2 semaphore(%dma_wait3A_1354 : memref<!tpu.dma_semaphore, #tpu.memory_space<semaphore_mem>>) src(%dma_wait3A_1361 : memref<32x128xf32, #tpu.memory_space<hbm>>) dst(%dma_wait3A_1358 : memref<32x128xf32, #tpu.memory_space<vmem>>)
      %mul3A_1362 = arith.constant 16 : i32
      %mul3A_1363 = arith.muli %scan3A_1294, %mul3A_1362 : i32
      %get3A_1364 = arith.index_cast %mul3A_1363 : i32 to index
      %get3A_1365 = tpu.vector_load %arg5[%get3A_1364] {strides = array<i32>} : memref<512xi32, #tpu.memory_space<vmem>>, vector<16xi32>,
      %eq3A_1366 = arith.constant 1 : i32
      %eq3A_1367 = vector.broadcast %eq3A_1366 : i32 to vector<16xi32>
      %eq3A_1368 = arith.cmpi eq, %iota3A, %eq3A_1367 : vector<16xi32>
      %jit3A_1369 = arith.constant 0 : i32
      %broadcast_in_dim3A_1370 = vector.broadcast %jit3A_1369 : i32 to vector<16xi32>
      %select_n3A_1371 = arith.select %eq3A_1368, %get3A_1365, %broadcast_in_dim3A_1370 : vector<16xi1>, vector<16xi32>
      %reduce_sum3A_1372 = arith.constant true
      %reduce_sum3A_1373 = vector.broadcast %reduce_sum3A_1372 : i1 to vector<16xi1>
      %reduce_sum3A_1374 = tpu.scan <sum>, %select_n3A_1371 masked %reduce_sum3A_1373 : vector<16xi32>, vector<16xi1> -> vector<16xi32>
      %reduce_sum3A_1375 = vector.extract %reduce_sum3A_1374[15] : i32 from vector<16xi32>
      %and3A_1376 = arith.constant 127 : i32
      %and3A_1377 = arith.andi %reduce_sum3A_1375, %and3A_1376 : i32
      %broadcast_in_dim3A_1378 = vector.broadcast %and3A_1377 : i32 to vector<16xi32>
      %broadcast_in_dim3A_1379 = arith.constant 1 : i32
      %broadcast_in_dim3A_1380 = vector.broadcast %broadcast_in_dim3A_1379 : i32 to vector<16xi32>
      %mul3A_1381 = arith.constant 16 : i32
      %mul3A_1382 = arith.muli %scan3A_1294, %mul3A_1381 : i32
      %add3A_1383 = arith.constant 1 : i32
      %add3A_1384 = arith.addi %mul3A_1382, %add3A_1383 : i32
      %broadcast_in_dim3A_1385 = vector.broadcast %add3A_1384 : i32 to vector<16xi32>
      %gather3A_1386 = tpu.vector_load_idx %arg6[%broadcast_in_dim3A_1380, %iota3A, %broadcast_in_dim3A_1378] : memref<16x32x128xf32, #tpu.memory_space<vmem>>[vector<16xi32>, vector<16xi32>, vector<16xi32>], vector<16xf32>,
      %add3A_1387 = arith.constant 16 : i32
      %add3A_1388 = vector.broadcast %add3A_1387 : i32 to vector<16xi32>
      %add3A_1389 = arith.addi %iota3A, %add3A_1388 : vector<16xi32>
      %gather3A_1390 = tpu.vector_load_idx %arg6[%broadcast_in_dim3A_1380, %add3A_1389, %broadcast_in_dim3A_1378] : memref<16x32x128xf32, #tpu.memory_space<vmem>>[vector<16xi32>, vector<16xi32>, vector<16xi32>], vector<16xf32>,
      tpu.vector_store_idx %arg7[%iota3A, %broadcast_in_dim3A_1385], %gather3A_1386 : memref<32x512xf32, #tpu.memory_space<vmem>>[vector<16xi32>, vector<16xi32>], vector<16xf32>,
      %add3A_1391 = arith.constant 16 : i32
      %add3A_1392 = vector.broadcast %add3A_1391 : i32 to vector<16xi32>
      %add3A_1393 = arith.addi %iota3A, %add3A_1392 : vector<16xi32>
      tpu.vector_store_idx %arg7[%add3A_1393, %broadcast_in_dim3A_1385], %gather3A_1390 : memref<32x512xf32, #tpu.memory_space<vmem>>[vector<16xi32>, vector<16xi32>], vector<16xf32>,
      %lt3A_1394 = arith.constant 31 : i32
      %lt3A_1395 = arith.cmpi slt, %scan3A_1294, %lt3A_1394 : i32
      %convert_element_type3A_1396 = arith.extui %lt3A_1395 : i1 to i32
      %cond3A_1397 = arith.constant 0 : i32
      %cond3A_1398 = arith.cmpi ne, %convert_element_type3A_1396, %cond3A_1397 : i32
      scf.if %cond3A_1398 {
        %add3A_2169 = arith.constant 1 : i32
        %add3A_2170 = arith.addi %scan3A_1294, %add3A_2169 : i32
        %mul3A_2171 = arith.constant 16 : i32
        %mul3A_2172 = arith.muli %add3A_2170, %mul3A_2171 : i32
        %get3A_2173 = arith.index_cast %mul3A_2172 : i32 to index
        %get3A_2174 = tpu.vector_load %arg5[%get3A_2173] {strides = array<i32>} : memref<512xi32, #tpu.memory_space<vmem>>, vector<16xi32>,
        %eq3A_2175 = arith.constant 1 : i32
        %eq3A_2176 = vector.broadcast %eq3A_2175 : i32 to vector<16xi32>
        %eq3A_2177 = arith.cmpi eq, %iota3A, %eq3A_2176 : vector<16xi32>
        %jit3A_2178 = arith.constant 0 : i32
        %broadcast_in_dim3A_2179 = vector.broadcast %jit3A_2178 : i32 to vector<16xi32>
        %select_n3A_2180 = arith.select %eq3A_2177, %get3A_2174, %broadcast_in_dim3A_2179 : vector<16xi1>, vector<16xi32>
        %reduce_sum3A_2181 = arith.constant true
        %reduce_sum3A_2182 = vector.broadcast %reduce_sum3A_2181 : i1 to vector<16xi1>
        %reduce_sum3A_2183 = tpu.scan <sum>, %select_n3A_2180 masked %reduce_sum3A_2182 : vector<16xi32>, vector<16xi1> -> vector<16xi32>
        %reduce_sum3A_2184 = vector.extract %reduce_sum3A_2183[15] : i32 from vector<16xi32>
        %shift_right_arithmetic3A_2185 = arith.constant 7 : i32
        %shift_right_arithmetic3A_2186 = arith.shrsi %reduce_sum3A_2184, %shift_right_arithmetic3A_2185 : i32
        %mul3A_2187 = arith.constant 128 : i32
        %mul3A_2188 = arith.muli %shift_right_arithmetic3A_2186, %mul3A_2187 : i32
        %multiple_of3A_2189 = tpu.assume_multiple %mul3A_2188, 128 : i32
        %dma_start3A_2190 = arith.constant 1 : i32
        %dma_start3A_2191 = arith.constant 1 : i32
        %dma_start3A_2192 = arith.constant 0 : i32
        %dma_start3A_2193 = arith.constant 0 : i32
        %dma_start3A_2194 = tpu.memref_slice %arg6[%dma_start3A_2190, %dma_start3A_2192, %dma_start3A_2193] : memref<16x32x128xf32, #tpu.memory_space<vmem>> -> memref<1x8x128xf32, #tpu.memory_space<vmem>>
        %dma_start3A_2195 = tpu.memref_squeeze %dma_start3A_2194 : memref<1x8x128xf32, #tpu.memory_space<vmem>> -> memref<8x128xf32, #tpu.memory_space<vmem>>
        %dma_start3A_2196 = arith.constant 0 : i32
        %dma_start3A_2197 = tpu.memref_slice %arg3[%dma_start3A_2196, %multiple_of3A_2189] : memref<32x1000000xf32, #tpu.memory_space<hbm>> -> memref<8x128xf32, #tpu.memory_space<hbm>>
        %dma_start3A_2198 = tpu.memref_slice %arg8[%dma_start3A_2191] : memref<16x!tpu.dma_semaphore, #tpu.memory_space<semaphore_mem>> -> memref<1x!tpu.dma_semaphore, #tpu.memory_space<semaphore_mem>>
        %dma_start3A_2199 = tpu.memref_squeeze %dma_start3A_2198 : memref<1x!tpu.dma_semaphore, #tpu.memory_space<semaphore_mem>> -> memref<!tpu.dma_semaphore, #tpu.memory_space<semaphore_mem>>
        %dma_start3A_2200 = arith.constant 0 : i32
        %dma_start3A_2201 = arith.constant 0 : i32
        %dma_start3A_2202 = tpu.memref_slice %arg6[%dma_start3A_2190, %dma_start3A_2200, %dma_start3A_2201] : memref<16x32x128xf32, #tpu.memory_space<vmem>> -> memref<1x8x128xf32, #tpu.memory_space<vmem>>
        %dma_start3A_2203 = tpu.memref_squeeze %dma_start3A_2202 : memref<1x8x128xf32, #tpu.memory_space<vmem>> -> memref<8x128xf32, #tpu.memory_space<vmem>>
        %dma_start3A_2204 = arith.constant 0 : i32
        %dma_start3A_2205 = tpu.memref_slice %arg3[%dma_start3A_2204, %multiple_of3A_2189] : memref<32x1000000xf32, #tpu.memory_space<hbm>> -> memref<8x128xf32, #tpu.memory_space<hbm>>
        tpu.enqueue_dma source(%dma_start3A_2205 : memref<8x128xf32, #tpu.memory_space<hbm>>) target(%dma_start3A_2203 : memref<8x128xf32, #tpu.memory_space<vmem>>) target_semaphore(%dma_start3A_2199 : memref<!tpu.dma_semaphore, #tpu.memory_space<semaphore_mem>>)
        %dma_start3A_2206 = arith.constant 1 : i32
        %dma_start3A_2207 = arith.constant 1 : i32
        %dma_start3A_2208 = arith.constant 8 : i32
        %dma_start3A_2209 = arith.constant 0 : i32
        %dma_start3A_2210 = tpu.memref_slice %arg6[%dma_start3A_2206, %dma_start3A_2208, %dma_start3A_2209] : memref<16x32x128xf32, #tpu.memory_space<vmem>> -> memref<1x8x128xf32, #tpu.memory_space<vmem>>
        %dma_start3A_2211 = tpu.memref_squeeze %dma_start3A_2210 : memref<1x8x128xf32, #tpu.memory_space<vmem>> -> memref<8x128xf32, #tpu.memory_space<vmem>>
        %dma_start3A_2212 = arith.constant 8 : i32
        %dma_start3A_2213 = tpu.memref_slice %arg3[%dma_start3A_2212, %multiple_of3A_2189] : memref<32x1000000xf32, #tpu.memory_space<hbm>> -> memref<8x128xf32, #tpu.memory_space<hbm>>
        %dma_start3A_2214 = tpu.memref_slice %arg8[%dma_start3A_2207] : memref<16x!tpu.dma_semaphore, #tpu.memory_space<semaphore_mem>> -> memref<1x!tpu.dma_semaphore, #tpu.memory_space<semaphore_mem>>
        %dma_start3A_2215 = tpu.memref_squeeze %dma_start3A_2214 : memref<1x!tpu.dma_semaphore, #tpu.memory_space<semaphore_mem>> -> memref<!tpu.dma_semaphore, #tpu.memory_space<semaphore_mem>>
        %dma_start3A_2216 = arith.constant 8 : i32
        %dma_start3A_2217 = arith.constant 0 : i32
        %dma_start3A_2218 = tpu.memref_slice %arg6[%dma_start3A_2206, %dma_start3A_2216, %dma_start3A_2217] : memref<16x32x128xf32, #tpu.memory_space<vmem>> -> memref<1x8x128xf32, #tpu.memory_space<vmem>>
        %dma_start3A_2219 = tpu.memref_squeeze %dma_start3A_2218 : memref<1x8x128xf32, #tpu.memory_space<vmem>> -> memref<8x128xf32, #tpu.memory_space<vmem>>
        %dma_start3A_2220 = arith.constant 8 : i32
        %dma_start3A_2221 = tpu.memref_slice %arg3[%dma_start3A_2220, %multiple_of3A_2189] : memref<32x1000000xf32, #tpu.memory_space<hbm>> -> memref<8x128xf32, #tpu.memory_space<hbm>>
        tpu.enqueue_dma source(%dma_start3A_2221 : memref<8x128xf32, #tpu.memory_space<hbm>>) target(%dma_start3A_2219 : memref<8x128xf32, #tpu.memory_space<vmem>>) target_semaphore(%dma_start3A_2215 : memref<!tpu.dma_semaphore, #tpu.memory_space<semaphore_mem>>)
        %dma_start3A_2222 = arith.constant 1 : i32
        %dma_start3A_2223 = arith.constant 1 : i32
        %dma_start3A_2224 = arith.constant 16 : i32
        %dma_start3A_2225 = arith.constant 0 : i32
        %dma_start3A_2226 = tpu.memref_slice %arg6[%dma_start3A_2222, %dma_start3A_2224, %dma_start3A_2225] : memref<16x32x128xf32, #tpu.memory_space<vmem>> -> memref<1x8x128xf32, #tpu.memory_space<vmem>>
        %dma_start3A_2227 = tpu.memref_squeeze %dma_start3A_2226 : memref<1x8x128xf32, #tpu.memory_space<vmem>> -> memref<8x128xf32, #tpu.memory_space<vmem>>
        %dma_start3A_2228 = arith.constant 16 : i32
        %dma_start3A_2229 = tpu.memref_slice %arg3[%dma_start3A_2228, %multiple_of3A_2189] : memref<32x1000000xf32, #tpu.memory_space<hbm>> -> memref<8x128xf32, #tpu.memory_space<hbm>>
        %dma_start3A_2230 = tpu.memref_slice %arg8[%dma_start3A_2223] : memref<16x!tpu.dma_semaphore, #tpu.memory_space<semaphore_mem>> -> memref<1x!tpu.dma_semaphore, #tpu.memory_space<semaphore_mem>>
        %dma_start3A_2231 = tpu.memref_squeeze %dma_start3A_2230 : memref<1x!tpu.dma_semaphore, #tpu.memory_space<semaphore_mem>> -> memref<!tpu.dma_semaphore, #tpu.memory_space<semaphore_mem>>
        %dma_start3A_2232 = arith.constant 16 : i32
        %dma_start3A_2233 = arith.constant 0 : i32
        %dma_start3A_2234 = tpu.memref_slice %arg6[%dma_start3A_2222, %dma_start3A_2232, %dma_start3A_2233] : memref<16x32x128xf32, #tpu.memory_space<vmem>> -> memref<1x8x128xf32, #tpu.memory_space<vmem>>
        %dma_start3A_2235 = tpu.memref_squeeze %dma_start3A_2234 : memref<1x8x128xf32, #tpu.memory_space<vmem>> -> memref<8x128xf32, #tpu.memory_space<vmem>>
        %dma_start3A_2236 = arith.constant 16 : i32
        %dma_start3A_2237 = tpu.memref_slice %arg3[%dma_start3A_2236, %multiple_of3A_2189] : memref<32x1000000xf32, #tpu.memory_space<hbm>> -> memref<8x128xf32, #tpu.memory_space<hbm>>
        tpu.enqueue_dma source(%dma_start3A_2237 : memref<8x128xf32, #tpu.memory_space<hbm>>) target(%dma_start3A_2235 : memref<8x128xf32, #tpu.memory_space<vmem>>) target_semaphore(%dma_start3A_2231 : memref<!tpu.dma_semaphore, #tpu.memory_space<semaphore_mem>>)
        %dma_start3A_2238 = arith.constant 1 : i32
        %dma_start3A_2239 = arith.constant 1 : i32
        %dma_start3A_2240 = arith.constant 24 : i32
        %dma_start3A_2241 = arith.constant 0 : i32
        %dma_start3A_2242 = tpu.memref_slice %arg6[%dma_start3A_2238, %dma_start3A_2240, %dma_start3A_2241] : memref<16x32x128xf32, #tpu.memory_space<vmem>> -> memref<1x8x128xf32, #tpu.memory_space<vmem>>
        %dma_start3A_2243 = tpu.memref_squeeze %dma_start3A_2242 : memref<1x8x128xf32, #tpu.memory_space<vmem>> -> memref<8x128xf32, #tpu.memory_space<vmem>>
        %dma_start3A_2244 = arith.constant 24 : i32
        %dma_start3A_2245 = tpu.memref_slice %arg3[%dma_start3A_2244, %multiple_of3A_2189] : memref<32x1000000xf32, #tpu.memory_space<hbm>> -> memref<8x128xf32, #tpu.memory_space<hbm>>
        %dma_start3A_2246 = tpu.memref_slice %arg8[%dma_start3A_2239] : memref<16x!tpu.dma_semaphore, #tpu.memory_space<semaphore_mem>> -> memref<1x!tpu.dma_semaphore, #tpu.memory_space<semaphore_mem>>
        %dma_start3A_2247 = tpu.memref_squeeze %dma_start3A_2246 : memref<1x!tpu.dma_semaphore, #tpu.memory_space<semaphore_mem>> -> memref<!tpu.dma_semaphore, #tpu.memory_space<semaphore_mem>>
        %dma_start3A_2248 = arith.constant 24 : i32
        %dma_start3A_2249 = arith.constant 0 : i32
        %dma_start3A_2250 = tpu.memref_slice %arg6[%dma_start3A_2238, %dma_start3A_2248, %dma_start3A_2249] : memref<16x32x128xf32, #tpu.memory_space<vmem>> -> memref<1x8x128xf32, #tpu.memory_space<vmem>>
        %dma_start3A_2251 = tpu.memref_squeeze %dma_start3A_2250 : memref<1x8x128xf32, #tpu.memory_space<vmem>> -> memref<8x128xf32, #tpu.memory_space<vmem>>
        %dma_start3A_2252 = arith.constant 24 : i32
        %dma_start3A_2253 = tpu.memref_slice %arg3[%dma_start3A_2252, %multiple_of3A_2189] : memref<32x1000000xf32, #tpu.memory_space<hbm>> -> memref<8x128xf32, #tpu.memory_space<hbm>>
        tpu.enqueue_dma source(%dma_start3A_2253 : memref<8x128xf32, #tpu.memory_space<hbm>>) target(%dma_start3A_2251 : memref<8x128xf32, #tpu.memory_space<vmem>>) target_semaphore(%dma_start3A_2247 : memref<!tpu.dma_semaphore, #tpu.memory_space<semaphore_mem>>)
      } else {
      }
      %dma_wait3A_1399 = arith.constant 2 : i32
      %dma_wait3A_1400 = arith.constant 2 : i32
      %dma_wait3A_1401 = arith.constant 0 : i32
      %dma_wait3A_1402 = arith.constant 0 : i32
      %dma_wait3A_1403 = tpu.memref_slice %arg6[%dma_wait3A_1399, %dma_wait3A_1401, %dma_wait3A_1402] : memref<16x32x128xf32, #tpu.memory_space<vmem>> -> memref<1x32x128xf32, #tpu.memory_space<vmem>>
      %dma_wait3A_1404 = tpu.memref_squeeze %dma_wait3A_1403 : memref<1x32x128xf32, #tpu.memory_space<vmem>> -> memref<32x128xf32, #tpu.memory_space<vmem>>
      %dma_wait3A_1405 = arith.constant 0 : i32
      %dma_wait3A_1406 = arith.constant 0 : i32
      %dma_wait3A_1407 = tpu.memref_slice %arg3[%dma_wait3A_1405, %dma_wait3A_1406] : memref<32x1000000xf32, #tpu.memory_space<hbm>> -> memref<32x128xf32, #tpu.memory_space<hbm>>
      %dma_wait3A_1408 = tpu.memref_slice %arg8[%dma_wait3A_1400] : memref<16x!tpu.dma_semaphore, #tpu.memory_space<semaphore_mem>> -> memref<1x!tpu.dma_semaphore, #tpu.memory_space<semaphore_mem>>
      %dma_wait3A_1409 = tpu.memref_squeeze %dma_wait3A_1408 : memref<1x!tpu.dma_semaphore, #tpu.memory_space<semaphore_mem>> -> memref<!tpu.dma_semaphore, #tpu.memory_space<semaphore_mem>>
      %dma_wait3A_1410 = arith.constant 0 : i32
      %dma_wait3A_1411 = arith.constant 0 : i32
      %dma_wait3A_1412 = tpu.memref_slice %arg6[%dma_wait3A_1399, %dma_wait3A_1410, %dma_wait3A_1411] : memref<16x32x128xf32, #tpu.memory_space<vmem>> -> memref<1x32x128xf32, #tpu.memory_space<vmem>>
      %dma_wait3A_1413 = tpu.memref_squeeze %dma_wait3A_1412 : memref<1x32x128xf32, #tpu.memory_space<vmem>> -> memref<32x128xf32, #tpu.memory_space<vmem>>
      %dma_wait3A_1414 = arith.constant 0 : i32
      %dma_wait3A_1415 = arith.constant 0 : i32
      %dma_wait3A_1416 = tpu.memref_slice %arg3[%dma_wait3A_1414, %dma_wait3A_1415] : memref<32x1000000xf32, #tpu.memory_space<hbm>> -> memref<32x128xf32, #tpu.memory_space<hbm>>
      tpu.wait_dma2 semaphore(%dma_wait3A_1409 : memref<!tpu.dma_semaphore, #tpu.memory_space<semaphore_mem>>) src(%dma_wait3A_1416 : memref<32x128xf32, #tpu.memory_space<hbm>>) dst(%dma_wait3A_1413 : memref<32x128xf32, #tpu.memory_space<vmem>>)
      %mul3A_1417 = arith.constant 16 : i32
      %mul3A_1418 = arith.muli %scan3A_1294, %mul3A_1417 : i32
      %get3A_1419 = arith.index_cast %mul3A_1418 : i32 to index
      %get3A_1420 = tpu.vector_load %arg5[%get3A_1419] {strides = array<i32>} : memref<512xi32, #tpu.memory_space<vmem>>, vector<16xi32>,
      %eq3A_1421 = arith.constant 2 : i32
      %eq3A_1422 = vector.broadcast %eq3A_1421 : i32 to vector<16xi32>
      %eq3A_1423 = arith.cmpi eq, %iota3A, %eq3A_1422 : vector<16xi32>
      %jit3A_1424 = arith.constant 0 : i32
      %broadcast_in_dim3A_1425 = vector.broadcast %jit3A_1424 : i32 to vector<16xi32>
      %select_n3A_1426 = arith.select %eq3A_1423, %get3A_1420, %broadcast_in_dim3A_1425 : vector<16xi1>, vector<16xi32>
      %reduce_sum3A_1427 = arith.constant true
      %reduce_sum3A_1428 = vector.broadcast %reduce_sum3A_1427 : i1 to vector<16xi1>
      %reduce_sum3A_1429 = tpu.scan <sum>, %select_n3A_1426 masked %reduce_sum3A_1428 : vector<16xi32>, vector<16xi1> -> vector<16xi32>
      %reduce_sum3A_1430 = vector.extract %reduce_sum3A_1429[15] : i32 from vector<16xi32>
      %and3A_1431 = arith.constant 127 : i32
      %and3A_1432 = arith.andi %reduce_sum3A_1430, %and3A_1431 : i32
      %broadcast_in_dim3A_1433 = vector.broadcast %and3A_1432 : i32 to vector<16xi32>
      %broadcast_in_dim3A_1434 = arith.constant 2 : i32
      %broadcast_in_dim3A_1435 = vector.broadcast %broadcast_in_dim3A_1434 : i32 to vector<16xi32>
      %mul3A_1436 = arith.constant 16 : i32
      %mul3A_1437 = arith.muli %scan3A_1294, %mul3A_1436 : i32
      %add3A_1438 = arith.constant 2 : i32
      %add3A_1439 = arith.addi %mul3A_1437, %add3A_1438 : i32
      %broadcast_in_dim3A_1440 = vector.broadcast %add3A_1439 : i32 to vector<16xi32>
      %gather3A_1441 = tpu.vector_load_idx %arg6[%broadcast_in_dim3A_1435, %iota3A, %broadcast_in_dim3A_1433] : memref<16x32x128xf32, #tpu.memory_space<vmem>>[vector<16xi32>, vector<16xi32>, vector<16xi32>], vector<16xf32>,
      %add3A_1442 = arith.constant 16 : i32
      %add3A_1443 = vector.broadcast %add3A_1442 : i32 to vector<16xi32>
      %add3A_1444 = arith.addi %iota3A, %add3A_1443 : vector<16xi32>
      %gather3A_1445 = tpu.vector_load_idx %arg6[%broadcast_in_dim3A_1435, %add3A_1444, %broadcast_in_dim3A_1433] : memref<16x32x128xf32, #tpu.memory_space<vmem>>[vector<16xi32>, vector<16xi32>, vector<16xi32>], vector<16xf32>,
      tpu.vector_store_idx %arg7[%iota3A, %broadcast_in_dim3A_1440], %gather3A_1441 : memref<32x512xf32, #tpu.memory_space<vmem>>[vector<16xi32>, vector<16xi32>], vector<16xf32>,
      %add3A_1446 = arith.constant 16 : i32
      %add3A_1447 = vector.broadcast %add3A_1446 : i32 to vector<16xi32>
      %add3A_1448 = arith.addi %iota3A, %add3A_1447 : vector<16xi32>
      tpu.vector_store_idx %arg7[%add3A_1448, %broadcast_in_dim3A_1440], %gather3A_1445 : memref<32x512xf32, #tpu.memory_space<vmem>>[vector<16xi32>, vector<16xi32>], vector<16xf32>,
      %lt3A_1449 = arith.constant 31 : i32
      %lt3A_1450 = arith.cmpi slt, %scan3A_1294, %lt3A_1449 : i32
      %convert_element_type3A_1451 = arith.extui %lt3A_1450 : i1 to i32
      %cond3A_1452 = arith.constant 0 : i32
      %cond3A_1453 = arith.cmpi ne, %convert_element_type3A_1451, %cond3A_1452 : i32
      scf.if %cond3A_1453 {
        %add3A_2169 = arith.constant 1 : i32
        %add3A_2170 = arith.addi %scan3A_1294, %add3A_2169 : i32
        %mul3A_2171 = arith.constant 16 : i32
        %mul3A_2172 = arith.muli %add3A_2170, %mul3A_2171 : i32
        %get3A_2173 = arith.index_cast %mul3A_2172 : i32 to index
        %get3A_2174 = tpu.vector_load %arg5[%get3A_2173] {strides = array<i32>} : memref<512xi32, #tpu.memory_space<vmem>>, vector<16xi32>,
        %eq3A_2175 = arith.constant 2 : i32
        %eq3A_2176 = vector.broadcast %eq3A_2175 : i32 to vector<16xi32>
        %eq3A_2177 = arith.cmpi eq, %iota3A, %eq3A_2176 : vector<16xi32>
        %jit3A_2178 = arith.constant 0 : i32
        %broadcast_in_dim3A_2179 = vector.broadcast %jit3A_2178 : i32 to vector<16xi32>
        %select_n3A_2180 = arith.select %eq3A_2177, %get3A_2174, %broadcast_in_dim3A_2179 : vector<16xi1>, vector<16xi32>
        %reduce_sum3A_2181 = arith.constant true
        %reduce_sum3A_2182 = vector.broadcast %reduce_sum3A_2181 : i1 to vector<16xi1>
        %reduce_sum3A_2183 = tpu.scan <sum>, %select_n3A_2180 masked %reduce_sum3A_2182 : vector<16xi32>, vector<16xi1> -> vector<16xi32>
        %reduce_sum3A_2184 = vector.extract %reduce_sum3A_2183[15] : i32 from vector<16xi32>
        %shift_right_arithmetic3A_2185 = arith.constant 7 : i32
        %shift_right_arithmetic3A_2186 = arith.shrsi %reduce_sum3A_2184, %shift_right_arithmetic3A_2185 : i32
        %mul3A_2187 = arith.constant 128 : i32
        %mul3A_2188 = arith.muli %shift_right_arithmetic3A_2186, %mul3A_2187 : i32
        %multiple_of3A_2189 = tpu.assume_multiple %mul3A_2188, 128 : i32
        %dma_start3A_2190 = arith.constant 2 : i32
        %dma_start3A_2191 = arith.constant 2 : i32
        %dma_start3A_2192 = arith.constant 0 : i32
        %dma_start3A_2193 = arith.constant 0 : i32
        %dma_start3A_2194 = tpu.memref_slice %arg6[%dma_start3A_2190, %dma_start3A_2192, %dma_start3A_2193] : memref<16x32x128xf32, #tpu.memory_space<vmem>> -> memref<1x8x128xf32, #tpu.memory_space<vmem>>
        %dma_start3A_2195 = tpu.memref_squeeze %dma_start3A_2194 : memref<1x8x128xf32, #tpu.memory_space<vmem>> -> memref<8x128xf32, #tpu.memory_space<vmem>>
        %dma_start3A_2196 = arith.constant 0 : i32
        %dma_start3A_2197 = tpu.memref_slice %arg3[%dma_start3A_2196, %multiple_of3A_2189] : memref<32x1000000xf32, #tpu.memory_space<hbm>> -> memref<8x128xf32, #tpu.memory_space<hbm>>
        %dma_start3A_2198 = tpu.memref_slice %arg8[%dma_start3A_2191] : memref<16x!tpu.dma_semaphore, #tpu.memory_space<semaphore_mem>> -> memref<1x!tpu.dma_semaphore, #tpu.memory_space<semaphore_mem>>
        %dma_start3A_2199 = tpu.memref_squeeze %dma_start3A_2198 : memref<1x!tpu.dma_semaphore, #tpu.memory_space<semaphore_mem>> -> memref<!tpu.dma_semaphore, #tpu.memory_space<semaphore_mem>>
        %dma_start3A_2200 = arith.constant 0 : i32
        %dma_start3A_2201 = arith.constant 0 : i32
        %dma_start3A_2202 = tpu.memref_slice %arg6[%dma_start3A_2190, %dma_start3A_2200, %dma_start3A_2201] : memref<16x32x128xf32, #tpu.memory_space<vmem>> -> memref<1x8x128xf32, #tpu.memory_space<vmem>>
        %dma_start3A_2203 = tpu.memref_squeeze %dma_start3A_2202 : memref<1x8x128xf32, #tpu.memory_space<vmem>> -> memref<8x128xf32, #tpu.memory_space<vmem>>
        %dma_start3A_2204 = arith.constant 0 : i32
        %dma_start3A_2205 = tpu.memref_slice %arg3[%dma_start3A_2204, %multiple_of3A_2189] : memref<32x1000000xf32, #tpu.memory_space<hbm>> -> memref<8x128xf32, #tpu.memory_space<hbm>>
        tpu.enqueue_dma source(%dma_start3A_2205 : memref<8x128xf32, #tpu.memory_space<hbm>>) target(%dma_start3A_2203 : memref<8x128xf32, #tpu.memory_space<vmem>>) target_semaphore(%dma_start3A_2199 : memref<!tpu.dma_semaphore, #tpu.memory_space<semaphore_mem>>)
        %dma_start3A_2206 = arith.constant 2 : i32
        %dma_start3A_2207 = arith.constant 2 : i32
        %dma_start3A_2208 = arith.constant 8 : i32
        %dma_start3A_2209 = arith.constant 0 : i32
        %dma_start3A_2210 = tpu.memref_slice %arg6[%dma_start3A_2206, %dma_start3A_2208, %dma_start3A_2209] : memref<16x32x128xf32, #tpu.memory_space<vmem>> -> memref<1x8x128xf32, #tpu.memory_space<vmem>>
        %dma_start3A_2211 = tpu.memref_squeeze %dma_start3A_2210 : memref<1x8x128xf32, #tpu.memory_space<vmem>> -> memref<8x128xf32, #tpu.memory_space<vmem>>
        %dma_start3A_2212 = arith.constant 8 : i32
        %dma_start3A_2213 = tpu.memref_slice %arg3[%dma_start3A_2212, %multiple_of3A_2189] : memref<32x1000000xf32, #tpu.memory_space<hbm>> -> memref<8x128xf32, #tpu.memory_space<hbm>>
        %dma_start3A_2214 = tpu.memref_slice %arg8[%dma_start3A_2207] : memref<16x!tpu.dma_semaphore, #tpu.memory_space<semaphore_mem>> -> memref<1x!tpu.dma_semaphore, #tpu.memory_space<semaphore_mem>>
        %dma_start3A_2215 = tpu.memref_squeeze %dma_start3A_2214 : memref<1x!tpu.dma_semaphore, #tpu.memory_space<semaphore_mem>> -> memref<!tpu.dma_semaphore, #tpu.memory_space<semaphore_mem>>
        %dma_start3A_2216 = arith.constant 8 : i32
        %dma_start3A_2217 = arith.constant 0 : i32
        %dma_start3A_2218 = tpu.memref_slice %arg6[%dma_start3A_2206, %dma_start3A_2216, %dma_start3A_2217] : memref<16x32x128xf32, #tpu.memory_space<vmem>> -> memref<1x8x128xf32, #tpu.memory_space<vmem>>
        %dma_start3A_2219 = tpu.memref_squeeze %dma_start3A_2218 : memref<1x8x128xf32, #tpu.memory_space<vmem>> -> memref<8x128xf32, #tpu.memory_space<vmem>>
        %dma_start3A_2220 = arith.constant 8 : i32
        %dma_start3A_2221 = tpu.memref_slice %arg3[%dma_start3A_2220, %multiple_of3A_2189] : memref<32x1000000xf32, #tpu.memory_space<hbm>> -> memref<8x128xf32, #tpu.memory_space<hbm>>
        tpu.enqueue_dma source(%dma_start3A_2221 : memref<8x128xf32, #tpu.memory_space<hbm>>) target(%dma_start3A_2219 : memref<8x128xf32, #tpu.memory_space<vmem>>) target_semaphore(%dma_start3A_2215 : memref<!tpu.dma_semaphore, #tpu.memory_space<semaphore_mem>>)
        %dma_start3A_2222 = arith.constant 2 : i32
        %dma_start3A_2223 = arith.constant 2 : i32
        %dma_start3A_2224 = arith.constant 16 : i32
        %dma_start3A_2225 = arith.constant 0 : i32
        %dma_start3A_2226 = tpu.memref_slice %arg6[%dma_start3A_2222, %dma_start3A_2224, %dma_start3A_2225] : memref<16x32x128xf32, #tpu.memory_space<vmem>> -> memref<1x8x128xf32, #tpu.memory_space<vmem>>
        %dma_start3A_2227 = tpu.memref_squeeze %dma_start3A_2226 : memref<1x8x128xf32, #tpu.memory_space<vmem>> -> memref<8x128xf32, #tpu.memory_space<vmem>>
        %dma_start3A_2228 = arith.constant 16 : i32
        %dma_start3A_2229 = tpu.memref_slice %arg3[%dma_start3A_2228, %multiple_of3A_2189] : memref<32x1000000xf32, #tpu.memory_space<hbm>> -> memref<8x128xf32, #tpu.memory_space<hbm>>
        %dma_start3A_2230 = tpu.memref_slice %arg8[%dma_start3A_2223] : memref<16x!tpu.dma_semaphore, #tpu.memory_space<semaphore_mem>> -> memref<1x!tpu.dma_semaphore, #tpu.memory_space<semaphore_mem>>
        %dma_start3A_2231 = tpu.memref_squeeze %dma_start3A_2230 : memref<1x!tpu.dma_semaphore, #tpu.memory_space<semaphore_mem>> -> memref<!tpu.dma_semaphore, #tpu.memory_space<semaphore_mem>>
        %dma_start3A_2232 = arith.constant 16 : i32
        %dma_start3A_2233 = arith.constant 0 : i32
        %dma_start3A_2234 = tpu.memref_slice %arg6[%dma_start3A_2222, %dma_start3A_2232, %dma_start3A_2233] : memref<16x32x128xf32, #tpu.memory_space<vmem>> -> memref<1x8x128xf32, #tpu.memory_space<vmem>>
        %dma_start3A_2235 = tpu.memref_squeeze %dma_start3A_2234 : memref<1x8x128xf32, #tpu.memory_space<vmem>> -> memref<8x128xf32, #tpu.memory_space<vmem>>
        %dma_start3A_2236 = arith.constant 16 : i32
        %dma_start3A_2237 = tpu.memref_slice %arg3[%dma_start3A_2236, %multiple_of3A_2189] : memref<32x1000000xf32, #tpu.memory_space<hbm>> -> memref<8x128xf32, #tpu.memory_space<hbm>>
        tpu.enqueue_dma source(%dma_start3A_2237 : memref<8x128xf32, #tpu.memory_space<hbm>>) target(%dma_start3A_2235 : memref<8x128xf32, #tpu.memory_space<vmem>>) target_semaphore(%dma_start3A_2231 : memref<!tpu.dma_semaphore, #tpu.memory_space<semaphore_mem>>)
        %dma_start3A_2238 = arith.constant 2 : i32
        %dma_start3A_2239 = arith.constant 2 : i32
        %dma_start3A_2240 = arith.constant 24 : i32
        %dma_start3A_2241 = arith.constant 0 : i32
        %dma_start3A_2242 = tpu.memref_slice %arg6[%dma_start3A_2238, %dma_start3A_2240, %dma_start3A_2241] : memref<16x32x128xf32, #tpu.memory_space<vmem>> -> memref<1x8x128xf32, #tpu.memory_space<vmem>>
        %dma_start3A_2243 = tpu.memref_squeeze %dma_start3A_2242 : memref<1x8x128xf32, #tpu.memory_space<vmem>> -> memref<8x128xf32, #tpu.memory_space<vmem>>
        %dma_start3A_2244 = arith.constant 24 : i32
        %dma_start3A_2245 = tpu.memref_slice %arg3[%dma_start3A_2244, %multiple_of3A_2189] : memref<32x1000000xf32, #tpu.memory_space<hbm>> -> memref<8x128xf32, #tpu.memory_space<hbm>>
        %dma_start3A_2246 = tpu.memref_slice %arg8[%dma_start3A_2239] : memref<16x!tpu.dma_semaphore, #tpu.memory_space<semaphore_mem>> -> memref<1x!tpu.dma_semaphore, #tpu.memory_space<semaphore_mem>>
        %dma_start3A_2247 = tpu.memref_squeeze %dma_start3A_2246 : memref<1x!tpu.dma_semaphore, #tpu.memory_space<semaphore_mem>> -> memref<!tpu.dma_semaphore, #tpu.memory_space<semaphore_mem>>
        %dma_start3A_2248 = arith.constant 24 : i32
        %dma_start3A_2249 = arith.constant 0 : i32
        %dma_start3A_2250 = tpu.memref_slice %arg6[%dma_start3A_2238, %dma_start3A_2248, %dma_start3A_2249] : memref<16x32x128xf32, #tpu.memory_space<vmem>> -> memref<1x8x128xf32, #tpu.memory_space<vmem>>
        %dma_start3A_2251 = tpu.memref_squeeze %dma_start3A_2250 : memref<1x8x128xf32, #tpu.memory_space<vmem>> -> memref<8x128xf32, #tpu.memory_space<vmem>>
        %dma_start3A_2252 = arith.constant 24 : i32
        %dma_start3A_2253 = tpu.memref_slice %arg3[%dma_start3A_2252, %multiple_of3A_2189] : memref<32x1000000xf32, #tpu.memory_space<hbm>> -> memref<8x128xf32, #tpu.memory_space<hbm>>
        tpu.enqueue_dma source(%dma_start3A_2253 : memref<8x128xf32, #tpu.memory_space<hbm>>) target(%dma_start3A_2251 : memref<8x128xf32, #tpu.memory_space<vmem>>) target_semaphore(%dma_start3A_2247 : memref<!tpu.dma_semaphore, #tpu.memory_space<semaphore_mem>>)
      } else {
      }
      %dma_wait3A_1454 = arith.constant 3 : i32
      %dma_wait3A_1455 = arith.constant 3 : i32
      %dma_wait3A_1456 = arith.constant 0 : i32
      %dma_wait3A_1457 = arith.constant 0 : i32
      %dma_wait3A_1458 = tpu.memref_slice %arg6[%dma_wait3A_1454, %dma_wait3A_1456, %dma_wait3A_1457] : memref<16x32x128xf32, #tpu.memory_space<vmem>> -> memref<1x32x128xf32, #tpu.memory_space<vmem>>
      %dma_wait3A_1459 = tpu.memref_squeeze %dma_wait3A_1458 : memref<1x32x128xf32, #tpu.memory_space<vmem>> -> memref<32x128xf32, #tpu.memory_space<vmem>>
      %dma_wait3A_1460 = arith.constant 0 : i32
      %dma_wait3A_1461 = arith.constant 0 : i32
      %dma_wait3A_1462 = tpu.memref_slice %arg3[%dma_wait3A_1460, %dma_wait3A_1461] : memref<32x1000000xf32, #tpu.memory_space<hbm>> -> memref<32x128xf32, #tpu.memory_space<hbm>>
      %dma_wait3A_1463 = tpu.memref_slice %arg8[%dma_wait3A_1455] : memref<16x!tpu.dma_semaphore, #tpu.memory_space<semaphore_mem>> -> memref<1x!tpu.dma_semaphore, #tpu.memory_space<semaphore_mem>>
      %dma_wait3A_1464 = tpu.memref_squeeze %dma_wait3A_1463 : memref<1x!tpu.dma_semaphore, #tpu.memory_space<semaphore_mem>> -> memref<!tpu.dma_semaphore, #tpu.memory_space<semaphore_mem>>
      %dma_wait3A_1465 = arith.constant 0 : i32
      %dma_wait3A_1466 = arith.constant 0 : i32
      %dma_wait3A_1467 = tpu.memref_slice %arg6[%dma_wait3A_1454, %dma_wait3A_1465, %dma_wait3A_1466] : memref<16x32x128xf32, #tpu.memory_space<vmem>> -> memref<1x32x128xf32, #tpu.memory_space<vmem>>
      %dma_wait3A_1468 = tpu.memref_squeeze %dma_wait3A_1467 : memref<1x32x128xf32, #tpu.memory_space<vmem>> -> memref<32x128xf32, #tpu.memory_space<vmem>>
      %dma_wait3A_1469 = arith.constant 0 : i32
      %dma_wait3A_1470 = arith.constant 0 : i32
      %dma_wait3A_1471 = tpu.memref_slice %arg3[%dma_wait3A_1469, %dma_wait3A_1470] : memref<32x1000000xf32, #tpu.memory_space<hbm>> -> memref<32x128xf32, #tpu.memory_space<hbm>>
      tpu.wait_dma2 semaphore(%dma_wait3A_1464 : memref<!tpu.dma_semaphore, #tpu.memory_space<semaphore_mem>>) src(%dma_wait3A_1471 : memref<32x128xf32, #tpu.memory_space<hbm>>) dst(%dma_wait3A_1468 : memref<32x128xf32, #tpu.memory_space<vmem>>)
      %mul3A_1472 = arith.constant 16 : i32
      %mul3A_1473 = arith.muli %scan3A_1294, %mul3A_1472 : i32
      %get3A_1474 = arith.index_cast %mul3A_1473 : i32 to index
      %get3A_1475 = tpu.vector_load %arg5[%get3A_1474] {strides = array<i32>} : memref<512xi32, #tpu.memory_space<vmem>>, vector<16xi32>,
      %eq3A_1476 = arith.constant 3 : i32
      %eq3A_1477 = vector.broadcast %eq3A_1476 : i32 to vector<16xi32>
      %eq3A_1478 = arith.cmpi eq, %iota3A, %eq3A_1477 : vector<16xi32>
      %jit3A_1479 = arith.constant 0 : i32
      %broadcast_in_dim3A_1480 = vector.broadcast %jit3A_1479 : i32 to vector<16xi32>
      %select_n3A_1481 = arith.select %eq3A_1478, %get3A_1475, %broadcast_in_dim3A_1480 : vector<16xi1>, vector<16xi32>
      %reduce_sum3A_1482 = arith.constant true
      %reduce_sum3A_1483 = vector.broadcast %reduce_sum3A_1482 : i1 to vector<16xi1>
      %reduce_sum3A_1484 = tpu.scan <sum>, %select_n3A_1481 masked %reduce_sum3A_1483 : vector<16xi32>, vector<16xi1> -> vector<16xi32>
      %reduce_sum3A_1485 = vector.extract %reduce_sum3A_1484[15] : i32 from vector<16xi32>
      %and3A_1486 = arith.constant 127 : i32
      %and3A_1487 = arith.andi %reduce_sum3A_1485, %and3A_1486 : i32
      %broadcast_in_dim3A_1488 = vector.broadcast %and3A_1487 : i32 to vector<16xi32>
      %broadcast_in_dim3A_1489 = arith.constant 3 : i32
      %broadcast_in_dim3A_1490 = vector.broadcast %broadcast_in_dim3A_1489 : i32 to vector<16xi32>
      %mul3A_1491 = arith.constant 16 : i32
      %mul3A_1492 = arith.muli %scan3A_1294, %mul3A_1491 : i32
      %add3A_1493 = arith.constant 3 : i32
      %add3A_1494 = arith.addi %mul3A_1492, %add3A_1493 : i32
      %broadcast_in_dim3A_1495 = vector.broadcast %add3A_1494 : i32 to vector<16xi32>
      %gather3A_1496 = tpu.vector_load_idx %arg6[%broadcast_in_dim3A_1490, %iota3A, %broadcast_in_dim3A_1488] : memref<16x32x128xf32, #tpu.memory_space<vmem>>[vector<16xi32>, vector<16xi32>, vector<16xi32>], vector<16xf32>,
      %add3A_1497 = arith.constant 16 : i32
      %add3A_1498 = vector.broadcast %add3A_1497 : i32 to vector<16xi32>
      %add3A_1499 = arith.addi %iota3A, %add3A_1498 : vector<16xi32>
      %gather3A_1500 = tpu.vector_load_idx %arg6[%broadcast_in_dim3A_1490, %add3A_1499, %broadcast_in_dim3A_1488] : memref<16x32x128xf32, #tpu.memory_space<vmem>>[vector<16xi32>, vector<16xi32>, vector<16xi32>], vector<16xf32>,
      tpu.vector_store_idx %arg7[%iota3A, %broadcast_in_dim3A_1495], %gather3A_1496 : memref<32x512xf32, #tpu.memory_space<vmem>>[vector<16xi32>, vector<16xi32>], vector<16xf32>,
      %add3A_1501 = arith.constant 16 : i32
      %add3A_1502 = vector.broadcast %add3A_1501 : i32 to vector<16xi32>
      %add3A_1503 = arith.addi %iota3A, %add3A_1502 : vector<16xi32>
      tpu.vector_store_idx %arg7[%add3A_1503, %broadcast_in_dim3A_1495], %gather3A_1500 : memref<32x512xf32, #tpu.memory_space<vmem>>[vector<16xi32>, vector<16xi32>], vector<16xf32>,
      %lt3A_1504 = arith.constant 31 : i32
      %lt3A_1505 = arith.cmpi slt, %scan3A_1294, %lt3A_1504 : i32
      %convert_element_type3A_1506 = arith.extui %lt3A_1505 : i1 to i32
      %cond3A_1507 = arith.constant 0 : i32
      %cond3A_1508 = arith.cmpi ne, %convert_element_type3A_1506, %cond3A_1507 : i32
      scf.if %cond3A_1508 {
        %add3A_2169 = arith.constant 1 : i32
        %add3A_2170 = arith.addi %scan3A_1294, %add3A_2169 : i32
        %mul3A_2171 = arith.constant 16 : i32
        %mul3A_2172 = arith.muli %add3A_2170, %mul3A_2171 : i32
        %get3A_2173 = arith.index_cast %mul3A_2172 : i32 to index
        %get3A_2174 = tpu.vector_load %arg5[%get3A_2173] {strides = array<i32>} : memref<512xi32, #tpu.memory_space<vmem>>, vector<16xi32>,
        %eq3A_2175 = arith.constant 3 : i32
        %eq3A_2176 = vector.broadcast %eq3A_2175 : i32 to vector<16xi32>
        %eq3A_2177 = arith.cmpi eq, %iota3A, %eq3A_2176 : vector<16xi32>
        %jit3A_2178 = arith.constant 0 : i32
        %broadcast_in_dim3A_2179 = vector.broadcast %jit3A_2178 : i32 to vector<16xi32>
        %select_n3A_2180 = arith.select %eq3A_2177, %get3A_2174, %broadcast_in_dim3A_2179 : vector<16xi1>, vector<16xi32>
        %reduce_sum3A_2181 = arith.constant true
        %reduce_sum3A_2182 = vector.broadcast %reduce_sum3A_2181 : i1 to vector<16xi1>
        %reduce_sum3A_2183 = tpu.scan <sum>, %select_n3A_2180 masked %reduce_sum3A_2182 : vector<16xi32>, vector<16xi1> -> vector<16xi32>
        %reduce_sum3A_2184 = vector.extract %reduce_sum3A_2183[15] : i32 from vector<16xi32>
        %shift_right_arithmetic3A_2185 = arith.constant 7 : i32
        %shift_right_arithmetic3A_2186 = arith.shrsi %reduce_sum3A_2184, %shift_right_arithmetic3A_2185 : i32
        %mul3A_2187 = arith.constant 128 : i32
        %mul3A_2188 = arith.muli %shift_right_arithmetic3A_2186, %mul3A_2187 : i32
        %multiple_of3A_2189 = tpu.assume_multiple %mul3A_2188, 128 : i32
        %dma_start3A_2190 = arith.constant 3 : i32
        %dma_start3A_2191 = arith.constant 3 : i32
        %dma_start3A_2192 = arith.constant 0 : i32
        %dma_start3A_2193 = arith.constant 0 : i32
        %dma_start3A_2194 = tpu.memref_slice %arg6[%dma_start3A_2190, %dma_start3A_2192, %dma_start3A_2193] : memref<16x32x128xf32, #tpu.memory_space<vmem>> -> memref<1x8x128xf32, #tpu.memory_space<vmem>>
        %dma_start3A_2195 = tpu.memref_squeeze %dma_start3A_2194 : memref<1x8x128xf32, #tpu.memory_space<vmem>> -> memref<8x128xf32, #tpu.memory_space<vmem>>
        %dma_start3A_2196 = arith.constant 0 : i32
        %dma_start3A_2197 = tpu.memref_slice %arg3[%dma_start3A_2196, %multiple_of3A_2189] : memref<32x1000000xf32, #tpu.memory_space<hbm>> -> memref<8x128xf32, #tpu.memory_space<hbm>>
        %dma_start3A_2198 = tpu.memref_slice %arg8[%dma_start3A_2191] : memref<16x!tpu.dma_semaphore, #tpu.memory_space<semaphore_mem>> -> memref<1x!tpu.dma_semaphore, #tpu.memory_space<semaphore_mem>>
        %dma_start3A_2199 = tpu.memref_squeeze %dma_start3A_2198 : memref<1x!tpu.dma_semaphore, #tpu.memory_space<semaphore_mem>> -> memref<!tpu.dma_semaphore, #tpu.memory_space<semaphore_mem>>
        %dma_start3A_2200 = arith.constant 0 : i32
        %dma_start3A_2201 = arith.constant 0 : i32
        %dma_start3A_2202 = tpu.memref_slice %arg6[%dma_start3A_2190, %dma_start3A_2200, %dma_start3A_2201] : memref<16x32x128xf32, #tpu.memory_space<vmem>> -> memref<1x8x128xf32, #tpu.memory_space<vmem>>
        %dma_start3A_2203 = tpu.memref_squeeze %dma_start3A_2202 : memref<1x8x128xf32, #tpu.memory_space<vmem>> -> memref<8x128xf32, #tpu.memory_space<vmem>>
        %dma_start3A_2204 = arith.constant 0 : i32
        %dma_start3A_2205 = tpu.memref_slice %arg3[%dma_start3A_2204, %multiple_of3A_2189] : memref<32x1000000xf32, #tpu.memory_space<hbm>> -> memref<8x128xf32, #tpu.memory_space<hbm>>
        tpu.enqueue_dma source(%dma_start3A_2205 : memref<8x128xf32, #tpu.memory_space<hbm>>) target(%dma_start3A_2203 : memref<8x128xf32, #tpu.memory_space<vmem>>) target_semaphore(%dma_start3A_2199 : memref<!tpu.dma_semaphore, #tpu.memory_space<semaphore_mem>>)
        %dma_start3A_2206 = arith.constant 3 : i32
        %dma_start3A_2207 = arith.constant 3 : i32
        %dma_start3A_2208 = arith.constant 8 : i32
        %dma_start3A_2209 = arith.constant 0 : i32
        %dma_start3A_2210 = tpu.memref_slice %arg6[%dma_start3A_2206, %dma_start3A_2208, %dma_start3A_2209] : memref<16x32x128xf32, #tpu.memory_space<vmem>> -> memref<1x8x128xf32, #tpu.memory_space<vmem>>
        %dma_start3A_2211 = tpu.memref_squeeze %dma_start3A_2210 : memref<1x8x128xf32, #tpu.memory_space<vmem>> -> memref<8x128xf32, #tpu.memory_space<vmem>>
        %dma_start3A_2212 = arith.constant 8 : i32
        %dma_start3A_2213 = tpu.memref_slice %arg3[%dma_start3A_2212, %multiple_of3A_2189] : memref<32x1000000xf32, #tpu.memory_space<hbm>> -> memref<8x128xf32, #tpu.memory_space<hbm>>
        %dma_start3A_2214 = tpu.memref_slice %arg8[%dma_start3A_2207] : memref<16x!tpu.dma_semaphore, #tpu.memory_space<semaphore_mem>> -> memref<1x!tpu.dma_semaphore, #tpu.memory_space<semaphore_mem>>
        %dma_start3A_2215 = tpu.memref_squeeze %dma_start3A_2214 : memref<1x!tpu.dma_semaphore, #tpu.memory_space<semaphore_mem>> -> memref<!tpu.dma_semaphore, #tpu.memory_space<semaphore_mem>>
        %dma_start3A_2216 = arith.constant 8 : i32
        %dma_start3A_2217 = arith.constant 0 : i32
        %dma_start3A_2218 = tpu.memref_slice %arg6[%dma_start3A_2206, %dma_start3A_2216, %dma_start3A_2217] : memref<16x32x128xf32, #tpu.memory_space<vmem>> -> memref<1x8x128xf32, #tpu.memory_space<vmem>>
        %dma_start3A_2219 = tpu.memref_squeeze %dma_start3A_2218 : memref<1x8x128xf32, #tpu.memory_space<vmem>> -> memref<8x128xf32, #tpu.memory_space<vmem>>
        %dma_start3A_2220 = arith.constant 8 : i32
        %dma_start3A_2221 = tpu.memref_slice %arg3[%dma_start3A_2220, %multiple_of3A_2189] : memref<32x1000000xf32, #tpu.memory_space<hbm>> -> memref<8x128xf32, #tpu.memory_space<hbm>>
        tpu.enqueue_dma source(%dma_start3A_2221 : memref<8x128xf32, #tpu.memory_space<hbm>>) target(%dma_start3A_2219 : memref<8x128xf32, #tpu.memory_space<vmem>>) target_semaphore(%dma_start3A_2215 : memref<!tpu.dma_semaphore, #tpu.memory_space<semaphore_mem>>)
        %dma_start3A_2222 = arith.constant 3 : i32
        %dma_start3A_2223 = arith.constant 3 : i32
        %dma_start3A_2224 = arith.constant 16 : i32
        %dma_start3A_2225 = arith.constant 0 : i32
        %dma_start3A_2226 = tpu.memref_slice %arg6[%dma_start3A_2222, %dma_start3A_2224, %dma_start3A_2225] : memref<16x32x128xf32, #tpu.memory_space<vmem>> -> memref<1x8x128xf32, #tpu.memory_space<vmem>>
        %dma_start3A_2227 = tpu.memref_squeeze %dma_start3A_2226 : memref<1x8x128xf32, #tpu.memory_space<vmem>> -> memref<8x128xf32, #tpu.memory_space<vmem>>
        %dma_start3A_2228 = arith.constant 16 : i32
        %dma_start3A_2229 = tpu.memref_slice %arg3[%dma_start3A_2228, %multiple_of3A_2189] : memref<32x1000000xf32, #tpu.memory_space<hbm>> -> memref<8x128xf32, #tpu.memory_space<hbm>>
        %dma_start3A_2230 = tpu.memref_slice %arg8[%dma_start3A_2223] : memref<16x!tpu.dma_semaphore, #tpu.memory_space<semaphore_mem>> -> memref<1x!tpu.dma_semaphore, #tpu.memory_space<semaphore_mem>>
        %dma_start3A_2231 = tpu.memref_squeeze %dma_start3A_2230 : memref<1x!tpu.dma_semaphore, #tpu.memory_space<semaphore_mem>> -> memref<!tpu.dma_semaphore, #tpu.memory_space<semaphore_mem>>
        %dma_start3A_2232 = arith.constant 16 : i32
        %dma_start3A_2233 = arith.constant 0 : i32
        %dma_start3A_2234 = tpu.memref_slice %arg6[%dma_start3A_2222, %dma_start3A_2232, %dma_start3A_2233] : memref<16x32x128xf32, #tpu.memory_space<vmem>> -> memref<1x8x128xf32, #tpu.memory_space<vmem>>
        %dma_start3A_2235 = tpu.memref_squeeze %dma_start3A_2234 : memref<1x8x128xf32, #tpu.memory_space<vmem>> -> memref<8x128xf32, #tpu.memory_space<vmem>>
        %dma_start3A_2236 = arith.constant 16 : i32
        %dma_start3A_2237 = tpu.memref_slice %arg3[%dma_start3A_2236, %multiple_of3A_2189] : memref<32x1000000xf32, #tpu.memory_space<hbm>> -> memref<8x128xf32, #tpu.memory_space<hbm>>
        tpu.enqueue_dma source(%dma_start3A_2237 : memref<8x128xf32, #tpu.memory_space<hbm>>) target(%dma_start3A_2235 : memref<8x128xf32, #tpu.memory_space<vmem>>) target_semaphore(%dma_start3A_2231 : memref<!tpu.dma_semaphore, #tpu.memory_space<semaphore_mem>>)
        %dma_start3A_2238 = arith.constant 3 : i32
        %dma_start3A_2239 = arith.constant 3 : i32
        %dma_start3A_2240 = arith.constant 24 : i32
        %dma_start3A_2241 = arith.constant 0 : i32
        %dma_start3A_2242 = tpu.memref_slice %arg6[%dma_start3A_2238, %dma_start3A_2240, %dma_start3A_2241] : memref<16x32x128xf32, #tpu.memory_space<vmem>> -> memref<1x8x128xf32, #tpu.memory_space<vmem>>
        %dma_start3A_2243 = tpu.memref_squeeze %dma_start3A_2242 : memref<1x8x128xf32, #tpu.memory_space<vmem>> -> memref<8x128xf32, #tpu.memory_space<vmem>>
        %dma_start3A_2244 = arith.constant 24 : i32
        %dma_start3A_2245 = tpu.memref_slice %arg3[%dma_start3A_2244, %multiple_of3A_2189] : memref<32x1000000xf32, #tpu.memory_space<hbm>> -> memref<8x128xf32, #tpu.memory_space<hbm>>
        %dma_start3A_2246 = tpu.memref_slice %arg8[%dma_start3A_2239] : memref<16x!tpu.dma_semaphore, #tpu.memory_space<semaphore_mem>> -> memref<1x!tpu.dma_semaphore, #tpu.memory_space<semaphore_mem>>
        %dma_start3A_2247 = tpu.memref_squeeze %dma_start3A_2246 : memref<1x!tpu.dma_semaphore, #tpu.memory_space<semaphore_mem>> -> memref<!tpu.dma_semaphore, #tpu.memory_space<semaphore_mem>>
        %dma_start3A_2248 = arith.constant 24 : i32
        %dma_start3A_2249 = arith.constant 0 : i32
        %dma_start3A_2250 = tpu.memref_slice %arg6[%dma_start3A_2238, %dma_start3A_2248, %dma_start3A_2249] : memref<16x32x128xf32, #tpu.memory_space<vmem>> -> memref<1x8x128xf32, #tpu.memory_space<vmem>>
        %dma_start3A_2251 = tpu.memref_squeeze %dma_start3A_2250 : memref<1x8x128xf32, #tpu.memory_space<vmem>> -> memref<8x128xf32, #tpu.memory_space<vmem>>
        %dma_start3A_2252 = arith.constant 24 : i32
        %dma_start3A_2253 = tpu.memref_slice %arg3[%dma_start3A_2252, %multiple_of3A_2189] : memref<32x1000000xf32, #tpu.memory_space<hbm>> -> memref<8x128xf32, #tpu.memory_space<hbm>>
        tpu.enqueue_dma source(%dma_start3A_2253 : memref<8x128xf32, #tpu.memory_space<hbm>>) target(%dma_start3A_2251 : memref<8x128xf32, #tpu.memory_space<vmem>>) target_semaphore(%dma_start3A_2247 : memref<!tpu.dma_semaphore, #tpu.memory_space<semaphore_mem>>)
      } else {
      }
      %dma_wait3A_1509 = arith.constant 4 : i32
      %dma_wait3A_1510 = arith.constant 4 : i32
      %dma_wait3A_1511 = arith.constant 0 : i32
      %dma_wait3A_1512 = arith.constant 0 : i32
      %dma_wait3A_1513 = tpu.memref_slice %arg6[%dma_wait3A_1509, %dma_wait3A_1511, %dma_wait3A_1512] : memref<16x32x128xf32, #tpu.memory_space<vmem>> -> memref<1x32x128xf32, #tpu.memory_space<vmem>>
      %dma_wait3A_1514 = tpu.memref_squeeze %dma_wait3A_1513 : memref<1x32x128xf32, #tpu.memory_space<vmem>> -> memref<32x128xf32, #tpu.memory_space<vmem>>
      %dma_wait3A_1515 = arith.constant 0 : i32
      %dma_wait3A_1516 = arith.constant 0 : i32
      %dma_wait3A_1517 = tpu.memref_slice %arg3[%dma_wait3A_1515, %dma_wait3A_1516] : memref<32x1000000xf32, #tpu.memory_space<hbm>> -> memref<32x128xf32, #tpu.memory_space<hbm>>
      %dma_wait3A_1518 = tpu.memref_slice %arg8[%dma_wait3A_1510] : memref<16x!tpu.dma_semaphore, #tpu.memory_space<semaphore_mem>> -> memref<1x!tpu.dma_semaphore, #tpu.memory_space<semaphore_mem>>
      %dma_wait3A_1519 = tpu.memref_squeeze %dma_wait3A_1518 : memref<1x!tpu.dma_semaphore, #tpu.memory_space<semaphore_mem>> -> memref<!tpu.dma_semaphore, #tpu.memory_space<semaphore_mem>>
      %dma_wait3A_1520 = arith.constant 0 : i32
      %dma_wait3A_1521 = arith.constant 0 : i32
      %dma_wait3A_1522 = tpu.memref_slice %arg6[%dma_wait3A_1509, %dma_wait3A_1520, %dma_wait3A_1521] : memref<16x32x128xf32, #tpu.memory_space<vmem>> -> memref<1x32x128xf32, #tpu.memory_space<vmem>>
      %dma_wait3A_1523 = tpu.memref_squeeze %dma_wait3A_1522 : memref<1x32x128xf32, #tpu.memory_space<vmem>> -> memref<32x128xf32, #tpu.memory_space<vmem>>
      %dma_wait3A_1524 = arith.constant 0 : i32
      %dma_wait3A_1525 = arith.constant 0 : i32
      %dma_wait3A_1526 = tpu.memref_slice %arg3[%dma_wait3A_1524, %dma_wait3A_1525] : memref<32x1000000xf32, #tpu.memory_space<hbm>> -> memref<32x128xf32, #tpu.memory_space<hbm>>
      tpu.wait_dma2 semaphore(%dma_wait3A_1519 : memref<!tpu.dma_semaphore, #tpu.memory_space<semaphore_mem>>) src(%dma_wait3A_1526 : memref<32x128xf32, #tpu.memory_space<hbm>>) dst(%dma_wait3A_1523 : memref<32x128xf32, #tpu.memory_space<vmem>>)
      %mul3A_1527 = arith.constant 16 : i32
      %mul3A_1528 = arith.muli %scan3A_1294, %mul3A_1527 : i32
      %get3A_1529 = arith.index_cast %mul3A_1528 : i32 to index
      %get3A_1530 = tpu.vector_load %arg5[%get3A_1529] {strides = array<i32>} : memref<512xi32, #tpu.memory_space<vmem>>, vector<16xi32>,
      %eq3A_1531 = arith.constant 4 : i32
      %eq3A_1532 = vector.broadcast %eq3A_1531 : i32 to vector<16xi32>
      %eq3A_1533 = arith.cmpi eq, %iota3A, %eq3A_1532 : vector<16xi32>
      %jit3A_1534 = arith.constant 0 : i32
      %broadcast_in_dim3A_1535 = vector.broadcast %jit3A_1534 : i32 to vector<16xi32>
      %select_n3A_1536 = arith.select %eq3A_1533, %get3A_1530, %broadcast_in_dim3A_1535 : vector<16xi1>, vector<16xi32>
      %reduce_sum3A_1537 = arith.constant true
      %reduce_sum3A_1538 = vector.broadcast %reduce_sum3A_1537 : i1 to vector<16xi1>
      %reduce_sum3A_1539 = tpu.scan <sum>, %select_n3A_1536 masked %reduce_sum3A_1538 : vector<16xi32>, vector<16xi1> -> vector<16xi32>
      %reduce_sum3A_1540 = vector.extract %reduce_sum3A_1539[15] : i32 from vector<16xi32>
      %and3A_1541 = arith.constant 127 : i32
      %and3A_1542 = arith.andi %reduce_sum3A_1540, %and3A_1541 : i32
      %broadcast_in_dim3A_1543 = vector.broadcast %and3A_1542 : i32 to vector<16xi32>
      %broadcast_in_dim3A_1544 = arith.constant 4 : i32
      %broadcast_in_dim3A_1545 = vector.broadcast %broadcast_in_dim3A_1544 : i32 to vector<16xi32>
      %mul3A_1546 = arith.constant 16 : i32
      %mul3A_1547 = arith.muli %scan3A_1294, %mul3A_1546 : i32
      %add3A_1548 = arith.constant 4 : i32
      %add3A_1549 = arith.addi %mul3A_1547, %add3A_1548 : i32
      %broadcast_in_dim3A_1550 = vector.broadcast %add3A_1549 : i32 to vector<16xi32>
      %gather3A_1551 = tpu.vector_load_idx %arg6[%broadcast_in_dim3A_1545, %iota3A, %broadcast_in_dim3A_1543] : memref<16x32x128xf32, #tpu.memory_space<vmem>>[vector<16xi32>, vector<16xi32>, vector<16xi32>], vector<16xf32>,
      %add3A_1552 = arith.constant 16 : i32
      %add3A_1553 = vector.broadcast %add3A_1552 : i32 to vector<16xi32>
      %add3A_1554 = arith.addi %iota3A, %add3A_1553 : vector<16xi32>
      %gather3A_1555 = tpu.vector_load_idx %arg6[%broadcast_in_dim3A_1545, %add3A_1554, %broadcast_in_dim3A_1543] : memref<16x32x128xf32, #tpu.memory_space<vmem>>[vector<16xi32>, vector<16xi32>, vector<16xi32>], vector<16xf32>,
      tpu.vector_store_idx %arg7[%iota3A, %broadcast_in_dim3A_1550], %gather3A_1551 : memref<32x512xf32, #tpu.memory_space<vmem>>[vector<16xi32>, vector<16xi32>], vector<16xf32>,
      %add3A_1556 = arith.constant 16 : i32
      %add3A_1557 = vector.broadcast %add3A_1556 : i32 to vector<16xi32>
      %add3A_1558 = arith.addi %iota3A, %add3A_1557 : vector<16xi32>
      tpu.vector_store_idx %arg7[%add3A_1558, %broadcast_in_dim3A_1550], %gather3A_1555 : memref<32x512xf32, #tpu.memory_space<vmem>>[vector<16xi32>, vector<16xi32>], vector<16xf32>,
      %lt3A_1559 = arith.constant 31 : i32
      %lt3A_1560 = arith.cmpi slt, %scan3A_1294, %lt3A_1559 : i32
      %convert_element_type3A_1561 = arith.extui %lt3A_1560 : i1 to i32
      %cond3A_1562 = arith.constant 0 : i32
      %cond3A_1563 = arith.cmpi ne, %convert_element_type3A_1561, %cond3A_1562 : i32
      scf.if %cond3A_1563 {
        %add3A_2169 = arith.constant 1 : i32
        %add3A_2170 = arith.addi %scan3A_1294, %add3A_2169 : i32
        %mul3A_2171 = arith.constant 16 : i32
        %mul3A_2172 = arith.muli %add3A_2170, %mul3A_2171 : i32
        %get3A_2173 = arith.index_cast %mul3A_2172 : i32 to index
        %get3A_2174 = tpu.vector_load %arg5[%get3A_2173] {strides = array<i32>} : memref<512xi32, #tpu.memory_space<vmem>>, vector<16xi32>,
        %eq3A_2175 = arith.constant 4 : i32
        %eq3A_2176 = vector.broadcast %eq3A_2175 : i32 to vector<16xi32>
        %eq3A_2177 = arith.cmpi eq, %iota3A, %eq3A_2176 : vector<16xi32>
        %jit3A_2178 = arith.constant 0 : i32
        %broadcast_in_dim3A_2179 = vector.broadcast %jit3A_2178 : i32 to vector<16xi32>
        %select_n3A_2180 = arith.select %eq3A_2177, %get3A_2174, %broadcast_in_dim3A_2179 : vector<16xi1>, vector<16xi32>
        %reduce_sum3A_2181 = arith.constant true
        %reduce_sum3A_2182 = vector.broadcast %reduce_sum3A_2181 : i1 to vector<16xi1>
        %reduce_sum3A_2183 = tpu.scan <sum>, %select_n3A_2180 masked %reduce_sum3A_2182 : vector<16xi32>, vector<16xi1> -> vector<16xi32>
        %reduce_sum3A_2184 = vector.extract %reduce_sum3A_2183[15] : i32 from vector<16xi32>
        %shift_right_arithmetic3A_2185 = arith.constant 7 : i32
        %shift_right_arithmetic3A_2186 = arith.shrsi %reduce_sum3A_2184, %shift_right_arithmetic3A_2185 : i32
        %mul3A_2187 = arith.constant 128 : i32
        %mul3A_2188 = arith.muli %shift_right_arithmetic3A_2186, %mul3A_2187 : i32
        %multiple_of3A_2189 = tpu.assume_multiple %mul3A_2188, 128 : i32
        %dma_start3A_2190 = arith.constant 4 : i32
        %dma_start3A_2191 = arith.constant 4 : i32
        %dma_start3A_2192 = arith.constant 0 : i32
        %dma_start3A_2193 = arith.constant 0 : i32
        %dma_start3A_2194 = tpu.memref_slice %arg6[%dma_start3A_2190, %dma_start3A_2192, %dma_start3A_2193] : memref<16x32x128xf32, #tpu.memory_space<vmem>> -> memref<1x8x128xf32, #tpu.memory_space<vmem>>
        %dma_start3A_2195 = tpu.memref_squeeze %dma_start3A_2194 : memref<1x8x128xf32, #tpu.memory_space<vmem>> -> memref<8x128xf32, #tpu.memory_space<vmem>>
        %dma_start3A_2196 = arith.constant 0 : i32
        %dma_start3A_2197 = tpu.memref_slice %arg3[%dma_start3A_2196, %multiple_of3A_2189] : memref<32x1000000xf32, #tpu.memory_space<hbm>> -> memref<8x128xf32, #tpu.memory_space<hbm>>
        %dma_start3A_2198 = tpu.memref_slice %arg8[%dma_start3A_2191] : memref<16x!tpu.dma_semaphore, #tpu.memory_space<semaphore_mem>> -> memref<1x!tpu.dma_semaphore, #tpu.memory_space<semaphore_mem>>
        %dma_start3A_2199 = tpu.memref_squeeze %dma_start3A_2198 : memref<1x!tpu.dma_semaphore, #tpu.memory_space<semaphore_mem>> -> memref<!tpu.dma_semaphore, #tpu.memory_space<semaphore_mem>>
        %dma_start3A_2200 = arith.constant 0 : i32
        %dma_start3A_2201 = arith.constant 0 : i32
        %dma_start3A_2202 = tpu.memref_slice %arg6[%dma_start3A_2190, %dma_start3A_2200, %dma_start3A_2201] : memref<16x32x128xf32, #tpu.memory_space<vmem>> -> memref<1x8x128xf32, #tpu.memory_space<vmem>>
        %dma_start3A_2203 = tpu.memref_squeeze %dma_start3A_2202 : memref<1x8x128xf32, #tpu.memory_space<vmem>> -> memref<8x128xf32, #tpu.memory_space<vmem>>
        %dma_start3A_2204 = arith.constant 0 : i32
        %dma_start3A_2205 = tpu.memref_slice %arg3[%dma_start3A_2204, %multiple_of3A_2189] : memref<32x1000000xf32, #tpu.memory_space<hbm>> -> memref<8x128xf32, #tpu.memory_space<hbm>>
        tpu.enqueue_dma source(%dma_start3A_2205 : memref<8x128xf32, #tpu.memory_space<hbm>>) target(%dma_start3A_2203 : memref<8x128xf32, #tpu.memory_space<vmem>>) target_semaphore(%dma_start3A_2199 : memref<!tpu.dma_semaphore, #tpu.memory_space<semaphore_mem>>)
        %dma_start3A_2206 = arith.constant 4 : i32
        %dma_start3A_2207 = arith.constant 4 : i32
        %dma_start3A_2208 = arith.constant 8 : i32
        %dma_start3A_2209 = arith.constant 0 : i32
        %dma_start3A_2210 = tpu.memref_slice %arg6[%dma_start3A_2206, %dma_start3A_2208, %dma_start3A_2209] : memref<16x32x128xf32, #tpu.memory_space<vmem>> -> memref<1x8x128xf32, #tpu.memory_space<vmem>>
        %dma_start3A_2211 = tpu.memref_squeeze %dma_start3A_2210 : memref<1x8x128xf32, #tpu.memory_space<vmem>> -> memref<8x128xf32, #tpu.memory_space<vmem>>
        %dma_start3A_2212 = arith.constant 8 : i32
        %dma_start3A_2213 = tpu.memref_slice %arg3[%dma_start3A_2212, %multiple_of3A_2189] : memref<32x1000000xf32, #tpu.memory_space<hbm>> -> memref<8x128xf32, #tpu.memory_space<hbm>>
        %dma_start3A_2214 = tpu.memref_slice %arg8[%dma_start3A_2207] : memref<16x!tpu.dma_semaphore, #tpu.memory_space<semaphore_mem>> -> memref<1x!tpu.dma_semaphore, #tpu.memory_space<semaphore_mem>>
        %dma_start3A_2215 = tpu.memref_squeeze %dma_start3A_2214 : memref<1x!tpu.dma_semaphore, #tpu.memory_space<semaphore_mem>> -> memref<!tpu.dma_semaphore, #tpu.memory_space<semaphore_mem>>
        %dma_start3A_2216 = arith.constant 8 : i32
        %dma_start3A_2217 = arith.constant 0 : i32
        %dma_start3A_2218 = tpu.memref_slice %arg6[%dma_start3A_2206, %dma_start3A_2216, %dma_start3A_2217] : memref<16x32x128xf32, #tpu.memory_space<vmem>> -> memref<1x8x128xf32, #tpu.memory_space<vmem>>
        %dma_start3A_2219 = tpu.memref_squeeze %dma_start3A_2218 : memref<1x8x128xf32, #tpu.memory_space<vmem>> -> memref<8x128xf32, #tpu.memory_space<vmem>>
        %dma_start3A_2220 = arith.constant 8 : i32
        %dma_start3A_2221 = tpu.memref_slice %arg3[%dma_start3A_2220, %multiple_of3A_2189] : memref<32x1000000xf32, #tpu.memory_space<hbm>> -> memref<8x128xf32, #tpu.memory_space<hbm>>
        tpu.enqueue_dma source(%dma_start3A_2221 : memref<8x128xf32, #tpu.memory_space<hbm>>) target(%dma_start3A_2219 : memref<8x128xf32, #tpu.memory_space<vmem>>) target_semaphore(%dma_start3A_2215 : memref<!tpu.dma_semaphore, #tpu.memory_space<semaphore_mem>>)
        %dma_start3A_2222 = arith.constant 4 : i32
        %dma_start3A_2223 = arith.constant 4 : i32
        %dma_start3A_2224 = arith.constant 16 : i32
        %dma_start3A_2225 = arith.constant 0 : i32
        %dma_start3A_2226 = tpu.memref_slice %arg6[%dma_start3A_2222, %dma_start3A_2224, %dma_start3A_2225] : memref<16x32x128xf32, #tpu.memory_space<vmem>> -> memref<1x8x128xf32, #tpu.memory_space<vmem>>
        %dma_start3A_2227 = tpu.memref_squeeze %dma_start3A_2226 : memref<1x8x128xf32, #tpu.memory_space<vmem>> -> memref<8x128xf32, #tpu.memory_space<vmem>>
        %dma_start3A_2228 = arith.constant 16 : i32
        %dma_start3A_2229 = tpu.memref_slice %arg3[%dma_start3A_2228, %multiple_of3A_2189] : memref<32x1000000xf32, #tpu.memory_space<hbm>> -> memref<8x128xf32, #tpu.memory_space<hbm>>
        %dma_start3A_2230 = tpu.memref_slice %arg8[%dma_start3A_2223] : memref<16x!tpu.dma_semaphore, #tpu.memory_space<semaphore_mem>> -> memref<1x!tpu.dma_semaphore, #tpu.memory_space<semaphore_mem>>
        %dma_start3A_2231 = tpu.memref_squeeze %dma_start3A_2230 : memref<1x!tpu.dma_semaphore, #tpu.memory_space<semaphore_mem>> -> memref<!tpu.dma_semaphore, #tpu.memory_space<semaphore_mem>>
        %dma_start3A_2232 = arith.constant 16 : i32
        %dma_start3A_2233 = arith.constant 0 : i32
        %dma_start3A_2234 = tpu.memref_slice %arg6[%dma_start3A_2222, %dma_start3A_2232, %dma_start3A_2233] : memref<16x32x128xf32, #tpu.memory_space<vmem>> -> memref<1x8x128xf32, #tpu.memory_space<vmem>>
        %dma_start3A_2235 = tpu.memref_squeeze %dma_start3A_2234 : memref<1x8x128xf32, #tpu.memory_space<vmem>> -> memref<8x128xf32, #tpu.memory_space<vmem>>
        %dma_start3A_2236 = arith.constant 16 : i32
        %dma_start3A_2237 = tpu.memref_slice %arg3[%dma_start3A_2236, %multiple_of3A_2189] : memref<32x1000000xf32, #tpu.memory_space<hbm>> -> memref<8x128xf32, #tpu.memory_space<hbm>>
        tpu.enqueue_dma source(%dma_start3A_2237 : memref<8x128xf32, #tpu.memory_space<hbm>>) target(%dma_start3A_2235 : memref<8x128xf32, #tpu.memory_space<vmem>>) target_semaphore(%dma_start3A_2231 : memref<!tpu.dma_semaphore, #tpu.memory_space<semaphore_mem>>)
        %dma_start3A_2238 = arith.constant 4 : i32
        %dma_start3A_2239 = arith.constant 4 : i32
        %dma_start3A_2240 = arith.constant 24 : i32
        %dma_start3A_2241 = arith.constant 0 : i32
        %dma_start3A_2242 = tpu.memref_slice %arg6[%dma_start3A_2238, %dma_start3A_2240, %dma_start3A_2241] : memref<16x32x128xf32, #tpu.memory_space<vmem>> -> memref<1x8x128xf32, #tpu.memory_space<vmem>>
        %dma_start3A_2243 = tpu.memref_squeeze %dma_start3A_2242 : memref<1x8x128xf32, #tpu.memory_space<vmem>> -> memref<8x128xf32, #tpu.memory_space<vmem>>
        %dma_start3A_2244 = arith.constant 24 : i32
        %dma_start3A_2245 = tpu.memref_slice %arg3[%dma_start3A_2244, %multiple_of3A_2189] : memref<32x1000000xf32, #tpu.memory_space<hbm>> -> memref<8x128xf32, #tpu.memory_space<hbm>>
        %dma_start3A_2246 = tpu.memref_slice %arg8[%dma_start3A_2239] : memref<16x!tpu.dma_semaphore, #tpu.memory_space<semaphore_mem>> -> memref<1x!tpu.dma_semaphore, #tpu.memory_space<semaphore_mem>>
        %dma_start3A_2247 = tpu.memref_squeeze %dma_start3A_2246 : memref<1x!tpu.dma_semaphore, #tpu.memory_space<semaphore_mem>> -> memref<!tpu.dma_semaphore, #tpu.memory_space<semaphore_mem>>
        %dma_start3A_2248 = arith.constant 24 : i32
        %dma_start3A_2249 = arith.constant 0 : i32
        %dma_start3A_2250 = tpu.memref_slice %arg6[%dma_start3A_2238, %dma_start3A_2248, %dma_start3A_2249] : memref<16x32x128xf32, #tpu.memory_space<vmem>> -> memref<1x8x128xf32, #tpu.memory_space<vmem>>
        %dma_start3A_2251 = tpu.memref_squeeze %dma_start3A_2250 : memref<1x8x128xf32, #tpu.memory_space<vmem>> -> memref<8x128xf32, #tpu.memory_space<vmem>>
        %dma_start3A_2252 = arith.constant 24 : i32
        %dma_start3A_2253 = tpu.memref_slice %arg3[%dma_start3A_2252, %multiple_of3A_2189] : memref<32x1000000xf32, #tpu.memory_space<hbm>> -> memref<8x128xf32, #tpu.memory_space<hbm>>
        tpu.enqueue_dma source(%dma_start3A_2253 : memref<8x128xf32, #tpu.memory_space<hbm>>) target(%dma_start3A_2251 : memref<8x128xf32, #tpu.memory_space<vmem>>) target_semaphore(%dma_start3A_2247 : memref<!tpu.dma_semaphore, #tpu.memory_space<semaphore_mem>>)
      } else {
      }
      %dma_wait3A_1564 = arith.constant 5 : i32
      %dma_wait3A_1565 = arith.constant 5 : i32
      %dma_wait3A_1566 = arith.constant 0 : i32
      %dma_wait3A_1567 = arith.constant 0 : i32
      %dma_wait3A_1568 = tpu.memref_slice %arg6[%dma_wait3A_1564, %dma_wait3A_1566, %dma_wait3A_1567] : memref<16x32x128xf32, #tpu.memory_space<vmem>> -> memref<1x32x128xf32, #tpu.memory_space<vmem>>
      %dma_wait3A_1569 = tpu.memref_squeeze %dma_wait3A_1568 : memref<1x32x128xf32, #tpu.memory_space<vmem>> -> memref<32x128xf32, #tpu.memory_space<vmem>>
      %dma_wait3A_1570 = arith.constant 0 : i32
      %dma_wait3A_1571 = arith.constant 0 : i32
      %dma_wait3A_1572 = tpu.memref_slice %arg3[%dma_wait3A_1570, %dma_wait3A_1571] : memref<32x1000000xf32, #tpu.memory_space<hbm>> -> memref<32x128xf32, #tpu.memory_space<hbm>>
      %dma_wait3A_1573 = tpu.memref_slice %arg8[%dma_wait3A_1565] : memref<16x!tpu.dma_semaphore, #tpu.memory_space<semaphore_mem>> -> memref<1x!tpu.dma_semaphore, #tpu.memory_space<semaphore_mem>>
      %dma_wait3A_1574 = tpu.memref_squeeze %dma_wait3A_1573 : memref<1x!tpu.dma_semaphore, #tpu.memory_space<semaphore_mem>> -> memref<!tpu.dma_semaphore, #tpu.memory_space<semaphore_mem>>
      %dma_wait3A_1575 = arith.constant 0 : i32
      %dma_wait3A_1576 = arith.constant 0 : i32
      %dma_wait3A_1577 = tpu.memref_slice %arg6[%dma_wait3A_1564, %dma_wait3A_1575, %dma_wait3A_1576] : memref<16x32x128xf32, #tpu.memory_space<vmem>> -> memref<1x32x128xf32, #tpu.memory_space<vmem>>
      %dma_wait3A_1578 = tpu.memref_squeeze %dma_wait3A_1577 : memref<1x32x128xf32, #tpu.memory_space<vmem>> -> memref<32x128xf32, #tpu.memory_space<vmem>>
      %dma_wait3A_1579 = arith.constant 0 : i32
      %dma_wait3A_1580 = arith.constant 0 : i32
      %dma_wait3A_1581 = tpu.memref_slice %arg3[%dma_wait3A_1579, %dma_wait3A_1580] : memref<32x1000000xf32, #tpu.memory_space<hbm>> -> memref<32x128xf32, #tpu.memory_space<hbm>>
      tpu.wait_dma2 semaphore(%dma_wait3A_1574 : memref<!tpu.dma_semaphore, #tpu.memory_space<semaphore_mem>>) src(%dma_wait3A_1581 : memref<32x128xf32, #tpu.memory_space<hbm>>) dst(%dma_wait3A_1578 : memref<32x128xf32, #tpu.memory_space<vmem>>)
      %mul3A_1582 = arith.constant 16 : i32
      %mul3A_1583 = arith.muli %scan3A_1294, %mul3A_1582 : i32
      %get3A_1584 = arith.index_cast %mul3A_1583 : i32 to index
      %get3A_1585 = tpu.vector_load %arg5[%get3A_1584] {strides = array<i32>} : memref<512xi32, #tpu.memory_space<vmem>>, vector<16xi32>,
      %eq3A_1586 = arith.constant 5 : i32
      %eq3A_1587 = vector.broadcast %eq3A_1586 : i32 to vector<16xi32>
      %eq3A_1588 = arith.cmpi eq, %iota3A, %eq3A_1587 : vector<16xi32>
      %jit3A_1589 = arith.constant 0 : i32
      %broadcast_in_dim3A_1590 = vector.broadcast %jit3A_1589 : i32 to vector<16xi32>
      %select_n3A_1591 = arith.select %eq3A_1588, %get3A_1585, %broadcast_in_dim3A_1590 : vector<16xi1>, vector<16xi32>
      %reduce_sum3A_1592 = arith.constant true
      %reduce_sum3A_1593 = vector.broadcast %reduce_sum3A_1592 : i1 to vector<16xi1>
      %reduce_sum3A_1594 = tpu.scan <sum>, %select_n3A_1591 masked %reduce_sum3A_1593 : vector<16xi32>, vector<16xi1> -> vector<16xi32>
      %reduce_sum3A_1595 = vector.extract %reduce_sum3A_1594[15] : i32 from vector<16xi32>
      %and3A_1596 = arith.constant 127 : i32
      %and3A_1597 = arith.andi %reduce_sum3A_1595, %and3A_1596 : i32
      %broadcast_in_dim3A_1598 = vector.broadcast %and3A_1597 : i32 to vector<16xi32>
      %broadcast_in_dim3A_1599 = arith.constant 5 : i32
      %broadcast_in_dim3A_1600 = vector.broadcast %broadcast_in_dim3A_1599 : i32 to vector<16xi32>
      %mul3A_1601 = arith.constant 16 : i32
      %mul3A_1602 = arith.muli %scan3A_1294, %mul3A_1601 : i32
      %add3A_1603 = arith.constant 5 : i32
      %add3A_1604 = arith.addi %mul3A_1602, %add3A_1603 : i32
      %broadcast_in_dim3A_1605 = vector.broadcast %add3A_1604 : i32 to vector<16xi32>
      %gather3A_1606 = tpu.vector_load_idx %arg6[%broadcast_in_dim3A_1600, %iota3A, %broadcast_in_dim3A_1598] : memref<16x32x128xf32, #tpu.memory_space<vmem>>[vector<16xi32>, vector<16xi32>, vector<16xi32>], vector<16xf32>,
      %add3A_1607 = arith.constant 16 : i32
      %add3A_1608 = vector.broadcast %add3A_1607 : i32 to vector<16xi32>
      %add3A_1609 = arith.addi %iota3A, %add3A_1608 : vector<16xi32>
      %gather3A_1610 = tpu.vector_load_idx %arg6[%broadcast_in_dim3A_1600, %add3A_1609, %broadcast_in_dim3A_1598] : memref<16x32x128xf32, #tpu.memory_space<vmem>>[vector<16xi32>, vector<16xi32>, vector<16xi32>], vector<16xf32>,
      tpu.vector_store_idx %arg7[%iota3A, %broadcast_in_dim3A_1605], %gather3A_1606 : memref<32x512xf32, #tpu.memory_space<vmem>>[vector<16xi32>, vector<16xi32>], vector<16xf32>,
      %add3A_1611 = arith.constant 16 : i32
      %add3A_1612 = vector.broadcast %add3A_1611 : i32 to vector<16xi32>
      %add3A_1613 = arith.addi %iota3A, %add3A_1612 : vector<16xi32>
      tpu.vector_store_idx %arg7[%add3A_1613, %broadcast_in_dim3A_1605], %gather3A_1610 : memref<32x512xf32, #tpu.memory_space<vmem>>[vector<16xi32>, vector<16xi32>], vector<16xf32>,
      %lt3A_1614 = arith.constant 31 : i32
      %lt3A_1615 = arith.cmpi slt, %scan3A_1294, %lt3A_1614 : i32
      %convert_element_type3A_1616 = arith.extui %lt3A_1615 : i1 to i32
      %cond3A_1617 = arith.constant 0 : i32
      %cond3A_1618 = arith.cmpi ne, %convert_element_type3A_1616, %cond3A_1617 : i32
      scf.if %cond3A_1618 {
        %add3A_2169 = arith.constant 1 : i32
        %add3A_2170 = arith.addi %scan3A_1294, %add3A_2169 : i32
        %mul3A_2171 = arith.constant 16 : i32
        %mul3A_2172 = arith.muli %add3A_2170, %mul3A_2171 : i32
        %get3A_2173 = arith.index_cast %mul3A_2172 : i32 to index
        %get3A_2174 = tpu.vector_load %arg5[%get3A_2173] {strides = array<i32>} : memref<512xi32, #tpu.memory_space<vmem>>, vector<16xi32>,
        %eq3A_2175 = arith.constant 5 : i32
        %eq3A_2176 = vector.broadcast %eq3A_2175 : i32 to vector<16xi32>
        %eq3A_2177 = arith.cmpi eq, %iota3A, %eq3A_2176 : vector<16xi32>
        %jit3A_2178 = arith.constant 0 : i32
        %broadcast_in_dim3A_2179 = vector.broadcast %jit3A_2178 : i32 to vector<16xi32>
        %select_n3A_2180 = arith.select %eq3A_2177, %get3A_2174, %broadcast_in_dim3A_2179 : vector<16xi1>, vector<16xi32>
        %reduce_sum3A_2181 = arith.constant true
        %reduce_sum3A_2182 = vector.broadcast %reduce_sum3A_2181 : i1 to vector<16xi1>
        %reduce_sum3A_2183 = tpu.scan <sum>, %select_n3A_2180 masked %reduce_sum3A_2182 : vector<16xi32>, vector<16xi1> -> vector<16xi32>
        %reduce_sum3A_2184 = vector.extract %reduce_sum3A_2183[15] : i32 from vector<16xi32>
        %shift_right_arithmetic3A_2185 = arith.constant 7 : i32
        %shift_right_arithmetic3A_2186 = arith.shrsi %reduce_sum3A_2184, %shift_right_arithmetic3A_2185 : i32
        %mul3A_2187 = arith.constant 128 : i32
        %mul3A_2188 = arith.muli %shift_right_arithmetic3A_2186, %mul3A_2187 : i32
        %multiple_of3A_2189 = tpu.assume_multiple %mul3A_2188, 128 : i32
        %dma_start3A_2190 = arith.constant 5 : i32
        %dma_start3A_2191 = arith.constant 5 : i32
        %dma_start3A_2192 = arith.constant 0 : i32
        %dma_start3A_2193 = arith.constant 0 : i32
        %dma_start3A_2194 = tpu.memref_slice %arg6[%dma_start3A_2190, %dma_start3A_2192, %dma_start3A_2193] : memref<16x32x128xf32, #tpu.memory_space<vmem>> -> memref<1x8x128xf32, #tpu.memory_space<vmem>>
        %dma_start3A_2195 = tpu.memref_squeeze %dma_start3A_2194 : memref<1x8x128xf32, #tpu.memory_space<vmem>> -> memref<8x128xf32, #tpu.memory_space<vmem>>
        %dma_start3A_2196 = arith.constant 0 : i32
        %dma_start3A_2197 = tpu.memref_slice %arg3[%dma_start3A_2196, %multiple_of3A_2189] : memref<32x1000000xf32, #tpu.memory_space<hbm>> -> memref<8x128xf32, #tpu.memory_space<hbm>>
        %dma_start3A_2198 = tpu.memref_slice %arg8[%dma_start3A_2191] : memref<16x!tpu.dma_semaphore, #tpu.memory_space<semaphore_mem>> -> memref<1x!tpu.dma_semaphore, #tpu.memory_space<semaphore_mem>>
        %dma_start3A_2199 = tpu.memref_squeeze %dma_start3A_2198 : memref<1x!tpu.dma_semaphore, #tpu.memory_space<semaphore_mem>> -> memref<!tpu.dma_semaphore, #tpu.memory_space<semaphore_mem>>
        %dma_start3A_2200 = arith.constant 0 : i32
        %dma_start3A_2201 = arith.constant 0 : i32
        %dma_start3A_2202 = tpu.memref_slice %arg6[%dma_start3A_2190, %dma_start3A_2200, %dma_start3A_2201] : memref<16x32x128xf32, #tpu.memory_space<vmem>> -> memref<1x8x128xf32, #tpu.memory_space<vmem>>
        %dma_start3A_2203 = tpu.memref_squeeze %dma_start3A_2202 : memref<1x8x128xf32, #tpu.memory_space<vmem>> -> memref<8x128xf32, #tpu.memory_space<vmem>>
        %dma_start3A_2204 = arith.constant 0 : i32
        %dma_start3A_2205 = tpu.memref_slice %arg3[%dma_start3A_2204, %multiple_of3A_2189] : memref<32x1000000xf32, #tpu.memory_space<hbm>> -> memref<8x128xf32, #tpu.memory_space<hbm>>
        tpu.enqueue_dma source(%dma_start3A_2205 : memref<8x128xf32, #tpu.memory_space<hbm>>) target(%dma_start3A_2203 : memref<8x128xf32, #tpu.memory_space<vmem>>) target_semaphore(%dma_start3A_2199 : memref<!tpu.dma_semaphore, #tpu.memory_space<semaphore_mem>>)
        %dma_start3A_2206 = arith.constant 5 : i32
        %dma_start3A_2207 = arith.constant 5 : i32
        %dma_start3A_2208 = arith.constant 8 : i32
        %dma_start3A_2209 = arith.constant 0 : i32
        %dma_start3A_2210 = tpu.memref_slice %arg6[%dma_start3A_2206, %dma_start3A_2208, %dma_start3A_2209] : memref<16x32x128xf32, #tpu.memory_space<vmem>> -> memref<1x8x128xf32, #tpu.memory_space<vmem>>
        %dma_start3A_2211 = tpu.memref_squeeze %dma_start3A_2210 : memref<1x8x128xf32, #tpu.memory_space<vmem>> -> memref<8x128xf32, #tpu.memory_space<vmem>>
        %dma_start3A_2212 = arith.constant 8 : i32
        %dma_start3A_2213 = tpu.memref_slice %arg3[%dma_start3A_2212, %multiple_of3A_2189] : memref<32x1000000xf32, #tpu.memory_space<hbm>> -> memref<8x128xf32, #tpu.memory_space<hbm>>
        %dma_start3A_2214 = tpu.memref_slice %arg8[%dma_start3A_2207] : memref<16x!tpu.dma_semaphore, #tpu.memory_space<semaphore_mem>> -> memref<1x!tpu.dma_semaphore, #tpu.memory_space<semaphore_mem>>
        %dma_start3A_2215 = tpu.memref_squeeze %dma_start3A_2214 : memref<1x!tpu.dma_semaphore, #tpu.memory_space<semaphore_mem>> -> memref<!tpu.dma_semaphore, #tpu.memory_space<semaphore_mem>>
        %dma_start3A_2216 = arith.constant 8 : i32
        %dma_start3A_2217 = arith.constant 0 : i32
        %dma_start3A_2218 = tpu.memref_slice %arg6[%dma_start3A_2206, %dma_start3A_2216, %dma_start3A_2217] : memref<16x32x128xf32, #tpu.memory_space<vmem>> -> memref<1x8x128xf32, #tpu.memory_space<vmem>>
        %dma_start3A_2219 = tpu.memref_squeeze %dma_start3A_2218 : memref<1x8x128xf32, #tpu.memory_space<vmem>> -> memref<8x128xf32, #tpu.memory_space<vmem>>
        %dma_start3A_2220 = arith.constant 8 : i32
        %dma_start3A_2221 = tpu.memref_slice %arg3[%dma_start3A_2220, %multiple_of3A_2189] : memref<32x1000000xf32, #tpu.memory_space<hbm>> -> memref<8x128xf32, #tpu.memory_space<hbm>>
        tpu.enqueue_dma source(%dma_start3A_2221 : memref<8x128xf32, #tpu.memory_space<hbm>>) target(%dma_start3A_2219 : memref<8x128xf32, #tpu.memory_space<vmem>>) target_semaphore(%dma_start3A_2215 : memref<!tpu.dma_semaphore, #tpu.memory_space<semaphore_mem>>)
        %dma_start3A_2222 = arith.constant 5 : i32
        %dma_start3A_2223 = arith.constant 5 : i32
        %dma_start3A_2224 = arith.constant 16 : i32
        %dma_start3A_2225 = arith.constant 0 : i32
        %dma_start3A_2226 = tpu.memref_slice %arg6[%dma_start3A_2222, %dma_start3A_2224, %dma_start3A_2225] : memref<16x32x128xf32, #tpu.memory_space<vmem>> -> memref<1x8x128xf32, #tpu.memory_space<vmem>>
        %dma_start3A_2227 = tpu.memref_squeeze %dma_start3A_2226 : memref<1x8x128xf32, #tpu.memory_space<vmem>> -> memref<8x128xf32, #tpu.memory_space<vmem>>
        %dma_start3A_2228 = arith.constant 16 : i32
        %dma_start3A_2229 = tpu.memref_slice %arg3[%dma_start3A_2228, %multiple_of3A_2189] : memref<32x1000000xf32, #tpu.memory_space<hbm>> -> memref<8x128xf32, #tpu.memory_space<hbm>>
        %dma_start3A_2230 = tpu.memref_slice %arg8[%dma_start3A_2223] : memref<16x!tpu.dma_semaphore, #tpu.memory_space<semaphore_mem>> -> memref<1x!tpu.dma_semaphore, #tpu.memory_space<semaphore_mem>>
        %dma_start3A_2231 = tpu.memref_squeeze %dma_start3A_2230 : memref<1x!tpu.dma_semaphore, #tpu.memory_space<semaphore_mem>> -> memref<!tpu.dma_semaphore, #tpu.memory_space<semaphore_mem>>
        %dma_start3A_2232 = arith.constant 16 : i32
        %dma_start3A_2233 = arith.constant 0 : i32
        %dma_start3A_2234 = tpu.memref_slice %arg6[%dma_start3A_2222, %dma_start3A_2232, %dma_start3A_2233] : memref<16x32x128xf32, #tpu.memory_space<vmem>> -> memref<1x8x128xf32, #tpu.memory_space<vmem>>
        %dma_start3A_2235 = tpu.memref_squeeze %dma_start3A_2234 : memref<1x8x128xf32, #tpu.memory_space<vmem>> -> memref<8x128xf32, #tpu.memory_space<vmem>>
        %dma_start3A_2236 = arith.constant 16 : i32
        %dma_start3A_2237 = tpu.memref_slice %arg3[%dma_start3A_2236, %multiple_of3A_2189] : memref<32x1000000xf32, #tpu.memory_space<hbm>> -> memref<8x128xf32, #tpu.memory_space<hbm>>
        tpu.enqueue_dma source(%dma_start3A_2237 : memref<8x128xf32, #tpu.memory_space<hbm>>) target(%dma_start3A_2235 : memref<8x128xf32, #tpu.memory_space<vmem>>) target_semaphore(%dma_start3A_2231 : memref<!tpu.dma_semaphore, #tpu.memory_space<semaphore_mem>>)
        %dma_start3A_2238 = arith.constant 5 : i32
        %dma_start3A_2239 = arith.constant 5 : i32
        %dma_start3A_2240 = arith.constant 24 : i32
        %dma_start3A_2241 = arith.constant 0 : i32
        %dma_start3A_2242 = tpu.memref_slice %arg6[%dma_start3A_2238, %dma_start3A_2240, %dma_start3A_2241] : memref<16x32x128xf32, #tpu.memory_space<vmem>> -> memref<1x8x128xf32, #tpu.memory_space<vmem>>
        %dma_start3A_2243 = tpu.memref_squeeze %dma_start3A_2242 : memref<1x8x128xf32, #tpu.memory_space<vmem>> -> memref<8x128xf32, #tpu.memory_space<vmem>>
        %dma_start3A_2244 = arith.constant 24 : i32
        %dma_start3A_2245 = tpu.memref_slice %arg3[%dma_start3A_2244, %multiple_of3A_2189] : memref<32x1000000xf32, #tpu.memory_space<hbm>> -> memref<8x128xf32, #tpu.memory_space<hbm>>
        %dma_start3A_2246 = tpu.memref_slice %arg8[%dma_start3A_2239] : memref<16x!tpu.dma_semaphore, #tpu.memory_space<semaphore_mem>> -> memref<1x!tpu.dma_semaphore, #tpu.memory_space<semaphore_mem>>
        %dma_start3A_2247 = tpu.memref_squeeze %dma_start3A_2246 : memref<1x!tpu.dma_semaphore, #tpu.memory_space<semaphore_mem>> -> memref<!tpu.dma_semaphore, #tpu.memory_space<semaphore_mem>>
        %dma_start3A_2248 = arith.constant 24 : i32
        %dma_start3A_2249 = arith.constant 0 : i32
        %dma_start3A_2250 = tpu.memref_slice %arg6[%dma_start3A_2238, %dma_start3A_2248, %dma_start3A_2249] : memref<16x32x128xf32, #tpu.memory_space<vmem>> -> memref<1x8x128xf32, #tpu.memory_space<vmem>>
        %dma_start3A_2251 = tpu.memref_squeeze %dma_start3A_2250 : memref<1x8x128xf32, #tpu.memory_space<vmem>> -> memref<8x128xf32, #tpu.memory_space<vmem>>
        %dma_start3A_2252 = arith.constant 24 : i32
        %dma_start3A_2253 = tpu.memref_slice %arg3[%dma_start3A_2252, %multiple_of3A_2189] : memref<32x1000000xf32, #tpu.memory_space<hbm>> -> memref<8x128xf32, #tpu.memory_space<hbm>>
        tpu.enqueue_dma source(%dma_start3A_2253 : memref<8x128xf32, #tpu.memory_space<hbm>>) target(%dma_start3A_2251 : memref<8x128xf32, #tpu.memory_space<vmem>>) target_semaphore(%dma_start3A_2247 : memref<!tpu.dma_semaphore, #tpu.memory_space<semaphore_mem>>)
      } else {
      }
      %dma_wait3A_1619 = arith.constant 6 : i32
      %dma_wait3A_1620 = arith.constant 6 : i32
      %dma_wait3A_1621 = arith.constant 0 : i32
      %dma_wait3A_1622 = arith.constant 0 : i32
      %dma_wait3A_1623 = tpu.memref_slice %arg6[%dma_wait3A_1619, %dma_wait3A_1621, %dma_wait3A_1622] : memref<16x32x128xf32, #tpu.memory_space<vmem>> -> memref<1x32x128xf32, #tpu.memory_space<vmem>>
      %dma_wait3A_1624 = tpu.memref_squeeze %dma_wait3A_1623 : memref<1x32x128xf32, #tpu.memory_space<vmem>> -> memref<32x128xf32, #tpu.memory_space<vmem>>
      %dma_wait3A_1625 = arith.constant 0 : i32
      %dma_wait3A_1626 = arith.constant 0 : i32
      %dma_wait3A_1627 = tpu.memref_slice %arg3[%dma_wait3A_1625, %dma_wait3A_1626] : memref<32x1000000xf32, #tpu.memory_space<hbm>> -> memref<32x128xf32, #tpu.memory_space<hbm>>
      %dma_wait3A_1628 = tpu.memref_slice %arg8[%dma_wait3A_1620] : memref<16x!tpu.dma_semaphore, #tpu.memory_space<semaphore_mem>> -> memref<1x!tpu.dma_semaphore, #tpu.memory_space<semaphore_mem>>
      %dma_wait3A_1629 = tpu.memref_squeeze %dma_wait3A_1628 : memref<1x!tpu.dma_semaphore, #tpu.memory_space<semaphore_mem>> -> memref<!tpu.dma_semaphore, #tpu.memory_space<semaphore_mem>>
      %dma_wait3A_1630 = arith.constant 0 : i32
      %dma_wait3A_1631 = arith.constant 0 : i32
      %dma_wait3A_1632 = tpu.memref_slice %arg6[%dma_wait3A_1619, %dma_wait3A_1630, %dma_wait3A_1631] : memref<16x32x128xf32, #tpu.memory_space<vmem>> -> memref<1x32x128xf32, #tpu.memory_space<vmem>>
      %dma_wait3A_1633 = tpu.memref_squeeze %dma_wait3A_1632 : memref<1x32x128xf32, #tpu.memory_space<vmem>> -> memref<32x128xf32, #tpu.memory_space<vmem>>
      %dma_wait3A_1634 = arith.constant 0 : i32
      %dma_wait3A_1635 = arith.constant 0 : i32
      %dma_wait3A_1636 = tpu.memref_slice %arg3[%dma_wait3A_1634, %dma_wait3A_1635] : memref<32x1000000xf32, #tpu.memory_space<hbm>> -> memref<32x128xf32, #tpu.memory_space<hbm>>
      tpu.wait_dma2 semaphore(%dma_wait3A_1629 : memref<!tpu.dma_semaphore, #tpu.memory_space<semaphore_mem>>) src(%dma_wait3A_1636 : memref<32x128xf32, #tpu.memory_space<hbm>>) dst(%dma_wait3A_1633 : memref<32x128xf32, #tpu.memory_space<vmem>>)
      %mul3A_1637 = arith.constant 16 : i32
      %mul3A_1638 = arith.muli %scan3A_1294, %mul3A_1637 : i32
      %get3A_1639 = arith.index_cast %mul3A_1638 : i32 to index
      %get3A_1640 = tpu.vector_load %arg5[%get3A_1639] {strides = array<i32>} : memref<512xi32, #tpu.memory_space<vmem>>, vector<16xi32>,
      %eq3A_1641 = arith.constant 6 : i32
      %eq3A_1642 = vector.broadcast %eq3A_1641 : i32 to vector<16xi32>
      %eq3A_1643 = arith.cmpi eq, %iota3A, %eq3A_1642 : vector<16xi32>
      %jit3A_1644 = arith.constant 0 : i32
      %broadcast_in_dim3A_1645 = vector.broadcast %jit3A_1644 : i32 to vector<16xi32>
      %select_n3A_1646 = arith.select %eq3A_1643, %get3A_1640, %broadcast_in_dim3A_1645 : vector<16xi1>, vector<16xi32>
      %reduce_sum3A_1647 = arith.constant true
      %reduce_sum3A_1648 = vector.broadcast %reduce_sum3A_1647 : i1 to vector<16xi1>
      %reduce_sum3A_1649 = tpu.scan <sum>, %select_n3A_1646 masked %reduce_sum3A_1648 : vector<16xi32>, vector<16xi1> -> vector<16xi32>
      %reduce_sum3A_1650 = vector.extract %reduce_sum3A_1649[15] : i32 from vector<16xi32>
      %and3A_1651 = arith.constant 127 : i32
      %and3A_1652 = arith.andi %reduce_sum3A_1650, %and3A_1651 : i32
      %broadcast_in_dim3A_1653 = vector.broadcast %and3A_1652 : i32 to vector<16xi32>
      %broadcast_in_dim3A_1654 = arith.constant 6 : i32
      %broadcast_in_dim3A_1655 = vector.broadcast %broadcast_in_dim3A_1654 : i32 to vector<16xi32>
      %mul3A_1656 = arith.constant 16 : i32
      %mul3A_1657 = arith.muli %scan3A_1294, %mul3A_1656 : i32
      %add3A_1658 = arith.constant 6 : i32
      %add3A_1659 = arith.addi %mul3A_1657, %add3A_1658 : i32
      %broadcast_in_dim3A_1660 = vector.broadcast %add3A_1659 : i32 to vector<16xi32>
      %gather3A_1661 = tpu.vector_load_idx %arg6[%broadcast_in_dim3A_1655, %iota3A, %broadcast_in_dim3A_1653] : memref<16x32x128xf32, #tpu.memory_space<vmem>>[vector<16xi32>, vector<16xi32>, vector<16xi32>], vector<16xf32>,
      %add3A_1662 = arith.constant 16 : i32
      %add3A_1663 = vector.broadcast %add3A_1662 : i32 to vector<16xi32>
      %add3A_1664 = arith.addi %iota3A, %add3A_1663 : vector<16xi32>
      %gather3A_1665 = tpu.vector_load_idx %arg6[%broadcast_in_dim3A_1655, %add3A_1664, %broadcast_in_dim3A_1653] : memref<16x32x128xf32, #tpu.memory_space<vmem>>[vector<16xi32>, vector<16xi32>, vector<16xi32>], vector<16xf32>,
      tpu.vector_store_idx %arg7[%iota3A, %broadcast_in_dim3A_1660], %gather3A_1661 : memref<32x512xf32, #tpu.memory_space<vmem>>[vector<16xi32>, vector<16xi32>], vector<16xf32>,
      %add3A_1666 = arith.constant 16 : i32
      %add3A_1667 = vector.broadcast %add3A_1666 : i32 to vector<16xi32>
      %add3A_1668 = arith.addi %iota3A, %add3A_1667 : vector<16xi32>
      tpu.vector_store_idx %arg7[%add3A_1668, %broadcast_in_dim3A_1660], %gather3A_1665 : memref<32x512xf32, #tpu.memory_space<vmem>>[vector<16xi32>, vector<16xi32>], vector<16xf32>,
      %lt3A_1669 = arith.constant 31 : i32
      %lt3A_1670 = arith.cmpi slt, %scan3A_1294, %lt3A_1669 : i32
      %convert_element_type3A_1671 = arith.extui %lt3A_1670 : i1 to i32
      %cond3A_1672 = arith.constant 0 : i32
      %cond3A_1673 = arith.cmpi ne, %convert_element_type3A_1671, %cond3A_1672 : i32
      scf.if %cond3A_1673 {
        %add3A_2169 = arith.constant 1 : i32
        %add3A_2170 = arith.addi %scan3A_1294, %add3A_2169 : i32
        %mul3A_2171 = arith.constant 16 : i32
        %mul3A_2172 = arith.muli %add3A_2170, %mul3A_2171 : i32
        %get3A_2173 = arith.index_cast %mul3A_2172 : i32 to index
        %get3A_2174 = tpu.vector_load %arg5[%get3A_2173] {strides = array<i32>} : memref<512xi32, #tpu.memory_space<vmem>>, vector<16xi32>,
        %eq3A_2175 = arith.constant 6 : i32
        %eq3A_2176 = vector.broadcast %eq3A_2175 : i32 to vector<16xi32>
        %eq3A_2177 = arith.cmpi eq, %iota3A, %eq3A_2176 : vector<16xi32>
        %jit3A_2178 = arith.constant 0 : i32
        %broadcast_in_dim3A_2179 = vector.broadcast %jit3A_2178 : i32 to vector<16xi32>
        %select_n3A_2180 = arith.select %eq3A_2177, %get3A_2174, %broadcast_in_dim3A_2179 : vector<16xi1>, vector<16xi32>
        %reduce_sum3A_2181 = arith.constant true
        %reduce_sum3A_2182 = vector.broadcast %reduce_sum3A_2181 : i1 to vector<16xi1>
        %reduce_sum3A_2183 = tpu.scan <sum>, %select_n3A_2180 masked %reduce_sum3A_2182 : vector<16xi32>, vector<16xi1> -> vector<16xi32>
        %reduce_sum3A_2184 = vector.extract %reduce_sum3A_2183[15] : i32 from vector<16xi32>
        %shift_right_arithmetic3A_2185 = arith.constant 7 : i32
        %shift_right_arithmetic3A_2186 = arith.shrsi %reduce_sum3A_2184, %shift_right_arithmetic3A_2185 : i32
        %mul3A_2187 = arith.constant 128 : i32
        %mul3A_2188 = arith.muli %shift_right_arithmetic3A_2186, %mul3A_2187 : i32
        %multiple_of3A_2189 = tpu.assume_multiple %mul3A_2188, 128 : i32
        %dma_start3A_2190 = arith.constant 6 : i32
        %dma_start3A_2191 = arith.constant 6 : i32
        %dma_start3A_2192 = arith.constant 0 : i32
        %dma_start3A_2193 = arith.constant 0 : i32
        %dma_start3A_2194 = tpu.memref_slice %arg6[%dma_start3A_2190, %dma_start3A_2192, %dma_start3A_2193] : memref<16x32x128xf32, #tpu.memory_space<vmem>> -> memref<1x8x128xf32, #tpu.memory_space<vmem>>
        %dma_start3A_2195 = tpu.memref_squeeze %dma_start3A_2194 : memref<1x8x128xf32, #tpu.memory_space<vmem>> -> memref<8x128xf32, #tpu.memory_space<vmem>>
        %dma_start3A_2196 = arith.constant 0 : i32
        %dma_start3A_2197 = tpu.memref_slice %arg3[%dma_start3A_2196, %multiple_of3A_2189] : memref<32x1000000xf32, #tpu.memory_space<hbm>> -> memref<8x128xf32, #tpu.memory_space<hbm>>
        %dma_start3A_2198 = tpu.memref_slice %arg8[%dma_start3A_2191] : memref<16x!tpu.dma_semaphore, #tpu.memory_space<semaphore_mem>> -> memref<1x!tpu.dma_semaphore, #tpu.memory_space<semaphore_mem>>
        %dma_start3A_2199 = tpu.memref_squeeze %dma_start3A_2198 : memref<1x!tpu.dma_semaphore, #tpu.memory_space<semaphore_mem>> -> memref<!tpu.dma_semaphore, #tpu.memory_space<semaphore_mem>>
        %dma_start3A_2200 = arith.constant 0 : i32
        %dma_start3A_2201 = arith.constant 0 : i32
        %dma_start3A_2202 = tpu.memref_slice %arg6[%dma_start3A_2190, %dma_start3A_2200, %dma_start3A_2201] : memref<16x32x128xf32, #tpu.memory_space<vmem>> -> memref<1x8x128xf32, #tpu.memory_space<vmem>>
        %dma_start3A_2203 = tpu.memref_squeeze %dma_start3A_2202 : memref<1x8x128xf32, #tpu.memory_space<vmem>> -> memref<8x128xf32, #tpu.memory_space<vmem>>
        %dma_start3A_2204 = arith.constant 0 : i32
        %dma_start3A_2205 = tpu.memref_slice %arg3[%dma_start3A_2204, %multiple_of3A_2189] : memref<32x1000000xf32, #tpu.memory_space<hbm>> -> memref<8x128xf32, #tpu.memory_space<hbm>>
        tpu.enqueue_dma source(%dma_start3A_2205 : memref<8x128xf32, #tpu.memory_space<hbm>>) target(%dma_start3A_2203 : memref<8x128xf32, #tpu.memory_space<vmem>>) target_semaphore(%dma_start3A_2199 : memref<!tpu.dma_semaphore, #tpu.memory_space<semaphore_mem>>)
        %dma_start3A_2206 = arith.constant 6 : i32
        %dma_start3A_2207 = arith.constant 6 : i32
        %dma_start3A_2208 = arith.constant 8 : i32
        %dma_start3A_2209 = arith.constant 0 : i32
        %dma_start3A_2210 = tpu.memref_slice %arg6[%dma_start3A_2206, %dma_start3A_2208, %dma_start3A_2209] : memref<16x32x128xf32, #tpu.memory_space<vmem>> -> memref<1x8x128xf32, #tpu.memory_space<vmem>>
        %dma_start3A_2211 = tpu.memref_squeeze %dma_start3A_2210 : memref<1x8x128xf32, #tpu.memory_space<vmem>> -> memref<8x128xf32, #tpu.memory_space<vmem>>
        %dma_start3A_2212 = arith.constant 8 : i32
        %dma_start3A_2213 = tpu.memref_slice %arg3[%dma_start3A_2212, %multiple_of3A_2189] : memref<32x1000000xf32, #tpu.memory_space<hbm>> -> memref<8x128xf32, #tpu.memory_space<hbm>>
        %dma_start3A_2214 = tpu.memref_slice %arg8[%dma_start3A_2207] : memref<16x!tpu.dma_semaphore, #tpu.memory_space<semaphore_mem>> -> memref<1x!tpu.dma_semaphore, #tpu.memory_space<semaphore_mem>>
        %dma_start3A_2215 = tpu.memref_squeeze %dma_start3A_2214 : memref<1x!tpu.dma_semaphore, #tpu.memory_space<semaphore_mem>> -> memref<!tpu.dma_semaphore, #tpu.memory_space<semaphore_mem>>
        %dma_start3A_2216 = arith.constant 8 : i32
        %dma_start3A_2217 = arith.constant 0 : i32
        %dma_start3A_2218 = tpu.memref_slice %arg6[%dma_start3A_2206, %dma_start3A_2216, %dma_start3A_2217] : memref<16x32x128xf32, #tpu.memory_space<vmem>> -> memref<1x8x128xf32, #tpu.memory_space<vmem>>
        %dma_start3A_2219 = tpu.memref_squeeze %dma_start3A_2218 : memref<1x8x128xf32, #tpu.memory_space<vmem>> -> memref<8x128xf32, #tpu.memory_space<vmem>>
        %dma_start3A_2220 = arith.constant 8 : i32
        %dma_start3A_2221 = tpu.memref_slice %arg3[%dma_start3A_2220, %multiple_of3A_2189] : memref<32x1000000xf32, #tpu.memory_space<hbm>> -> memref<8x128xf32, #tpu.memory_space<hbm>>
        tpu.enqueue_dma source(%dma_start3A_2221 : memref<8x128xf32, #tpu.memory_space<hbm>>) target(%dma_start3A_2219 : memref<8x128xf32, #tpu.memory_space<vmem>>) target_semaphore(%dma_start3A_2215 : memref<!tpu.dma_semaphore, #tpu.memory_space<semaphore_mem>>)
        %dma_start3A_2222 = arith.constant 6 : i32
        %dma_start3A_2223 = arith.constant 6 : i32
        %dma_start3A_2224 = arith.constant 16 : i32
        %dma_start3A_2225 = arith.constant 0 : i32
        %dma_start3A_2226 = tpu.memref_slice %arg6[%dma_start3A_2222, %dma_start3A_2224, %dma_start3A_2225] : memref<16x32x128xf32, #tpu.memory_space<vmem>> -> memref<1x8x128xf32, #tpu.memory_space<vmem>>
        %dma_start3A_2227 = tpu.memref_squeeze %dma_start3A_2226 : memref<1x8x128xf32, #tpu.memory_space<vmem>> -> memref<8x128xf32, #tpu.memory_space<vmem>>
        %dma_start3A_2228 = arith.constant 16 : i32
        %dma_start3A_2229 = tpu.memref_slice %arg3[%dma_start3A_2228, %multiple_of3A_2189] : memref<32x1000000xf32, #tpu.memory_space<hbm>> -> memref<8x128xf32, #tpu.memory_space<hbm>>
        %dma_start3A_2230 = tpu.memref_slice %arg8[%dma_start3A_2223] : memref<16x!tpu.dma_semaphore, #tpu.memory_space<semaphore_mem>> -> memref<1x!tpu.dma_semaphore, #tpu.memory_space<semaphore_mem>>
        %dma_start3A_2231 = tpu.memref_squeeze %dma_start3A_2230 : memref<1x!tpu.dma_semaphore, #tpu.memory_space<semaphore_mem>> -> memref<!tpu.dma_semaphore, #tpu.memory_space<semaphore_mem>>
        %dma_start3A_2232 = arith.constant 16 : i32
        %dma_start3A_2233 = arith.constant 0 : i32
        %dma_start3A_2234 = tpu.memref_slice %arg6[%dma_start3A_2222, %dma_start3A_2232, %dma_start3A_2233] : memref<16x32x128xf32, #tpu.memory_space<vmem>> -> memref<1x8x128xf32, #tpu.memory_space<vmem>>
        %dma_start3A_2235 = tpu.memref_squeeze %dma_start3A_2234 : memref<1x8x128xf32, #tpu.memory_space<vmem>> -> memref<8x128xf32, #tpu.memory_space<vmem>>
        %dma_start3A_2236 = arith.constant 16 : i32
        %dma_start3A_2237 = tpu.memref_slice %arg3[%dma_start3A_2236, %multiple_of3A_2189] : memref<32x1000000xf32, #tpu.memory_space<hbm>> -> memref<8x128xf32, #tpu.memory_space<hbm>>
        tpu.enqueue_dma source(%dma_start3A_2237 : memref<8x128xf32, #tpu.memory_space<hbm>>) target(%dma_start3A_2235 : memref<8x128xf32, #tpu.memory_space<vmem>>) target_semaphore(%dma_start3A_2231 : memref<!tpu.dma_semaphore, #tpu.memory_space<semaphore_mem>>)
        %dma_start3A_2238 = arith.constant 6 : i32
        %dma_start3A_2239 = arith.constant 6 : i32
        %dma_start3A_2240 = arith.constant 24 : i32
        %dma_start3A_2241 = arith.constant 0 : i32
        %dma_start3A_2242 = tpu.memref_slice %arg6[%dma_start3A_2238, %dma_start3A_2240, %dma_start3A_2241] : memref<16x32x128xf32, #tpu.memory_space<vmem>> -> memref<1x8x128xf32, #tpu.memory_space<vmem>>
        %dma_start3A_2243 = tpu.memref_squeeze %dma_start3A_2242 : memref<1x8x128xf32, #tpu.memory_space<vmem>> -> memref<8x128xf32, #tpu.memory_space<vmem>>
        %dma_start3A_2244 = arith.constant 24 : i32
        %dma_start3A_2245 = tpu.memref_slice %arg3[%dma_start3A_2244, %multiple_of3A_2189] : memref<32x1000000xf32, #tpu.memory_space<hbm>> -> memref<8x128xf32, #tpu.memory_space<hbm>>
        %dma_start3A_2246 = tpu.memref_slice %arg8[%dma_start3A_2239] : memref<16x!tpu.dma_semaphore, #tpu.memory_space<semaphore_mem>> -> memref<1x!tpu.dma_semaphore, #tpu.memory_space<semaphore_mem>>
        %dma_start3A_2247 = tpu.memref_squeeze %dma_start3A_2246 : memref<1x!tpu.dma_semaphore, #tpu.memory_space<semaphore_mem>> -> memref<!tpu.dma_semaphore, #tpu.memory_space<semaphore_mem>>
        %dma_start3A_2248 = arith.constant 24 : i32
        %dma_start3A_2249 = arith.constant 0 : i32
        %dma_start3A_2250 = tpu.memref_slice %arg6[%dma_start3A_2238, %dma_start3A_2248, %dma_start3A_2249] : memref<16x32x128xf32, #tpu.memory_space<vmem>> -> memref<1x8x128xf32, #tpu.memory_space<vmem>>
        %dma_start3A_2251 = tpu.memref_squeeze %dma_start3A_2250 : memref<1x8x128xf32, #tpu.memory_space<vmem>> -> memref<8x128xf32, #tpu.memory_space<vmem>>
        %dma_start3A_2252 = arith.constant 24 : i32
        %dma_start3A_2253 = tpu.memref_slice %arg3[%dma_start3A_2252, %multiple_of3A_2189] : memref<32x1000000xf32, #tpu.memory_space<hbm>> -> memref<8x128xf32, #tpu.memory_space<hbm>>
        tpu.enqueue_dma source(%dma_start3A_2253 : memref<8x128xf32, #tpu.memory_space<hbm>>) target(%dma_start3A_2251 : memref<8x128xf32, #tpu.memory_space<vmem>>) target_semaphore(%dma_start3A_2247 : memref<!tpu.dma_semaphore, #tpu.memory_space<semaphore_mem>>)
      } else {
      }
      %dma_wait3A_1674 = arith.constant 7 : i32
      %dma_wait3A_1675 = arith.constant 7 : i32
      %dma_wait3A_1676 = arith.constant 0 : i32
      %dma_wait3A_1677 = arith.constant 0 : i32
      %dma_wait3A_1678 = tpu.memref_slice %arg6[%dma_wait3A_1674, %dma_wait3A_1676, %dma_wait3A_1677] : memref<16x32x128xf32, #tpu.memory_space<vmem>> -> memref<1x32x128xf32, #tpu.memory_space<vmem>>
      %dma_wait3A_1679 = tpu.memref_squeeze %dma_wait3A_1678 : memref<1x32x128xf32, #tpu.memory_space<vmem>> -> memref<32x128xf32, #tpu.memory_space<vmem>>
      %dma_wait3A_1680 = arith.constant 0 : i32
      %dma_wait3A_1681 = arith.constant 0 : i32
      %dma_wait3A_1682 = tpu.memref_slice %arg3[%dma_wait3A_1680, %dma_wait3A_1681] : memref<32x1000000xf32, #tpu.memory_space<hbm>> -> memref<32x128xf32, #tpu.memory_space<hbm>>
      %dma_wait3A_1683 = tpu.memref_slice %arg8[%dma_wait3A_1675] : memref<16x!tpu.dma_semaphore, #tpu.memory_space<semaphore_mem>> -> memref<1x!tpu.dma_semaphore, #tpu.memory_space<semaphore_mem>>
      %dma_wait3A_1684 = tpu.memref_squeeze %dma_wait3A_1683 : memref<1x!tpu.dma_semaphore, #tpu.memory_space<semaphore_mem>> -> memref<!tpu.dma_semaphore, #tpu.memory_space<semaphore_mem>>
      %dma_wait3A_1685 = arith.constant 0 : i32
      %dma_wait3A_1686 = arith.constant 0 : i32
      %dma_wait3A_1687 = tpu.memref_slice %arg6[%dma_wait3A_1674, %dma_wait3A_1685, %dma_wait3A_1686] : memref<16x32x128xf32, #tpu.memory_space<vmem>> -> memref<1x32x128xf32, #tpu.memory_space<vmem>>
      %dma_wait3A_1688 = tpu.memref_squeeze %dma_wait3A_1687 : memref<1x32x128xf32, #tpu.memory_space<vmem>> -> memref<32x128xf32, #tpu.memory_space<vmem>>
      %dma_wait3A_1689 = arith.constant 0 : i32
      %dma_wait3A_1690 = arith.constant 0 : i32
      %dma_wait3A_1691 = tpu.memref_slice %arg3[%dma_wait3A_1689, %dma_wait3A_1690] : memref<32x1000000xf32, #tpu.memory_space<hbm>> -> memref<32x128xf32, #tpu.memory_space<hbm>>
      tpu.wait_dma2 semaphore(%dma_wait3A_1684 : memref<!tpu.dma_semaphore, #tpu.memory_space<semaphore_mem>>) src(%dma_wait3A_1691 : memref<32x128xf32, #tpu.memory_space<hbm>>) dst(%dma_wait3A_1688 : memref<32x128xf32, #tpu.memory_space<vmem>>)
      %mul3A_1692 = arith.constant 16 : i32
      %mul3A_1693 = arith.muli %scan3A_1294, %mul3A_1692 : i32
      %get3A_1694 = arith.index_cast %mul3A_1693 : i32 to index
      %get3A_1695 = tpu.vector_load %arg5[%get3A_1694] {strides = array<i32>} : memref<512xi32, #tpu.memory_space<vmem>>, vector<16xi32>,
      %eq3A_1696 = arith.constant 7 : i32
      %eq3A_1697 = vector.broadcast %eq3A_1696 : i32 to vector<16xi32>
      %eq3A_1698 = arith.cmpi eq, %iota3A, %eq3A_1697 : vector<16xi32>
      %jit3A_1699 = arith.constant 0 : i32
      %broadcast_in_dim3A_1700 = vector.broadcast %jit3A_1699 : i32 to vector<16xi32>
      %select_n3A_1701 = arith.select %eq3A_1698, %get3A_1695, %broadcast_in_dim3A_1700 : vector<16xi1>, vector<16xi32>
      %reduce_sum3A_1702 = arith.constant true
      %reduce_sum3A_1703 = vector.broadcast %reduce_sum3A_1702 : i1 to vector<16xi1>
      %reduce_sum3A_1704 = tpu.scan <sum>, %select_n3A_1701 masked %reduce_sum3A_1703 : vector<16xi32>, vector<16xi1> -> vector<16xi32>
      %reduce_sum3A_1705 = vector.extract %reduce_sum3A_1704[15] : i32 from vector<16xi32>
      %and3A_1706 = arith.constant 127 : i32
      %and3A_1707 = arith.andi %reduce_sum3A_1705, %and3A_1706 : i32
      %broadcast_in_dim3A_1708 = vector.broadcast %and3A_1707 : i32 to vector<16xi32>
      %broadcast_in_dim3A_1709 = arith.constant 7 : i32
      %broadcast_in_dim3A_1710 = vector.broadcast %broadcast_in_dim3A_1709 : i32 to vector<16xi32>
      %mul3A_1711 = arith.constant 16 : i32
      %mul3A_1712 = arith.muli %scan3A_1294, %mul3A_1711 : i32
      %add3A_1713 = arith.constant 7 : i32
      %add3A_1714 = arith.addi %mul3A_1712, %add3A_1713 : i32
      %broadcast_in_dim3A_1715 = vector.broadcast %add3A_1714 : i32 to vector<16xi32>
      %gather3A_1716 = tpu.vector_load_idx %arg6[%broadcast_in_dim3A_1710, %iota3A, %broadcast_in_dim3A_1708] : memref<16x32x128xf32, #tpu.memory_space<vmem>>[vector<16xi32>, vector<16xi32>, vector<16xi32>], vector<16xf32>,
      %add3A_1717 = arith.constant 16 : i32
      %add3A_1718 = vector.broadcast %add3A_1717 : i32 to vector<16xi32>
      %add3A_1719 = arith.addi %iota3A, %add3A_1718 : vector<16xi32>
      %gather3A_1720 = tpu.vector_load_idx %arg6[%broadcast_in_dim3A_1710, %add3A_1719, %broadcast_in_dim3A_1708] : memref<16x32x128xf32, #tpu.memory_space<vmem>>[vector<16xi32>, vector<16xi32>, vector<16xi32>], vector<16xf32>,
      tpu.vector_store_idx %arg7[%iota3A, %broadcast_in_dim3A_1715], %gather3A_1716 : memref<32x512xf32, #tpu.memory_space<vmem>>[vector<16xi32>, vector<16xi32>], vector<16xf32>,
      %add3A_1721 = arith.constant 16 : i32
      %add3A_1722 = vector.broadcast %add3A_1721 : i32 to vector<16xi32>
      %add3A_1723 = arith.addi %iota3A, %add3A_1722 : vector<16xi32>
      tpu.vector_store_idx %arg7[%add3A_1723, %broadcast_in_dim3A_1715], %gather3A_1720 : memref<32x512xf32, #tpu.memory_space<vmem>>[vector<16xi32>, vector<16xi32>], vector<16xf32>,
      %lt3A_1724 = arith.constant 31 : i32
      %lt3A_1725 = arith.cmpi slt, %scan3A_1294, %lt3A_1724 : i32
      %convert_element_type3A_1726 = arith.extui %lt3A_1725 : i1 to i32
      %cond3A_1727 = arith.constant 0 : i32
      %cond3A_1728 = arith.cmpi ne, %convert_element_type3A_1726, %cond3A_1727 : i32
      scf.if %cond3A_1728 {
        %add3A_2169 = arith.constant 1 : i32
        %add3A_2170 = arith.addi %scan3A_1294, %add3A_2169 : i32
        %mul3A_2171 = arith.constant 16 : i32
        %mul3A_2172 = arith.muli %add3A_2170, %mul3A_2171 : i32
        %get3A_2173 = arith.index_cast %mul3A_2172 : i32 to index
        %get3A_2174 = tpu.vector_load %arg5[%get3A_2173] {strides = array<i32>} : memref<512xi32, #tpu.memory_space<vmem>>, vector<16xi32>,
        %eq3A_2175 = arith.constant 7 : i32
        %eq3A_2176 = vector.broadcast %eq3A_2175 : i32 to vector<16xi32>
        %eq3A_2177 = arith.cmpi eq, %iota3A, %eq3A_2176 : vector<16xi32>
        %jit3A_2178 = arith.constant 0 : i32
        %broadcast_in_dim3A_2179 = vector.broadcast %jit3A_2178 : i32 to vector<16xi32>
        %select_n3A_2180 = arith.select %eq3A_2177, %get3A_2174, %broadcast_in_dim3A_2179 : vector<16xi1>, vector<16xi32>
        %reduce_sum3A_2181 = arith.constant true
        %reduce_sum3A_2182 = vector.broadcast %reduce_sum3A_2181 : i1 to vector<16xi1>
        %reduce_sum3A_2183 = tpu.scan <sum>, %select_n3A_2180 masked %reduce_sum3A_2182 : vector<16xi32>, vector<16xi1> -> vector<16xi32>
        %reduce_sum3A_2184 = vector.extract %reduce_sum3A_2183[15] : i32 from vector<16xi32>
        %shift_right_arithmetic3A_2185 = arith.constant 7 : i32
        %shift_right_arithmetic3A_2186 = arith.shrsi %reduce_sum3A_2184, %shift_right_arithmetic3A_2185 : i32
        %mul3A_2187 = arith.constant 128 : i32
        %mul3A_2188 = arith.muli %shift_right_arithmetic3A_2186, %mul3A_2187 : i32
        %multiple_of3A_2189 = tpu.assume_multiple %mul3A_2188, 128 : i32
        %dma_start3A_2190 = arith.constant 7 : i32
        %dma_start3A_2191 = arith.constant 7 : i32
        %dma_start3A_2192 = arith.constant 0 : i32
        %dma_start3A_2193 = arith.constant 0 : i32
        %dma_start3A_2194 = tpu.memref_slice %arg6[%dma_start3A_2190, %dma_start3A_2192, %dma_start3A_2193] : memref<16x32x128xf32, #tpu.memory_space<vmem>> -> memref<1x8x128xf32, #tpu.memory_space<vmem>>
        %dma_start3A_2195 = tpu.memref_squeeze %dma_start3A_2194 : memref<1x8x128xf32, #tpu.memory_space<vmem>> -> memref<8x128xf32, #tpu.memory_space<vmem>>
        %dma_start3A_2196 = arith.constant 0 : i32
        %dma_start3A_2197 = tpu.memref_slice %arg3[%dma_start3A_2196, %multiple_of3A_2189] : memref<32x1000000xf32, #tpu.memory_space<hbm>> -> memref<8x128xf32, #tpu.memory_space<hbm>>
        %dma_start3A_2198 = tpu.memref_slice %arg8[%dma_start3A_2191] : memref<16x!tpu.dma_semaphore, #tpu.memory_space<semaphore_mem>> -> memref<1x!tpu.dma_semaphore, #tpu.memory_space<semaphore_mem>>
        %dma_start3A_2199 = tpu.memref_squeeze %dma_start3A_2198 : memref<1x!tpu.dma_semaphore, #tpu.memory_space<semaphore_mem>> -> memref<!tpu.dma_semaphore, #tpu.memory_space<semaphore_mem>>
        %dma_start3A_2200 = arith.constant 0 : i32
        %dma_start3A_2201 = arith.constant 0 : i32
        %dma_start3A_2202 = tpu.memref_slice %arg6[%dma_start3A_2190, %dma_start3A_2200, %dma_start3A_2201] : memref<16x32x128xf32, #tpu.memory_space<vmem>> -> memref<1x8x128xf32, #tpu.memory_space<vmem>>
        %dma_start3A_2203 = tpu.memref_squeeze %dma_start3A_2202 : memref<1x8x128xf32, #tpu.memory_space<vmem>> -> memref<8x128xf32, #tpu.memory_space<vmem>>
        %dma_start3A_2204 = arith.constant 0 : i32
        %dma_start3A_2205 = tpu.memref_slice %arg3[%dma_start3A_2204, %multiple_of3A_2189] : memref<32x1000000xf32, #tpu.memory_space<hbm>> -> memref<8x128xf32, #tpu.memory_space<hbm>>
        tpu.enqueue_dma source(%dma_start3A_2205 : memref<8x128xf32, #tpu.memory_space<hbm>>) target(%dma_start3A_2203 : memref<8x128xf32, #tpu.memory_space<vmem>>) target_semaphore(%dma_start3A_2199 : memref<!tpu.dma_semaphore, #tpu.memory_space<semaphore_mem>>)
        %dma_start3A_2206 = arith.constant 7 : i32
        %dma_start3A_2207 = arith.constant 7 : i32
        %dma_start3A_2208 = arith.constant 8 : i32
        %dma_start3A_2209 = arith.constant 0 : i32
        %dma_start3A_2210 = tpu.memref_slice %arg6[%dma_start3A_2206, %dma_start3A_2208, %dma_start3A_2209] : memref<16x32x128xf32, #tpu.memory_space<vmem>> -> memref<1x8x128xf32, #tpu.memory_space<vmem>>
        %dma_start3A_2211 = tpu.memref_squeeze %dma_start3A_2210 : memref<1x8x128xf32, #tpu.memory_space<vmem>> -> memref<8x128xf32, #tpu.memory_space<vmem>>
        %dma_start3A_2212 = arith.constant 8 : i32
        %dma_start3A_2213 = tpu.memref_slice %arg3[%dma_start3A_2212, %multiple_of3A_2189] : memref<32x1000000xf32, #tpu.memory_space<hbm>> -> memref<8x128xf32, #tpu.memory_space<hbm>>
        %dma_start3A_2214 = tpu.memref_slice %arg8[%dma_start3A_2207] : memref<16x!tpu.dma_semaphore, #tpu.memory_space<semaphore_mem>> -> memref<1x!tpu.dma_semaphore, #tpu.memory_space<semaphore_mem>>
        %dma_start3A_2215 = tpu.memref_squeeze %dma_start3A_2214 : memref<1x!tpu.dma_semaphore, #tpu.memory_space<semaphore_mem>> -> memref<!tpu.dma_semaphore, #tpu.memory_space<semaphore_mem>>
        %dma_start3A_2216 = arith.constant 8 : i32
        %dma_start3A_2217 = arith.constant 0 : i32
        %dma_start3A_2218 = tpu.memref_slice %arg6[%dma_start3A_2206, %dma_start3A_2216, %dma_start3A_2217] : memref<16x32x128xf32, #tpu.memory_space<vmem>> -> memref<1x8x128xf32, #tpu.memory_space<vmem>>
        %dma_start3A_2219 = tpu.memref_squeeze %dma_start3A_2218 : memref<1x8x128xf32, #tpu.memory_space<vmem>> -> memref<8x128xf32, #tpu.memory_space<vmem>>
        %dma_start3A_2220 = arith.constant 8 : i32
        %dma_start3A_2221 = tpu.memref_slice %arg3[%dma_start3A_2220, %multiple_of3A_2189] : memref<32x1000000xf32, #tpu.memory_space<hbm>> -> memref<8x128xf32, #tpu.memory_space<hbm>>
        tpu.enqueue_dma source(%dma_start3A_2221 : memref<8x128xf32, #tpu.memory_space<hbm>>) target(%dma_start3A_2219 : memref<8x128xf32, #tpu.memory_space<vmem>>) target_semaphore(%dma_start3A_2215 : memref<!tpu.dma_semaphore, #tpu.memory_space<semaphore_mem>>)
        %dma_start3A_2222 = arith.constant 7 : i32
        %dma_start3A_2223 = arith.constant 7 : i32
        %dma_start3A_2224 = arith.constant 16 : i32
        %dma_start3A_2225 = arith.constant 0 : i32
        %dma_start3A_2226 = tpu.memref_slice %arg6[%dma_start3A_2222, %dma_start3A_2224, %dma_start3A_2225] : memref<16x32x128xf32, #tpu.memory_space<vmem>> -> memref<1x8x128xf32, #tpu.memory_space<vmem>>
        %dma_start3A_2227 = tpu.memref_squeeze %dma_start3A_2226 : memref<1x8x128xf32, #tpu.memory_space<vmem>> -> memref<8x128xf32, #tpu.memory_space<vmem>>
        %dma_start3A_2228 = arith.constant 16 : i32
        %dma_start3A_2229 = tpu.memref_slice %arg3[%dma_start3A_2228, %multiple_of3A_2189] : memref<32x1000000xf32, #tpu.memory_space<hbm>> -> memref<8x128xf32, #tpu.memory_space<hbm>>
        %dma_start3A_2230 = tpu.memref_slice %arg8[%dma_start3A_2223] : memref<16x!tpu.dma_semaphore, #tpu.memory_space<semaphore_mem>> -> memref<1x!tpu.dma_semaphore, #tpu.memory_space<semaphore_mem>>
        %dma_start3A_2231 = tpu.memref_squeeze %dma_start3A_2230 : memref<1x!tpu.dma_semaphore, #tpu.memory_space<semaphore_mem>> -> memref<!tpu.dma_semaphore, #tpu.memory_space<semaphore_mem>>
        %dma_start3A_2232 = arith.constant 16 : i32
        %dma_start3A_2233 = arith.constant 0 : i32
        %dma_start3A_2234 = tpu.memref_slice %arg6[%dma_start3A_2222, %dma_start3A_2232, %dma_start3A_2233] : memref<16x32x128xf32, #tpu.memory_space<vmem>> -> memref<1x8x128xf32, #tpu.memory_space<vmem>>
        %dma_start3A_2235 = tpu.memref_squeeze %dma_start3A_2234 : memref<1x8x128xf32, #tpu.memory_space<vmem>> -> memref<8x128xf32, #tpu.memory_space<vmem>>
        %dma_start3A_2236 = arith.constant 16 : i32
        %dma_start3A_2237 = tpu.memref_slice %arg3[%dma_start3A_2236, %multiple_of3A_2189] : memref<32x1000000xf32, #tpu.memory_space<hbm>> -> memref<8x128xf32, #tpu.memory_space<hbm>>
        tpu.enqueue_dma source(%dma_start3A_2237 : memref<8x128xf32, #tpu.memory_space<hbm>>) target(%dma_start3A_2235 : memref<8x128xf32, #tpu.memory_space<vmem>>) target_semaphore(%dma_start3A_2231 : memref<!tpu.dma_semaphore, #tpu.memory_space<semaphore_mem>>)
        %dma_start3A_2238 = arith.constant 7 : i32
        %dma_start3A_2239 = arith.constant 7 : i32
        %dma_start3A_2240 = arith.constant 24 : i32
        %dma_start3A_2241 = arith.constant 0 : i32
        %dma_start3A_2242 = tpu.memref_slice %arg6[%dma_start3A_2238, %dma_start3A_2240, %dma_start3A_2241] : memref<16x32x128xf32, #tpu.memory_space<vmem>> -> memref<1x8x128xf32, #tpu.memory_space<vmem>>
        %dma_start3A_2243 = tpu.memref_squeeze %dma_start3A_2242 : memref<1x8x128xf32, #tpu.memory_space<vmem>> -> memref<8x128xf32, #tpu.memory_space<vmem>>
        %dma_start3A_2244 = arith.constant 24 : i32
        %dma_start3A_2245 = tpu.memref_slice %arg3[%dma_start3A_2244, %multiple_of3A_2189] : memref<32x1000000xf32, #tpu.memory_space<hbm>> -> memref<8x128xf32, #tpu.memory_space<hbm>>
        %dma_start3A_2246 = tpu.memref_slice %arg8[%dma_start3A_2239] : memref<16x!tpu.dma_semaphore, #tpu.memory_space<semaphore_mem>> -> memref<1x!tpu.dma_semaphore, #tpu.memory_space<semaphore_mem>>
        %dma_start3A_2247 = tpu.memref_squeeze %dma_start3A_2246 : memref<1x!tpu.dma_semaphore, #tpu.memory_space<semaphore_mem>> -> memref<!tpu.dma_semaphore, #tpu.memory_space<semaphore_mem>>
        %dma_start3A_2248 = arith.constant 24 : i32
        %dma_start3A_2249 = arith.constant 0 : i32
        %dma_start3A_2250 = tpu.memref_slice %arg6[%dma_start3A_2238, %dma_start3A_2248, %dma_start3A_2249] : memref<16x32x128xf32, #tpu.memory_space<vmem>> -> memref<1x8x128xf32, #tpu.memory_space<vmem>>
        %dma_start3A_2251 = tpu.memref_squeeze %dma_start3A_2250 : memref<1x8x128xf32, #tpu.memory_space<vmem>> -> memref<8x128xf32, #tpu.memory_space<vmem>>
        %dma_start3A_2252 = arith.constant 24 : i32
        %dma_start3A_2253 = tpu.memref_slice %arg3[%dma_start3A_2252, %multiple_of3A_2189] : memref<32x1000000xf32, #tpu.memory_space<hbm>> -> memref<8x128xf32, #tpu.memory_space<hbm>>
        tpu.enqueue_dma source(%dma_start3A_2253 : memref<8x128xf32, #tpu.memory_space<hbm>>) target(%dma_start3A_2251 : memref<8x128xf32, #tpu.memory_space<vmem>>) target_semaphore(%dma_start3A_2247 : memref<!tpu.dma_semaphore, #tpu.memory_space<semaphore_mem>>)
      } else {
      }
      %dma_wait3A_1729 = arith.constant 8 : i32
      %dma_wait3A_1730 = arith.constant 8 : i32
      %dma_wait3A_1731 = arith.constant 0 : i32
      %dma_wait3A_1732 = arith.constant 0 : i32
      %dma_wait3A_1733 = tpu.memref_slice %arg6[%dma_wait3A_1729, %dma_wait3A_1731, %dma_wait3A_1732] : memref<16x32x128xf32, #tpu.memory_space<vmem>> -> memref<1x32x128xf32, #tpu.memory_space<vmem>>
      %dma_wait3A_1734 = tpu.memref_squeeze %dma_wait3A_1733 : memref<1x32x128xf32, #tpu.memory_space<vmem>> -> memref<32x128xf32, #tpu.memory_space<vmem>>
      %dma_wait3A_1735 = arith.constant 0 : i32
      %dma_wait3A_1736 = arith.constant 0 : i32
      %dma_wait3A_1737 = tpu.memref_slice %arg3[%dma_wait3A_1735, %dma_wait3A_1736] : memref<32x1000000xf32, #tpu.memory_space<hbm>> -> memref<32x128xf32, #tpu.memory_space<hbm>>
      %dma_wait3A_1738 = tpu.memref_slice %arg8[%dma_wait3A_1730] : memref<16x!tpu.dma_semaphore, #tpu.memory_space<semaphore_mem>> -> memref<1x!tpu.dma_semaphore, #tpu.memory_space<semaphore_mem>>
      %dma_wait3A_1739 = tpu.memref_squeeze %dma_wait3A_1738 : memref<1x!tpu.dma_semaphore, #tpu.memory_space<semaphore_mem>> -> memref<!tpu.dma_semaphore, #tpu.memory_space<semaphore_mem>>
      %dma_wait3A_1740 = arith.constant 0 : i32
      %dma_wait3A_1741 = arith.constant 0 : i32
      %dma_wait3A_1742 = tpu.memref_slice %arg6[%dma_wait3A_1729, %dma_wait3A_1740, %dma_wait3A_1741] : memref<16x32x128xf32, #tpu.memory_space<vmem>> -> memref<1x32x128xf32, #tpu.memory_space<vmem>>
      %dma_wait3A_1743 = tpu.memref_squeeze %dma_wait3A_1742 : memref<1x32x128xf32, #tpu.memory_space<vmem>> -> memref<32x128xf32, #tpu.memory_space<vmem>>
      %dma_wait3A_1744 = arith.constant 0 : i32
      %dma_wait3A_1745 = arith.constant 0 : i32
      %dma_wait3A_1746 = tpu.memref_slice %arg3[%dma_wait3A_1744, %dma_wait3A_1745] : memref<32x1000000xf32, #tpu.memory_space<hbm>> -> memref<32x128xf32, #tpu.memory_space<hbm>>
      tpu.wait_dma2 semaphore(%dma_wait3A_1739 : memref<!tpu.dma_semaphore, #tpu.memory_space<semaphore_mem>>) src(%dma_wait3A_1746 : memref<32x128xf32, #tpu.memory_space<hbm>>) dst(%dma_wait3A_1743 : memref<32x128xf32, #tpu.memory_space<vmem>>)
      %mul3A_1747 = arith.constant 16 : i32
      %mul3A_1748 = arith.muli %scan3A_1294, %mul3A_1747 : i32
      %get3A_1749 = arith.index_cast %mul3A_1748 : i32 to index
      %get3A_1750 = tpu.vector_load %arg5[%get3A_1749] {strides = array<i32>} : memref<512xi32, #tpu.memory_space<vmem>>, vector<16xi32>,
      %eq3A_1751 = arith.constant 8 : i32
      %eq3A_1752 = vector.broadcast %eq3A_1751 : i32 to vector<16xi32>
      %eq3A_1753 = arith.cmpi eq, %iota3A, %eq3A_1752 : vector<16xi32>
      %jit3A_1754 = arith.constant 0 : i32
      %broadcast_in_dim3A_1755 = vector.broadcast %jit3A_1754 : i32 to vector<16xi32>
      %select_n3A_1756 = arith.select %eq3A_1753, %get3A_1750, %broadcast_in_dim3A_1755 : vector<16xi1>, vector<16xi32>
      %reduce_sum3A_1757 = arith.constant true
      %reduce_sum3A_1758 = vector.broadcast %reduce_sum3A_1757 : i1 to vector<16xi1>
      %reduce_sum3A_1759 = tpu.scan <sum>, %select_n3A_1756 masked %reduce_sum3A_1758 : vector<16xi32>, vector<16xi1> -> vector<16xi32>
      %reduce_sum3A_1760 = vector.extract %reduce_sum3A_1759[15] : i32 from vector<16xi32>
      %and3A_1761 = arith.constant 127 : i32
      %and3A_1762 = arith.andi %reduce_sum3A_1760, %and3A_1761 : i32
      %broadcast_in_dim3A_1763 = vector.broadcast %and3A_1762 : i32 to vector<16xi32>
      %broadcast_in_dim3A_1764 = arith.constant 8 : i32
      %broadcast_in_dim3A_1765 = vector.broadcast %broadcast_in_dim3A_1764 : i32 to vector<16xi32>
      %mul3A_1766 = arith.constant 16 : i32
      %mul3A_1767 = arith.muli %scan3A_1294, %mul3A_1766 : i32
      %add3A_1768 = arith.constant 8 : i32
      %add3A_1769 = arith.addi %mul3A_1767, %add3A_1768 : i32
      %broadcast_in_dim3A_1770 = vector.broadcast %add3A_1769 : i32 to vector<16xi32>
      %gather3A_1771 = tpu.vector_load_idx %arg6[%broadcast_in_dim3A_1765, %iota3A, %broadcast_in_dim3A_1763] : memref<16x32x128xf32, #tpu.memory_space<vmem>>[vector<16xi32>, vector<16xi32>, vector<16xi32>], vector<16xf32>,
      %add3A_1772 = arith.constant 16 : i32
      %add3A_1773 = vector.broadcast %add3A_1772 : i32 to vector<16xi32>
      %add3A_1774 = arith.addi %iota3A, %add3A_1773 : vector<16xi32>
      %gather3A_1775 = tpu.vector_load_idx %arg6[%broadcast_in_dim3A_1765, %add3A_1774, %broadcast_in_dim3A_1763] : memref<16x32x128xf32, #tpu.memory_space<vmem>>[vector<16xi32>, vector<16xi32>, vector<16xi32>], vector<16xf32>,
      tpu.vector_store_idx %arg7[%iota3A, %broadcast_in_dim3A_1770], %gather3A_1771 : memref<32x512xf32, #tpu.memory_space<vmem>>[vector<16xi32>, vector<16xi32>], vector<16xf32>,
      %add3A_1776 = arith.constant 16 : i32
      %add3A_1777 = vector.broadcast %add3A_1776 : i32 to vector<16xi32>
      %add3A_1778 = arith.addi %iota3A, %add3A_1777 : vector<16xi32>
      tpu.vector_store_idx %arg7[%add3A_1778, %broadcast_in_dim3A_1770], %gather3A_1775 : memref<32x512xf32, #tpu.memory_space<vmem>>[vector<16xi32>, vector<16xi32>], vector<16xf32>,
      %lt3A_1779 = arith.constant 31 : i32
      %lt3A_1780 = arith.cmpi slt, %scan3A_1294, %lt3A_1779 : i32
      %convert_element_type3A_1781 = arith.extui %lt3A_1780 : i1 to i32
      %cond3A_1782 = arith.constant 0 : i32
      %cond3A_1783 = arith.cmpi ne, %convert_element_type3A_1781, %cond3A_1782 : i32
      scf.if %cond3A_1783 {
        %add3A_2169 = arith.constant 1 : i32
        %add3A_2170 = arith.addi %scan3A_1294, %add3A_2169 : i32
        %mul3A_2171 = arith.constant 16 : i32
        %mul3A_2172 = arith.muli %add3A_2170, %mul3A_2171 : i32
        %get3A_2173 = arith.index_cast %mul3A_2172 : i32 to index
        %get3A_2174 = tpu.vector_load %arg5[%get3A_2173] {strides = array<i32>} : memref<512xi32, #tpu.memory_space<vmem>>, vector<16xi32>,
        %eq3A_2175 = arith.constant 8 : i32
        %eq3A_2176 = vector.broadcast %eq3A_2175 : i32 to vector<16xi32>
        %eq3A_2177 = arith.cmpi eq, %iota3A, %eq3A_2176 : vector<16xi32>
        %jit3A_2178 = arith.constant 0 : i32
        %broadcast_in_dim3A_2179 = vector.broadcast %jit3A_2178 : i32 to vector<16xi32>
        %select_n3A_2180 = arith.select %eq3A_2177, %get3A_2174, %broadcast_in_dim3A_2179 : vector<16xi1>, vector<16xi32>
        %reduce_sum3A_2181 = arith.constant true
        %reduce_sum3A_2182 = vector.broadcast %reduce_sum3A_2181 : i1 to vector<16xi1>
        %reduce_sum3A_2183 = tpu.scan <sum>, %select_n3A_2180 masked %reduce_sum3A_2182 : vector<16xi32>, vector<16xi1> -> vector<16xi32>
        %reduce_sum3A_2184 = vector.extract %reduce_sum3A_2183[15] : i32 from vector<16xi32>
        %shift_right_arithmetic3A_2185 = arith.constant 7 : i32
        %shift_right_arithmetic3A_2186 = arith.shrsi %reduce_sum3A_2184, %shift_right_arithmetic3A_2185 : i32
        %mul3A_2187 = arith.constant 128 : i32
        %mul3A_2188 = arith.muli %shift_right_arithmetic3A_2186, %mul3A_2187 : i32
        %multiple_of3A_2189 = tpu.assume_multiple %mul3A_2188, 128 : i32
        %dma_start3A_2190 = arith.constant 8 : i32
        %dma_start3A_2191 = arith.constant 8 : i32
        %dma_start3A_2192 = arith.constant 0 : i32
        %dma_start3A_2193 = arith.constant 0 : i32
        %dma_start3A_2194 = tpu.memref_slice %arg6[%dma_start3A_2190, %dma_start3A_2192, %dma_start3A_2193] : memref<16x32x128xf32, #tpu.memory_space<vmem>> -> memref<1x8x128xf32, #tpu.memory_space<vmem>>
        %dma_start3A_2195 = tpu.memref_squeeze %dma_start3A_2194 : memref<1x8x128xf32, #tpu.memory_space<vmem>> -> memref<8x128xf32, #tpu.memory_space<vmem>>
        %dma_start3A_2196 = arith.constant 0 : i32
        %dma_start3A_2197 = tpu.memref_slice %arg3[%dma_start3A_2196, %multiple_of3A_2189] : memref<32x1000000xf32, #tpu.memory_space<hbm>> -> memref<8x128xf32, #tpu.memory_space<hbm>>
        %dma_start3A_2198 = tpu.memref_slice %arg8[%dma_start3A_2191] : memref<16x!tpu.dma_semaphore, #tpu.memory_space<semaphore_mem>> -> memref<1x!tpu.dma_semaphore, #tpu.memory_space<semaphore_mem>>
        %dma_start3A_2199 = tpu.memref_squeeze %dma_start3A_2198 : memref<1x!tpu.dma_semaphore, #tpu.memory_space<semaphore_mem>> -> memref<!tpu.dma_semaphore, #tpu.memory_space<semaphore_mem>>
        %dma_start3A_2200 = arith.constant 0 : i32
        %dma_start3A_2201 = arith.constant 0 : i32
        %dma_start3A_2202 = tpu.memref_slice %arg6[%dma_start3A_2190, %dma_start3A_2200, %dma_start3A_2201] : memref<16x32x128xf32, #tpu.memory_space<vmem>> -> memref<1x8x128xf32, #tpu.memory_space<vmem>>
        %dma_start3A_2203 = tpu.memref_squeeze %dma_start3A_2202 : memref<1x8x128xf32, #tpu.memory_space<vmem>> -> memref<8x128xf32, #tpu.memory_space<vmem>>
        %dma_start3A_2204 = arith.constant 0 : i32
        %dma_start3A_2205 = tpu.memref_slice %arg3[%dma_start3A_2204, %multiple_of3A_2189] : memref<32x1000000xf32, #tpu.memory_space<hbm>> -> memref<8x128xf32, #tpu.memory_space<hbm>>
        tpu.enqueue_dma source(%dma_start3A_2205 : memref<8x128xf32, #tpu.memory_space<hbm>>) target(%dma_start3A_2203 : memref<8x128xf32, #tpu.memory_space<vmem>>) target_semaphore(%dma_start3A_2199 : memref<!tpu.dma_semaphore, #tpu.memory_space<semaphore_mem>>)
        %dma_start3A_2206 = arith.constant 8 : i32
        %dma_start3A_2207 = arith.constant 8 : i32
        %dma_start3A_2208 = arith.constant 8 : i32
        %dma_start3A_2209 = arith.constant 0 : i32
        %dma_start3A_2210 = tpu.memref_slice %arg6[%dma_start3A_2206, %dma_start3A_2208, %dma_start3A_2209] : memref<16x32x128xf32, #tpu.memory_space<vmem>> -> memref<1x8x128xf32, #tpu.memory_space<vmem>>
        %dma_start3A_2211 = tpu.memref_squeeze %dma_start3A_2210 : memref<1x8x128xf32, #tpu.memory_space<vmem>> -> memref<8x128xf32, #tpu.memory_space<vmem>>
        %dma_start3A_2212 = arith.constant 8 : i32
        %dma_start3A_2213 = tpu.memref_slice %arg3[%dma_start3A_2212, %multiple_of3A_2189] : memref<32x1000000xf32, #tpu.memory_space<hbm>> -> memref<8x128xf32, #tpu.memory_space<hbm>>
        %dma_start3A_2214 = tpu.memref_slice %arg8[%dma_start3A_2207] : memref<16x!tpu.dma_semaphore, #tpu.memory_space<semaphore_mem>> -> memref<1x!tpu.dma_semaphore, #tpu.memory_space<semaphore_mem>>
        %dma_start3A_2215 = tpu.memref_squeeze %dma_start3A_2214 : memref<1x!tpu.dma_semaphore, #tpu.memory_space<semaphore_mem>> -> memref<!tpu.dma_semaphore, #tpu.memory_space<semaphore_mem>>
        %dma_start3A_2216 = arith.constant 8 : i32
        %dma_start3A_2217 = arith.constant 0 : i32
        %dma_start3A_2218 = tpu.memref_slice %arg6[%dma_start3A_2206, %dma_start3A_2216, %dma_start3A_2217] : memref<16x32x128xf32, #tpu.memory_space<vmem>> -> memref<1x8x128xf32, #tpu.memory_space<vmem>>
        %dma_start3A_2219 = tpu.memref_squeeze %dma_start3A_2218 : memref<1x8x128xf32, #tpu.memory_space<vmem>> -> memref<8x128xf32, #tpu.memory_space<vmem>>
        %dma_start3A_2220 = arith.constant 8 : i32
        %dma_start3A_2221 = tpu.memref_slice %arg3[%dma_start3A_2220, %multiple_of3A_2189] : memref<32x1000000xf32, #tpu.memory_space<hbm>> -> memref<8x128xf32, #tpu.memory_space<hbm>>
        tpu.enqueue_dma source(%dma_start3A_2221 : memref<8x128xf32, #tpu.memory_space<hbm>>) target(%dma_start3A_2219 : memref<8x128xf32, #tpu.memory_space<vmem>>) target_semaphore(%dma_start3A_2215 : memref<!tpu.dma_semaphore, #tpu.memory_space<semaphore_mem>>)
        %dma_start3A_2222 = arith.constant 8 : i32
        %dma_start3A_2223 = arith.constant 8 : i32
        %dma_start3A_2224 = arith.constant 16 : i32
        %dma_start3A_2225 = arith.constant 0 : i32
        %dma_start3A_2226 = tpu.memref_slice %arg6[%dma_start3A_2222, %dma_start3A_2224, %dma_start3A_2225] : memref<16x32x128xf32, #tpu.memory_space<vmem>> -> memref<1x8x128xf32, #tpu.memory_space<vmem>>
        %dma_start3A_2227 = tpu.memref_squeeze %dma_start3A_2226 : memref<1x8x128xf32, #tpu.memory_space<vmem>> -> memref<8x128xf32, #tpu.memory_space<vmem>>
        %dma_start3A_2228 = arith.constant 16 : i32
        %dma_start3A_2229 = tpu.memref_slice %arg3[%dma_start3A_2228, %multiple_of3A_2189] : memref<32x1000000xf32, #tpu.memory_space<hbm>> -> memref<8x128xf32, #tpu.memory_space<hbm>>
        %dma_start3A_2230 = tpu.memref_slice %arg8[%dma_start3A_2223] : memref<16x!tpu.dma_semaphore, #tpu.memory_space<semaphore_mem>> -> memref<1x!tpu.dma_semaphore, #tpu.memory_space<semaphore_mem>>
        %dma_start3A_2231 = tpu.memref_squeeze %dma_start3A_2230 : memref<1x!tpu.dma_semaphore, #tpu.memory_space<semaphore_mem>> -> memref<!tpu.dma_semaphore, #tpu.memory_space<semaphore_mem>>
        %dma_start3A_2232 = arith.constant 16 : i32
        %dma_start3A_2233 = arith.constant 0 : i32
        %dma_start3A_2234 = tpu.memref_slice %arg6[%dma_start3A_2222, %dma_start3A_2232, %dma_start3A_2233] : memref<16x32x128xf32, #tpu.memory_space<vmem>> -> memref<1x8x128xf32, #tpu.memory_space<vmem>>
        %dma_start3A_2235 = tpu.memref_squeeze %dma_start3A_2234 : memref<1x8x128xf32, #tpu.memory_space<vmem>> -> memref<8x128xf32, #tpu.memory_space<vmem>>
        %dma_start3A_2236 = arith.constant 16 : i32
        %dma_start3A_2237 = tpu.memref_slice %arg3[%dma_start3A_2236, %multiple_of3A_2189] : memref<32x1000000xf32, #tpu.memory_space<hbm>> -> memref<8x128xf32, #tpu.memory_space<hbm>>
        tpu.enqueue_dma source(%dma_start3A_2237 : memref<8x128xf32, #tpu.memory_space<hbm>>) target(%dma_start3A_2235 : memref<8x128xf32, #tpu.memory_space<vmem>>) target_semaphore(%dma_start3A_2231 : memref<!tpu.dma_semaphore, #tpu.memory_space<semaphore_mem>>)
        %dma_start3A_2238 = arith.constant 8 : i32
        %dma_start3A_2239 = arith.constant 8 : i32
        %dma_start3A_2240 = arith.constant 24 : i32
        %dma_start3A_2241 = arith.constant 0 : i32
        %dma_start3A_2242 = tpu.memref_slice %arg6[%dma_start3A_2238, %dma_start3A_2240, %dma_start3A_2241] : memref<16x32x128xf32, #tpu.memory_space<vmem>> -> memref<1x8x128xf32, #tpu.memory_space<vmem>>
        %dma_start3A_2243 = tpu.memref_squeeze %dma_start3A_2242 : memref<1x8x128xf32, #tpu.memory_space<vmem>> -> memref<8x128xf32, #tpu.memory_space<vmem>>
        %dma_start3A_2244 = arith.constant 24 : i32
        %dma_start3A_2245 = tpu.memref_slice %arg3[%dma_start3A_2244, %multiple_of3A_2189] : memref<32x1000000xf32, #tpu.memory_space<hbm>> -> memref<8x128xf32, #tpu.memory_space<hbm>>
        %dma_start3A_2246 = tpu.memref_slice %arg8[%dma_start3A_2239] : memref<16x!tpu.dma_semaphore, #tpu.memory_space<semaphore_mem>> -> memref<1x!tpu.dma_semaphore, #tpu.memory_space<semaphore_mem>>
        %dma_start3A_2247 = tpu.memref_squeeze %dma_start3A_2246 : memref<1x!tpu.dma_semaphore, #tpu.memory_space<semaphore_mem>> -> memref<!tpu.dma_semaphore, #tpu.memory_space<semaphore_mem>>
        %dma_start3A_2248 = arith.constant 24 : i32
        %dma_start3A_2249 = arith.constant 0 : i32
        %dma_start3A_2250 = tpu.memref_slice %arg6[%dma_start3A_2238, %dma_start3A_2248, %dma_start3A_2249] : memref<16x32x128xf32, #tpu.memory_space<vmem>> -> memref<1x8x128xf32, #tpu.memory_space<vmem>>
        %dma_start3A_2251 = tpu.memref_squeeze %dma_start3A_2250 : memref<1x8x128xf32, #tpu.memory_space<vmem>> -> memref<8x128xf32, #tpu.memory_space<vmem>>
        %dma_start3A_2252 = arith.constant 24 : i32
        %dma_start3A_2253 = tpu.memref_slice %arg3[%dma_start3A_2252, %multiple_of3A_2189] : memref<32x1000000xf32, #tpu.memory_space<hbm>> -> memref<8x128xf32, #tpu.memory_space<hbm>>
        tpu.enqueue_dma source(%dma_start3A_2253 : memref<8x128xf32, #tpu.memory_space<hbm>>) target(%dma_start3A_2251 : memref<8x128xf32, #tpu.memory_space<vmem>>) target_semaphore(%dma_start3A_2247 : memref<!tpu.dma_semaphore, #tpu.memory_space<semaphore_mem>>)
      } else {
      }
      %dma_wait3A_1784 = arith.constant 9 : i32
      %dma_wait3A_1785 = arith.constant 9 : i32
      %dma_wait3A_1786 = arith.constant 0 : i32
      %dma_wait3A_1787 = arith.constant 0 : i32
      %dma_wait3A_1788 = tpu.memref_slice %arg6[%dma_wait3A_1784, %dma_wait3A_1786, %dma_wait3A_1787] : memref<16x32x128xf32, #tpu.memory_space<vmem>> -> memref<1x32x128xf32, #tpu.memory_space<vmem>>
      %dma_wait3A_1789 = tpu.memref_squeeze %dma_wait3A_1788 : memref<1x32x128xf32, #tpu.memory_space<vmem>> -> memref<32x128xf32, #tpu.memory_space<vmem>>
      %dma_wait3A_1790 = arith.constant 0 : i32
      %dma_wait3A_1791 = arith.constant 0 : i32
      %dma_wait3A_1792 = tpu.memref_slice %arg3[%dma_wait3A_1790, %dma_wait3A_1791] : memref<32x1000000xf32, #tpu.memory_space<hbm>> -> memref<32x128xf32, #tpu.memory_space<hbm>>
      %dma_wait3A_1793 = tpu.memref_slice %arg8[%dma_wait3A_1785] : memref<16x!tpu.dma_semaphore, #tpu.memory_space<semaphore_mem>> -> memref<1x!tpu.dma_semaphore, #tpu.memory_space<semaphore_mem>>
      %dma_wait3A_1794 = tpu.memref_squeeze %dma_wait3A_1793 : memref<1x!tpu.dma_semaphore, #tpu.memory_space<semaphore_mem>> -> memref<!tpu.dma_semaphore, #tpu.memory_space<semaphore_mem>>
      %dma_wait3A_1795 = arith.constant 0 : i32
      %dma_wait3A_1796 = arith.constant 0 : i32
      %dma_wait3A_1797 = tpu.memref_slice %arg6[%dma_wait3A_1784, %dma_wait3A_1795, %dma_wait3A_1796] : memref<16x32x128xf32, #tpu.memory_space<vmem>> -> memref<1x32x128xf32, #tpu.memory_space<vmem>>
      %dma_wait3A_1798 = tpu.memref_squeeze %dma_wait3A_1797 : memref<1x32x128xf32, #tpu.memory_space<vmem>> -> memref<32x128xf32, #tpu.memory_space<vmem>>
      %dma_wait3A_1799 = arith.constant 0 : i32
      %dma_wait3A_1800 = arith.constant 0 : i32
      %dma_wait3A_1801 = tpu.memref_slice %arg3[%dma_wait3A_1799, %dma_wait3A_1800] : memref<32x1000000xf32, #tpu.memory_space<hbm>> -> memref<32x128xf32, #tpu.memory_space<hbm>>
      tpu.wait_dma2 semaphore(%dma_wait3A_1794 : memref<!tpu.dma_semaphore, #tpu.memory_space<semaphore_mem>>) src(%dma_wait3A_1801 : memref<32x128xf32, #tpu.memory_space<hbm>>) dst(%dma_wait3A_1798 : memref<32x128xf32, #tpu.memory_space<vmem>>)
      %mul3A_1802 = arith.constant 16 : i32
      %mul3A_1803 = arith.muli %scan3A_1294, %mul3A_1802 : i32
      %get3A_1804 = arith.index_cast %mul3A_1803 : i32 to index
      %get3A_1805 = tpu.vector_load %arg5[%get3A_1804] {strides = array<i32>} : memref<512xi32, #tpu.memory_space<vmem>>, vector<16xi32>,
      %eq3A_1806 = arith.constant 9 : i32
      %eq3A_1807 = vector.broadcast %eq3A_1806 : i32 to vector<16xi32>
      %eq3A_1808 = arith.cmpi eq, %iota3A, %eq3A_1807 : vector<16xi32>
      %jit3A_1809 = arith.constant 0 : i32
      %broadcast_in_dim3A_1810 = vector.broadcast %jit3A_1809 : i32 to vector<16xi32>
      %select_n3A_1811 = arith.select %eq3A_1808, %get3A_1805, %broadcast_in_dim3A_1810 : vector<16xi1>, vector<16xi32>
      %reduce_sum3A_1812 = arith.constant true
      %reduce_sum3A_1813 = vector.broadcast %reduce_sum3A_1812 : i1 to vector<16xi1>
      %reduce_sum3A_1814 = tpu.scan <sum>, %select_n3A_1811 masked %reduce_sum3A_1813 : vector<16xi32>, vector<16xi1> -> vector<16xi32>
      %reduce_sum3A_1815 = vector.extract %reduce_sum3A_1814[15] : i32 from vector<16xi32>
      %and3A_1816 = arith.constant 127 : i32
      %and3A_1817 = arith.andi %reduce_sum3A_1815, %and3A_1816 : i32
      %broadcast_in_dim3A_1818 = vector.broadcast %and3A_1817 : i32 to vector<16xi32>
      %broadcast_in_dim3A_1819 = arith.constant 9 : i32
      %broadcast_in_dim3A_1820 = vector.broadcast %broadcast_in_dim3A_1819 : i32 to vector<16xi32>
      %mul3A_1821 = arith.constant 16 : i32
      %mul3A_1822 = arith.muli %scan3A_1294, %mul3A_1821 : i32
      %add3A_1823 = arith.constant 9 : i32
      %add3A_1824 = arith.addi %mul3A_1822, %add3A_1823 : i32
      %broadcast_in_dim3A_1825 = vector.broadcast %add3A_1824 : i32 to vector<16xi32>
      %gather3A_1826 = tpu.vector_load_idx %arg6[%broadcast_in_dim3A_1820, %iota3A, %broadcast_in_dim3A_1818] : memref<16x32x128xf32, #tpu.memory_space<vmem>>[vector<16xi32>, vector<16xi32>, vector<16xi32>], vector<16xf32>,
      %add3A_1827 = arith.constant 16 : i32
      %add3A_1828 = vector.broadcast %add3A_1827 : i32 to vector<16xi32>
      %add3A_1829 = arith.addi %iota3A, %add3A_1828 : vector<16xi32>
      %gather3A_1830 = tpu.vector_load_idx %arg6[%broadcast_in_dim3A_1820, %add3A_1829, %broadcast_in_dim3A_1818] : memref<16x32x128xf32, #tpu.memory_space<vmem>>[vector<16xi32>, vector<16xi32>, vector<16xi32>], vector<16xf32>,
      tpu.vector_store_idx %arg7[%iota3A, %broadcast_in_dim3A_1825], %gather3A_1826 : memref<32x512xf32, #tpu.memory_space<vmem>>[vector<16xi32>, vector<16xi32>], vector<16xf32>,
      %add3A_1831 = arith.constant 16 : i32
      %add3A_1832 = vector.broadcast %add3A_1831 : i32 to vector<16xi32>
      %add3A_1833 = arith.addi %iota3A, %add3A_1832 : vector<16xi32>
      tpu.vector_store_idx %arg7[%add3A_1833, %broadcast_in_dim3A_1825], %gather3A_1830 : memref<32x512xf32, #tpu.memory_space<vmem>>[vector<16xi32>, vector<16xi32>], vector<16xf32>,
      %lt3A_1834 = arith.constant 31 : i32
      %lt3A_1835 = arith.cmpi slt, %scan3A_1294, %lt3A_1834 : i32
      %convert_element_type3A_1836 = arith.extui %lt3A_1835 : i1 to i32
      %cond3A_1837 = arith.constant 0 : i32
      %cond3A_1838 = arith.cmpi ne, %convert_element_type3A_1836, %cond3A_1837 : i32
      scf.if %cond3A_1838 {
        %add3A_2169 = arith.constant 1 : i32
        %add3A_2170 = arith.addi %scan3A_1294, %add3A_2169 : i32
        %mul3A_2171 = arith.constant 16 : i32
        %mul3A_2172 = arith.muli %add3A_2170, %mul3A_2171 : i32
        %get3A_2173 = arith.index_cast %mul3A_2172 : i32 to index
        %get3A_2174 = tpu.vector_load %arg5[%get3A_2173] {strides = array<i32>} : memref<512xi32, #tpu.memory_space<vmem>>, vector<16xi32>,
        %eq3A_2175 = arith.constant 9 : i32
        %eq3A_2176 = vector.broadcast %eq3A_2175 : i32 to vector<16xi32>
        %eq3A_2177 = arith.cmpi eq, %iota3A, %eq3A_2176 : vector<16xi32>
        %jit3A_2178 = arith.constant 0 : i32
        %broadcast_in_dim3A_2179 = vector.broadcast %jit3A_2178 : i32 to vector<16xi32>
        %select_n3A_2180 = arith.select %eq3A_2177, %get3A_2174, %broadcast_in_dim3A_2179 : vector<16xi1>, vector<16xi32>
        %reduce_sum3A_2181 = arith.constant true
        %reduce_sum3A_2182 = vector.broadcast %reduce_sum3A_2181 : i1 to vector<16xi1>
        %reduce_sum3A_2183 = tpu.scan <sum>, %select_n3A_2180 masked %reduce_sum3A_2182 : vector<16xi32>, vector<16xi1> -> vector<16xi32>
        %reduce_sum3A_2184 = vector.extract %reduce_sum3A_2183[15] : i32 from vector<16xi32>
        %shift_right_arithmetic3A_2185 = arith.constant 7 : i32
        %shift_right_arithmetic3A_2186 = arith.shrsi %reduce_sum3A_2184, %shift_right_arithmetic3A_2185 : i32
        %mul3A_2187 = arith.constant 128 : i32
        %mul3A_2188 = arith.muli %shift_right_arithmetic3A_2186, %mul3A_2187 : i32
        %multiple_of3A_2189 = tpu.assume_multiple %mul3A_2188, 128 : i32
        %dma_start3A_2190 = arith.constant 9 : i32
        %dma_start3A_2191 = arith.constant 9 : i32
        %dma_start3A_2192 = arith.constant 0 : i32
        %dma_start3A_2193 = arith.constant 0 : i32
        %dma_start3A_2194 = tpu.memref_slice %arg6[%dma_start3A_2190, %dma_start3A_2192, %dma_start3A_2193] : memref<16x32x128xf32, #tpu.memory_space<vmem>> -> memref<1x8x128xf32, #tpu.memory_space<vmem>>
        %dma_start3A_2195 = tpu.memref_squeeze %dma_start3A_2194 : memref<1x8x128xf32, #tpu.memory_space<vmem>> -> memref<8x128xf32, #tpu.memory_space<vmem>>
        %dma_start3A_2196 = arith.constant 0 : i32
        %dma_start3A_2197 = tpu.memref_slice %arg3[%dma_start3A_2196, %multiple_of3A_2189] : memref<32x1000000xf32, #tpu.memory_space<hbm>> -> memref<8x128xf32, #tpu.memory_space<hbm>>
        %dma_start3A_2198 = tpu.memref_slice %arg8[%dma_start3A_2191] : memref<16x!tpu.dma_semaphore, #tpu.memory_space<semaphore_mem>> -> memref<1x!tpu.dma_semaphore, #tpu.memory_space<semaphore_mem>>
        %dma_start3A_2199 = tpu.memref_squeeze %dma_start3A_2198 : memref<1x!tpu.dma_semaphore, #tpu.memory_space<semaphore_mem>> -> memref<!tpu.dma_semaphore, #tpu.memory_space<semaphore_mem>>
        %dma_start3A_2200 = arith.constant 0 : i32
        %dma_start3A_2201 = arith.constant 0 : i32
        %dma_start3A_2202 = tpu.memref_slice %arg6[%dma_start3A_2190, %dma_start3A_2200, %dma_start3A_2201] : memref<16x32x128xf32, #tpu.memory_space<vmem>> -> memref<1x8x128xf32, #tpu.memory_space<vmem>>
        %dma_start3A_2203 = tpu.memref_squeeze %dma_start3A_2202 : memref<1x8x128xf32, #tpu.memory_space<vmem>> -> memref<8x128xf32, #tpu.memory_space<vmem>>
        %dma_start3A_2204 = arith.constant 0 : i32
        %dma_start3A_2205 = tpu.memref_slice %arg3[%dma_start3A_2204, %multiple_of3A_2189] : memref<32x1000000xf32, #tpu.memory_space<hbm>> -> memref<8x128xf32, #tpu.memory_space<hbm>>
        tpu.enqueue_dma source(%dma_start3A_2205 : memref<8x128xf32, #tpu.memory_space<hbm>>) target(%dma_start3A_2203 : memref<8x128xf32, #tpu.memory_space<vmem>>) target_semaphore(%dma_start3A_2199 : memref<!tpu.dma_semaphore, #tpu.memory_space<semaphore_mem>>)
        %dma_start3A_2206 = arith.constant 9 : i32
        %dma_start3A_2207 = arith.constant 9 : i32
        %dma_start3A_2208 = arith.constant 8 : i32
        %dma_start3A_2209 = arith.constant 0 : i32
        %dma_start3A_2210 = tpu.memref_slice %arg6[%dma_start3A_2206, %dma_start3A_2208, %dma_start3A_2209] : memref<16x32x128xf32, #tpu.memory_space<vmem>> -> memref<1x8x128xf32, #tpu.memory_space<vmem>>
        %dma_start3A_2211 = tpu.memref_squeeze %dma_start3A_2210 : memref<1x8x128xf32, #tpu.memory_space<vmem>> -> memref<8x128xf32, #tpu.memory_space<vmem>>
        %dma_start3A_2212 = arith.constant 8 : i32
        %dma_start3A_2213 = tpu.memref_slice %arg3[%dma_start3A_2212, %multiple_of3A_2189] : memref<32x1000000xf32, #tpu.memory_space<hbm>> -> memref<8x128xf32, #tpu.memory_space<hbm>>
        %dma_start3A_2214 = tpu.memref_slice %arg8[%dma_start3A_2207] : memref<16x!tpu.dma_semaphore, #tpu.memory_space<semaphore_mem>> -> memref<1x!tpu.dma_semaphore, #tpu.memory_space<semaphore_mem>>
        %dma_start3A_2215 = tpu.memref_squeeze %dma_start3A_2214 : memref<1x!tpu.dma_semaphore, #tpu.memory_space<semaphore_mem>> -> memref<!tpu.dma_semaphore, #tpu.memory_space<semaphore_mem>>
        %dma_start3A_2216 = arith.constant 8 : i32
        %dma_start3A_2217 = arith.constant 0 : i32
        %dma_start3A_2218 = tpu.memref_slice %arg6[%dma_start3A_2206, %dma_start3A_2216, %dma_start3A_2217] : memref<16x32x128xf32, #tpu.memory_space<vmem>> -> memref<1x8x128xf32, #tpu.memory_space<vmem>>
        %dma_start3A_2219 = tpu.memref_squeeze %dma_start3A_2218 : memref<1x8x128xf32, #tpu.memory_space<vmem>> -> memref<8x128xf32, #tpu.memory_space<vmem>>
        %dma_start3A_2220 = arith.constant 8 : i32
        %dma_start3A_2221 = tpu.memref_slice %arg3[%dma_start3A_2220, %multiple_of3A_2189] : memref<32x1000000xf32, #tpu.memory_space<hbm>> -> memref<8x128xf32, #tpu.memory_space<hbm>>
        tpu.enqueue_dma source(%dma_start3A_2221 : memref<8x128xf32, #tpu.memory_space<hbm>>) target(%dma_start3A_2219 : memref<8x128xf32, #tpu.memory_space<vmem>>) target_semaphore(%dma_start3A_2215 : memref<!tpu.dma_semaphore, #tpu.memory_space<semaphore_mem>>)
        %dma_start3A_2222 = arith.constant 9 : i32
        %dma_start3A_2223 = arith.constant 9 : i32
        %dma_start3A_2224 = arith.constant 16 : i32
        %dma_start3A_2225 = arith.constant 0 : i32
        %dma_start3A_2226 = tpu.memref_slice %arg6[%dma_start3A_2222, %dma_start3A_2224, %dma_start3A_2225] : memref<16x32x128xf32, #tpu.memory_space<vmem>> -> memref<1x8x128xf32, #tpu.memory_space<vmem>>
        %dma_start3A_2227 = tpu.memref_squeeze %dma_start3A_2226 : memref<1x8x128xf32, #tpu.memory_space<vmem>> -> memref<8x128xf32, #tpu.memory_space<vmem>>
        %dma_start3A_2228 = arith.constant 16 : i32
        %dma_start3A_2229 = tpu.memref_slice %arg3[%dma_start3A_2228, %multiple_of3A_2189] : memref<32x1000000xf32, #tpu.memory_space<hbm>> -> memref<8x128xf32, #tpu.memory_space<hbm>>
        %dma_start3A_2230 = tpu.memref_slice %arg8[%dma_start3A_2223] : memref<16x!tpu.dma_semaphore, #tpu.memory_space<semaphore_mem>> -> memref<1x!tpu.dma_semaphore, #tpu.memory_space<semaphore_mem>>
        %dma_start3A_2231 = tpu.memref_squeeze %dma_start3A_2230 : memref<1x!tpu.dma_semaphore, #tpu.memory_space<semaphore_mem>> -> memref<!tpu.dma_semaphore, #tpu.memory_space<semaphore_mem>>
        %dma_start3A_2232 = arith.constant 16 : i32
        %dma_start3A_2233 = arith.constant 0 : i32
        %dma_start3A_2234 = tpu.memref_slice %arg6[%dma_start3A_2222, %dma_start3A_2232, %dma_start3A_2233] : memref<16x32x128xf32, #tpu.memory_space<vmem>> -> memref<1x8x128xf32, #tpu.memory_space<vmem>>
        %dma_start3A_2235 = tpu.memref_squeeze %dma_start3A_2234 : memref<1x8x128xf32, #tpu.memory_space<vmem>> -> memref<8x128xf32, #tpu.memory_space<vmem>>
        %dma_start3A_2236 = arith.constant 16 : i32
        %dma_start3A_2237 = tpu.memref_slice %arg3[%dma_start3A_2236, %multiple_of3A_2189] : memref<32x1000000xf32, #tpu.memory_space<hbm>> -> memref<8x128xf32, #tpu.memory_space<hbm>>
        tpu.enqueue_dma source(%dma_start3A_2237 : memref<8x128xf32, #tpu.memory_space<hbm>>) target(%dma_start3A_2235 : memref<8x128xf32, #tpu.memory_space<vmem>>) target_semaphore(%dma_start3A_2231 : memref<!tpu.dma_semaphore, #tpu.memory_space<semaphore_mem>>)
        %dma_start3A_2238 = arith.constant 9 : i32
        %dma_start3A_2239 = arith.constant 9 : i32
        %dma_start3A_2240 = arith.constant 24 : i32
        %dma_start3A_2241 = arith.constant 0 : i32
        %dma_start3A_2242 = tpu.memref_slice %arg6[%dma_start3A_2238, %dma_start3A_2240, %dma_start3A_2241] : memref<16x32x128xf32, #tpu.memory_space<vmem>> -> memref<1x8x128xf32, #tpu.memory_space<vmem>>
        %dma_start3A_2243 = tpu.memref_squeeze %dma_start3A_2242 : memref<1x8x128xf32, #tpu.memory_space<vmem>> -> memref<8x128xf32, #tpu.memory_space<vmem>>
        %dma_start3A_2244 = arith.constant 24 : i32
        %dma_start3A_2245 = tpu.memref_slice %arg3[%dma_start3A_2244, %multiple_of3A_2189] : memref<32x1000000xf32, #tpu.memory_space<hbm>> -> memref<8x128xf32, #tpu.memory_space<hbm>>
        %dma_start3A_2246 = tpu.memref_slice %arg8[%dma_start3A_2239] : memref<16x!tpu.dma_semaphore, #tpu.memory_space<semaphore_mem>> -> memref<1x!tpu.dma_semaphore, #tpu.memory_space<semaphore_mem>>
        %dma_start3A_2247 = tpu.memref_squeeze %dma_start3A_2246 : memref<1x!tpu.dma_semaphore, #tpu.memory_space<semaphore_mem>> -> memref<!tpu.dma_semaphore, #tpu.memory_space<semaphore_mem>>
        %dma_start3A_2248 = arith.constant 24 : i32
        %dma_start3A_2249 = arith.constant 0 : i32
        %dma_start3A_2250 = tpu.memref_slice %arg6[%dma_start3A_2238, %dma_start3A_2248, %dma_start3A_2249] : memref<16x32x128xf32, #tpu.memory_space<vmem>> -> memref<1x8x128xf32, #tpu.memory_space<vmem>>
        %dma_start3A_2251 = tpu.memref_squeeze %dma_start3A_2250 : memref<1x8x128xf32, #tpu.memory_space<vmem>> -> memref<8x128xf32, #tpu.memory_space<vmem>>
        %dma_start3A_2252 = arith.constant 24 : i32
        %dma_start3A_2253 = tpu.memref_slice %arg3[%dma_start3A_2252, %multiple_of3A_2189] : memref<32x1000000xf32, #tpu.memory_space<hbm>> -> memref<8x128xf32, #tpu.memory_space<hbm>>
        tpu.enqueue_dma source(%dma_start3A_2253 : memref<8x128xf32, #tpu.memory_space<hbm>>) target(%dma_start3A_2251 : memref<8x128xf32, #tpu.memory_space<vmem>>) target_semaphore(%dma_start3A_2247 : memref<!tpu.dma_semaphore, #tpu.memory_space<semaphore_mem>>)
      } else {
      }
      %dma_wait3A_1839 = arith.constant 10 : i32
      %dma_wait3A_1840 = arith.constant 10 : i32
      %dma_wait3A_1841 = arith.constant 0 : i32
      %dma_wait3A_1842 = arith.constant 0 : i32
      %dma_wait3A_1843 = tpu.memref_slice %arg6[%dma_wait3A_1839, %dma_wait3A_1841, %dma_wait3A_1842] : memref<16x32x128xf32, #tpu.memory_space<vmem>> -> memref<1x32x128xf32, #tpu.memory_space<vmem>>
      %dma_wait3A_1844 = tpu.memref_squeeze %dma_wait3A_1843 : memref<1x32x128xf32, #tpu.memory_space<vmem>> -> memref<32x128xf32, #tpu.memory_space<vmem>>
      %dma_wait3A_1845 = arith.constant 0 : i32
      %dma_wait3A_1846 = arith.constant 0 : i32
      %dma_wait3A_1847 = tpu.memref_slice %arg3[%dma_wait3A_1845, %dma_wait3A_1846] : memref<32x1000000xf32, #tpu.memory_space<hbm>> -> memref<32x128xf32, #tpu.memory_space<hbm>>
      %dma_wait3A_1848 = tpu.memref_slice %arg8[%dma_wait3A_1840] : memref<16x!tpu.dma_semaphore, #tpu.memory_space<semaphore_mem>> -> memref<1x!tpu.dma_semaphore, #tpu.memory_space<semaphore_mem>>
      %dma_wait3A_1849 = tpu.memref_squeeze %dma_wait3A_1848 : memref<1x!tpu.dma_semaphore, #tpu.memory_space<semaphore_mem>> -> memref<!tpu.dma_semaphore, #tpu.memory_space<semaphore_mem>>
      %dma_wait3A_1850 = arith.constant 0 : i32
      %dma_wait3A_1851 = arith.constant 0 : i32
      %dma_wait3A_1852 = tpu.memref_slice %arg6[%dma_wait3A_1839, %dma_wait3A_1850, %dma_wait3A_1851] : memref<16x32x128xf32, #tpu.memory_space<vmem>> -> memref<1x32x128xf32, #tpu.memory_space<vmem>>
      %dma_wait3A_1853 = tpu.memref_squeeze %dma_wait3A_1852 : memref<1x32x128xf32, #tpu.memory_space<vmem>> -> memref<32x128xf32, #tpu.memory_space<vmem>>
      %dma_wait3A_1854 = arith.constant 0 : i32
      %dma_wait3A_1855 = arith.constant 0 : i32
      %dma_wait3A_1856 = tpu.memref_slice %arg3[%dma_wait3A_1854, %dma_wait3A_1855] : memref<32x1000000xf32, #tpu.memory_space<hbm>> -> memref<32x128xf32, #tpu.memory_space<hbm>>
      tpu.wait_dma2 semaphore(%dma_wait3A_1849 : memref<!tpu.dma_semaphore, #tpu.memory_space<semaphore_mem>>) src(%dma_wait3A_1856 : memref<32x128xf32, #tpu.memory_space<hbm>>) dst(%dma_wait3A_1853 : memref<32x128xf32, #tpu.memory_space<vmem>>)
      %mul3A_1857 = arith.constant 16 : i32
      %mul3A_1858 = arith.muli %scan3A_1294, %mul3A_1857 : i32
      %get3A_1859 = arith.index_cast %mul3A_1858 : i32 to index
      %get3A_1860 = tpu.vector_load %arg5[%get3A_1859] {strides = array<i32>} : memref<512xi32, #tpu.memory_space<vmem>>, vector<16xi32>,
      %eq3A_1861 = arith.constant 10 : i32
      %eq3A_1862 = vector.broadcast %eq3A_1861 : i32 to vector<16xi32>
      %eq3A_1863 = arith.cmpi eq, %iota3A, %eq3A_1862 : vector<16xi32>
      %jit3A_1864 = arith.constant 0 : i32
      %broadcast_in_dim3A_1865 = vector.broadcast %jit3A_1864 : i32 to vector<16xi32>
      %select_n3A_1866 = arith.select %eq3A_1863, %get3A_1860, %broadcast_in_dim3A_1865 : vector<16xi1>, vector<16xi32>
      %reduce_sum3A_1867 = arith.constant true
      %reduce_sum3A_1868 = vector.broadcast %reduce_sum3A_1867 : i1 to vector<16xi1>
      %reduce_sum3A_1869 = tpu.scan <sum>, %select_n3A_1866 masked %reduce_sum3A_1868 : vector<16xi32>, vector<16xi1> -> vector<16xi32>
      %reduce_sum3A_1870 = vector.extract %reduce_sum3A_1869[15] : i32 from vector<16xi32>
      %and3A_1871 = arith.constant 127 : i32
      %and3A_1872 = arith.andi %reduce_sum3A_1870, %and3A_1871 : i32
      %broadcast_in_dim3A_1873 = vector.broadcast %and3A_1872 : i32 to vector<16xi32>
      %broadcast_in_dim3A_1874 = arith.constant 10 : i32
      %broadcast_in_dim3A_1875 = vector.broadcast %broadcast_in_dim3A_1874 : i32 to vector<16xi32>
      %mul3A_1876 = arith.constant 16 : i32
      %mul3A_1877 = arith.muli %scan3A_1294, %mul3A_1876 : i32
      %add3A_1878 = arith.constant 10 : i32
      %add3A_1879 = arith.addi %mul3A_1877, %add3A_1878 : i32
      %broadcast_in_dim3A_1880 = vector.broadcast %add3A_1879 : i32 to vector<16xi32>
      %gather3A_1881 = tpu.vector_load_idx %arg6[%broadcast_in_dim3A_1875, %iota3A, %broadcast_in_dim3A_1873] : memref<16x32x128xf32, #tpu.memory_space<vmem>>[vector<16xi32>, vector<16xi32>, vector<16xi32>], vector<16xf32>,
      %add3A_1882 = arith.constant 16 : i32
      %add3A_1883 = vector.broadcast %add3A_1882 : i32 to vector<16xi32>
      %add3A_1884 = arith.addi %iota3A, %add3A_1883 : vector<16xi32>
      %gather3A_1885 = tpu.vector_load_idx %arg6[%broadcast_in_dim3A_1875, %add3A_1884, %broadcast_in_dim3A_1873] : memref<16x32x128xf32, #tpu.memory_space<vmem>>[vector<16xi32>, vector<16xi32>, vector<16xi32>], vector<16xf32>,
      tpu.vector_store_idx %arg7[%iota3A, %broadcast_in_dim3A_1880], %gather3A_1881 : memref<32x512xf32, #tpu.memory_space<vmem>>[vector<16xi32>, vector<16xi32>], vector<16xf32>,
      %add3A_1886 = arith.constant 16 : i32
      %add3A_1887 = vector.broadcast %add3A_1886 : i32 to vector<16xi32>
      %add3A_1888 = arith.addi %iota3A, %add3A_1887 : vector<16xi32>
      tpu.vector_store_idx %arg7[%add3A_1888, %broadcast_in_dim3A_1880], %gather3A_1885 : memref<32x512xf32, #tpu.memory_space<vmem>>[vector<16xi32>, vector<16xi32>], vector<16xf32>,
      %lt3A_1889 = arith.constant 31 : i32
      %lt3A_1890 = arith.cmpi slt, %scan3A_1294, %lt3A_1889 : i32
      %convert_element_type3A_1891 = arith.extui %lt3A_1890 : i1 to i32
      %cond3A_1892 = arith.constant 0 : i32
      %cond3A_1893 = arith.cmpi ne, %convert_element_type3A_1891, %cond3A_1892 : i32
      scf.if %cond3A_1893 {
        %add3A_2169 = arith.constant 1 : i32
        %add3A_2170 = arith.addi %scan3A_1294, %add3A_2169 : i32
        %mul3A_2171 = arith.constant 16 : i32
        %mul3A_2172 = arith.muli %add3A_2170, %mul3A_2171 : i32
        %get3A_2173 = arith.index_cast %mul3A_2172 : i32 to index
        %get3A_2174 = tpu.vector_load %arg5[%get3A_2173] {strides = array<i32>} : memref<512xi32, #tpu.memory_space<vmem>>, vector<16xi32>,
        %eq3A_2175 = arith.constant 10 : i32
        %eq3A_2176 = vector.broadcast %eq3A_2175 : i32 to vector<16xi32>
        %eq3A_2177 = arith.cmpi eq, %iota3A, %eq3A_2176 : vector<16xi32>
        %jit3A_2178 = arith.constant 0 : i32
        %broadcast_in_dim3A_2179 = vector.broadcast %jit3A_2178 : i32 to vector<16xi32>
        %select_n3A_2180 = arith.select %eq3A_2177, %get3A_2174, %broadcast_in_dim3A_2179 : vector<16xi1>, vector<16xi32>
        %reduce_sum3A_2181 = arith.constant true
        %reduce_sum3A_2182 = vector.broadcast %reduce_sum3A_2181 : i1 to vector<16xi1>
        %reduce_sum3A_2183 = tpu.scan <sum>, %select_n3A_2180 masked %reduce_sum3A_2182 : vector<16xi32>, vector<16xi1> -> vector<16xi32>
        %reduce_sum3A_2184 = vector.extract %reduce_sum3A_2183[15] : i32 from vector<16xi32>
        %shift_right_arithmetic3A_2185 = arith.constant 7 : i32
        %shift_right_arithmetic3A_2186 = arith.shrsi %reduce_sum3A_2184, %shift_right_arithmetic3A_2185 : i32
        %mul3A_2187 = arith.constant 128 : i32
        %mul3A_2188 = arith.muli %shift_right_arithmetic3A_2186, %mul3A_2187 : i32
        %multiple_of3A_2189 = tpu.assume_multiple %mul3A_2188, 128 : i32
        %dma_start3A_2190 = arith.constant 10 : i32
        %dma_start3A_2191 = arith.constant 10 : i32
        %dma_start3A_2192 = arith.constant 0 : i32
        %dma_start3A_2193 = arith.constant 0 : i32
        %dma_start3A_2194 = tpu.memref_slice %arg6[%dma_start3A_2190, %dma_start3A_2192, %dma_start3A_2193] : memref<16x32x128xf32, #tpu.memory_space<vmem>> -> memref<1x8x128xf32, #tpu.memory_space<vmem>>
        %dma_start3A_2195 = tpu.memref_squeeze %dma_start3A_2194 : memref<1x8x128xf32, #tpu.memory_space<vmem>> -> memref<8x128xf32, #tpu.memory_space<vmem>>
        %dma_start3A_2196 = arith.constant 0 : i32
        %dma_start3A_2197 = tpu.memref_slice %arg3[%dma_start3A_2196, %multiple_of3A_2189] : memref<32x1000000xf32, #tpu.memory_space<hbm>> -> memref<8x128xf32, #tpu.memory_space<hbm>>
        %dma_start3A_2198 = tpu.memref_slice %arg8[%dma_start3A_2191] : memref<16x!tpu.dma_semaphore, #tpu.memory_space<semaphore_mem>> -> memref<1x!tpu.dma_semaphore, #tpu.memory_space<semaphore_mem>>
        %dma_start3A_2199 = tpu.memref_squeeze %dma_start3A_2198 : memref<1x!tpu.dma_semaphore, #tpu.memory_space<semaphore_mem>> -> memref<!tpu.dma_semaphore, #tpu.memory_space<semaphore_mem>>
        %dma_start3A_2200 = arith.constant 0 : i32
        %dma_start3A_2201 = arith.constant 0 : i32
        %dma_start3A_2202 = tpu.memref_slice %arg6[%dma_start3A_2190, %dma_start3A_2200, %dma_start3A_2201] : memref<16x32x128xf32, #tpu.memory_space<vmem>> -> memref<1x8x128xf32, #tpu.memory_space<vmem>>
        %dma_start3A_2203 = tpu.memref_squeeze %dma_start3A_2202 : memref<1x8x128xf32, #tpu.memory_space<vmem>> -> memref<8x128xf32, #tpu.memory_space<vmem>>
        %dma_start3A_2204 = arith.constant 0 : i32
        %dma_start3A_2205 = tpu.memref_slice %arg3[%dma_start3A_2204, %multiple_of3A_2189] : memref<32x1000000xf32, #tpu.memory_space<hbm>> -> memref<8x128xf32, #tpu.memory_space<hbm>>
        tpu.enqueue_dma source(%dma_start3A_2205 : memref<8x128xf32, #tpu.memory_space<hbm>>) target(%dma_start3A_2203 : memref<8x128xf32, #tpu.memory_space<vmem>>) target_semaphore(%dma_start3A_2199 : memref<!tpu.dma_semaphore, #tpu.memory_space<semaphore_mem>>)
        %dma_start3A_2206 = arith.constant 10 : i32
        %dma_start3A_2207 = arith.constant 10 : i32
        %dma_start3A_2208 = arith.constant 8 : i32
        %dma_start3A_2209 = arith.constant 0 : i32
        %dma_start3A_2210 = tpu.memref_slice %arg6[%dma_start3A_2206, %dma_start3A_2208, %dma_start3A_2209] : memref<16x32x128xf32, #tpu.memory_space<vmem>> -> memref<1x8x128xf32, #tpu.memory_space<vmem>>
        %dma_start3A_2211 = tpu.memref_squeeze %dma_start3A_2210 : memref<1x8x128xf32, #tpu.memory_space<vmem>> -> memref<8x128xf32, #tpu.memory_space<vmem>>
        %dma_start3A_2212 = arith.constant 8 : i32
        %dma_start3A_2213 = tpu.memref_slice %arg3[%dma_start3A_2212, %multiple_of3A_2189] : memref<32x1000000xf32, #tpu.memory_space<hbm>> -> memref<8x128xf32, #tpu.memory_space<hbm>>
        %dma_start3A_2214 = tpu.memref_slice %arg8[%dma_start3A_2207] : memref<16x!tpu.dma_semaphore, #tpu.memory_space<semaphore_mem>> -> memref<1x!tpu.dma_semaphore, #tpu.memory_space<semaphore_mem>>
        %dma_start3A_2215 = tpu.memref_squeeze %dma_start3A_2214 : memref<1x!tpu.dma_semaphore, #tpu.memory_space<semaphore_mem>> -> memref<!tpu.dma_semaphore, #tpu.memory_space<semaphore_mem>>
        %dma_start3A_2216 = arith.constant 8 : i32
        %dma_start3A_2217 = arith.constant 0 : i32
        %dma_start3A_2218 = tpu.memref_slice %arg6[%dma_start3A_2206, %dma_start3A_2216, %dma_start3A_2217] : memref<16x32x128xf32, #tpu.memory_space<vmem>> -> memref<1x8x128xf32, #tpu.memory_space<vmem>>
        %dma_start3A_2219 = tpu.memref_squeeze %dma_start3A_2218 : memref<1x8x128xf32, #tpu.memory_space<vmem>> -> memref<8x128xf32, #tpu.memory_space<vmem>>
        %dma_start3A_2220 = arith.constant 8 : i32
        %dma_start3A_2221 = tpu.memref_slice %arg3[%dma_start3A_2220, %multiple_of3A_2189] : memref<32x1000000xf32, #tpu.memory_space<hbm>> -> memref<8x128xf32, #tpu.memory_space<hbm>>
        tpu.enqueue_dma source(%dma_start3A_2221 : memref<8x128xf32, #tpu.memory_space<hbm>>) target(%dma_start3A_2219 : memref<8x128xf32, #tpu.memory_space<vmem>>) target_semaphore(%dma_start3A_2215 : memref<!tpu.dma_semaphore, #tpu.memory_space<semaphore_mem>>)
        %dma_start3A_2222 = arith.constant 10 : i32
        %dma_start3A_2223 = arith.constant 10 : i32
        %dma_start3A_2224 = arith.constant 16 : i32
        %dma_start3A_2225 = arith.constant 0 : i32
        %dma_start3A_2226 = tpu.memref_slice %arg6[%dma_start3A_2222, %dma_start3A_2224, %dma_start3A_2225] : memref<16x32x128xf32, #tpu.memory_space<vmem>> -> memref<1x8x128xf32, #tpu.memory_space<vmem>>
        %dma_start3A_2227 = tpu.memref_squeeze %dma_start3A_2226 : memref<1x8x128xf32, #tpu.memory_space<vmem>> -> memref<8x128xf32, #tpu.memory_space<vmem>>
        %dma_start3A_2228 = arith.constant 16 : i32
        %dma_start3A_2229 = tpu.memref_slice %arg3[%dma_start3A_2228, %multiple_of3A_2189] : memref<32x1000000xf32, #tpu.memory_space<hbm>> -> memref<8x128xf32, #tpu.memory_space<hbm>>
        %dma_start3A_2230 = tpu.memref_slice %arg8[%dma_start3A_2223] : memref<16x!tpu.dma_semaphore, #tpu.memory_space<semaphore_mem>> -> memref<1x!tpu.dma_semaphore, #tpu.memory_space<semaphore_mem>>
        %dma_start3A_2231 = tpu.memref_squeeze %dma_start3A_2230 : memref<1x!tpu.dma_semaphore, #tpu.memory_space<semaphore_mem>> -> memref<!tpu.dma_semaphore, #tpu.memory_space<semaphore_mem>>
        %dma_start3A_2232 = arith.constant 16 : i32
        %dma_start3A_2233 = arith.constant 0 : i32
        %dma_start3A_2234 = tpu.memref_slice %arg6[%dma_start3A_2222, %dma_start3A_2232, %dma_start3A_2233] : memref<16x32x128xf32, #tpu.memory_space<vmem>> -> memref<1x8x128xf32, #tpu.memory_space<vmem>>
        %dma_start3A_2235 = tpu.memref_squeeze %dma_start3A_2234 : memref<1x8x128xf32, #tpu.memory_space<vmem>> -> memref<8x128xf32, #tpu.memory_space<vmem>>
        %dma_start3A_2236 = arith.constant 16 : i32
        %dma_start3A_2237 = tpu.memref_slice %arg3[%dma_start3A_2236, %multiple_of3A_2189] : memref<32x1000000xf32, #tpu.memory_space<hbm>> -> memref<8x128xf32, #tpu.memory_space<hbm>>
        tpu.enqueue_dma source(%dma_start3A_2237 : memref<8x128xf32, #tpu.memory_space<hbm>>) target(%dma_start3A_2235 : memref<8x128xf32, #tpu.memory_space<vmem>>) target_semaphore(%dma_start3A_2231 : memref<!tpu.dma_semaphore, #tpu.memory_space<semaphore_mem>>)
        %dma_start3A_2238 = arith.constant 10 : i32
        %dma_start3A_2239 = arith.constant 10 : i32
        %dma_start3A_2240 = arith.constant 24 : i32
        %dma_start3A_2241 = arith.constant 0 : i32
        %dma_start3A_2242 = tpu.memref_slice %arg6[%dma_start3A_2238, %dma_start3A_2240, %dma_start3A_2241] : memref<16x32x128xf32, #tpu.memory_space<vmem>> -> memref<1x8x128xf32, #tpu.memory_space<vmem>>
        %dma_start3A_2243 = tpu.memref_squeeze %dma_start3A_2242 : memref<1x8x128xf32, #tpu.memory_space<vmem>> -> memref<8x128xf32, #tpu.memory_space<vmem>>
        %dma_start3A_2244 = arith.constant 24 : i32
        %dma_start3A_2245 = tpu.memref_slice %arg3[%dma_start3A_2244, %multiple_of3A_2189] : memref<32x1000000xf32, #tpu.memory_space<hbm>> -> memref<8x128xf32, #tpu.memory_space<hbm>>
        %dma_start3A_2246 = tpu.memref_slice %arg8[%dma_start3A_2239] : memref<16x!tpu.dma_semaphore, #tpu.memory_space<semaphore_mem>> -> memref<1x!tpu.dma_semaphore, #tpu.memory_space<semaphore_mem>>
        %dma_start3A_2247 = tpu.memref_squeeze %dma_start3A_2246 : memref<1x!tpu.dma_semaphore, #tpu.memory_space<semaphore_mem>> -> memref<!tpu.dma_semaphore, #tpu.memory_space<semaphore_mem>>
        %dma_start3A_2248 = arith.constant 24 : i32
        %dma_start3A_2249 = arith.constant 0 : i32
        %dma_start3A_2250 = tpu.memref_slice %arg6[%dma_start3A_2238, %dma_start3A_2248, %dma_start3A_2249] : memref<16x32x128xf32, #tpu.memory_space<vmem>> -> memref<1x8x128xf32, #tpu.memory_space<vmem>>
        %dma_start3A_2251 = tpu.memref_squeeze %dma_start3A_2250 : memref<1x8x128xf32, #tpu.memory_space<vmem>> -> memref<8x128xf32, #tpu.memory_space<vmem>>
        %dma_start3A_2252 = arith.constant 24 : i32
        %dma_start3A_2253 = tpu.memref_slice %arg3[%dma_start3A_2252, %multiple_of3A_2189] : memref<32x1000000xf32, #tpu.memory_space<hbm>> -> memref<8x128xf32, #tpu.memory_space<hbm>>
        tpu.enqueue_dma source(%dma_start3A_2253 : memref<8x128xf32, #tpu.memory_space<hbm>>) target(%dma_start3A_2251 : memref<8x128xf32, #tpu.memory_space<vmem>>) target_semaphore(%dma_start3A_2247 : memref<!tpu.dma_semaphore, #tpu.memory_space<semaphore_mem>>)
      } else {
      }
      %dma_wait3A_1894 = arith.constant 11 : i32
      %dma_wait3A_1895 = arith.constant 11 : i32
      %dma_wait3A_1896 = arith.constant 0 : i32
      %dma_wait3A_1897 = arith.constant 0 : i32
      %dma_wait3A_1898 = tpu.memref_slice %arg6[%dma_wait3A_1894, %dma_wait3A_1896, %dma_wait3A_1897] : memref<16x32x128xf32, #tpu.memory_space<vmem>> -> memref<1x32x128xf32, #tpu.memory_space<vmem>>
      %dma_wait3A_1899 = tpu.memref_squeeze %dma_wait3A_1898 : memref<1x32x128xf32, #tpu.memory_space<vmem>> -> memref<32x128xf32, #tpu.memory_space<vmem>>
      %dma_wait3A_1900 = arith.constant 0 : i32
      %dma_wait3A_1901 = arith.constant 0 : i32
      %dma_wait3A_1902 = tpu.memref_slice %arg3[%dma_wait3A_1900, %dma_wait3A_1901] : memref<32x1000000xf32, #tpu.memory_space<hbm>> -> memref<32x128xf32, #tpu.memory_space<hbm>>
      %dma_wait3A_1903 = tpu.memref_slice %arg8[%dma_wait3A_1895] : memref<16x!tpu.dma_semaphore, #tpu.memory_space<semaphore_mem>> -> memref<1x!tpu.dma_semaphore, #tpu.memory_space<semaphore_mem>>
      %dma_wait3A_1904 = tpu.memref_squeeze %dma_wait3A_1903 : memref<1x!tpu.dma_semaphore, #tpu.memory_space<semaphore_mem>> -> memref<!tpu.dma_semaphore, #tpu.memory_space<semaphore_mem>>
      %dma_wait3A_1905 = arith.constant 0 : i32
      %dma_wait3A_1906 = arith.constant 0 : i32
      %dma_wait3A_1907 = tpu.memref_slice %arg6[%dma_wait3A_1894, %dma_wait3A_1905, %dma_wait3A_1906] : memref<16x32x128xf32, #tpu.memory_space<vmem>> -> memref<1x32x128xf32, #tpu.memory_space<vmem>>
      %dma_wait3A_1908 = tpu.memref_squeeze %dma_wait3A_1907 : memref<1x32x128xf32, #tpu.memory_space<vmem>> -> memref<32x128xf32, #tpu.memory_space<vmem>>
      %dma_wait3A_1909 = arith.constant 0 : i32
      %dma_wait3A_1910 = arith.constant 0 : i32
      %dma_wait3A_1911 = tpu.memref_slice %arg3[%dma_wait3A_1909, %dma_wait3A_1910] : memref<32x1000000xf32, #tpu.memory_space<hbm>> -> memref<32x128xf32, #tpu.memory_space<hbm>>
      tpu.wait_dma2 semaphore(%dma_wait3A_1904 : memref<!tpu.dma_semaphore, #tpu.memory_space<semaphore_mem>>) src(%dma_wait3A_1911 : memref<32x128xf32, #tpu.memory_space<hbm>>) dst(%dma_wait3A_1908 : memref<32x128xf32, #tpu.memory_space<vmem>>)
      %mul3A_1912 = arith.constant 16 : i32
      %mul3A_1913 = arith.muli %scan3A_1294, %mul3A_1912 : i32
      %get3A_1914 = arith.index_cast %mul3A_1913 : i32 to index
      %get3A_1915 = tpu.vector_load %arg5[%get3A_1914] {strides = array<i32>} : memref<512xi32, #tpu.memory_space<vmem>>, vector<16xi32>,
      %eq3A_1916 = arith.constant 11 : i32
      %eq3A_1917 = vector.broadcast %eq3A_1916 : i32 to vector<16xi32>
      %eq3A_1918 = arith.cmpi eq, %iota3A, %eq3A_1917 : vector<16xi32>
      %jit3A_1919 = arith.constant 0 : i32
      %broadcast_in_dim3A_1920 = vector.broadcast %jit3A_1919 : i32 to vector<16xi32>
      %select_n3A_1921 = arith.select %eq3A_1918, %get3A_1915, %broadcast_in_dim3A_1920 : vector<16xi1>, vector<16xi32>
      %reduce_sum3A_1922 = arith.constant true
      %reduce_sum3A_1923 = vector.broadcast %reduce_sum3A_1922 : i1 to vector<16xi1>
      %reduce_sum3A_1924 = tpu.scan <sum>, %select_n3A_1921 masked %reduce_sum3A_1923 : vector<16xi32>, vector<16xi1> -> vector<16xi32>
      %reduce_sum3A_1925 = vector.extract %reduce_sum3A_1924[15] : i32 from vector<16xi32>
      %and3A_1926 = arith.constant 127 : i32
      %and3A_1927 = arith.andi %reduce_sum3A_1925, %and3A_1926 : i32
      %broadcast_in_dim3A_1928 = vector.broadcast %and3A_1927 : i32 to vector<16xi32>
      %broadcast_in_dim3A_1929 = arith.constant 11 : i32
      %broadcast_in_dim3A_1930 = vector.broadcast %broadcast_in_dim3A_1929 : i32 to vector<16xi32>
      %mul3A_1931 = arith.constant 16 : i32
      %mul3A_1932 = arith.muli %scan3A_1294, %mul3A_1931 : i32
      %add3A_1933 = arith.constant 11 : i32
      %add3A_1934 = arith.addi %mul3A_1932, %add3A_1933 : i32
      %broadcast_in_dim3A_1935 = vector.broadcast %add3A_1934 : i32 to vector<16xi32>
      %gather3A_1936 = tpu.vector_load_idx %arg6[%broadcast_in_dim3A_1930, %iota3A, %broadcast_in_dim3A_1928] : memref<16x32x128xf32, #tpu.memory_space<vmem>>[vector<16xi32>, vector<16xi32>, vector<16xi32>], vector<16xf32>,
      %add3A_1937 = arith.constant 16 : i32
      %add3A_1938 = vector.broadcast %add3A_1937 : i32 to vector<16xi32>
      %add3A_1939 = arith.addi %iota3A, %add3A_1938 : vector<16xi32>
      %gather3A_1940 = tpu.vector_load_idx %arg6[%broadcast_in_dim3A_1930, %add3A_1939, %broadcast_in_dim3A_1928] : memref<16x32x128xf32, #tpu.memory_space<vmem>>[vector<16xi32>, vector<16xi32>, vector<16xi32>], vector<16xf32>,
      tpu.vector_store_idx %arg7[%iota3A, %broadcast_in_dim3A_1935], %gather3A_1936 : memref<32x512xf32, #tpu.memory_space<vmem>>[vector<16xi32>, vector<16xi32>], vector<16xf32>,
      %add3A_1941 = arith.constant 16 : i32
      %add3A_1942 = vector.broadcast %add3A_1941 : i32 to vector<16xi32>
      %add3A_1943 = arith.addi %iota3A, %add3A_1942 : vector<16xi32>
      tpu.vector_store_idx %arg7[%add3A_1943, %broadcast_in_dim3A_1935], %gather3A_1940 : memref<32x512xf32, #tpu.memory_space<vmem>>[vector<16xi32>, vector<16xi32>], vector<16xf32>,
      %lt3A_1944 = arith.constant 31 : i32
      %lt3A_1945 = arith.cmpi slt, %scan3A_1294, %lt3A_1944 : i32
      %convert_element_type3A_1946 = arith.extui %lt3A_1945 : i1 to i32
      %cond3A_1947 = arith.constant 0 : i32
      %cond3A_1948 = arith.cmpi ne, %convert_element_type3A_1946, %cond3A_1947 : i32
      scf.if %cond3A_1948 {
        %add3A_2169 = arith.constant 1 : i32
        %add3A_2170 = arith.addi %scan3A_1294, %add3A_2169 : i32
        %mul3A_2171 = arith.constant 16 : i32
        %mul3A_2172 = arith.muli %add3A_2170, %mul3A_2171 : i32
        %get3A_2173 = arith.index_cast %mul3A_2172 : i32 to index
        %get3A_2174 = tpu.vector_load %arg5[%get3A_2173] {strides = array<i32>} : memref<512xi32, #tpu.memory_space<vmem>>, vector<16xi32>,
        %eq3A_2175 = arith.constant 11 : i32
        %eq3A_2176 = vector.broadcast %eq3A_2175 : i32 to vector<16xi32>
        %eq3A_2177 = arith.cmpi eq, %iota3A, %eq3A_2176 : vector<16xi32>
        %jit3A_2178 = arith.constant 0 : i32
        %broadcast_in_dim3A_2179 = vector.broadcast %jit3A_2178 : i32 to vector<16xi32>
        %select_n3A_2180 = arith.select %eq3A_2177, %get3A_2174, %broadcast_in_dim3A_2179 : vector<16xi1>, vector<16xi32>
        %reduce_sum3A_2181 = arith.constant true
        %reduce_sum3A_2182 = vector.broadcast %reduce_sum3A_2181 : i1 to vector<16xi1>
        %reduce_sum3A_2183 = tpu.scan <sum>, %select_n3A_2180 masked %reduce_sum3A_2182 : vector<16xi32>, vector<16xi1> -> vector<16xi32>
        %reduce_sum3A_2184 = vector.extract %reduce_sum3A_2183[15] : i32 from vector<16xi32>
        %shift_right_arithmetic3A_2185 = arith.constant 7 : i32
        %shift_right_arithmetic3A_2186 = arith.shrsi %reduce_sum3A_2184, %shift_right_arithmetic3A_2185 : i32
        %mul3A_2187 = arith.constant 128 : i32
        %mul3A_2188 = arith.muli %shift_right_arithmetic3A_2186, %mul3A_2187 : i32
        %multiple_of3A_2189 = tpu.assume_multiple %mul3A_2188, 128 : i32
        %dma_start3A_2190 = arith.constant 11 : i32
        %dma_start3A_2191 = arith.constant 11 : i32
        %dma_start3A_2192 = arith.constant 0 : i32
        %dma_start3A_2193 = arith.constant 0 : i32
        %dma_start3A_2194 = tpu.memref_slice %arg6[%dma_start3A_2190, %dma_start3A_2192, %dma_start3A_2193] : memref<16x32x128xf32, #tpu.memory_space<vmem>> -> memref<1x8x128xf32, #tpu.memory_space<vmem>>
        %dma_start3A_2195 = tpu.memref_squeeze %dma_start3A_2194 : memref<1x8x128xf32, #tpu.memory_space<vmem>> -> memref<8x128xf32, #tpu.memory_space<vmem>>
        %dma_start3A_2196 = arith.constant 0 : i32
        %dma_start3A_2197 = tpu.memref_slice %arg3[%dma_start3A_2196, %multiple_of3A_2189] : memref<32x1000000xf32, #tpu.memory_space<hbm>> -> memref<8x128xf32, #tpu.memory_space<hbm>>
        %dma_start3A_2198 = tpu.memref_slice %arg8[%dma_start3A_2191] : memref<16x!tpu.dma_semaphore, #tpu.memory_space<semaphore_mem>> -> memref<1x!tpu.dma_semaphore, #tpu.memory_space<semaphore_mem>>
        %dma_start3A_2199 = tpu.memref_squeeze %dma_start3A_2198 : memref<1x!tpu.dma_semaphore, #tpu.memory_space<semaphore_mem>> -> memref<!tpu.dma_semaphore, #tpu.memory_space<semaphore_mem>>
        %dma_start3A_2200 = arith.constant 0 : i32
        %dma_start3A_2201 = arith.constant 0 : i32
        %dma_start3A_2202 = tpu.memref_slice %arg6[%dma_start3A_2190, %dma_start3A_2200, %dma_start3A_2201] : memref<16x32x128xf32, #tpu.memory_space<vmem>> -> memref<1x8x128xf32, #tpu.memory_space<vmem>>
        %dma_start3A_2203 = tpu.memref_squeeze %dma_start3A_2202 : memref<1x8x128xf32, #tpu.memory_space<vmem>> -> memref<8x128xf32, #tpu.memory_space<vmem>>
        %dma_start3A_2204 = arith.constant 0 : i32
        %dma_start3A_2205 = tpu.memref_slice %arg3[%dma_start3A_2204, %multiple_of3A_2189] : memref<32x1000000xf32, #tpu.memory_space<hbm>> -> memref<8x128xf32, #tpu.memory_space<hbm>>
        tpu.enqueue_dma source(%dma_start3A_2205 : memref<8x128xf32, #tpu.memory_space<hbm>>) target(%dma_start3A_2203 : memref<8x128xf32, #tpu.memory_space<vmem>>) target_semaphore(%dma_start3A_2199 : memref<!tpu.dma_semaphore, #tpu.memory_space<semaphore_mem>>)
        %dma_start3A_2206 = arith.constant 11 : i32
        %dma_start3A_2207 = arith.constant 11 : i32
        %dma_start3A_2208 = arith.constant 8 : i32
        %dma_start3A_2209 = arith.constant 0 : i32
        %dma_start3A_2210 = tpu.memref_slice %arg6[%dma_start3A_2206, %dma_start3A_2208, %dma_start3A_2209] : memref<16x32x128xf32, #tpu.memory_space<vmem>> -> memref<1x8x128xf32, #tpu.memory_space<vmem>>
        %dma_start3A_2211 = tpu.memref_squeeze %dma_start3A_2210 : memref<1x8x128xf32, #tpu.memory_space<vmem>> -> memref<8x128xf32, #tpu.memory_space<vmem>>
        %dma_start3A_2212 = arith.constant 8 : i32
        %dma_start3A_2213 = tpu.memref_slice %arg3[%dma_start3A_2212, %multiple_of3A_2189] : memref<32x1000000xf32, #tpu.memory_space<hbm>> -> memref<8x128xf32, #tpu.memory_space<hbm>>
        %dma_start3A_2214 = tpu.memref_slice %arg8[%dma_start3A_2207] : memref<16x!tpu.dma_semaphore, #tpu.memory_space<semaphore_mem>> -> memref<1x!tpu.dma_semaphore, #tpu.memory_space<semaphore_mem>>
        %dma_start3A_2215 = tpu.memref_squeeze %dma_start3A_2214 : memref<1x!tpu.dma_semaphore, #tpu.memory_space<semaphore_mem>> -> memref<!tpu.dma_semaphore, #tpu.memory_space<semaphore_mem>>
        %dma_start3A_2216 = arith.constant 8 : i32
        %dma_start3A_2217 = arith.constant 0 : i32
        %dma_start3A_2218 = tpu.memref_slice %arg6[%dma_start3A_2206, %dma_start3A_2216, %dma_start3A_2217] : memref<16x32x128xf32, #tpu.memory_space<vmem>> -> memref<1x8x128xf32, #tpu.memory_space<vmem>>
        %dma_start3A_2219 = tpu.memref_squeeze %dma_start3A_2218 : memref<1x8x128xf32, #tpu.memory_space<vmem>> -> memref<8x128xf32, #tpu.memory_space<vmem>>
        %dma_start3A_2220 = arith.constant 8 : i32
        %dma_start3A_2221 = tpu.memref_slice %arg3[%dma_start3A_2220, %multiple_of3A_2189] : memref<32x1000000xf32, #tpu.memory_space<hbm>> -> memref<8x128xf32, #tpu.memory_space<hbm>>
        tpu.enqueue_dma source(%dma_start3A_2221 : memref<8x128xf32, #tpu.memory_space<hbm>>) target(%dma_start3A_2219 : memref<8x128xf32, #tpu.memory_space<vmem>>) target_semaphore(%dma_start3A_2215 : memref<!tpu.dma_semaphore, #tpu.memory_space<semaphore_mem>>)
        %dma_start3A_2222 = arith.constant 11 : i32
        %dma_start3A_2223 = arith.constant 11 : i32
        %dma_start3A_2224 = arith.constant 16 : i32
        %dma_start3A_2225 = arith.constant 0 : i32
        %dma_start3A_2226 = tpu.memref_slice %arg6[%dma_start3A_2222, %dma_start3A_2224, %dma_start3A_2225] : memref<16x32x128xf32, #tpu.memory_space<vmem>> -> memref<1x8x128xf32, #tpu.memory_space<vmem>>
        %dma_start3A_2227 = tpu.memref_squeeze %dma_start3A_2226 : memref<1x8x128xf32, #tpu.memory_space<vmem>> -> memref<8x128xf32, #tpu.memory_space<vmem>>
        %dma_start3A_2228 = arith.constant 16 : i32
        %dma_start3A_2229 = tpu.memref_slice %arg3[%dma_start3A_2228, %multiple_of3A_2189] : memref<32x1000000xf32, #tpu.memory_space<hbm>> -> memref<8x128xf32, #tpu.memory_space<hbm>>
        %dma_start3A_2230 = tpu.memref_slice %arg8[%dma_start3A_2223] : memref<16x!tpu.dma_semaphore, #tpu.memory_space<semaphore_mem>> -> memref<1x!tpu.dma_semaphore, #tpu.memory_space<semaphore_mem>>
        %dma_start3A_2231 = tpu.memref_squeeze %dma_start3A_2230 : memref<1x!tpu.dma_semaphore, #tpu.memory_space<semaphore_mem>> -> memref<!tpu.dma_semaphore, #tpu.memory_space<semaphore_mem>>
        %dma_start3A_2232 = arith.constant 16 : i32
        %dma_start3A_2233 = arith.constant 0 : i32
        %dma_start3A_2234 = tpu.memref_slice %arg6[%dma_start3A_2222, %dma_start3A_2232, %dma_start3A_2233] : memref<16x32x128xf32, #tpu.memory_space<vmem>> -> memref<1x8x128xf32, #tpu.memory_space<vmem>>
        %dma_start3A_2235 = tpu.memref_squeeze %dma_start3A_2234 : memref<1x8x128xf32, #tpu.memory_space<vmem>> -> memref<8x128xf32, #tpu.memory_space<vmem>>
        %dma_start3A_2236 = arith.constant 16 : i32
        %dma_start3A_2237 = tpu.memref_slice %arg3[%dma_start3A_2236, %multiple_of3A_2189] : memref<32x1000000xf32, #tpu.memory_space<hbm>> -> memref<8x128xf32, #tpu.memory_space<hbm>>
        tpu.enqueue_dma source(%dma_start3A_2237 : memref<8x128xf32, #tpu.memory_space<hbm>>) target(%dma_start3A_2235 : memref<8x128xf32, #tpu.memory_space<vmem>>) target_semaphore(%dma_start3A_2231 : memref<!tpu.dma_semaphore, #tpu.memory_space<semaphore_mem>>)
        %dma_start3A_2238 = arith.constant 11 : i32
        %dma_start3A_2239 = arith.constant 11 : i32
        %dma_start3A_2240 = arith.constant 24 : i32
        %dma_start3A_2241 = arith.constant 0 : i32
        %dma_start3A_2242 = tpu.memref_slice %arg6[%dma_start3A_2238, %dma_start3A_2240, %dma_start3A_2241] : memref<16x32x128xf32, #tpu.memory_space<vmem>> -> memref<1x8x128xf32, #tpu.memory_space<vmem>>
        %dma_start3A_2243 = tpu.memref_squeeze %dma_start3A_2242 : memref<1x8x128xf32, #tpu.memory_space<vmem>> -> memref<8x128xf32, #tpu.memory_space<vmem>>
        %dma_start3A_2244 = arith.constant 24 : i32
        %dma_start3A_2245 = tpu.memref_slice %arg3[%dma_start3A_2244, %multiple_of3A_2189] : memref<32x1000000xf32, #tpu.memory_space<hbm>> -> memref<8x128xf32, #tpu.memory_space<hbm>>
        %dma_start3A_2246 = tpu.memref_slice %arg8[%dma_start3A_2239] : memref<16x!tpu.dma_semaphore, #tpu.memory_space<semaphore_mem>> -> memref<1x!tpu.dma_semaphore, #tpu.memory_space<semaphore_mem>>
        %dma_start3A_2247 = tpu.memref_squeeze %dma_start3A_2246 : memref<1x!tpu.dma_semaphore, #tpu.memory_space<semaphore_mem>> -> memref<!tpu.dma_semaphore, #tpu.memory_space<semaphore_mem>>
        %dma_start3A_2248 = arith.constant 24 : i32
        %dma_start3A_2249 = arith.constant 0 : i32
        %dma_start3A_2250 = tpu.memref_slice %arg6[%dma_start3A_2238, %dma_start3A_2248, %dma_start3A_2249] : memref<16x32x128xf32, #tpu.memory_space<vmem>> -> memref<1x8x128xf32, #tpu.memory_space<vmem>>
        %dma_start3A_2251 = tpu.memref_squeeze %dma_start3A_2250 : memref<1x8x128xf32, #tpu.memory_space<vmem>> -> memref<8x128xf32, #tpu.memory_space<vmem>>
        %dma_start3A_2252 = arith.constant 24 : i32
        %dma_start3A_2253 = tpu.memref_slice %arg3[%dma_start3A_2252, %multiple_of3A_2189] : memref<32x1000000xf32, #tpu.memory_space<hbm>> -> memref<8x128xf32, #tpu.memory_space<hbm>>
        tpu.enqueue_dma source(%dma_start3A_2253 : memref<8x128xf32, #tpu.memory_space<hbm>>) target(%dma_start3A_2251 : memref<8x128xf32, #tpu.memory_space<vmem>>) target_semaphore(%dma_start3A_2247 : memref<!tpu.dma_semaphore, #tpu.memory_space<semaphore_mem>>)
      } else {
      }
      %dma_wait3A_1949 = arith.constant 12 : i32
      %dma_wait3A_1950 = arith.constant 12 : i32
      %dma_wait3A_1951 = arith.constant 0 : i32
      %dma_wait3A_1952 = arith.constant 0 : i32
      %dma_wait3A_1953 = tpu.memref_slice %arg6[%dma_wait3A_1949, %dma_wait3A_1951, %dma_wait3A_1952] : memref<16x32x128xf32, #tpu.memory_space<vmem>> -> memref<1x32x128xf32, #tpu.memory_space<vmem>>
      %dma_wait3A_1954 = tpu.memref_squeeze %dma_wait3A_1953 : memref<1x32x128xf32, #tpu.memory_space<vmem>> -> memref<32x128xf32, #tpu.memory_space<vmem>>
      %dma_wait3A_1955 = arith.constant 0 : i32
      %dma_wait3A_1956 = arith.constant 0 : i32
      %dma_wait3A_1957 = tpu.memref_slice %arg3[%dma_wait3A_1955, %dma_wait3A_1956] : memref<32x1000000xf32, #tpu.memory_space<hbm>> -> memref<32x128xf32, #tpu.memory_space<hbm>>
      %dma_wait3A_1958 = tpu.memref_slice %arg8[%dma_wait3A_1950] : memref<16x!tpu.dma_semaphore, #tpu.memory_space<semaphore_mem>> -> memref<1x!tpu.dma_semaphore, #tpu.memory_space<semaphore_mem>>
      %dma_wait3A_1959 = tpu.memref_squeeze %dma_wait3A_1958 : memref<1x!tpu.dma_semaphore, #tpu.memory_space<semaphore_mem>> -> memref<!tpu.dma_semaphore, #tpu.memory_space<semaphore_mem>>
      %dma_wait3A_1960 = arith.constant 0 : i32
      %dma_wait3A_1961 = arith.constant 0 : i32
      %dma_wait3A_1962 = tpu.memref_slice %arg6[%dma_wait3A_1949, %dma_wait3A_1960, %dma_wait3A_1961] : memref<16x32x128xf32, #tpu.memory_space<vmem>> -> memref<1x32x128xf32, #tpu.memory_space<vmem>>
      %dma_wait3A_1963 = tpu.memref_squeeze %dma_wait3A_1962 : memref<1x32x128xf32, #tpu.memory_space<vmem>> -> memref<32x128xf32, #tpu.memory_space<vmem>>
      %dma_wait3A_1964 = arith.constant 0 : i32
      %dma_wait3A_1965 = arith.constant 0 : i32
      %dma_wait3A_1966 = tpu.memref_slice %arg3[%dma_wait3A_1964, %dma_wait3A_1965] : memref<32x1000000xf32, #tpu.memory_space<hbm>> -> memref<32x128xf32, #tpu.memory_space<hbm>>
      tpu.wait_dma2 semaphore(%dma_wait3A_1959 : memref<!tpu.dma_semaphore, #tpu.memory_space<semaphore_mem>>) src(%dma_wait3A_1966 : memref<32x128xf32, #tpu.memory_space<hbm>>) dst(%dma_wait3A_1963 : memref<32x128xf32, #tpu.memory_space<vmem>>)
      %mul3A_1967 = arith.constant 16 : i32
      %mul3A_1968 = arith.muli %scan3A_1294, %mul3A_1967 : i32
      %get3A_1969 = arith.index_cast %mul3A_1968 : i32 to index
      %get3A_1970 = tpu.vector_load %arg5[%get3A_1969] {strides = array<i32>} : memref<512xi32, #tpu.memory_space<vmem>>, vector<16xi32>,
      %eq3A_1971 = arith.constant 12 : i32
      %eq3A_1972 = vector.broadcast %eq3A_1971 : i32 to vector<16xi32>
      %eq3A_1973 = arith.cmpi eq, %iota3A, %eq3A_1972 : vector<16xi32>
      %jit3A_1974 = arith.constant 0 : i32
      %broadcast_in_dim3A_1975 = vector.broadcast %jit3A_1974 : i32 to vector<16xi32>
      %select_n3A_1976 = arith.select %eq3A_1973, %get3A_1970, %broadcast_in_dim3A_1975 : vector<16xi1>, vector<16xi32>
      %reduce_sum3A_1977 = arith.constant true
      %reduce_sum3A_1978 = vector.broadcast %reduce_sum3A_1977 : i1 to vector<16xi1>
      %reduce_sum3A_1979 = tpu.scan <sum>, %select_n3A_1976 masked %reduce_sum3A_1978 : vector<16xi32>, vector<16xi1> -> vector<16xi32>
      %reduce_sum3A_1980 = vector.extract %reduce_sum3A_1979[15] : i32 from vector<16xi32>
      %and3A_1981 = arith.constant 127 : i32
      %and3A_1982 = arith.andi %reduce_sum3A_1980, %and3A_1981 : i32
      %broadcast_in_dim3A_1983 = vector.broadcast %and3A_1982 : i32 to vector<16xi32>
      %broadcast_in_dim3A_1984 = arith.constant 12 : i32
      %broadcast_in_dim3A_1985 = vector.broadcast %broadcast_in_dim3A_1984 : i32 to vector<16xi32>
      %mul3A_1986 = arith.constant 16 : i32
      %mul3A_1987 = arith.muli %scan3A_1294, %mul3A_1986 : i32
      %add3A_1988 = arith.constant 12 : i32
      %add3A_1989 = arith.addi %mul3A_1987, %add3A_1988 : i32
      %broadcast_in_dim3A_1990 = vector.broadcast %add3A_1989 : i32 to vector<16xi32>
      %gather3A_1991 = tpu.vector_load_idx %arg6[%broadcast_in_dim3A_1985, %iota3A, %broadcast_in_dim3A_1983] : memref<16x32x128xf32, #tpu.memory_space<vmem>>[vector<16xi32>, vector<16xi32>, vector<16xi32>], vector<16xf32>,
      %add3A_1992 = arith.constant 16 : i32
      %add3A_1993 = vector.broadcast %add3A_1992 : i32 to vector<16xi32>
      %add3A_1994 = arith.addi %iota3A, %add3A_1993 : vector<16xi32>
      %gather3A_1995 = tpu.vector_load_idx %arg6[%broadcast_in_dim3A_1985, %add3A_1994, %broadcast_in_dim3A_1983] : memref<16x32x128xf32, #tpu.memory_space<vmem>>[vector<16xi32>, vector<16xi32>, vector<16xi32>], vector<16xf32>,
      tpu.vector_store_idx %arg7[%iota3A, %broadcast_in_dim3A_1990], %gather3A_1991 : memref<32x512xf32, #tpu.memory_space<vmem>>[vector<16xi32>, vector<16xi32>], vector<16xf32>,
      %add3A_1996 = arith.constant 16 : i32
      %add3A_1997 = vector.broadcast %add3A_1996 : i32 to vector<16xi32>
      %add3A_1998 = arith.addi %iota3A, %add3A_1997 : vector<16xi32>
      tpu.vector_store_idx %arg7[%add3A_1998, %broadcast_in_dim3A_1990], %gather3A_1995 : memref<32x512xf32, #tpu.memory_space<vmem>>[vector<16xi32>, vector<16xi32>], vector<16xf32>,
      %lt3A_1999 = arith.constant 31 : i32
      %lt3A_2000 = arith.cmpi slt, %scan3A_1294, %lt3A_1999 : i32
      %convert_element_type3A_2001 = arith.extui %lt3A_2000 : i1 to i32
      %cond3A_2002 = arith.constant 0 : i32
      %cond3A_2003 = arith.cmpi ne, %convert_element_type3A_2001, %cond3A_2002 : i32
      scf.if %cond3A_2003 {
        %add3A_2169 = arith.constant 1 : i32
        %add3A_2170 = arith.addi %scan3A_1294, %add3A_2169 : i32
        %mul3A_2171 = arith.constant 16 : i32
        %mul3A_2172 = arith.muli %add3A_2170, %mul3A_2171 : i32
        %get3A_2173 = arith.index_cast %mul3A_2172 : i32 to index
        %get3A_2174 = tpu.vector_load %arg5[%get3A_2173] {strides = array<i32>} : memref<512xi32, #tpu.memory_space<vmem>>, vector<16xi32>,
        %eq3A_2175 = arith.constant 12 : i32
        %eq3A_2176 = vector.broadcast %eq3A_2175 : i32 to vector<16xi32>
        %eq3A_2177 = arith.cmpi eq, %iota3A, %eq3A_2176 : vector<16xi32>
        %jit3A_2178 = arith.constant 0 : i32
        %broadcast_in_dim3A_2179 = vector.broadcast %jit3A_2178 : i32 to vector<16xi32>
        %select_n3A_2180 = arith.select %eq3A_2177, %get3A_2174, %broadcast_in_dim3A_2179 : vector<16xi1>, vector<16xi32>
        %reduce_sum3A_2181 = arith.constant true
        %reduce_sum3A_2182 = vector.broadcast %reduce_sum3A_2181 : i1 to vector<16xi1>
        %reduce_sum3A_2183 = tpu.scan <sum>, %select_n3A_2180 masked %reduce_sum3A_2182 : vector<16xi32>, vector<16xi1> -> vector<16xi32>
        %reduce_sum3A_2184 = vector.extract %reduce_sum3A_2183[15] : i32 from vector<16xi32>
        %shift_right_arithmetic3A_2185 = arith.constant 7 : i32
        %shift_right_arithmetic3A_2186 = arith.shrsi %reduce_sum3A_2184, %shift_right_arithmetic3A_2185 : i32
        %mul3A_2187 = arith.constant 128 : i32
        %mul3A_2188 = arith.muli %shift_right_arithmetic3A_2186, %mul3A_2187 : i32
        %multiple_of3A_2189 = tpu.assume_multiple %mul3A_2188, 128 : i32
        %dma_start3A_2190 = arith.constant 12 : i32
        %dma_start3A_2191 = arith.constant 12 : i32
        %dma_start3A_2192 = arith.constant 0 : i32
        %dma_start3A_2193 = arith.constant 0 : i32
        %dma_start3A_2194 = tpu.memref_slice %arg6[%dma_start3A_2190, %dma_start3A_2192, %dma_start3A_2193] : memref<16x32x128xf32, #tpu.memory_space<vmem>> -> memref<1x8x128xf32, #tpu.memory_space<vmem>>
        %dma_start3A_2195 = tpu.memref_squeeze %dma_start3A_2194 : memref<1x8x128xf32, #tpu.memory_space<vmem>> -> memref<8x128xf32, #tpu.memory_space<vmem>>
        %dma_start3A_2196 = arith.constant 0 : i32
        %dma_start3A_2197 = tpu.memref_slice %arg3[%dma_start3A_2196, %multiple_of3A_2189] : memref<32x1000000xf32, #tpu.memory_space<hbm>> -> memref<8x128xf32, #tpu.memory_space<hbm>>
        %dma_start3A_2198 = tpu.memref_slice %arg8[%dma_start3A_2191] : memref<16x!tpu.dma_semaphore, #tpu.memory_space<semaphore_mem>> -> memref<1x!tpu.dma_semaphore, #tpu.memory_space<semaphore_mem>>
        %dma_start3A_2199 = tpu.memref_squeeze %dma_start3A_2198 : memref<1x!tpu.dma_semaphore, #tpu.memory_space<semaphore_mem>> -> memref<!tpu.dma_semaphore, #tpu.memory_space<semaphore_mem>>
        %dma_start3A_2200 = arith.constant 0 : i32
        %dma_start3A_2201 = arith.constant 0 : i32
        %dma_start3A_2202 = tpu.memref_slice %arg6[%dma_start3A_2190, %dma_start3A_2200, %dma_start3A_2201] : memref<16x32x128xf32, #tpu.memory_space<vmem>> -> memref<1x8x128xf32, #tpu.memory_space<vmem>>
        %dma_start3A_2203 = tpu.memref_squeeze %dma_start3A_2202 : memref<1x8x128xf32, #tpu.memory_space<vmem>> -> memref<8x128xf32, #tpu.memory_space<vmem>>
        %dma_start3A_2204 = arith.constant 0 : i32
        %dma_start3A_2205 = tpu.memref_slice %arg3[%dma_start3A_2204, %multiple_of3A_2189] : memref<32x1000000xf32, #tpu.memory_space<hbm>> -> memref<8x128xf32, #tpu.memory_space<hbm>>
        tpu.enqueue_dma source(%dma_start3A_2205 : memref<8x128xf32, #tpu.memory_space<hbm>>) target(%dma_start3A_2203 : memref<8x128xf32, #tpu.memory_space<vmem>>) target_semaphore(%dma_start3A_2199 : memref<!tpu.dma_semaphore, #tpu.memory_space<semaphore_mem>>)
        %dma_start3A_2206 = arith.constant 12 : i32
        %dma_start3A_2207 = arith.constant 12 : i32
        %dma_start3A_2208 = arith.constant 8 : i32
        %dma_start3A_2209 = arith.constant 0 : i32
        %dma_start3A_2210 = tpu.memref_slice %arg6[%dma_start3A_2206, %dma_start3A_2208, %dma_start3A_2209] : memref<16x32x128xf32, #tpu.memory_space<vmem>> -> memref<1x8x128xf32, #tpu.memory_space<vmem>>
        %dma_start3A_2211 = tpu.memref_squeeze %dma_start3A_2210 : memref<1x8x128xf32, #tpu.memory_space<vmem>> -> memref<8x128xf32, #tpu.memory_space<vmem>>
        %dma_start3A_2212 = arith.constant 8 : i32
        %dma_start3A_2213 = tpu.memref_slice %arg3[%dma_start3A_2212, %multiple_of3A_2189] : memref<32x1000000xf32, #tpu.memory_space<hbm>> -> memref<8x128xf32, #tpu.memory_space<hbm>>
        %dma_start3A_2214 = tpu.memref_slice %arg8[%dma_start3A_2207] : memref<16x!tpu.dma_semaphore, #tpu.memory_space<semaphore_mem>> -> memref<1x!tpu.dma_semaphore, #tpu.memory_space<semaphore_mem>>
        %dma_start3A_2215 = tpu.memref_squeeze %dma_start3A_2214 : memref<1x!tpu.dma_semaphore, #tpu.memory_space<semaphore_mem>> -> memref<!tpu.dma_semaphore, #tpu.memory_space<semaphore_mem>>
        %dma_start3A_2216 = arith.constant 8 : i32
        %dma_start3A_2217 = arith.constant 0 : i32
        %dma_start3A_2218 = tpu.memref_slice %arg6[%dma_start3A_2206, %dma_start3A_2216, %dma_start3A_2217] : memref<16x32x128xf32, #tpu.memory_space<vmem>> -> memref<1x8x128xf32, #tpu.memory_space<vmem>>
        %dma_start3A_2219 = tpu.memref_squeeze %dma_start3A_2218 : memref<1x8x128xf32, #tpu.memory_space<vmem>> -> memref<8x128xf32, #tpu.memory_space<vmem>>
        %dma_start3A_2220 = arith.constant 8 : i32
        %dma_start3A_2221 = tpu.memref_slice %arg3[%dma_start3A_2220, %multiple_of3A_2189] : memref<32x1000000xf32, #tpu.memory_space<hbm>> -> memref<8x128xf32, #tpu.memory_space<hbm>>
        tpu.enqueue_dma source(%dma_start3A_2221 : memref<8x128xf32, #tpu.memory_space<hbm>>) target(%dma_start3A_2219 : memref<8x128xf32, #tpu.memory_space<vmem>>) target_semaphore(%dma_start3A_2215 : memref<!tpu.dma_semaphore, #tpu.memory_space<semaphore_mem>>)
        %dma_start3A_2222 = arith.constant 12 : i32
        %dma_start3A_2223 = arith.constant 12 : i32
        %dma_start3A_2224 = arith.constant 16 : i32
        %dma_start3A_2225 = arith.constant 0 : i32
        %dma_start3A_2226 = tpu.memref_slice %arg6[%dma_start3A_2222, %dma_start3A_2224, %dma_start3A_2225] : memref<16x32x128xf32, #tpu.memory_space<vmem>> -> memref<1x8x128xf32, #tpu.memory_space<vmem>>
        %dma_start3A_2227 = tpu.memref_squeeze %dma_start3A_2226 : memref<1x8x128xf32, #tpu.memory_space<vmem>> -> memref<8x128xf32, #tpu.memory_space<vmem>>
        %dma_start3A_2228 = arith.constant 16 : i32
        %dma_start3A_2229 = tpu.memref_slice %arg3[%dma_start3A_2228, %multiple_of3A_2189] : memref<32x1000000xf32, #tpu.memory_space<hbm>> -> memref<8x128xf32, #tpu.memory_space<hbm>>
        %dma_start3A_2230 = tpu.memref_slice %arg8[%dma_start3A_2223] : memref<16x!tpu.dma_semaphore, #tpu.memory_space<semaphore_mem>> -> memref<1x!tpu.dma_semaphore, #tpu.memory_space<semaphore_mem>>
        %dma_start3A_2231 = tpu.memref_squeeze %dma_start3A_2230 : memref<1x!tpu.dma_semaphore, #tpu.memory_space<semaphore_mem>> -> memref<!tpu.dma_semaphore, #tpu.memory_space<semaphore_mem>>
        %dma_start3A_2232 = arith.constant 16 : i32
        %dma_start3A_2233 = arith.constant 0 : i32
        %dma_start3A_2234 = tpu.memref_slice %arg6[%dma_start3A_2222, %dma_start3A_2232, %dma_start3A_2233] : memref<16x32x128xf32, #tpu.memory_space<vmem>> -> memref<1x8x128xf32, #tpu.memory_space<vmem>>
        %dma_start3A_2235 = tpu.memref_squeeze %dma_start3A_2234 : memref<1x8x128xf32, #tpu.memory_space<vmem>> -> memref<8x128xf32, #tpu.memory_space<vmem>>
        %dma_start3A_2236 = arith.constant 16 : i32
        %dma_start3A_2237 = tpu.memref_slice %arg3[%dma_start3A_2236, %multiple_of3A_2189] : memref<32x1000000xf32, #tpu.memory_space<hbm>> -> memref<8x128xf32, #tpu.memory_space<hbm>>
        tpu.enqueue_dma source(%dma_start3A_2237 : memref<8x128xf32, #tpu.memory_space<hbm>>) target(%dma_start3A_2235 : memref<8x128xf32, #tpu.memory_space<vmem>>) target_semaphore(%dma_start3A_2231 : memref<!tpu.dma_semaphore, #tpu.memory_space<semaphore_mem>>)
        %dma_start3A_2238 = arith.constant 12 : i32
        %dma_start3A_2239 = arith.constant 12 : i32
        %dma_start3A_2240 = arith.constant 24 : i32
        %dma_start3A_2241 = arith.constant 0 : i32
        %dma_start3A_2242 = tpu.memref_slice %arg6[%dma_start3A_2238, %dma_start3A_2240, %dma_start3A_2241] : memref<16x32x128xf32, #tpu.memory_space<vmem>> -> memref<1x8x128xf32, #tpu.memory_space<vmem>>
        %dma_start3A_2243 = tpu.memref_squeeze %dma_start3A_2242 : memref<1x8x128xf32, #tpu.memory_space<vmem>> -> memref<8x128xf32, #tpu.memory_space<vmem>>
        %dma_start3A_2244 = arith.constant 24 : i32
        %dma_start3A_2245 = tpu.memref_slice %arg3[%dma_start3A_2244, %multiple_of3A_2189] : memref<32x1000000xf32, #tpu.memory_space<hbm>> -> memref<8x128xf32, #tpu.memory_space<hbm>>
        %dma_start3A_2246 = tpu.memref_slice %arg8[%dma_start3A_2239] : memref<16x!tpu.dma_semaphore, #tpu.memory_space<semaphore_mem>> -> memref<1x!tpu.dma_semaphore, #tpu.memory_space<semaphore_mem>>
        %dma_start3A_2247 = tpu.memref_squeeze %dma_start3A_2246 : memref<1x!tpu.dma_semaphore, #tpu.memory_space<semaphore_mem>> -> memref<!tpu.dma_semaphore, #tpu.memory_space<semaphore_mem>>
        %dma_start3A_2248 = arith.constant 24 : i32
        %dma_start3A_2249 = arith.constant 0 : i32
        %dma_start3A_2250 = tpu.memref_slice %arg6[%dma_start3A_2238, %dma_start3A_2248, %dma_start3A_2249] : memref<16x32x128xf32, #tpu.memory_space<vmem>> -> memref<1x8x128xf32, #tpu.memory_space<vmem>>
        %dma_start3A_2251 = tpu.memref_squeeze %dma_start3A_2250 : memref<1x8x128xf32, #tpu.memory_space<vmem>> -> memref<8x128xf32, #tpu.memory_space<vmem>>
        %dma_start3A_2252 = arith.constant 24 : i32
        %dma_start3A_2253 = tpu.memref_slice %arg3[%dma_start3A_2252, %multiple_of3A_2189] : memref<32x1000000xf32, #tpu.memory_space<hbm>> -> memref<8x128xf32, #tpu.memory_space<hbm>>
        tpu.enqueue_dma source(%dma_start3A_2253 : memref<8x128xf32, #tpu.memory_space<hbm>>) target(%dma_start3A_2251 : memref<8x128xf32, #tpu.memory_space<vmem>>) target_semaphore(%dma_start3A_2247 : memref<!tpu.dma_semaphore, #tpu.memory_space<semaphore_mem>>)
      } else {
      }
      %dma_wait3A_2004 = arith.constant 13 : i32
      %dma_wait3A_2005 = arith.constant 13 : i32
      %dma_wait3A_2006 = arith.constant 0 : i32
      %dma_wait3A_2007 = arith.constant 0 : i32
      %dma_wait3A_2008 = tpu.memref_slice %arg6[%dma_wait3A_2004, %dma_wait3A_2006, %dma_wait3A_2007] : memref<16x32x128xf32, #tpu.memory_space<vmem>> -> memref<1x32x128xf32, #tpu.memory_space<vmem>>
      %dma_wait3A_2009 = tpu.memref_squeeze %dma_wait3A_2008 : memref<1x32x128xf32, #tpu.memory_space<vmem>> -> memref<32x128xf32, #tpu.memory_space<vmem>>
      %dma_wait3A_2010 = arith.constant 0 : i32
      %dma_wait3A_2011 = arith.constant 0 : i32
      %dma_wait3A_2012 = tpu.memref_slice %arg3[%dma_wait3A_2010, %dma_wait3A_2011] : memref<32x1000000xf32, #tpu.memory_space<hbm>> -> memref<32x128xf32, #tpu.memory_space<hbm>>
      %dma_wait3A_2013 = tpu.memref_slice %arg8[%dma_wait3A_2005] : memref<16x!tpu.dma_semaphore, #tpu.memory_space<semaphore_mem>> -> memref<1x!tpu.dma_semaphore, #tpu.memory_space<semaphore_mem>>
      %dma_wait3A_2014 = tpu.memref_squeeze %dma_wait3A_2013 : memref<1x!tpu.dma_semaphore, #tpu.memory_space<semaphore_mem>> -> memref<!tpu.dma_semaphore, #tpu.memory_space<semaphore_mem>>
      %dma_wait3A_2015 = arith.constant 0 : i32
      %dma_wait3A_2016 = arith.constant 0 : i32
      %dma_wait3A_2017 = tpu.memref_slice %arg6[%dma_wait3A_2004, %dma_wait3A_2015, %dma_wait3A_2016] : memref<16x32x128xf32, #tpu.memory_space<vmem>> -> memref<1x32x128xf32, #tpu.memory_space<vmem>>
      %dma_wait3A_2018 = tpu.memref_squeeze %dma_wait3A_2017 : memref<1x32x128xf32, #tpu.memory_space<vmem>> -> memref<32x128xf32, #tpu.memory_space<vmem>>
      %dma_wait3A_2019 = arith.constant 0 : i32
      %dma_wait3A_2020 = arith.constant 0 : i32
      %dma_wait3A_2021 = tpu.memref_slice %arg3[%dma_wait3A_2019, %dma_wait3A_2020] : memref<32x1000000xf32, #tpu.memory_space<hbm>> -> memref<32x128xf32, #tpu.memory_space<hbm>>
      tpu.wait_dma2 semaphore(%dma_wait3A_2014 : memref<!tpu.dma_semaphore, #tpu.memory_space<semaphore_mem>>) src(%dma_wait3A_2021 : memref<32x128xf32, #tpu.memory_space<hbm>>) dst(%dma_wait3A_2018 : memref<32x128xf32, #tpu.memory_space<vmem>>)
      %mul3A_2022 = arith.constant 16 : i32
      %mul3A_2023 = arith.muli %scan3A_1294, %mul3A_2022 : i32
      %get3A_2024 = arith.index_cast %mul3A_2023 : i32 to index
      %get3A_2025 = tpu.vector_load %arg5[%get3A_2024] {strides = array<i32>} : memref<512xi32, #tpu.memory_space<vmem>>, vector<16xi32>,
      %eq3A_2026 = arith.constant 13 : i32
      %eq3A_2027 = vector.broadcast %eq3A_2026 : i32 to vector<16xi32>
      %eq3A_2028 = arith.cmpi eq, %iota3A, %eq3A_2027 : vector<16xi32>
      %jit3A_2029 = arith.constant 0 : i32
      %broadcast_in_dim3A_2030 = vector.broadcast %jit3A_2029 : i32 to vector<16xi32>
      %select_n3A_2031 = arith.select %eq3A_2028, %get3A_2025, %broadcast_in_dim3A_2030 : vector<16xi1>, vector<16xi32>
      %reduce_sum3A_2032 = arith.constant true
      %reduce_sum3A_2033 = vector.broadcast %reduce_sum3A_2032 : i1 to vector<16xi1>
      %reduce_sum3A_2034 = tpu.scan <sum>, %select_n3A_2031 masked %reduce_sum3A_2033 : vector<16xi32>, vector<16xi1> -> vector<16xi32>
      %reduce_sum3A_2035 = vector.extract %reduce_sum3A_2034[15] : i32 from vector<16xi32>
      %and3A_2036 = arith.constant 127 : i32
      %and3A_2037 = arith.andi %reduce_sum3A_2035, %and3A_2036 : i32
      %broadcast_in_dim3A_2038 = vector.broadcast %and3A_2037 : i32 to vector<16xi32>
      %broadcast_in_dim3A_2039 = arith.constant 13 : i32
      %broadcast_in_dim3A_2040 = vector.broadcast %broadcast_in_dim3A_2039 : i32 to vector<16xi32>
      %mul3A_2041 = arith.constant 16 : i32
      %mul3A_2042 = arith.muli %scan3A_1294, %mul3A_2041 : i32
      %add3A_2043 = arith.constant 13 : i32
      %add3A_2044 = arith.addi %mul3A_2042, %add3A_2043 : i32
      %broadcast_in_dim3A_2045 = vector.broadcast %add3A_2044 : i32 to vector<16xi32>
      %gather3A_2046 = tpu.vector_load_idx %arg6[%broadcast_in_dim3A_2040, %iota3A, %broadcast_in_dim3A_2038] : memref<16x32x128xf32, #tpu.memory_space<vmem>>[vector<16xi32>, vector<16xi32>, vector<16xi32>], vector<16xf32>,
      %add3A_2047 = arith.constant 16 : i32
      %add3A_2048 = vector.broadcast %add3A_2047 : i32 to vector<16xi32>
      %add3A_2049 = arith.addi %iota3A, %add3A_2048 : vector<16xi32>
      %gather3A_2050 = tpu.vector_load_idx %arg6[%broadcast_in_dim3A_2040, %add3A_2049, %broadcast_in_dim3A_2038] : memref<16x32x128xf32, #tpu.memory_space<vmem>>[vector<16xi32>, vector<16xi32>, vector<16xi32>], vector<16xf32>,
      tpu.vector_store_idx %arg7[%iota3A, %broadcast_in_dim3A_2045], %gather3A_2046 : memref<32x512xf32, #tpu.memory_space<vmem>>[vector<16xi32>, vector<16xi32>], vector<16xf32>,
      %add3A_2051 = arith.constant 16 : i32
      %add3A_2052 = vector.broadcast %add3A_2051 : i32 to vector<16xi32>
      %add3A_2053 = arith.addi %iota3A, %add3A_2052 : vector<16xi32>
      tpu.vector_store_idx %arg7[%add3A_2053, %broadcast_in_dim3A_2045], %gather3A_2050 : memref<32x512xf32, #tpu.memory_space<vmem>>[vector<16xi32>, vector<16xi32>], vector<16xf32>,
      %lt3A_2054 = arith.constant 31 : i32
      %lt3A_2055 = arith.cmpi slt, %scan3A_1294, %lt3A_2054 : i32
      %convert_element_type3A_2056 = arith.extui %lt3A_2055 : i1 to i32
      %cond3A_2057 = arith.constant 0 : i32
      %cond3A_2058 = arith.cmpi ne, %convert_element_type3A_2056, %cond3A_2057 : i32
      scf.if %cond3A_2058 {
        %add3A_2169 = arith.constant 1 : i32
        %add3A_2170 = arith.addi %scan3A_1294, %add3A_2169 : i32
        %mul3A_2171 = arith.constant 16 : i32
        %mul3A_2172 = arith.muli %add3A_2170, %mul3A_2171 : i32
        %get3A_2173 = arith.index_cast %mul3A_2172 : i32 to index
        %get3A_2174 = tpu.vector_load %arg5[%get3A_2173] {strides = array<i32>} : memref<512xi32, #tpu.memory_space<vmem>>, vector<16xi32>,
        %eq3A_2175 = arith.constant 13 : i32
        %eq3A_2176 = vector.broadcast %eq3A_2175 : i32 to vector<16xi32>
        %eq3A_2177 = arith.cmpi eq, %iota3A, %eq3A_2176 : vector<16xi32>
        %jit3A_2178 = arith.constant 0 : i32
        %broadcast_in_dim3A_2179 = vector.broadcast %jit3A_2178 : i32 to vector<16xi32>
        %select_n3A_2180 = arith.select %eq3A_2177, %get3A_2174, %broadcast_in_dim3A_2179 : vector<16xi1>, vector<16xi32>
        %reduce_sum3A_2181 = arith.constant true
        %reduce_sum3A_2182 = vector.broadcast %reduce_sum3A_2181 : i1 to vector<16xi1>
        %reduce_sum3A_2183 = tpu.scan <sum>, %select_n3A_2180 masked %reduce_sum3A_2182 : vector<16xi32>, vector<16xi1> -> vector<16xi32>
        %reduce_sum3A_2184 = vector.extract %reduce_sum3A_2183[15] : i32 from vector<16xi32>
        %shift_right_arithmetic3A_2185 = arith.constant 7 : i32
        %shift_right_arithmetic3A_2186 = arith.shrsi %reduce_sum3A_2184, %shift_right_arithmetic3A_2185 : i32
        %mul3A_2187 = arith.constant 128 : i32
        %mul3A_2188 = arith.muli %shift_right_arithmetic3A_2186, %mul3A_2187 : i32
        %multiple_of3A_2189 = tpu.assume_multiple %mul3A_2188, 128 : i32
        %dma_start3A_2190 = arith.constant 13 : i32
        %dma_start3A_2191 = arith.constant 13 : i32
        %dma_start3A_2192 = arith.constant 0 : i32
        %dma_start3A_2193 = arith.constant 0 : i32
        %dma_start3A_2194 = tpu.memref_slice %arg6[%dma_start3A_2190, %dma_start3A_2192, %dma_start3A_2193] : memref<16x32x128xf32, #tpu.memory_space<vmem>> -> memref<1x8x128xf32, #tpu.memory_space<vmem>>
        %dma_start3A_2195 = tpu.memref_squeeze %dma_start3A_2194 : memref<1x8x128xf32, #tpu.memory_space<vmem>> -> memref<8x128xf32, #tpu.memory_space<vmem>>
        %dma_start3A_2196 = arith.constant 0 : i32
        %dma_start3A_2197 = tpu.memref_slice %arg3[%dma_start3A_2196, %multiple_of3A_2189] : memref<32x1000000xf32, #tpu.memory_space<hbm>> -> memref<8x128xf32, #tpu.memory_space<hbm>>
        %dma_start3A_2198 = tpu.memref_slice %arg8[%dma_start3A_2191] : memref<16x!tpu.dma_semaphore, #tpu.memory_space<semaphore_mem>> -> memref<1x!tpu.dma_semaphore, #tpu.memory_space<semaphore_mem>>
        %dma_start3A_2199 = tpu.memref_squeeze %dma_start3A_2198 : memref<1x!tpu.dma_semaphore, #tpu.memory_space<semaphore_mem>> -> memref<!tpu.dma_semaphore, #tpu.memory_space<semaphore_mem>>
        %dma_start3A_2200 = arith.constant 0 : i32
        %dma_start3A_2201 = arith.constant 0 : i32
        %dma_start3A_2202 = tpu.memref_slice %arg6[%dma_start3A_2190, %dma_start3A_2200, %dma_start3A_2201] : memref<16x32x128xf32, #tpu.memory_space<vmem>> -> memref<1x8x128xf32, #tpu.memory_space<vmem>>
        %dma_start3A_2203 = tpu.memref_squeeze %dma_start3A_2202 : memref<1x8x128xf32, #tpu.memory_space<vmem>> -> memref<8x128xf32, #tpu.memory_space<vmem>>
        %dma_start3A_2204 = arith.constant 0 : i32
        %dma_start3A_2205 = tpu.memref_slice %arg3[%dma_start3A_2204, %multiple_of3A_2189] : memref<32x1000000xf32, #tpu.memory_space<hbm>> -> memref<8x128xf32, #tpu.memory_space<hbm>>
        tpu.enqueue_dma source(%dma_start3A_2205 : memref<8x128xf32, #tpu.memory_space<hbm>>) target(%dma_start3A_2203 : memref<8x128xf32, #tpu.memory_space<vmem>>) target_semaphore(%dma_start3A_2199 : memref<!tpu.dma_semaphore, #tpu.memory_space<semaphore_mem>>)
        %dma_start3A_2206 = arith.constant 13 : i32
        %dma_start3A_2207 = arith.constant 13 : i32
        %dma_start3A_2208 = arith.constant 8 : i32
        %dma_start3A_2209 = arith.constant 0 : i32
        %dma_start3A_2210 = tpu.memref_slice %arg6[%dma_start3A_2206, %dma_start3A_2208, %dma_start3A_2209] : memref<16x32x128xf32, #tpu.memory_space<vmem>> -> memref<1x8x128xf32, #tpu.memory_space<vmem>>
        %dma_start3A_2211 = tpu.memref_squeeze %dma_start3A_2210 : memref<1x8x128xf32, #tpu.memory_space<vmem>> -> memref<8x128xf32, #tpu.memory_space<vmem>>
        %dma_start3A_2212 = arith.constant 8 : i32
        %dma_start3A_2213 = tpu.memref_slice %arg3[%dma_start3A_2212, %multiple_of3A_2189] : memref<32x1000000xf32, #tpu.memory_space<hbm>> -> memref<8x128xf32, #tpu.memory_space<hbm>>
        %dma_start3A_2214 = tpu.memref_slice %arg8[%dma_start3A_2207] : memref<16x!tpu.dma_semaphore, #tpu.memory_space<semaphore_mem>> -> memref<1x!tpu.dma_semaphore, #tpu.memory_space<semaphore_mem>>
        %dma_start3A_2215 = tpu.memref_squeeze %dma_start3A_2214 : memref<1x!tpu.dma_semaphore, #tpu.memory_space<semaphore_mem>> -> memref<!tpu.dma_semaphore, #tpu.memory_space<semaphore_mem>>
        %dma_start3A_2216 = arith.constant 8 : i32
        %dma_start3A_2217 = arith.constant 0 : i32
        %dma_start3A_2218 = tpu.memref_slice %arg6[%dma_start3A_2206, %dma_start3A_2216, %dma_start3A_2217] : memref<16x32x128xf32, #tpu.memory_space<vmem>> -> memref<1x8x128xf32, #tpu.memory_space<vmem>>
        %dma_start3A_2219 = tpu.memref_squeeze %dma_start3A_2218 : memref<1x8x128xf32, #tpu.memory_space<vmem>> -> memref<8x128xf32, #tpu.memory_space<vmem>>
        %dma_start3A_2220 = arith.constant 8 : i32
        %dma_start3A_2221 = tpu.memref_slice %arg3[%dma_start3A_2220, %multiple_of3A_2189] : memref<32x1000000xf32, #tpu.memory_space<hbm>> -> memref<8x128xf32, #tpu.memory_space<hbm>>
        tpu.enqueue_dma source(%dma_start3A_2221 : memref<8x128xf32, #tpu.memory_space<hbm>>) target(%dma_start3A_2219 : memref<8x128xf32, #tpu.memory_space<vmem>>) target_semaphore(%dma_start3A_2215 : memref<!tpu.dma_semaphore, #tpu.memory_space<semaphore_mem>>)
        %dma_start3A_2222 = arith.constant 13 : i32
        %dma_start3A_2223 = arith.constant 13 : i32
        %dma_start3A_2224 = arith.constant 16 : i32
        %dma_start3A_2225 = arith.constant 0 : i32
        %dma_start3A_2226 = tpu.memref_slice %arg6[%dma_start3A_2222, %dma_start3A_2224, %dma_start3A_2225] : memref<16x32x128xf32, #tpu.memory_space<vmem>> -> memref<1x8x128xf32, #tpu.memory_space<vmem>>
        %dma_start3A_2227 = tpu.memref_squeeze %dma_start3A_2226 : memref<1x8x128xf32, #tpu.memory_space<vmem>> -> memref<8x128xf32, #tpu.memory_space<vmem>>
        %dma_start3A_2228 = arith.constant 16 : i32
        %dma_start3A_2229 = tpu.memref_slice %arg3[%dma_start3A_2228, %multiple_of3A_2189] : memref<32x1000000xf32, #tpu.memory_space<hbm>> -> memref<8x128xf32, #tpu.memory_space<hbm>>
        %dma_start3A_2230 = tpu.memref_slice %arg8[%dma_start3A_2223] : memref<16x!tpu.dma_semaphore, #tpu.memory_space<semaphore_mem>> -> memref<1x!tpu.dma_semaphore, #tpu.memory_space<semaphore_mem>>
        %dma_start3A_2231 = tpu.memref_squeeze %dma_start3A_2230 : memref<1x!tpu.dma_semaphore, #tpu.memory_space<semaphore_mem>> -> memref<!tpu.dma_semaphore, #tpu.memory_space<semaphore_mem>>
        %dma_start3A_2232 = arith.constant 16 : i32
        %dma_start3A_2233 = arith.constant 0 : i32
        %dma_start3A_2234 = tpu.memref_slice %arg6[%dma_start3A_2222, %dma_start3A_2232, %dma_start3A_2233] : memref<16x32x128xf32, #tpu.memory_space<vmem>> -> memref<1x8x128xf32, #tpu.memory_space<vmem>>
        %dma_start3A_2235 = tpu.memref_squeeze %dma_start3A_2234 : memref<1x8x128xf32, #tpu.memory_space<vmem>> -> memref<8x128xf32, #tpu.memory_space<vmem>>
        %dma_start3A_2236 = arith.constant 16 : i32
        %dma_start3A_2237 = tpu.memref_slice %arg3[%dma_start3A_2236, %multiple_of3A_2189] : memref<32x1000000xf32, #tpu.memory_space<hbm>> -> memref<8x128xf32, #tpu.memory_space<hbm>>
        tpu.enqueue_dma source(%dma_start3A_2237 : memref<8x128xf32, #tpu.memory_space<hbm>>) target(%dma_start3A_2235 : memref<8x128xf32, #tpu.memory_space<vmem>>) target_semaphore(%dma_start3A_2231 : memref<!tpu.dma_semaphore, #tpu.memory_space<semaphore_mem>>)
        %dma_start3A_2238 = arith.constant 13 : i32
        %dma_start3A_2239 = arith.constant 13 : i32
        %dma_start3A_2240 = arith.constant 24 : i32
        %dma_start3A_2241 = arith.constant 0 : i32
        %dma_start3A_2242 = tpu.memref_slice %arg6[%dma_start3A_2238, %dma_start3A_2240, %dma_start3A_2241] : memref<16x32x128xf32, #tpu.memory_space<vmem>> -> memref<1x8x128xf32, #tpu.memory_space<vmem>>
        %dma_start3A_2243 = tpu.memref_squeeze %dma_start3A_2242 : memref<1x8x128xf32, #tpu.memory_space<vmem>> -> memref<8x128xf32, #tpu.memory_space<vmem>>
        %dma_start3A_2244 = arith.constant 24 : i32
        %dma_start3A_2245 = tpu.memref_slice %arg3[%dma_start3A_2244, %multiple_of3A_2189] : memref<32x1000000xf32, #tpu.memory_space<hbm>> -> memref<8x128xf32, #tpu.memory_space<hbm>>
        %dma_start3A_2246 = tpu.memref_slice %arg8[%dma_start3A_2239] : memref<16x!tpu.dma_semaphore, #tpu.memory_space<semaphore_mem>> -> memref<1x!tpu.dma_semaphore, #tpu.memory_space<semaphore_mem>>
        %dma_start3A_2247 = tpu.memref_squeeze %dma_start3A_2246 : memref<1x!tpu.dma_semaphore, #tpu.memory_space<semaphore_mem>> -> memref<!tpu.dma_semaphore, #tpu.memory_space<semaphore_mem>>
        %dma_start3A_2248 = arith.constant 24 : i32
        %dma_start3A_2249 = arith.constant 0 : i32
        %dma_start3A_2250 = tpu.memref_slice %arg6[%dma_start3A_2238, %dma_start3A_2248, %dma_start3A_2249] : memref<16x32x128xf32, #tpu.memory_space<vmem>> -> memref<1x8x128xf32, #tpu.memory_space<vmem>>
        %dma_start3A_2251 = tpu.memref_squeeze %dma_start3A_2250 : memref<1x8x128xf32, #tpu.memory_space<vmem>> -> memref<8x128xf32, #tpu.memory_space<vmem>>
        %dma_start3A_2252 = arith.constant 24 : i32
        %dma_start3A_2253 = tpu.memref_slice %arg3[%dma_start3A_2252, %multiple_of3A_2189] : memref<32x1000000xf32, #tpu.memory_space<hbm>> -> memref<8x128xf32, #tpu.memory_space<hbm>>
        tpu.enqueue_dma source(%dma_start3A_2253 : memref<8x128xf32, #tpu.memory_space<hbm>>) target(%dma_start3A_2251 : memref<8x128xf32, #tpu.memory_space<vmem>>) target_semaphore(%dma_start3A_2247 : memref<!tpu.dma_semaphore, #tpu.memory_space<semaphore_mem>>)
      } else {
      }
      %dma_wait3A_2059 = arith.constant 14 : i32
      %dma_wait3A_2060 = arith.constant 14 : i32
      %dma_wait3A_2061 = arith.constant 0 : i32
      %dma_wait3A_2062 = arith.constant 0 : i32
      %dma_wait3A_2063 = tpu.memref_slice %arg6[%dma_wait3A_2059, %dma_wait3A_2061, %dma_wait3A_2062] : memref<16x32x128xf32, #tpu.memory_space<vmem>> -> memref<1x32x128xf32, #tpu.memory_space<vmem>>
      %dma_wait3A_2064 = tpu.memref_squeeze %dma_wait3A_2063 : memref<1x32x128xf32, #tpu.memory_space<vmem>> -> memref<32x128xf32, #tpu.memory_space<vmem>>
      %dma_wait3A_2065 = arith.constant 0 : i32
      %dma_wait3A_2066 = arith.constant 0 : i32
      %dma_wait3A_2067 = tpu.memref_slice %arg3[%dma_wait3A_2065, %dma_wait3A_2066] : memref<32x1000000xf32, #tpu.memory_space<hbm>> -> memref<32x128xf32, #tpu.memory_space<hbm>>
      %dma_wait3A_2068 = tpu.memref_slice %arg8[%dma_wait3A_2060] : memref<16x!tpu.dma_semaphore, #tpu.memory_space<semaphore_mem>> -> memref<1x!tpu.dma_semaphore, #tpu.memory_space<semaphore_mem>>
      %dma_wait3A_2069 = tpu.memref_squeeze %dma_wait3A_2068 : memref<1x!tpu.dma_semaphore, #tpu.memory_space<semaphore_mem>> -> memref<!tpu.dma_semaphore, #tpu.memory_space<semaphore_mem>>
      %dma_wait3A_2070 = arith.constant 0 : i32
      %dma_wait3A_2071 = arith.constant 0 : i32
      %dma_wait3A_2072 = tpu.memref_slice %arg6[%dma_wait3A_2059, %dma_wait3A_2070, %dma_wait3A_2071] : memref<16x32x128xf32, #tpu.memory_space<vmem>> -> memref<1x32x128xf32, #tpu.memory_space<vmem>>
      %dma_wait3A_2073 = tpu.memref_squeeze %dma_wait3A_2072 : memref<1x32x128xf32, #tpu.memory_space<vmem>> -> memref<32x128xf32, #tpu.memory_space<vmem>>
      %dma_wait3A_2074 = arith.constant 0 : i32
      %dma_wait3A_2075 = arith.constant 0 : i32
      %dma_wait3A_2076 = tpu.memref_slice %arg3[%dma_wait3A_2074, %dma_wait3A_2075] : memref<32x1000000xf32, #tpu.memory_space<hbm>> -> memref<32x128xf32, #tpu.memory_space<hbm>>
      tpu.wait_dma2 semaphore(%dma_wait3A_2069 : memref<!tpu.dma_semaphore, #tpu.memory_space<semaphore_mem>>) src(%dma_wait3A_2076 : memref<32x128xf32, #tpu.memory_space<hbm>>) dst(%dma_wait3A_2073 : memref<32x128xf32, #tpu.memory_space<vmem>>)
      %mul3A_2077 = arith.constant 16 : i32
      %mul3A_2078 = arith.muli %scan3A_1294, %mul3A_2077 : i32
      %get3A_2079 = arith.index_cast %mul3A_2078 : i32 to index
      %get3A_2080 = tpu.vector_load %arg5[%get3A_2079] {strides = array<i32>} : memref<512xi32, #tpu.memory_space<vmem>>, vector<16xi32>,
      %eq3A_2081 = arith.constant 14 : i32
      %eq3A_2082 = vector.broadcast %eq3A_2081 : i32 to vector<16xi32>
      %eq3A_2083 = arith.cmpi eq, %iota3A, %eq3A_2082 : vector<16xi32>
      %jit3A_2084 = arith.constant 0 : i32
      %broadcast_in_dim3A_2085 = vector.broadcast %jit3A_2084 : i32 to vector<16xi32>
      %select_n3A_2086 = arith.select %eq3A_2083, %get3A_2080, %broadcast_in_dim3A_2085 : vector<16xi1>, vector<16xi32>
      %reduce_sum3A_2087 = arith.constant true
      %reduce_sum3A_2088 = vector.broadcast %reduce_sum3A_2087 : i1 to vector<16xi1>
      %reduce_sum3A_2089 = tpu.scan <sum>, %select_n3A_2086 masked %reduce_sum3A_2088 : vector<16xi32>, vector<16xi1> -> vector<16xi32>
      %reduce_sum3A_2090 = vector.extract %reduce_sum3A_2089[15] : i32 from vector<16xi32>
      %and3A_2091 = arith.constant 127 : i32
      %and3A_2092 = arith.andi %reduce_sum3A_2090, %and3A_2091 : i32
      %broadcast_in_dim3A_2093 = vector.broadcast %and3A_2092 : i32 to vector<16xi32>
      %broadcast_in_dim3A_2094 = arith.constant 14 : i32
      %broadcast_in_dim3A_2095 = vector.broadcast %broadcast_in_dim3A_2094 : i32 to vector<16xi32>
      %mul3A_2096 = arith.constant 16 : i32
      %mul3A_2097 = arith.muli %scan3A_1294, %mul3A_2096 : i32
      %add3A_2098 = arith.constant 14 : i32
      %add3A_2099 = arith.addi %mul3A_2097, %add3A_2098 : i32
      %broadcast_in_dim3A_2100 = vector.broadcast %add3A_2099 : i32 to vector<16xi32>
      %gather3A_2101 = tpu.vector_load_idx %arg6[%broadcast_in_dim3A_2095, %iota3A, %broadcast_in_dim3A_2093] : memref<16x32x128xf32, #tpu.memory_space<vmem>>[vector<16xi32>, vector<16xi32>, vector<16xi32>], vector<16xf32>,
      %add3A_2102 = arith.constant 16 : i32
      %add3A_2103 = vector.broadcast %add3A_2102 : i32 to vector<16xi32>
      %add3A_2104 = arith.addi %iota3A, %add3A_2103 : vector<16xi32>
      %gather3A_2105 = tpu.vector_load_idx %arg6[%broadcast_in_dim3A_2095, %add3A_2104, %broadcast_in_dim3A_2093] : memref<16x32x128xf32, #tpu.memory_space<vmem>>[vector<16xi32>, vector<16xi32>, vector<16xi32>], vector<16xf32>,
      tpu.vector_store_idx %arg7[%iota3A, %broadcast_in_dim3A_2100], %gather3A_2101 : memref<32x512xf32, #tpu.memory_space<vmem>>[vector<16xi32>, vector<16xi32>], vector<16xf32>,
      %add3A_2106 = arith.constant 16 : i32
      %add3A_2107 = vector.broadcast %add3A_2106 : i32 to vector<16xi32>
      %add3A_2108 = arith.addi %iota3A, %add3A_2107 : vector<16xi32>
      tpu.vector_store_idx %arg7[%add3A_2108, %broadcast_in_dim3A_2100], %gather3A_2105 : memref<32x512xf32, #tpu.memory_space<vmem>>[vector<16xi32>, vector<16xi32>], vector<16xf32>,
      %lt3A_2109 = arith.constant 31 : i32
      %lt3A_2110 = arith.cmpi slt, %scan3A_1294, %lt3A_2109 : i32
      %convert_element_type3A_2111 = arith.extui %lt3A_2110 : i1 to i32
      %cond3A_2112 = arith.constant 0 : i32
      %cond3A_2113 = arith.cmpi ne, %convert_element_type3A_2111, %cond3A_2112 : i32
      scf.if %cond3A_2113 {
        %add3A_2169 = arith.constant 1 : i32
        %add3A_2170 = arith.addi %scan3A_1294, %add3A_2169 : i32
        %mul3A_2171 = arith.constant 16 : i32
        %mul3A_2172 = arith.muli %add3A_2170, %mul3A_2171 : i32
        %get3A_2173 = arith.index_cast %mul3A_2172 : i32 to index
        %get3A_2174 = tpu.vector_load %arg5[%get3A_2173] {strides = array<i32>} : memref<512xi32, #tpu.memory_space<vmem>>, vector<16xi32>,
        %eq3A_2175 = arith.constant 14 : i32
        %eq3A_2176 = vector.broadcast %eq3A_2175 : i32 to vector<16xi32>
        %eq3A_2177 = arith.cmpi eq, %iota3A, %eq3A_2176 : vector<16xi32>
        %jit3A_2178 = arith.constant 0 : i32
        %broadcast_in_dim3A_2179 = vector.broadcast %jit3A_2178 : i32 to vector<16xi32>
        %select_n3A_2180 = arith.select %eq3A_2177, %get3A_2174, %broadcast_in_dim3A_2179 : vector<16xi1>, vector<16xi32>
        %reduce_sum3A_2181 = arith.constant true
        %reduce_sum3A_2182 = vector.broadcast %reduce_sum3A_2181 : i1 to vector<16xi1>
        %reduce_sum3A_2183 = tpu.scan <sum>, %select_n3A_2180 masked %reduce_sum3A_2182 : vector<16xi32>, vector<16xi1> -> vector<16xi32>
        %reduce_sum3A_2184 = vector.extract %reduce_sum3A_2183[15] : i32 from vector<16xi32>
        %shift_right_arithmetic3A_2185 = arith.constant 7 : i32
        %shift_right_arithmetic3A_2186 = arith.shrsi %reduce_sum3A_2184, %shift_right_arithmetic3A_2185 : i32
        %mul3A_2187 = arith.constant 128 : i32
        %mul3A_2188 = arith.muli %shift_right_arithmetic3A_2186, %mul3A_2187 : i32
        %multiple_of3A_2189 = tpu.assume_multiple %mul3A_2188, 128 : i32
        %dma_start3A_2190 = arith.constant 14 : i32
        %dma_start3A_2191 = arith.constant 14 : i32
        %dma_start3A_2192 = arith.constant 0 : i32
        %dma_start3A_2193 = arith.constant 0 : i32
        %dma_start3A_2194 = tpu.memref_slice %arg6[%dma_start3A_2190, %dma_start3A_2192, %dma_start3A_2193] : memref<16x32x128xf32, #tpu.memory_space<vmem>> -> memref<1x8x128xf32, #tpu.memory_space<vmem>>
        %dma_start3A_2195 = tpu.memref_squeeze %dma_start3A_2194 : memref<1x8x128xf32, #tpu.memory_space<vmem>> -> memref<8x128xf32, #tpu.memory_space<vmem>>
        %dma_start3A_2196 = arith.constant 0 : i32
        %dma_start3A_2197 = tpu.memref_slice %arg3[%dma_start3A_2196, %multiple_of3A_2189] : memref<32x1000000xf32, #tpu.memory_space<hbm>> -> memref<8x128xf32, #tpu.memory_space<hbm>>
        %dma_start3A_2198 = tpu.memref_slice %arg8[%dma_start3A_2191] : memref<16x!tpu.dma_semaphore, #tpu.memory_space<semaphore_mem>> -> memref<1x!tpu.dma_semaphore, #tpu.memory_space<semaphore_mem>>
        %dma_start3A_2199 = tpu.memref_squeeze %dma_start3A_2198 : memref<1x!tpu.dma_semaphore, #tpu.memory_space<semaphore_mem>> -> memref<!tpu.dma_semaphore, #tpu.memory_space<semaphore_mem>>
        %dma_start3A_2200 = arith.constant 0 : i32
        %dma_start3A_2201 = arith.constant 0 : i32
        %dma_start3A_2202 = tpu.memref_slice %arg6[%dma_start3A_2190, %dma_start3A_2200, %dma_start3A_2201] : memref<16x32x128xf32, #tpu.memory_space<vmem>> -> memref<1x8x128xf32, #tpu.memory_space<vmem>>
        %dma_start3A_2203 = tpu.memref_squeeze %dma_start3A_2202 : memref<1x8x128xf32, #tpu.memory_space<vmem>> -> memref<8x128xf32, #tpu.memory_space<vmem>>
        %dma_start3A_2204 = arith.constant 0 : i32
        %dma_start3A_2205 = tpu.memref_slice %arg3[%dma_start3A_2204, %multiple_of3A_2189] : memref<32x1000000xf32, #tpu.memory_space<hbm>> -> memref<8x128xf32, #tpu.memory_space<hbm>>
        tpu.enqueue_dma source(%dma_start3A_2205 : memref<8x128xf32, #tpu.memory_space<hbm>>) target(%dma_start3A_2203 : memref<8x128xf32, #tpu.memory_space<vmem>>) target_semaphore(%dma_start3A_2199 : memref<!tpu.dma_semaphore, #tpu.memory_space<semaphore_mem>>)
        %dma_start3A_2206 = arith.constant 14 : i32
        %dma_start3A_2207 = arith.constant 14 : i32
        %dma_start3A_2208 = arith.constant 8 : i32
        %dma_start3A_2209 = arith.constant 0 : i32
        %dma_start3A_2210 = tpu.memref_slice %arg6[%dma_start3A_2206, %dma_start3A_2208, %dma_start3A_2209] : memref<16x32x128xf32, #tpu.memory_space<vmem>> -> memref<1x8x128xf32, #tpu.memory_space<vmem>>
        %dma_start3A_2211 = tpu.memref_squeeze %dma_start3A_2210 : memref<1x8x128xf32, #tpu.memory_space<vmem>> -> memref<8x128xf32, #tpu.memory_space<vmem>>
        %dma_start3A_2212 = arith.constant 8 : i32
        %dma_start3A_2213 = tpu.memref_slice %arg3[%dma_start3A_2212, %multiple_of3A_2189] : memref<32x1000000xf32, #tpu.memory_space<hbm>> -> memref<8x128xf32, #tpu.memory_space<hbm>>
        %dma_start3A_2214 = tpu.memref_slice %arg8[%dma_start3A_2207] : memref<16x!tpu.dma_semaphore, #tpu.memory_space<semaphore_mem>> -> memref<1x!tpu.dma_semaphore, #tpu.memory_space<semaphore_mem>>
        %dma_start3A_2215 = tpu.memref_squeeze %dma_start3A_2214 : memref<1x!tpu.dma_semaphore, #tpu.memory_space<semaphore_mem>> -> memref<!tpu.dma_semaphore, #tpu.memory_space<semaphore_mem>>
        %dma_start3A_2216 = arith.constant 8 : i32
        %dma_start3A_2217 = arith.constant 0 : i32
        %dma_start3A_2218 = tpu.memref_slice %arg6[%dma_start3A_2206, %dma_start3A_2216, %dma_start3A_2217] : memref<16x32x128xf32, #tpu.memory_space<vmem>> -> memref<1x8x128xf32, #tpu.memory_space<vmem>>
        %dma_start3A_2219 = tpu.memref_squeeze %dma_start3A_2218 : memref<1x8x128xf32, #tpu.memory_space<vmem>> -> memref<8x128xf32, #tpu.memory_space<vmem>>
        %dma_start3A_2220 = arith.constant 8 : i32
        %dma_start3A_2221 = tpu.memref_slice %arg3[%dma_start3A_2220, %multiple_of3A_2189] : memref<32x1000000xf32, #tpu.memory_space<hbm>> -> memref<8x128xf32, #tpu.memory_space<hbm>>
        tpu.enqueue_dma source(%dma_start3A_2221 : memref<8x128xf32, #tpu.memory_space<hbm>>) target(%dma_start3A_2219 : memref<8x128xf32, #tpu.memory_space<vmem>>) target_semaphore(%dma_start3A_2215 : memref<!tpu.dma_semaphore, #tpu.memory_space<semaphore_mem>>)
        %dma_start3A_2222 = arith.constant 14 : i32
        %dma_start3A_2223 = arith.constant 14 : i32
        %dma_start3A_2224 = arith.constant 16 : i32
        %dma_start3A_2225 = arith.constant 0 : i32
        %dma_start3A_2226 = tpu.memref_slice %arg6[%dma_start3A_2222, %dma_start3A_2224, %dma_start3A_2225] : memref<16x32x128xf32, #tpu.memory_space<vmem>> -> memref<1x8x128xf32, #tpu.memory_space<vmem>>
        %dma_start3A_2227 = tpu.memref_squeeze %dma_start3A_2226 : memref<1x8x128xf32, #tpu.memory_space<vmem>> -> memref<8x128xf32, #tpu.memory_space<vmem>>
        %dma_start3A_2228 = arith.constant 16 : i32
        %dma_start3A_2229 = tpu.memref_slice %arg3[%dma_start3A_2228, %multiple_of3A_2189] : memref<32x1000000xf32, #tpu.memory_space<hbm>> -> memref<8x128xf32, #tpu.memory_space<hbm>>
        %dma_start3A_2230 = tpu.memref_slice %arg8[%dma_start3A_2223] : memref<16x!tpu.dma_semaphore, #tpu.memory_space<semaphore_mem>> -> memref<1x!tpu.dma_semaphore, #tpu.memory_space<semaphore_mem>>
        %dma_start3A_2231 = tpu.memref_squeeze %dma_start3A_2230 : memref<1x!tpu.dma_semaphore, #tpu.memory_space<semaphore_mem>> -> memref<!tpu.dma_semaphore, #tpu.memory_space<semaphore_mem>>
        %dma_start3A_2232 = arith.constant 16 : i32
        %dma_start3A_2233 = arith.constant 0 : i32
        %dma_start3A_2234 = tpu.memref_slice %arg6[%dma_start3A_2222, %dma_start3A_2232, %dma_start3A_2233] : memref<16x32x128xf32, #tpu.memory_space<vmem>> -> memref<1x8x128xf32, #tpu.memory_space<vmem>>
        %dma_start3A_2235 = tpu.memref_squeeze %dma_start3A_2234 : memref<1x8x128xf32, #tpu.memory_space<vmem>> -> memref<8x128xf32, #tpu.memory_space<vmem>>
        %dma_start3A_2236 = arith.constant 16 : i32
        %dma_start3A_2237 = tpu.memref_slice %arg3[%dma_start3A_2236, %multiple_of3A_2189] : memref<32x1000000xf32, #tpu.memory_space<hbm>> -> memref<8x128xf32, #tpu.memory_space<hbm>>
        tpu.enqueue_dma source(%dma_start3A_2237 : memref<8x128xf32, #tpu.memory_space<hbm>>) target(%dma_start3A_2235 : memref<8x128xf32, #tpu.memory_space<vmem>>) target_semaphore(%dma_start3A_2231 : memref<!tpu.dma_semaphore, #tpu.memory_space<semaphore_mem>>)
        %dma_start3A_2238 = arith.constant 14 : i32
        %dma_start3A_2239 = arith.constant 14 : i32
        %dma_start3A_2240 = arith.constant 24 : i32
        %dma_start3A_2241 = arith.constant 0 : i32
        %dma_start3A_2242 = tpu.memref_slice %arg6[%dma_start3A_2238, %dma_start3A_2240, %dma_start3A_2241] : memref<16x32x128xf32, #tpu.memory_space<vmem>> -> memref<1x8x128xf32, #tpu.memory_space<vmem>>
        %dma_start3A_2243 = tpu.memref_squeeze %dma_start3A_2242 : memref<1x8x128xf32, #tpu.memory_space<vmem>> -> memref<8x128xf32, #tpu.memory_space<vmem>>
        %dma_start3A_2244 = arith.constant 24 : i32
        %dma_start3A_2245 = tpu.memref_slice %arg3[%dma_start3A_2244, %multiple_of3A_2189] : memref<32x1000000xf32, #tpu.memory_space<hbm>> -> memref<8x128xf32, #tpu.memory_space<hbm>>
        %dma_start3A_2246 = tpu.memref_slice %arg8[%dma_start3A_2239] : memref<16x!tpu.dma_semaphore, #tpu.memory_space<semaphore_mem>> -> memref<1x!tpu.dma_semaphore, #tpu.memory_space<semaphore_mem>>
        %dma_start3A_2247 = tpu.memref_squeeze %dma_start3A_2246 : memref<1x!tpu.dma_semaphore, #tpu.memory_space<semaphore_mem>> -> memref<!tpu.dma_semaphore, #tpu.memory_space<semaphore_mem>>
        %dma_start3A_2248 = arith.constant 24 : i32
        %dma_start3A_2249 = arith.constant 0 : i32
        %dma_start3A_2250 = tpu.memref_slice %arg6[%dma_start3A_2238, %dma_start3A_2248, %dma_start3A_2249] : memref<16x32x128xf32, #tpu.memory_space<vmem>> -> memref<1x8x128xf32, #tpu.memory_space<vmem>>
        %dma_start3A_2251 = tpu.memref_squeeze %dma_start3A_2250 : memref<1x8x128xf32, #tpu.memory_space<vmem>> -> memref<8x128xf32, #tpu.memory_space<vmem>>
        %dma_start3A_2252 = arith.constant 24 : i32
        %dma_start3A_2253 = tpu.memref_slice %arg3[%dma_start3A_2252, %multiple_of3A_2189] : memref<32x1000000xf32, #tpu.memory_space<hbm>> -> memref<8x128xf32, #tpu.memory_space<hbm>>
        tpu.enqueue_dma source(%dma_start3A_2253 : memref<8x128xf32, #tpu.memory_space<hbm>>) target(%dma_start3A_2251 : memref<8x128xf32, #tpu.memory_space<vmem>>) target_semaphore(%dma_start3A_2247 : memref<!tpu.dma_semaphore, #tpu.memory_space<semaphore_mem>>)
      } else {
      }
      %dma_wait3A_2114 = arith.constant 15 : i32
      %dma_wait3A_2115 = arith.constant 15 : i32
      %dma_wait3A_2116 = arith.constant 0 : i32
      %dma_wait3A_2117 = arith.constant 0 : i32
      %dma_wait3A_2118 = tpu.memref_slice %arg6[%dma_wait3A_2114, %dma_wait3A_2116, %dma_wait3A_2117] : memref<16x32x128xf32, #tpu.memory_space<vmem>> -> memref<1x32x128xf32, #tpu.memory_space<vmem>>
      %dma_wait3A_2119 = tpu.memref_squeeze %dma_wait3A_2118 : memref<1x32x128xf32, #tpu.memory_space<vmem>> -> memref<32x128xf32, #tpu.memory_space<vmem>>
      %dma_wait3A_2120 = arith.constant 0 : i32
      %dma_wait3A_2121 = arith.constant 0 : i32
      %dma_wait3A_2122 = tpu.memref_slice %arg3[%dma_wait3A_2120, %dma_wait3A_2121] : memref<32x1000000xf32, #tpu.memory_space<hbm>> -> memref<32x128xf32, #tpu.memory_space<hbm>>
      %dma_wait3A_2123 = tpu.memref_slice %arg8[%dma_wait3A_2115] : memref<16x!tpu.dma_semaphore, #tpu.memory_space<semaphore_mem>> -> memref<1x!tpu.dma_semaphore, #tpu.memory_space<semaphore_mem>>
      %dma_wait3A_2124 = tpu.memref_squeeze %dma_wait3A_2123 : memref<1x!tpu.dma_semaphore, #tpu.memory_space<semaphore_mem>> -> memref<!tpu.dma_semaphore, #tpu.memory_space<semaphore_mem>>
      %dma_wait3A_2125 = arith.constant 0 : i32
      %dma_wait3A_2126 = arith.constant 0 : i32
      %dma_wait3A_2127 = tpu.memref_slice %arg6[%dma_wait3A_2114, %dma_wait3A_2125, %dma_wait3A_2126] : memref<16x32x128xf32, #tpu.memory_space<vmem>> -> memref<1x32x128xf32, #tpu.memory_space<vmem>>
      %dma_wait3A_2128 = tpu.memref_squeeze %dma_wait3A_2127 : memref<1x32x128xf32, #tpu.memory_space<vmem>> -> memref<32x128xf32, #tpu.memory_space<vmem>>
      %dma_wait3A_2129 = arith.constant 0 : i32
      %dma_wait3A_2130 = arith.constant 0 : i32
      %dma_wait3A_2131 = tpu.memref_slice %arg3[%dma_wait3A_2129, %dma_wait3A_2130] : memref<32x1000000xf32, #tpu.memory_space<hbm>> -> memref<32x128xf32, #tpu.memory_space<hbm>>
      tpu.wait_dma2 semaphore(%dma_wait3A_2124 : memref<!tpu.dma_semaphore, #tpu.memory_space<semaphore_mem>>) src(%dma_wait3A_2131 : memref<32x128xf32, #tpu.memory_space<hbm>>) dst(%dma_wait3A_2128 : memref<32x128xf32, #tpu.memory_space<vmem>>)
      %mul3A_2132 = arith.constant 16 : i32
      %mul3A_2133 = arith.muli %scan3A_1294, %mul3A_2132 : i32
      %get3A_2134 = arith.index_cast %mul3A_2133 : i32 to index
      %get3A_2135 = tpu.vector_load %arg5[%get3A_2134] {strides = array<i32>} : memref<512xi32, #tpu.memory_space<vmem>>, vector<16xi32>,
      %eq3A_2136 = arith.constant 15 : i32
      %eq3A_2137 = vector.broadcast %eq3A_2136 : i32 to vector<16xi32>
      %eq3A_2138 = arith.cmpi eq, %iota3A, %eq3A_2137 : vector<16xi32>
      %jit3A_2139 = arith.constant 0 : i32
      %broadcast_in_dim3A_2140 = vector.broadcast %jit3A_2139 : i32 to vector<16xi32>
      %select_n3A_2141 = arith.select %eq3A_2138, %get3A_2135, %broadcast_in_dim3A_2140 : vector<16xi1>, vector<16xi32>
      %reduce_sum3A_2142 = arith.constant true
      %reduce_sum3A_2143 = vector.broadcast %reduce_sum3A_2142 : i1 to vector<16xi1>
      %reduce_sum3A_2144 = tpu.scan <sum>, %select_n3A_2141 masked %reduce_sum3A_2143 : vector<16xi32>, vector<16xi1> -> vector<16xi32>
      %reduce_sum3A_2145 = vector.extract %reduce_sum3A_2144[15] : i32 from vector<16xi32>
      %and3A_2146 = arith.constant 127 : i32
      %and3A_2147 = arith.andi %reduce_sum3A_2145, %and3A_2146 : i32
      %broadcast_in_dim3A_2148 = vector.broadcast %and3A_2147 : i32 to vector<16xi32>
      %broadcast_in_dim3A_2149 = arith.constant 15 : i32
      %broadcast_in_dim3A_2150 = vector.broadcast %broadcast_in_dim3A_2149 : i32 to vector<16xi32>
      %mul3A_2151 = arith.constant 16 : i32
      %mul3A_2152 = arith.muli %scan3A_1294, %mul3A_2151 : i32
      %add3A_2153 = arith.constant 15 : i32
      %add3A_2154 = arith.addi %mul3A_2152, %add3A_2153 : i32
      %broadcast_in_dim3A_2155 = vector.broadcast %add3A_2154 : i32 to vector<16xi32>
      %gather3A_2156 = tpu.vector_load_idx %arg6[%broadcast_in_dim3A_2150, %iota3A, %broadcast_in_dim3A_2148] : memref<16x32x128xf32, #tpu.memory_space<vmem>>[vector<16xi32>, vector<16xi32>, vector<16xi32>], vector<16xf32>,
      %add3A_2157 = arith.constant 16 : i32
      %add3A_2158 = vector.broadcast %add3A_2157 : i32 to vector<16xi32>
      %add3A_2159 = arith.addi %iota3A, %add3A_2158 : vector<16xi32>
      %gather3A_2160 = tpu.vector_load_idx %arg6[%broadcast_in_dim3A_2150, %add3A_2159, %broadcast_in_dim3A_2148] : memref<16x32x128xf32, #tpu.memory_space<vmem>>[vector<16xi32>, vector<16xi32>, vector<16xi32>], vector<16xf32>,
      tpu.vector_store_idx %arg7[%iota3A, %broadcast_in_dim3A_2155], %gather3A_2156 : memref<32x512xf32, #tpu.memory_space<vmem>>[vector<16xi32>, vector<16xi32>], vector<16xf32>,
      %add3A_2161 = arith.constant 16 : i32
      %add3A_2162 = vector.broadcast %add3A_2161 : i32 to vector<16xi32>
      %add3A_2163 = arith.addi %iota3A, %add3A_2162 : vector<16xi32>
      tpu.vector_store_idx %arg7[%add3A_2163, %broadcast_in_dim3A_2155], %gather3A_2160 : memref<32x512xf32, #tpu.memory_space<vmem>>[vector<16xi32>, vector<16xi32>], vector<16xf32>,
      %lt3A_2164 = arith.constant 31 : i32
      %lt3A_2165 = arith.cmpi slt, %scan3A_1294, %lt3A_2164 : i32
      %convert_element_type3A_2166 = arith.extui %lt3A_2165 : i1 to i32
      %cond3A_2167 = arith.constant 0 : i32
      %cond3A_2168 = arith.cmpi ne, %convert_element_type3A_2166, %cond3A_2167 : i32
      scf.if %cond3A_2168 {
        %add3A_2169 = arith.constant 1 : i32
        %add3A_2170 = arith.addi %scan3A_1294, %add3A_2169 : i32
        %mul3A_2171 = arith.constant 16 : i32
        %mul3A_2172 = arith.muli %add3A_2170, %mul3A_2171 : i32
        %get3A_2173 = arith.index_cast %mul3A_2172 : i32 to index
        %get3A_2174 = tpu.vector_load %arg5[%get3A_2173] {strides = array<i32>} : memref<512xi32, #tpu.memory_space<vmem>>, vector<16xi32>,
        %eq3A_2175 = arith.constant 15 : i32
        %eq3A_2176 = vector.broadcast %eq3A_2175 : i32 to vector<16xi32>
        %eq3A_2177 = arith.cmpi eq, %iota3A, %eq3A_2176 : vector<16xi32>
        %jit3A_2178 = arith.constant 0 : i32
        %broadcast_in_dim3A_2179 = vector.broadcast %jit3A_2178 : i32 to vector<16xi32>
        %select_n3A_2180 = arith.select %eq3A_2177, %get3A_2174, %broadcast_in_dim3A_2179 : vector<16xi1>, vector<16xi32>
        %reduce_sum3A_2181 = arith.constant true
        %reduce_sum3A_2182 = vector.broadcast %reduce_sum3A_2181 : i1 to vector<16xi1>
        %reduce_sum3A_2183 = tpu.scan <sum>, %select_n3A_2180 masked %reduce_sum3A_2182 : vector<16xi32>, vector<16xi1> -> vector<16xi32>
        %reduce_sum3A_2184 = vector.extract %reduce_sum3A_2183[15] : i32 from vector<16xi32>
        %shift_right_arithmetic3A_2185 = arith.constant 7 : i32
        %shift_right_arithmetic3A_2186 = arith.shrsi %reduce_sum3A_2184, %shift_right_arithmetic3A_2185 : i32
        %mul3A_2187 = arith.constant 128 : i32
        %mul3A_2188 = arith.muli %shift_right_arithmetic3A_2186, %mul3A_2187 : i32
        %multiple_of3A_2189 = tpu.assume_multiple %mul3A_2188, 128 : i32
        %dma_start3A_2190 = arith.constant 15 : i32
        %dma_start3A_2191 = arith.constant 15 : i32
        %dma_start3A_2192 = arith.constant 0 : i32
        %dma_start3A_2193 = arith.constant 0 : i32
        %dma_start3A_2194 = tpu.memref_slice %arg6[%dma_start3A_2190, %dma_start3A_2192, %dma_start3A_2193] : memref<16x32x128xf32, #tpu.memory_space<vmem>> -> memref<1x8x128xf32, #tpu.memory_space<vmem>>
        %dma_start3A_2195 = tpu.memref_squeeze %dma_start3A_2194 : memref<1x8x128xf32, #tpu.memory_space<vmem>> -> memref<8x128xf32, #tpu.memory_space<vmem>>
        %dma_start3A_2196 = arith.constant 0 : i32
        %dma_start3A_2197 = tpu.memref_slice %arg3[%dma_start3A_2196, %multiple_of3A_2189] : memref<32x1000000xf32, #tpu.memory_space<hbm>> -> memref<8x128xf32, #tpu.memory_space<hbm>>
        %dma_start3A_2198 = tpu.memref_slice %arg8[%dma_start3A_2191] : memref<16x!tpu.dma_semaphore, #tpu.memory_space<semaphore_mem>> -> memref<1x!tpu.dma_semaphore, #tpu.memory_space<semaphore_mem>>
        %dma_start3A_2199 = tpu.memref_squeeze %dma_start3A_2198 : memref<1x!tpu.dma_semaphore, #tpu.memory_space<semaphore_mem>> -> memref<!tpu.dma_semaphore, #tpu.memory_space<semaphore_mem>>
        %dma_start3A_2200 = arith.constant 0 : i32
        %dma_start3A_2201 = arith.constant 0 : i32
        %dma_start3A_2202 = tpu.memref_slice %arg6[%dma_start3A_2190, %dma_start3A_2200, %dma_start3A_2201] : memref<16x32x128xf32, #tpu.memory_space<vmem>> -> memref<1x8x128xf32, #tpu.memory_space<vmem>>
        %dma_start3A_2203 = tpu.memref_squeeze %dma_start3A_2202 : memref<1x8x128xf32, #tpu.memory_space<vmem>> -> memref<8x128xf32, #tpu.memory_space<vmem>>
        %dma_start3A_2204 = arith.constant 0 : i32
        %dma_start3A_2205 = tpu.memref_slice %arg3[%dma_start3A_2204, %multiple_of3A_2189] : memref<32x1000000xf32, #tpu.memory_space<hbm>> -> memref<8x128xf32, #tpu.memory_space<hbm>>
        tpu.enqueue_dma source(%dma_start3A_2205 : memref<8x128xf32, #tpu.memory_space<hbm>>) target(%dma_start3A_2203 : memref<8x128xf32, #tpu.memory_space<vmem>>) target_semaphore(%dma_start3A_2199 : memref<!tpu.dma_semaphore, #tpu.memory_space<semaphore_mem>>)
        %dma_start3A_2206 = arith.constant 15 : i32
        %dma_start3A_2207 = arith.constant 15 : i32
        %dma_start3A_2208 = arith.constant 8 : i32
        %dma_start3A_2209 = arith.constant 0 : i32
        %dma_start3A_2210 = tpu.memref_slice %arg6[%dma_start3A_2206, %dma_start3A_2208, %dma_start3A_2209] : memref<16x32x128xf32, #tpu.memory_space<vmem>> -> memref<1x8x128xf32, #tpu.memory_space<vmem>>
        %dma_start3A_2211 = tpu.memref_squeeze %dma_start3A_2210 : memref<1x8x128xf32, #tpu.memory_space<vmem>> -> memref<8x128xf32, #tpu.memory_space<vmem>>
        %dma_start3A_2212 = arith.constant 8 : i32
        %dma_start3A_2213 = tpu.memref_slice %arg3[%dma_start3A_2212, %multiple_of3A_2189] : memref<32x1000000xf32, #tpu.memory_space<hbm>> -> memref<8x128xf32, #tpu.memory_space<hbm>>
        %dma_start3A_2214 = tpu.memref_slice %arg8[%dma_start3A_2207] : memref<16x!tpu.dma_semaphore, #tpu.memory_space<semaphore_mem>> -> memref<1x!tpu.dma_semaphore, #tpu.memory_space<semaphore_mem>>
        %dma_start3A_2215 = tpu.memref_squeeze %dma_start3A_2214 : memref<1x!tpu.dma_semaphore, #tpu.memory_space<semaphore_mem>> -> memref<!tpu.dma_semaphore, #tpu.memory_space<semaphore_mem>>
        %dma_start3A_2216 = arith.constant 8 : i32
        %dma_start3A_2217 = arith.constant 0 : i32
        %dma_start3A_2218 = tpu.memref_slice %arg6[%dma_start3A_2206, %dma_start3A_2216, %dma_start3A_2217] : memref<16x32x128xf32, #tpu.memory_space<vmem>> -> memref<1x8x128xf32, #tpu.memory_space<vmem>>
        %dma_start3A_2219 = tpu.memref_squeeze %dma_start3A_2218 : memref<1x8x128xf32, #tpu.memory_space<vmem>> -> memref<8x128xf32, #tpu.memory_space<vmem>>
        %dma_start3A_2220 = arith.constant 8 : i32
        %dma_start3A_2221 = tpu.memref_slice %arg3[%dma_start3A_2220, %multiple_of3A_2189] : memref<32x1000000xf32, #tpu.memory_space<hbm>> -> memref<8x128xf32, #tpu.memory_space<hbm>>
        tpu.enqueue_dma source(%dma_start3A_2221 : memref<8x128xf32, #tpu.memory_space<hbm>>) target(%dma_start3A_2219 : memref<8x128xf32, #tpu.memory_space<vmem>>) target_semaphore(%dma_start3A_2215 : memref<!tpu.dma_semaphore, #tpu.memory_space<semaphore_mem>>)
        %dma_start3A_2222 = arith.constant 15 : i32
        %dma_start3A_2223 = arith.constant 15 : i32
        %dma_start3A_2224 = arith.constant 16 : i32
        %dma_start3A_2225 = arith.constant 0 : i32
        %dma_start3A_2226 = tpu.memref_slice %arg6[%dma_start3A_2222, %dma_start3A_2224, %dma_start3A_2225] : memref<16x32x128xf32, #tpu.memory_space<vmem>> -> memref<1x8x128xf32, #tpu.memory_space<vmem>>
        %dma_start3A_2227 = tpu.memref_squeeze %dma_start3A_2226 : memref<1x8x128xf32, #tpu.memory_space<vmem>> -> memref<8x128xf32, #tpu.memory_space<vmem>>
        %dma_start3A_2228 = arith.constant 16 : i32
        %dma_start3A_2229 = tpu.memref_slice %arg3[%dma_start3A_2228, %multiple_of3A_2189] : memref<32x1000000xf32, #tpu.memory_space<hbm>> -> memref<8x128xf32, #tpu.memory_space<hbm>>
        %dma_start3A_2230 = tpu.memref_slice %arg8[%dma_start3A_2223] : memref<16x!tpu.dma_semaphore, #tpu.memory_space<semaphore_mem>> -> memref<1x!tpu.dma_semaphore, #tpu.memory_space<semaphore_mem>>
        %dma_start3A_2231 = tpu.memref_squeeze %dma_start3A_2230 : memref<1x!tpu.dma_semaphore, #tpu.memory_space<semaphore_mem>> -> memref<!tpu.dma_semaphore, #tpu.memory_space<semaphore_mem>>
        %dma_start3A_2232 = arith.constant 16 : i32
        %dma_start3A_2233 = arith.constant 0 : i32
        %dma_start3A_2234 = tpu.memref_slice %arg6[%dma_start3A_2222, %dma_start3A_2232, %dma_start3A_2233] : memref<16x32x128xf32, #tpu.memory_space<vmem>> -> memref<1x8x128xf32, #tpu.memory_space<vmem>>
        %dma_start3A_2235 = tpu.memref_squeeze %dma_start3A_2234 : memref<1x8x128xf32, #tpu.memory_space<vmem>> -> memref<8x128xf32, #tpu.memory_space<vmem>>
        %dma_start3A_2236 = arith.constant 16 : i32
        %dma_start3A_2237 = tpu.memref_slice %arg3[%dma_start3A_2236, %multiple_of3A_2189] : memref<32x1000000xf32, #tpu.memory_space<hbm>> -> memref<8x128xf32, #tpu.memory_space<hbm>>
        tpu.enqueue_dma source(%dma_start3A_2237 : memref<8x128xf32, #tpu.memory_space<hbm>>) target(%dma_start3A_2235 : memref<8x128xf32, #tpu.memory_space<vmem>>) target_semaphore(%dma_start3A_2231 : memref<!tpu.dma_semaphore, #tpu.memory_space<semaphore_mem>>)
        %dma_start3A_2238 = arith.constant 15 : i32
        %dma_start3A_2239 = arith.constant 15 : i32
        %dma_start3A_2240 = arith.constant 24 : i32
        %dma_start3A_2241 = arith.constant 0 : i32
        %dma_start3A_2242 = tpu.memref_slice %arg6[%dma_start3A_2238, %dma_start3A_2240, %dma_start3A_2241] : memref<16x32x128xf32, #tpu.memory_space<vmem>> -> memref<1x8x128xf32, #tpu.memory_space<vmem>>
        %dma_start3A_2243 = tpu.memref_squeeze %dma_start3A_2242 : memref<1x8x128xf32, #tpu.memory_space<vmem>> -> memref<8x128xf32, #tpu.memory_space<vmem>>
        %dma_start3A_2244 = arith.constant 24 : i32
        %dma_start3A_2245 = tpu.memref_slice %arg3[%dma_start3A_2244, %multiple_of3A_2189] : memref<32x1000000xf32, #tpu.memory_space<hbm>> -> memref<8x128xf32, #tpu.memory_space<hbm>>
        %dma_start3A_2246 = tpu.memref_slice %arg8[%dma_start3A_2239] : memref<16x!tpu.dma_semaphore, #tpu.memory_space<semaphore_mem>> -> memref<1x!tpu.dma_semaphore, #tpu.memory_space<semaphore_mem>>
        %dma_start3A_2247 = tpu.memref_squeeze %dma_start3A_2246 : memref<1x!tpu.dma_semaphore, #tpu.memory_space<semaphore_mem>> -> memref<!tpu.dma_semaphore, #tpu.memory_space<semaphore_mem>>
        %dma_start3A_2248 = arith.constant 24 : i32
        %dma_start3A_2249 = arith.constant 0 : i32
        %dma_start3A_2250 = tpu.memref_slice %arg6[%dma_start3A_2238, %dma_start3A_2248, %dma_start3A_2249] : memref<16x32x128xf32, #tpu.memory_space<vmem>> -> memref<1x8x128xf32, #tpu.memory_space<vmem>>
        %dma_start3A_2251 = tpu.memref_squeeze %dma_start3A_2250 : memref<1x8x128xf32, #tpu.memory_space<vmem>> -> memref<8x128xf32, #tpu.memory_space<vmem>>
        %dma_start3A_2252 = arith.constant 24 : i32
        %dma_start3A_2253 = tpu.memref_slice %arg3[%dma_start3A_2252, %multiple_of3A_2189] : memref<32x1000000xf32, #tpu.memory_space<hbm>> -> memref<8x128xf32, #tpu.memory_space<hbm>>
        tpu.enqueue_dma source(%dma_start3A_2253 : memref<8x128xf32, #tpu.memory_space<hbm>>) target(%dma_start3A_2251 : memref<8x128xf32, #tpu.memory_space<vmem>>) target_semaphore(%dma_start3A_2247 : memref<!tpu.dma_semaphore, #tpu.memory_space<semaphore_mem>>)
      } else {
      }
    }
    %scan3A_1293 = arith.constant 32 : i32
    "tpu.region"() ({
      %run_scoped3A = tpu.sem_alloc : memref<!tpu.dma_semaphore, #tpu.memory_space<semaphore_mem>>
      %dma_start3A_1294 = arith.constant 0 : i32
      %dma_start3A_1295 = tpu.memref_slice %arg4[%dma_start3A_1294, %mul3A_2] : memref<32x16384xf32, #tpu.memory_space<hbm>> -> memref<32x512xf32, #tpu.memory_space<hbm>>
      %dma_start3A_1296 = arith.constant 0 : i32
      %dma_start3A_1297 = tpu.memref_slice %arg4[%dma_start3A_1296, %mul3A_2] : memref<32x16384xf32, #tpu.memory_space<hbm>> -> memref<32x512xf32, #tpu.memory_space<hbm>>
      tpu.enqueue_dma source(%arg7 : memref<32x512xf32, #tpu.memory_space<vmem>>) target(%dma_start3A_1297 : memref<32x512xf32, #tpu.memory_space<hbm>>) target_semaphore(%run_scoped3A : memref<!tpu.dma_semaphore, #tpu.memory_space<semaphore_mem>>)
      %dma_wait3A = arith.constant 0 : i32
      %dma_wait3A_1298 = tpu.memref_slice %arg4[%dma_wait3A, %mul3A_2] : memref<32x16384xf32, #tpu.memory_space<hbm>> -> memref<32x512xf32, #tpu.memory_space<hbm>>
      %dma_wait3A_1299 = arith.constant 0 : i32
      %dma_wait3A_1300 = tpu.memref_slice %arg4[%dma_wait3A_1299, %mul3A_2] : memref<32x16384xf32, #tpu.memory_space<hbm>> -> memref<32x512xf32, #tpu.memory_space<hbm>>
      tpu.wait_dma2 semaphore(%run_scoped3A : memref<!tpu.dma_semaphore, #tpu.memory_space<semaphore_mem>>) src(%arg7 : memref<32x512xf32, #tpu.memory_space<vmem>>) dst(%dma_wait3A_1300 : memref<32x512xf32, #tpu.memory_space<hbm>>)
      tpu.yield
    }) : () -> ()
    return
  }
}

</mosaic_0001>

<sc_bundles>
// kernel: kernel.3.cloned.1.call-start
scs
__scs_entry_jumppad:
0x0: {  	(pc) =	sbr.rel $0x88, $3  }
0x1: {  	(tag) =	ssettag $0x0;
	lr =	simm.s32 $0x1  }
0x2: {  	[smem:$0x3F9F] =	sst lr;
	_ =	strace $0xD0000000  }
0x3: {  	_ = 	snop  }
0x4: {  	_ = 	snop  }
0x5: {  	_ = 	snop  }
0x6: {  	_ = 	snop  }
0x7: {  	_ = 	snop  }
__scs_overlays_trampoline_lowered:
0x8: {  	[smem:$0x3FAE] =	sst s0  }
0x9: {  	[smem:$0x3FAF] =	sst s1  }
0xa: {  	[smem:$0x3FB0] =	sst s2  }
0xb: {  	[smem:$0x3FB1] =	sst s3  }
0xc: {  	[smem:$0x3FB2] =	sst s4  }
0xd: {  	[smem:$0x3FB3] =	sst s5  }
0xe: {  	[smem:$0x3FB4] =	sst s6  }
0xf: {  	[smem:$0x3FB5] =	sst s7  }
0x10: {  	[smem:$0x3FB6] =	sst s8  }
0x11: {  	[smem:$0x3FB7] =	sst s9;
	s0 =	simm.s32 @!p0 $0x0  }
0x12: {  	s1 =	sld [smem:$0x3F9D];
	s0 =	simm.s32 @p0 $0x1  }
0x13: {  	[smem:$0x3FB8] =	sst s0;
	s0 =	simm.s32 @!p1 $0x0  }
0x14: {  	s2 =	sld [smem:$0x3F9C];
	s0 =	simm.s32 @p1 $0x1  }
0x15: {  	[smem:$0x3FB9] =	sst s0;
	s0 =	simm.s32 @!p2 $0x0  }
0x16: {  	s3 =	sld [smem:$0x3FDB];
	s0 =	simm.s32 @p2 $0x1  }
0x17: {  	s4 =	simm.s32 $0x1BF5;
	[smem:$0x3FBB] =	sst s0  }
0x18: {  	s0 =	sld [smem:$0x3F9E];
	_ =	swait.ge [sflag:s4], $0x0  }
0x19: {  	s7 =	sld [smem:$0x3F9F]  }
0x1a: {  	s8 =	sadd.s32 $0xFFFFE003, lr  }
0x1b: {  	s9 =	sadd.s32 $0xFFFFFEF7, lr;
	s5 =	simm.s32 $0xFFFFFFFF;
	p2 =	slt.u32 s8, $0xFFFFF086  }
0x1c: {  	p1 =	slt.u32 s9, $0xF7A;
	s5 =	simm.s32 @!p2 $0x0  }
0x1d: {  	s5 =	simm.s32 @p1 $0x1;
	p0 =	seq.s32 s7, s2  }
0x1e: {  	s7 =	smul.u32 @!p0 $0xF7A, s2;
	p2 =	seq.s32 @!p0 s5, $0x0  }
0x1f: {  	s9 =	smul.u32 $0xF7A, s1;
	s8 =	simm.s32 @!p0 $0x1BF5;
	p2 =	por !p2, p0  }
0x20: {  	[sflag:s8] =	ssyncset.s32 @!p0 $0xFFFFF086;
	s6 =	sadd.s32 @!p0 s3, s7;
	s7 =	simm.s32 @!p0 $0x108  }
0x21: {  	s3 =	sadd.s32 s3, s9;
	s6 =	sadd.s32 @!p0 $0x88, s6;
	s7 =	simm.s32 @p2 $0x1082  }
0x22: {  	[simem:s7], [sflag:s8] =	dma.local @!p0 [hbm:s6], $0xF7A  }
0x23: {  	s9 =	sor.u32 $0xD0000000, s2;
	s6 =	simm.s32 $0x108;
	_ =	swait.ge @!p0 [sflag:s8], $0x0  }
0x24: {  	s3 =	sadd.s32 $0x88, s3;
	s6 =	simm.s32 @!p1 $0x1082;
	[sflag:s4] =	ssyncset.s32 $0xFFFFF086  }
0x25: {  	[simem:s6], [sflag:s4] =	dma.local [hbm:s3], $0xF7A  }
0x26: {  	[smem:$0x3F9F] =	sst s1;
	(tag) =	ssettag s2;
	_ =	strace s9  }
0x27: {  	s1 =	sld [smem:$0x3FAF]  }
0x28: {  	s2 =	sld [smem:$0x3FB0]  }
0x29: {  	s4 =	sld [smem:$0x3FB2]  }
0x2a: {  	p0 =	seq.s32 s5, $0x0;
	s5 =	sld [smem:$0x3FB3]  }
0x2b: {  	s6 =	sld [smem:$0x3FB4]  }
0x2c: {  	s7 =	sld [smem:$0x3FB5]  }
0x2d: {  	s3 =	simm.s32 $0x108;
	s8 =	sld [smem:$0x3FB6]  }
0x2e: {  	s3 =	simm.s32 @!p0 $0x1082;
	s9 =	sld [smem:$0x3FB7]  }
0x2f: {  	lr =	sadd.s32 s0, s3;
	s0 =	sld [smem:$0x3FAE]  }
0x30: {  	s3 =	sld [smem:$0x3FB1]  }
0x31: {  	[smem:$0x3FBA] =	sst s10  }
0x32: {  	s10 =	sld [smem:$0x3FB8];
	_ =	sdelay $0x3  }
0x33: {  	p0 =	seq.s32 s10, $0x1;
	s10 =	sld [smem:$0x3FBA];
	_ =	sdelay $0x3  }
0x34: {  	[smem:$0x3FBA] =	sst s10  }
0x35: {  	s10 =	sld [smem:$0x3FB9];
	_ =	sdelay $0x3  }
0x36: {  	p1 =	seq.s32 s10, $0x1;
	s10 =	sld [smem:$0x3FBA];
	_ =	sdelay $0x3  }
0x37: {  	[smem:$0x3FBA] =	sst s10  }
0x38: {  	s10 =	sld [smem:$0x3FBB]  }
0x39: {  	_ = 	snop;
	(pc) =	sbr.ind lr, $3  }
0x3a: {  	_ = 	snop  }
0x3b: {  	_ = 	snop  }
0x3c: {  	p2 =	seq.s32 s10, $0x1;
	s10 =	sld [smem:$0x3FBA]  }
0x3d: {  	_ =	shalt  }
0x3e: {  	_ =	shalt  }
0x3f: {  	_ =	shalt  }
0x40: {  	_ =	shalt  }
0x41: {  	_ =	shalt  }
0x42: {  	_ =	shalt  }
0x43: {  	_ =	shalt  }
0x44: {  	_ =	shalt  }
0x45: {  	_ =	shalt  }
0x46: {  	_ =	shalt  }
0x47: {  	_ =	shalt  }
0x48: {  	_ =	shalt  }
0x49: {  	_ =	shalt  }
0x4a: {  	_ =	shalt  }
0x4b: {  	_ =	shalt  }
0x4c: {  	_ =	shalt  }
0x4d: {  	_ =	shalt  }
0x4e: {  	_ =	shalt  }
0x4f: {  	_ =	shalt  }
0x50: {  	_ =	shalt  }
0x51: {  	_ =	shalt  }
0x52: {  	_ =	shalt  }
0x53: {  	_ =	shalt  }
0x54: {  	_ =	shalt  }
0x55: {  	_ =	shalt  }
0x56: {  	_ =	shalt  }
0x57: {  	_ =	shalt  }
0x58: {  	_ =	shalt  }
0x59: {  	_ =	shalt  }
0x5a: {  	_ =	shalt  }
0x5b: {  	_ =	shalt  }
0x5c: {  	_ =	shalt  }
0x5d: {  	_ =	shalt  }
0x5e: {  	_ =	shalt  }
0x5f: {  	_ =	shalt  }
0x60: {  	_ =	shalt  }
0x61: {  	_ =	shalt  }
0x62: {  	_ =	shalt  }
0x63: {  	_ =	shalt  }
0x64: {  	_ =	shalt  }
0x65: {  	_ =	shalt  }
0x66: {  	_ =	shalt  }
0x67: {  	_ =	shalt  }
0x68: {  	_ =	shalt  }
0x69: {  	_ =	shalt  }
0x6a: {  	_ =	shalt  }
0x6b: {  	_ =	shalt  }
0x6c: {  	_ =	shalt  }
0x6d: {  	_ =	shalt  }
0x6e: {  	_ =	shalt  }
0x6f: {  	_ =	shalt  }
0x70: {  	_ =	shalt  }
0x71: {  	_ =	shalt  }
0x72: {  	_ =	shalt  }
0x73: {  	_ =	shalt  }
0x74: {  	_ =	shalt  }
0x75: {  	_ =	shalt  }
0x76: {  	_ =	shalt  }
0x77: {  	_ =	shalt  }
0x78: {  	_ =	shalt  }
0x79: {  	_ =	shalt  }
0x7a: {  	_ =	shalt  }
0x7b: {  	_ =	shalt  }
0x7c: {  	_ =	shalt  }
0x7d: {  	_ =	shalt  }
0x7e: {  	_ =	shalt  }
0x7f: {  	_ =	shalt  }
0x80: {  	_ =	shalt  }
0x81: {  	_ =	shalt  }
0x82: {  	_ =	shalt  }
0x83: {  	_ =	shalt  }
0x84: {  	_ =	shalt  }
0x85: {  	_ =	shalt  }
0x86: {  	_ =	shalt  }
0x87: {  	_ =	shalt  }
.Lfunc_end0:
.L_simem_size_0:
called_computation_lowered:
.L_overlay_start_0:
0x88: {  	s2 =	sld [smem:$0x3FD9]  }
0x89: {  	s3 =	sld [smem:$0x3FFE];
	_ =	sdelay $0x1  }
0x8a: {  	s1 =	srdreg.scid  }
0x8b: {  	s0 =	sand.u32 $0x1, s1  }
0x8c: {  	s18 =	sshll.u32 s0, $0xA;
	s2 =	sadd.s32 s3, s2  }
0x8d: {  	s2 =	sadd.s32 s2, s18  }
0x8e: {  	[smem:$0x3FC6] =	sst s2  }
0x8f: {  	_ = 	snop  }
0x90: {  	s2 =	sld [smem:$0x3FC9]  }
0x91: {  	s19 =	sld [smem:$0x3FC8]  }
0x92: {  	s4 =	sld [smem:$0x3FD0];
	(tm) =	ssettm $0x1  }
0x93: {  	s5 =	sld [smem:$0x3FFB];
	_ =	sdelay $0x3  }
0x94: {  	_ =	strace s5  }
0x95: {  	s5 =	sld [smem:$0x3FFC];
	_ =	sdelay $0x3  }
0x96: {  	_ =	strace s5  }
0x97: {  	s5 =	sld [smem:$0x3FFD];
	_ =	sdelay $0x3  }
0x98: {  	_ =	strace s5  }
0x99: {  	_ =	strace $0x8FFFFFFF  }
0x9a: {  	s20 =	sld [smem:$0x3FDB];
	_ =	sdelay $0x1  }
0x9b: {  	s6 =	simm.s32 $_scs_section_size  }
0x9c: {  	s7 =	simm.s32 $_size__tile_overlayer_lowered;
	s8 =	simm.s32 $_tile_overlayer_lowered  }
0x9d: {  	s23 =	simm.s32 $0x1BFF;
	s22 =	sshll.u32 s8, $0x1;
	s5 =	sadd.s32 s6, s20  }
0x9e: {  	s9 =	simm.s32 $0x0;
	s21 =	sshll.u32 s7, $0x1;
	s7 =	sadd.s32 s22, s5  }
0x9f: {  	[timem:s9], [sflag:s23] =	dma.local [hbm:s7], s21  }
0xa0: {  	_ =	swait.ge [sflag:s23], s21  }
0xa1: {  	s6 =	ssub.s32 $0x0, s21;
	[sflag:s23] =	ssyncset.done $0x0  }
0xa2: {  	[sflag:s23] =	ssyncadd.s32 s6;
	_ =	sdelay $0x1  }
0xa3: {  	s24 =	simm.s32 $0x1B8B  }
0xa4: {  	_ =	swait.ge [sflag:s24], $0x1  }
0xa5: {  	[sflag:s24] =	ssyncset.done $0x0  }
0xa6: {  	s25 =	simm.s32 $0x1B8E;
	[sflag:s24] =	ssyncadd.s32 $0xFFFFFFFF  }
0xa7: {  	s26 =	simm.s32 $execute0_lowered;
	[smem:$0x3FD2] =	sst s25  }
0xa8: {  	s6 =	sshll.u32 s26, $0x1;
	_ =	strace $0x80000046;
	[dreg:$0x1] =	wrdreg $0xFFFFFFFF  }
0xa9: {  	s28 =	simm.s32 $_size_execute0_lowered;
	s5 =	sadd.s32 s5, s6;
	[dreg:$0x0] =	wrdreg $0x0  }
0xaa: {  	s6 =	sshll.u32 s28, $0x1;
	[dreg:$0x2] =	wrdreg s5  }
0xab: {  	[dreg:$0x3] =	wrdreg s6  }
0xac: {  	[dreg:$0x4] =	wrdreg $0xC0  }
0xad: {  	_ =	task [dreg:s9], $0x5FFFF  }
0xae: {  	[dreg:$0x1] =	wrdreg $0xFFFFFFFF  }
0xaf: {  	[dreg:$0x0] =	wrdreg $0x60  }
0xb0: {  	[dreg:$0x2] =	wrdreg s2  }
0xb1: {  	[dreg:$0x3] =	wrdreg s19  }
0xb2: {  	[dreg:$0x4] =	wrdreg s4  }
0xb3: {  	[dreg:$0x5] =	wrdreg $0x9  }
0xb4: {  	_ =	task.clear_ibuf [dreg:s9], $0x6FFFF;
	_ =	strace $0x90000046  }
0xb5: {  	s29 =	simm.s32 $0x9;
	_ =	strace $0x80000048  }
0xb6: {  	_ =	swait.ge [sflag:s29], $0x1  }
0xb7: {  	[sflag:s29] =	ssyncadd.s32 $0xFFFFFFFF  }
0xb8: {  	_ =	strace $0x90000048  }
0xb9: {  	_ =	sfence  }
0xba: {  	s30 =	sld [smem:$0x0];
	_ =	sdelay $0x2  }
0xbb: {  	s31 =	sshll.u32 s1, $0xD;
	s1 =	sshrl.u32 s1, $0x2  }
0xbc: {  	s3 =	sand.u32 $0x4000, s31;
	s1 =	sadd.s32 s1, s30  }
0xbd: {  	s0 =	sor.u32 s3, s0;
	s1 =	sshll.u32 s1, $0x11  }
0xbe: {  	s0 =	sor.u32 s1, s0  }
0xbf: {  	s0 =	sadd.s32 $0x8F2B, s0  }
0xc0: {  	[sflag:s0] =	ssyncadd.remote.s32 $0x1  }
0xc1: {  	_ =	sfence.sel $0xFFFF  }
0xc2: {  	[dreg:$0x0] =	wrdreg $0xFFFFFFFF;
	(pc) =	sbr.abs _section_cstart, $3  }
0xc3: {  	[dreg:$0x1] =	wrdreg $0xFFFFFFFF  }
0xc4: {  	_ =	task.clear_ibuf [dreg:s9], $0x2FFFF;
	_ =	strace $0x9FFFFFFF  }
0xc5: {  	(tm) =	ssettm $0x7FFFFFFF  }
tec
execute0_lowered:
.L_overlay_start_1:
0x0: {  	(tag) =	ssettag $0x1  }
0x1: {  	vm0 =	vmmov $0x1;
	vm2 =	vcmask $0x70C  }
0x2: {  	vm3 =	vcmask $0xB10;
	vm4 =	vcmask $0xF14;
	vm5 =	vcmask $0x1318  }
0x3: {  	vm6 =	vcmask $0x171C;
	vm7 =	vcmask $0x1B20;
	vm8 =	vcmask $0x1F24  }
0x4: {  	vm9 =	vcmask $0x2328;
	vm10 =	vcmask $0x272C;
	vm11 =	vcmask $0x2B30  }
0x5: {  	vm12 =	vcmask $0x2F34;
	vm13 =	vcmask $0x3338;
	v0 =	vlaneseq.u32  }
0x6: {  	v1 =	vimm.s32 $0x1380;
	vm14 =	vcmask $0x300;
	vm15 =	vcmask $0x704  }
0x7: {  	v2 =	vimm.s32 $0x3380;
	vm1 =	vcmask $0x3B38;
	v0 =	vmul.u32 $0x80, v0  }
0x8: {  	v1 =	vsel vm14, $0x0, v1;
	v2 =	vsel vm14, $0x2000, v2;
	vm14 =	vcmask $0xB08  }
0x9: {  	v1 =	vsel vm15, $0x80, v1;
	v2 =	vsel vm15, $0x2080, v2;
	vm15 =	vcmask $0xF0C  }
0xa: {  	v1 =	vsel vm14, $0x100, v1;
	v2 =	vsel vm14, $0x2100, v2;
	vm14 =	vcmask $0x1310  }
0xb: {  	v3 =	vor.u32 $0x800, v0;
	v4 =	vor.u32 $0x1000, v0;
	v5 =	vor.u32 $0x1800, v0  }
0xc: {  	v6 =	vor.u32 $0x2000, v0;
	v7 =	vor.u32 $0x2800, v0;
	v8 =	vor.u32 $0x3000, v0  }
0xd: {  	v9 =	vor.u32 $0x3800, v0;
	v10 =	vor.u32 $0x4000, v0;
	v11 =	vor.u32 $0x4800, v0  }
0xe: {  	v12 =	vor.u32 $0x5000, v0;
	v13 =	vor.u32 $0x5800, v0;
	v14 =	vor.u32 $0x6000, v0  }
0xf: {  	v15 =	vor.u32 $0x6800, v0;
	v16 =	vor.u32 $0x7000, v0;
	v17 =	vor.u32 $0x7800, v0  }
0x10: {  	s0 =	rddreg [dreg:$0x0];
	v18 =	vor.u32 $0x8000, v0;
	v19 =	vor.u32 $0x8800, v0;
	v20 =	vor.u32 $0x9000, v0  }
0x11: {  	s2 =	rddreg [dreg:$0x1];
	s1 =	srdreg.scid;
	v21 =	vor.u32 $0x9800, v0;
	v22 =	vor.u32 $0xA000, v0;
	v23 =	vor.u32 $0xA800, v0  }
0x12: {  	s4 =	rddreg [dreg:$0x2];
	s3 =	stileid.u32;
	v24 =	vor.u32 $0xB000, v0;
	v25 =	vor.u32 $0xB800, v0;
	v26 =	vor.u32 $0xC000, v0  }
0x13: {  	s8 =	simm.s32 $0x200;
	s20 =	simm.s32 $0xF200;
	s21 =	simm.s32 $0xF600;
	v27 =	vor.u32 $0xC800, v0;
	v28 =	vor.u32 $0xD000, v0;
	v29 =	vor.u32 $0xD800, v0  }
0x14: {  	s22 =	simm.s32 $0xFA00;
	s23 =	simm.s32 $0xFE00;
	s28 =	simm.s32 $0x3;
	v30 =	vor.u32 $0xE000, v0;
	v31 =	vor.u32 $0xE800, v0;
	v32 =	vor.u32 $0xF000, v0  }
0x15: {  	s29 =	simm.s32 $0x4;
	s30 =	simm.s32 $0x5;
	s31 =	simm.s32 $0x6;
	v33 =	vor.u32 $0xF800, v0;
	v1 =	vsel vm15, $0x180, v1;
	v2 =	vsel vm15, $0x2180, v2  }
0x16: {  	s9 =	simm.s32 $0x9;
	s10 =	simm.s32 $0xA;
	s11 =	simm.s32 $0xB;
	vm15 =	vcmask $0x1714;
	v1 =	vsel vm14, $0x200, v1;
	v2 =	vsel vm14, $0x2200, v2  }
0x17: {  	s12 =	simm.s32 $0xC;
	s13 =	simm.s32 $0xD;
	s14 =	simm.s32 $0xE;
	vm14 =	vcmask $0x1B18;
	v1 =	vsel vm15, $0x280, v1;
	v2 =	vsel vm15, $0x2280, v2  }
0x18: {  	s15 =	simm.s32 $0xF;
	s16 =	simm.s32 $0x10;
	s19 =	simm.s32 $0x0;
	vm15 =	vcmask $0x1F1C;
	v1 =	vsel vm14, $0x300, v1;
	v2 =	vsel vm14, $0x2300, v2  }
0x19: {  	s1 =	sand.u32 $0x1, s1;
	s5 =	sshll.u32 s3, $0xA;
	s3 =	simm.s32 $0x0;
	vm14 =	vcmask $0x2320;
	v1 =	vsel vm15, $0x380, v1;
	v2 =	vsel vm15, $0x2380, v2  }
0x1a: {  	s6 =	sshll.u32 s1, $0x9;
	s1 =	ssub.s32 $0x2, s1;
	[smem:$0x7FF] =	sst s3;
	vm15 =	vcmask $0x2724;
	v1 =	vsel vm14, $0x1000, v1;
	v2 =	vsel vm14, $0x3000, v2  }
0x1b: {  	s5 =	sor.u32 s6, s5;
	s24 =	sshrl.u32 s1, $0x1;
	_ =	strace $0x80000047;
	vm14 =	vcmask $0x2B28;
	v1 =	vsel vm15, $0x1080, v1;
	v2 =	vsel vm15, $0x3080, v2  }
.Ltmp0:
0x1c: {  	s7 =	sshrl.u32 s5, $0x3;
	s1 =	ssub.s32 s1, s24;
	vm15 =	vcmask $0x2F2C;
	v1 =	vsel vm14, $0x1100, v1;
	v2 =	vsel vm14, $0x3100, v2;
	(pc) =	sbr.rel .LBB2_1-.Ltmp0, $4  }
0x1d: {  	s25 =	sadd.s32 s4, s5;
	s5 =	simm.s32 $0x11;
	s24 =	simm.s32 $0x1;
	vm14 =	vcmask $0x3330;
	v1 =	vsel vm15, $0x1180, v1;
	v2 =	vsel vm15, $0x3180, v2  }
0x1e: {  	s0 =	sadd.s32 s0, s7;
	[dreg:$0x5] =	wrdreg s25;
	s26 =	smax.u32 s1, $0x1;
	vm15 =	vcmask $0x3734;
	v1 =	vsel vm14, $0x1200, v1;
	v2 =	vsel vm14, $0x3200, v2  }
0x1f: {  	s25 =	simm.s32 $0x10200;
	s1 =	simm.s32 $0x8;
	[dreg:$0x4] =	wrdreg s0;
	vm14 =	vcmask $0x373C;
	v1 =	vsel vm15, $0x1280, v1;
	v2 =	vsel vm15, $0x3280, v2  }
0x20: {  	[dreg:$0x6] =	wrdreg s26;
	s26 =	simm.s32 $0x2;
	s0 =	simm.s32 $0x7;
	vm15 =	vmmov $0x7fff;
	v1 =	vsel vm1, $0x1300, v1;
	v2 =	vsel vm1, $0x3300, v2  }
.LBB2_4:
0x21: {  	s4 =	rddreg [dreg:$0x5];
	s5 =	simm.s32 $0x1000;
	s6 =	simm.s32 $0x20000  }
0x22: {  	[hbm4b:s4+s5] =	stream.strided.scatter [tilespmem:s25], [sflag:$0x11], $0x4000, s6, s5, $0x38;
	[tilespmem:$0x14200] =	vst v63  }
0x23: {  	s5 =	simm.s32 $0x11  }
0x24: {  	_ =	swait.ge [sflag:s5], $0x4000  }
0x25: {  	s19 =	sadd.s32 $0x1, s19;
	s18 =	rddreg [dreg:$0x6]  }
0x26: {  	p0 =	sne.s32 s19, s18  }
.Ltmp1:
0x27: {  	_ = 	snop;
	(pc) =	sbr.rel @!p0 .LBB2_5-.Ltmp1, $3  }
0x28: {  	_ =	sdelay $0x1  }
0x29: {  	[sflag:s5] =	ssyncset.done $0x0  }
0x2a: {  	[sflag:s5] =	ssyncadd.s32 $0xFFFFC000  }
.LBB2_1:
0x2b: {  	s4 =	rddreg [dreg:$0x4]  }
0x2c: {  	[tilespmem:s3], [sflag:$0x11] =	stream.linear.gather [hbm4b:s4+s3], $0x200, $0x38;
	[tilespmem:$0x14200] =	vst v63  }
0x2d: {  	_ =	swait.ge [sflag:s5], $0x200  }
0x2e: {  	[sflag:s5] =	ssyncset.done $0x0  }
0x2f: {  	[sflag:s5] =	ssyncadd.s32 $0xFFFFFE00  }
0x30: {  	v34 =	vld [tilespmem:$0x0];
	_ =	sdelay $0x4  }
0x31: {  	v34 =	vnsel vm0, $0x0, v34  }
0x32: {  	(xrf0) =	vadd.scan.msk.s32 $0xffff, v34;
	_ =	sdelay $0x5  }
0x33: {  	v34, _, _ =	vpop (xrf0)  }
0x34: {  	(v2sf) =	vpush v34, $0xF;
	_ =	sdelay $0xe  }
0x35: {  	s17 =	spop (v2sf)  }
0x36: {  	s4 =	sand.u32 $0xFFFFF80, s17  }
0x37: {  	s4 =	sadd.s32 s2, s4  }
0x38: {  	[tilespmem:s8], [sflag:$0x1] =	stream.linear.gather [hbm4b:s4+s3], $0x400, $0x38;
	[tilespmem:$0x14200] =	vst v63  }
0x39: {  	s18 =	simm.s32 $0x600;
	s17 =	sadd.s32 $0xF4280, s4  }
0x3a: {  	[tilespmem:s18], [sflag:$0x1] =	stream.linear.gather [hbm4b:s17+s3], $0x400, $0x38;
	[tilespmem:$0x14200] =	vst v63  }
0x3b: {  	s7 =	simm.s32 $0xA00;
	s6 =	sadd.s32 $0x1E8500, s4  }
0x3c: {  	[tilespmem:s7], [sflag:$0x1] =	stream.linear.gather [hbm4b:s6+s3], $0x400, $0x38;
	[tilespmem:$0x14200] =	vst v63  }
0x3d: {  	s4 =	sadd.s32 $0x2DC780, s4;
	s18 =	simm.s32 $0xE00  }
0x3e: {  	[tilespmem:s18], [sflag:$0x1] =	stream.linear.gather [hbm4b:s4+s3], $0x400, $0x38;
	[tilespmem:$0x14200] =	vst v63  }
0x3f: {  	v49 =	vld [tilespmem:$0x0];
	_ =	sdelay $0x3  }
0x40: {  	vm1 =	vcmask $0x308  }
0x41: {  	v34 =	vsel vm1, $0x0, v49  }
0x42: {  	(xrf0) =	vadd.scan.msk.s32 $0xffff, v34;
	_ =	sdelay $0x5  }
0x43: {  	v34, _, _ =	vpop (xrf0)  }
0x44: {  	(v2sf) =	vpush v34, $0xF;
	_ =	sdelay $0xe  }
0x45: {  	s5 =	spop (v2sf)  }
0x46: {  	s4 =	sand.u32 $0xFFFFF80, s5  }
0x47: {  	s6 =	simm.s32 $0x1200;
	s4 =	sadd.s32 s2, s4  }
0x48: {  	[tilespmem:s6], [sflag:$0x2] =	stream.linear.gather [hbm4b:s4+s3], $0x400, $0x38;
	[tilespmem:$0x14200] =	vst v63  }
0x49: {  	s18 =	simm.s32 $0x1600;
	s7 =	sadd.s32 $0xF4280, s4  }
0x4a: {  	[tilespmem:s18], [sflag:$0x2] =	stream.linear.gather [hbm4b:s7+s3], $0x400, $0x38;
	[tilespmem:$0x14200] =	vst v63  }
0x4b: {  	s6 =	sadd.s32 $0x1E8500, s4;
	s7 =	simm.s32 $0x1A00  }
0x4c: {  	[tilespmem:s7], [sflag:$0x2] =	stream.linear.gather [hbm4b:s6+s3], $0x400, $0x38;
	[tilespmem:$0x14200] =	vst v63  }
0x4d: {  	s4 =	sadd.s32 $0x2DC780, s4;
	s18 =	simm.s32 $0x1E00  }
0x4e: {  	[tilespmem:s18], [sflag:$0x2] =	stream.linear.gather [hbm4b:s4+s3], $0x400, $0x38;
	[tilespmem:$0x14200] =	vst v63  }
0x4f: {  	v50 =	vld [tilespmem:$0x0];
	_ =	sdelay $0x4  }
0x50: {  	v34 =	vsel vm2, $0x0, v50  }
0x51: {  	(xrf0) =	vadd.scan.msk.s32 $0xffff, v34;
	_ =	sdelay $0x5  }
0x52: {  	v34, _, _ =	vpop (xrf0)  }
0x53: {  	(v2sf) =	vpush v34, $0xF;
	_ =	sdelay $0xe  }
0x54: {  	s5 =	spop (v2sf)  }
0x55: {  	s4 =	sand.u32 $0xFFFFF80, s5  }
0x56: {  	s6 =	simm.s32 $0x2200;
	s4 =	sadd.s32 s2, s4  }
0x57: {  	[tilespmem:s6], [sflag:$0x3] =	stream.linear.gather [hbm4b:s4+s3], $0x400, $0x38;
	[tilespmem:$0x14200] =	vst v63  }
0x58: {  	s18 =	simm.s32 $0x2600;
	s7 =	sadd.s32 $0xF4280, s4  }
0x59: {  	[tilespmem:s18], [sflag:$0x3] =	stream.linear.gather [hbm4b:s7+s3], $0x400, $0x38;
	[tilespmem:$0x14200] =	vst v63  }
0x5a: {  	s6 =	sadd.s32 $0x1E8500, s4;
	s7 =	simm.s32 $0x2A00  }
0x5b: {  	[tilespmem:s7], [sflag:$0x3] =	stream.linear.gather [hbm4b:s6+s3], $0x400, $0x38;
	[tilespmem:$0x14200] =	vst v63  }
0x5c: {  	s4 =	sadd.s32 $0x2DC780, s4;
	s18 =	simm.s32 $0x2E00  }
0x5d: {  	[tilespmem:s18], [sflag:$0x3] =	stream.linear.gather [hbm4b:s4+s3], $0x400, $0x38;
	[tilespmem:$0x14200] =	vst v63  }
0x5e: {  	v51 =	vld [tilespmem:$0x0];
	_ =	sdelay $0x4  }
0x5f: {  	v34 =	vsel vm3, $0x0, v51  }
0x60: {  	(xrf0) =	vadd.scan.msk.s32 $0xffff, v34;
	_ =	sdelay $0x5  }
0x61: {  	v34, _, _ =	vpop (xrf0)  }
0x62: {  	(v2sf) =	vpush v34, $0xF;
	_ =	sdelay $0xe  }
0x63: {  	s5 =	spop (v2sf)  }
0x64: {  	s4 =	sand.u32 $0xFFFFF80, s5  }
0x65: {  	s6 =	simm.s32 $0x3200;
	s4 =	sadd.s32 s2, s4  }
0x66: {  	[tilespmem:s6], [sflag:$0x4] =	stream.linear.gather [hbm4b:s4+s3], $0x400, $0x38;
	[tilespmem:$0x14200] =	vst v63  }
0x67: {  	s18 =	simm.s32 $0x3600;
	s7 =	sadd.s32 $0xF4280, s4  }
0x68: {  	[tilespmem:s18], [sflag:$0x4] =	stream.linear.gather [hbm4b:s7+s3], $0x400, $0x38;
	[tilespmem:$0x14200] =	vst v63  }
0x69: {  	s6 =	sadd.s32 $0x1E8500, s4;
	s7 =	simm.s32 $0x3A00  }
0x6a: {  	[tilespmem:s7], [sflag:$0x4] =	stream.linear.gather [hbm4b:s6+s3], $0x400, $0x38;
	[tilespmem:$0x14200] =	vst v63  }
0x6b: {  	s4 =	sadd.s32 $0x2DC780, s4;
	s18 =	simm.s32 $0x3E00  }
0x6c: {  	[tilespmem:s18], [sflag:$0x4] =	stream.linear.gather [hbm4b:s4+s3], $0x400, $0x38;
	[tilespmem:$0x14200] =	vst v63  }
0x6d: {  	v52 =	vld [tilespmem:$0x0];
	_ =	sdelay $0x4  }
0x6e: {  	v34 =	vsel vm4, $0x0, v52  }
0x6f: {  	(xrf0) =	vadd.scan.msk.s32 $0xffff, v34;
	_ =	sdelay $0x5  }
0x70: {  	v34, _, _ =	vpop (xrf0)  }
0x71: {  	(v2sf) =	vpush v34, $0xF;
	_ =	sdelay $0xe  }
0x72: {  	s5 =	spop (v2sf)  }
0x73: {  	s4 =	sand.u32 $0xFFFFF80, s5  }
0x74: {  	s6 =	simm.s32 $0x4200;
	s4 =	sadd.s32 s2, s4  }
0x75: {  	[tilespmem:s6], [sflag:$0x5] =	stream.linear.gather [hbm4b:s4+s3], $0x400, $0x38;
	[tilespmem:$0x14200] =	vst v63  }
0x76: {  	s18 =	simm.s32 $0x4600;
	s7 =	sadd.s32 $0xF4280, s4  }
0x77: {  	[tilespmem:s18], [sflag:$0x5] =	stream.linear.gather [hbm4b:s7+s3], $0x400, $0x38;
	[tilespmem:$0x14200] =	vst v63  }
0x78: {  	s6 =	sadd.s32 $0x1E8500, s4;
	s7 =	simm.s32 $0x4A00  }
0x79: {  	[tilespmem:s7], [sflag:$0x5] =	stream.linear.gather [hbm4b:s6+s3], $0x400, $0x38;
	[tilespmem:$0x14200] =	vst v63  }
0x7a: {  	s4 =	sadd.s32 $0x2DC780, s4;
	s18 =	simm.s32 $0x4E00  }
0x7b: {  	[tilespmem:s18], [sflag:$0x5] =	stream.linear.gather [hbm4b:s4+s3], $0x400, $0x38;
	[tilespmem:$0x14200] =	vst v63  }
0x7c: {  	v53 =	vld [tilespmem:$0x0];
	_ =	sdelay $0x4  }
0x7d: {  	v34 =	vsel vm5, $0x0, v53  }
0x7e: {  	(xrf0) =	vadd.scan.msk.s32 $0xffff, v34;
	_ =	sdelay $0x5  }
0x7f: {  	v34, _, _ =	vpop (xrf0)  }
0x80: {  	(v2sf) =	vpush v34, $0xF;
	_ =	sdelay $0xe  }
0x81: {  	s5 =	spop (v2sf)  }
0x82: {  	s4 =	sand.u32 $0xFFFFF80, s5  }
0x83: {  	s6 =	simm.s32 $0x5200;
	s4 =	sadd.s32 s2, s4  }
0x84: {  	[tilespmem:s6], [sflag:$0x6] =	stream.linear.gather [hbm4b:s4+s3], $0x400, $0x38;
	[tilespmem:$0x14200] =	vst v63  }
0x85: {  	s18 =	simm.s32 $0x5600;
	s7 =	sadd.s32 $0xF4280, s4  }
0x86: {  	[tilespmem:s18], [sflag:$0x6] =	stream.linear.gather [hbm4b:s7+s3], $0x400, $0x38;
	[tilespmem:$0x14200] =	vst v63  }
0x87: {  	s6 =	sadd.s32 $0x1E8500, s4;
	s7 =	simm.s32 $0x5A00  }
0x88: {  	[tilespmem:s7], [sflag:$0x6] =	stream.linear.gather [hbm4b:s6+s3], $0x400, $0x38;
	[tilespmem:$0x14200] =	vst v63  }
0x89: {  	s4 =	sadd.s32 $0x2DC780, s4;
	s18 =	simm.s32 $0x5E00  }
0x8a: {  	[tilespmem:s18], [sflag:$0x6] =	stream.linear.gather [hbm4b:s4+s3], $0x400, $0x38;
	[tilespmem:$0x14200] =	vst v63  }
0x8b: {  	v54 =	vld [tilespmem:$0x0];
	_ =	sdelay $0x4  }
0x8c: {  	v34 =	vsel vm6, $0x0, v54  }
0x8d: {  	(xrf0) =	vadd.scan.msk.s32 $0xffff, v34;
	_ =	sdelay $0x5  }
0x8e: {  	v34, _, _ =	vpop (xrf0)  }
0x8f: {  	(v2sf) =	vpush v34, $0xF;
	_ =	sdelay $0xe  }
0x90: {  	s5 =	spop (v2sf)  }
0x91: {  	s4 =	sand.u32 $0xFFFFF80, s5  }
0x92: {  	s6 =	simm.s32 $0x6200;
	s4 =	sadd.s32 s2, s4  }
0x93: {  	[tilespmem:s6], [sflag:$0x7] =	stream.linear.gather [hbm4b:s4+s3], $0x400, $0x38;
	[tilespmem:$0x14200] =	vst v63  }
0x94: {  	s18 =	simm.s32 $0x6600;
	s7 =	sadd.s32 $0xF4280, s4  }
0x95: {  	[tilespmem:s18], [sflag:$0x7] =	stream.linear.gather [hbm4b:s7+s3], $0x400, $0x38;
	[tilespmem:$0x14200] =	vst v63  }
0x96: {  	s6 =	sadd.s32 $0x1E8500, s4;
	s7 =	simm.s32 $0x6A00  }
0x97: {  	[tilespmem:s7], [sflag:$0x7] =	stream.linear.gather [hbm4b:s6+s3], $0x400, $0x38;
	[tilespmem:$0x14200] =	vst v63  }
0x98: {  	s4 =	sadd.s32 $0x2DC780, s4;
	s18 =	simm.s32 $0x6E00  }
0x99: {  	[tilespmem:s18], [sflag:$0x7] =	stream.linear.gather [hbm4b:s4+s3], $0x400, $0x38;
	[tilespmem:$0x14200] =	vst v63  }
0x9a: {  	v55 =	vld [tilespmem:$0x0];
	_ =	sdelay $0x4  }
0x9b: {  	v34 =	vsel vm7, $0x0, v55  }
0x9c: {  	(xrf0) =	vadd.scan.msk.s32 $0xffff, v34;
	_ =	sdelay $0x5  }
0x9d: {  	v34, _, _ =	vpop (xrf0)  }
0x9e: {  	(v2sf) =	vpush v34, $0xF;
	_ =	sdelay $0xe  }
0x9f: {  	s5 =	spop (v2sf)  }
0xa0: {  	s4 =	sand.u32 $0xFFFFF80, s5  }
0xa1: {  	s6 =	simm.s32 $0x7200;
	s4 =	sadd.s32 s2, s4  }
0xa2: {  	[tilespmem:s6], [sflag:$0x8] =	stream.linear.gather [hbm4b:s4+s3], $0x400, $0x38;
	[tilespmem:$0x14200] =	vst v63  }
0xa3: {  	s18 =	simm.s32 $0x7600;
	s7 =	sadd.s32 $0xF4280, s4  }
0xa4: {  	[tilespmem:s18], [sflag:$0x8] =	stream.linear.gather [hbm4b:s7+s3], $0x400, $0x38;
	[tilespmem:$0x14200] =	vst v63  }
0xa5: {  	s6 =	sadd.s32 $0x1E8500, s4;
	s7 =	simm.s32 $0x7A00  }
0xa6: {  	[tilespmem:s7], [sflag:$0x8] =	stream.linear.gather [hbm4b:s6+s3], $0x400, $0x38;
	[tilespmem:$0x14200] =	vst v63  }
0xa7: {  	s4 =	sadd.s32 $0x2DC780, s4;
	s18 =	simm.s32 $0x7E00  }
0xa8: {  	[tilespmem:s18], [sflag:$0x8] =	stream.linear.gather [hbm4b:s4+s3], $0x400, $0x38;
	[tilespmem:$0x14200] =	vst v63  }
0xa9: {  	v56 =	vld [tilespmem:$0x0];
	_ =	sdelay $0x4  }
0xaa: {  	v34 =	vsel vm8, $0x0, v56  }
0xab: {  	(xrf0) =	vadd.scan.msk.s32 $0xffff, v34;
	_ =	sdelay $0x5  }
0xac: {  	v34, _, _ =	vpop (xrf0)  }
0xad: {  	(v2sf) =	vpush v34, $0xF;
	_ =	sdelay $0xe  }
0xae: {  	s5 =	spop (v2sf)  }
0xaf: {  	s4 =	sand.u32 $0xFFFFF80, s5  }
0xb0: {  	s6 =	simm.s32 $0x8200;
	s4 =	sadd.s32 s2, s4  }
0xb1: {  	[tilespmem:s6], [sflag:$0x9] =	stream.linear.gather [hbm4b:s4+s3], $0x400, $0x38;
	[tilespmem:$0x14200] =	vst v63  }
0xb2: {  	s18 =	simm.s32 $0x8600;
	s7 =	sadd.s32 $0xF4280, s4  }
0xb3: {  	[tilespmem:s18], [sflag:$0x9] =	stream.linear.gather [hbm4b:s7+s3], $0x400, $0x38;
	[tilespmem:$0x14200] =	vst v63  }
0xb4: {  	s6 =	sadd.s32 $0x1E8500, s4;
	s7 =	simm.s32 $0x8A00  }
0xb5: {  	[tilespmem:s7], [sflag:$0x9] =	stream.linear.gather [hbm4b:s6+s3], $0x400, $0x38;
	[tilespmem:$0x14200] =	vst v63  }
0xb6: {  	s4 =	sadd.s32 $0x2DC780, s4;
	s18 =	simm.s32 $0x8E00  }
0xb7: {  	[tilespmem:s18], [sflag:$0x9] =	stream.linear.gather [hbm4b:s4+s3], $0x400, $0x38;
	[tilespmem:$0x14200] =	vst v63  }
0xb8: {  	v57 =	vld [tilespmem:$0x0];
	_ =	sdelay $0x4  }
0xb9: {  	v34 =	vsel vm9, $0x0, v57  }
0xba: {  	(xrf0) =	vadd.scan.msk.s32 $0xffff, v34;
	_ =	sdelay $0x5  }
0xbb: {  	v34, _, _ =	vpop (xrf0)  }
0xbc: {  	(v2sf) =	vpush v34, $0xF;
	_ =	sdelay $0xe  }
0xbd: {  	s5 =	spop (v2sf)  }
0xbe: {  	s4 =	sand.u32 $0xFFFFF80, s5  }
0xbf: {  	s6 =	simm.s32 $0x9200;
	s4 =	sadd.s32 s2, s4  }
0xc0: {  	[tilespmem:s6], [sflag:$0xA] =	stream.linear.gather [hbm4b:s4+s3], $0x400, $0x38;
	[tilespmem:$0x14200] =	vst v63  }
0xc1: {  	s18 =	simm.s32 $0x9600;
	s7 =	sadd.s32 $0xF4280, s4  }
0xc2: {  	[tilespmem:s18], [sflag:$0xA] =	stream.linear.gather [hbm4b:s7+s3], $0x400, $0x38;
	[tilespmem:$0x14200] =	vst v63  }
0xc3: {  	s6 =	sadd.s32 $0x1E8500, s4;
	s7 =	simm.s32 $0x9A00  }
0xc4: {  	[tilespmem:s7], [sflag:$0xA] =	stream.linear.gather [hbm4b:s6+s3], $0x400, $0x38;
	[tilespmem:$0x14200] =	vst v63  }
0xc5: {  	s4 =	sadd.s32 $0x2DC780, s4;
	s18 =	simm.s32 $0x9E00  }
0xc6: {  	[tilespmem:s18], [sflag:$0xA] =	stream.linear.gather [hbm4b:s4+s3], $0x400, $0x38;
	[tilespmem:$0x14200] =	vst v63  }
0xc7: {  	v58 =	vld [tilespmem:$0x0];
	_ =	sdelay $0x4  }
0xc8: {  	v34 =	vsel vm10, $0x0, v58  }
0xc9: {  	(xrf0) =	vadd.scan.msk.s32 $0xffff, v34;
	_ =	sdelay $0x5  }
0xca: {  	v34, _, _ =	vpop (xrf0)  }
0xcb: {  	(v2sf) =	vpush v34, $0xF;
	_ =	sdelay $0xe  }
0xcc: {  	s5 =	spop (v2sf)  }
0xcd: {  	s4 =	sand.u32 $0xFFFFF80, s5  }
0xce: {  	s6 =	simm.s32 $0xA200;
	s4 =	sadd.s32 s2, s4  }
0xcf: {  	[tilespmem:s6], [sflag:$0xB] =	stream.linear.gather [hbm4b:s4+s3], $0x400, $0x38;
	[tilespmem:$0x14200] =	vst v63  }
0xd0: {  	s18 =	simm.s32 $0xA600;
	s7 =	sadd.s32 $0xF4280, s4  }
0xd1: {  	[tilespmem:s18], [sflag:$0xB] =	stream.linear.gather [hbm4b:s7+s3], $0x400, $0x38;
	[tilespmem:$0x14200] =	vst v63  }
0xd2: {  	s6 =	sadd.s32 $0x1E8500, s4;
	s7 =	simm.s32 $0xAA00  }
0xd3: {  	[tilespmem:s7], [sflag:$0xB] =	stream.linear.gather [hbm4b:s6+s3], $0x400, $0x38;
	[tilespmem:$0x14200] =	vst v63  }
0xd4: {  	s4 =	sadd.s32 $0x2DC780, s4;
	s18 =	simm.s32 $0xAE00  }
0xd5: {  	[tilespmem:s18], [sflag:$0xB] =	stream.linear.gather [hbm4b:s4+s3], $0x400, $0x38;
	[tilespmem:$0x14200] =	vst v63  }
0xd6: {  	v59 =	vld [tilespmem:$0x0];
	_ =	sdelay $0x4  }
0xd7: {  	v34 =	vsel vm11, $0x0, v59  }
0xd8: {  	(xrf0) =	vadd.scan.msk.s32 $0xffff, v34;
	_ =	sdelay $0x5  }
0xd9: {  	v34, _, _ =	vpop (xrf0)  }
0xda: {  	(v2sf) =	vpush v34, $0xF;
	_ =	sdelay $0xe  }
0xdb: {  	s5 =	spop (v2sf)  }
0xdc: {  	s4 =	sand.u32 $0xFFFFF80, s5  }
0xdd: {  	s6 =	simm.s32 $0xB200;
	s4 =	sadd.s32 s2, s4  }
0xde: {  	[tilespmem:s6], [sflag:$0xC] =	stream.linear.gather [hbm4b:s4+s3], $0x400, $0x38;
	[tilespmem:$0x14200] =	vst v63  }
0xdf: {  	s18 =	simm.s32 $0xB600;
	s7 =	sadd.s32 $0xF4280, s4  }
0xe0: {  	[tilespmem:s18], [sflag:$0xC] =	stream.linear.gather [hbm4b:s7+s3], $0x400, $0x38;
	[tilespmem:$0x14200] =	vst v63  }
0xe1: {  	s6 =	sadd.s32 $0x1E8500, s4;
	s7 =	simm.s32 $0xBA00  }
0xe2: {  	[tilespmem:s7], [sflag:$0xC] =	stream.linear.gather [hbm4b:s6+s3], $0x400, $0x38;
	[tilespmem:$0x14200] =	vst v63  }
0xe3: {  	s4 =	sadd.s32 $0x2DC780, s4;
	s18 =	simm.s32 $0xBE00  }
0xe4: {  	[tilespmem:s18], [sflag:$0xC] =	stream.linear.gather [hbm4b:s4+s3], $0x400, $0x38;
	[tilespmem:$0x14200] =	vst v63  }
0xe5: {  	v60 =	vld [tilespmem:$0x0];
	_ =	sdelay $0x4  }
0xe6: {  	v34 =	vsel vm12, $0x0, v60  }
0xe7: {  	(xrf0) =	vadd.scan.msk.s32 $0xffff, v34;
	_ =	sdelay $0x5  }
0xe8: {  	v34, _, _ =	vpop (xrf0)  }
0xe9: {  	(v2sf) =	vpush v34, $0xF;
	_ =	sdelay $0xe  }
0xea: {  	s5 =	spop (v2sf)  }
0xeb: {  	s4 =	sand.u32 $0xFFFFF80, s5  }
0xec: {  	s6 =	simm.s32 $0xC200;
	s4 =	sadd.s32 s2, s4  }
0xed: {  	[tilespmem:s6], [sflag:$0xD] =	stream.linear.gather [hbm4b:s4+s3], $0x400, $0x38;
	[tilespmem:$0x14200] =	vst v63  }
0xee: {  	s18 =	simm.s32 $0xC600;
	s7 =	sadd.s32 $0xF4280, s4  }
0xef: {  	[tilespmem:s18], [sflag:$0xD] =	stream.linear.gather [hbm4b:s7+s3], $0x400, $0x38;
	[tilespmem:$0x14200] =	vst v63  }
0xf0: {  	s6 =	sadd.s32 $0x1E8500, s4;
	s7 =	simm.s32 $0xCA00  }
0xf1: {  	[tilespmem:s7], [sflag:$0xD] =	stream.linear.gather [hbm4b:s6+s3], $0x400, $0x38;
	[tilespmem:$0x14200] =	vst v63  }
0xf2: {  	s4 =	sadd.s32 $0x2DC780, s4;
	s18 =	simm.s32 $0xCE00  }
0xf3: {  	[tilespmem:s18], [sflag:$0xD] =	stream.linear.gather [hbm4b:s4+s3], $0x400, $0x38;
	[tilespmem:$0x14200] =	vst v63  }
0xf4: {  	v61 =	vld [tilespmem:$0x0];
	_ =	sdelay $0x4  }
0xf5: {  	v34 =	vsel vm13, $0x0, v61  }
0xf6: {  	(xrf0) =	vadd.scan.msk.s32 $0xffff, v34;
	_ =	sdelay $0x5  }
0xf7: {  	v34, _, _ =	vpop (xrf0)  }
0xf8: {  	(v2sf) =	vpush v34, $0xF;
	_ =	sdelay $0xe  }
0xf9: {  	s5 =	spop (v2sf)  }
0xfa: {  	s4 =	sand.u32 $0xFFFFF80, s5  }
0xfb: {  	s6 =	simm.s32 $0xD200;
	s4 =	sadd.s32 s2, s4  }
0xfc: {  	[tilespmem:s6], [sflag:$0xE] =	stream.linear.gather [hbm4b:s4+s3], $0x400, $0x38;
	[tilespmem:$0x14200] =	vst v63  }
0xfd: {  	s18 =	simm.s32 $0xD600;
	s7 =	sadd.s32 $0xF4280, s4  }
0xfe: {  	[tilespmem:s18], [sflag:$0xE] =	stream.linear.gather [hbm4b:s7+s3], $0x400, $0x38;
	[tilespmem:$0x14200] =	vst v63  }
0xff: {  	s6 =	sadd.s32 $0x1E8500, s4;
	s7 =	simm.s32 $0xDA00  }
0x100: {  	[tilespmem:s7], [sflag:$0xE] =	stream.linear.gather [hbm4b:s6+s3], $0x400, $0x38;
	[tilespmem:$0x14200] =	vst v63  }
0x101: {  	s4 =	sadd.s32 $0x2DC780, s4;
	s18 =	simm.s32 $0xDE00  }
0x102: {  	[tilespmem:s18], [sflag:$0xE] =	stream.linear.gather [hbm4b:s4+s3], $0x400, $0x38;
	[tilespmem:$0x14200] =	vst v63  }
0x103: {  	v62 =	vld [tilespmem:$0x0];
	_ =	sdelay $0x4  }
0x104: {  	v34 =	vsel vm14, $0x0, v62  }
0x105: {  	(xrf0) =	vadd.scan.msk.s32 $0xffff, v34;
	_ =	sdelay $0x5  }
0x106: {  	v34, _, _ =	vpop (xrf0)  }
0x107: {  	(v2sf) =	vpush v34, $0xF;
	_ =	sdelay $0xe  }
0x108: {  	s5 =	spop (v2sf)  }
0x109: {  	s4 =	sand.u32 $0xFFFFF80, s5  }
0x10a: {  	s6 =	simm.s32 $0xE200;
	s4 =	sadd.s32 s2, s4  }
0x10b: {  	[tilespmem:s6], [sflag:$0xF] =	stream.linear.gather [hbm4b:s4+s3], $0x400, $0x38;
	[tilespmem:$0x14200] =	vst v63  }
0x10c: {  	s18 =	simm.s32 $0xE600;
	s7 =	sadd.s32 $0xF4280, s4  }
0x10d: {  	[tilespmem:s18], [sflag:$0xF] =	stream.linear.gather [hbm4b:s7+s3], $0x400, $0x38;
	[tilespmem:$0x14200] =	vst v63  }
0x10e: {  	s6 =	sadd.s32 $0x1E8500, s4;
	s7 =	simm.s32 $0xEA00  }
0x10f: {  	[tilespmem:s7], [sflag:$0xF] =	stream.linear.gather [hbm4b:s6+s3], $0x400, $0x38;
	[tilespmem:$0x14200] =	vst v63  }
0x110: {  	s4 =	sadd.s32 $0x2DC780, s4;
	s18 =	simm.s32 $0xEE00  }
0x111: {  	[tilespmem:s18], [sflag:$0xF] =	stream.linear.gather [hbm4b:s4+s3], $0x400, $0x38;
	[tilespmem:$0x14200] =	vst v63  }
0x112: {  	v63 =	vld [tilespmem:$0x0];
	_ =	sdelay $0x4  }
0x113: {  	v34 =	vsel vm15, $0x0, v63  }
0x114: {  	(xrf0) =	vadd.scan.msk.s32 $0xffff, v34;
	_ =	sdelay $0x5  }
0x115: {  	v34, _, _ =	vpop (xrf0)  }
0x116: {  	(v2sf) =	vpush v34, $0xF;
	_ =	sdelay $0xe  }
0x117: {  	s6 =	spop (v2sf)  }
0x118: {  	s4 =	sand.u32 $0xFFFFF80, s6  }
0x119: {  	s4 =	sadd.s32 s2, s4  }
0x11a: {  	[tilespmem:s20], [sflag:$0x10] =	stream.linear.gather [hbm4b:s4+s3], $0x400, $0x38;
	[tilespmem:$0x14200] =	vst v63  }
0x11b: {  	s7 =	sadd.s32 $0xF4280, s4  }
0x11c: {  	[tilespmem:s21], [sflag:$0x10] =	stream.linear.gather [hbm4b:s7+s3], $0x400, $0x38;
	[tilespmem:$0x14200] =	vst v63  }
0x11d: {  	s18 =	sadd.s32 $0x1E8500, s4  }
0x11e: {  	[tilespmem:s22], [sflag:$0x10] =	stream.linear.gather [hbm4b:s18+s3], $0x400, $0x38;
	[tilespmem:$0x14200] =	vst v63  }
0x11f: {  	s17 =	simm.s32 $0x10;
	s4 =	sadd.s32 $0x2DC780, s4;
	s18 =	simm.s32 $0xF  }
0x120: {  	[tilespmem:s23], [sflag:$0x10] =	stream.linear.gather [hbm4b:s4+s3], $0x400, $0x38;
	[tilespmem:$0x14200] =	vst v63  }
.LBB2_2:
0x121: {  	_ =	swait.ge [sflag:s24], $0x1000  }
0x122: {  	[sflag:s24] =	ssyncset.done $0x0  }
0x123: {  	[sflag:s24] =	ssyncadd.s32 $0xFFFFF000  }
0x124: {  	v34 =	vld [tilespmem:s17+$0xFFFFFFF0];
	_ =	sdelay $0x4  }
0x125: {  	v34 =	vnsel vm0, $0x0, v34  }
0x126: {  	(xrf0) =	vadd.scan.msk.s32 $0xffff, v34;
	_ =	sdelay $0x5  }
0x127: {  	v34, _, _ =	vpop (xrf0)  }
0x128: {  	(v2sf) =	vpush v34, $0xF;
	_ =	sdelay $0xe  }
0x129: {  	s4 =	spop (v2sf)  }
0x12a: {  	s4 =	sand.u32 $0x7F, s4  }
0x12b: {  	s5 =	sadd.s32 $0xFFFFFFF1, s18;
	v63 =	vor.u32 s4, v0  }
0x12c: {  	v35 =	vmov s5;
	v36 =	vor.u32 s4, v3  }
0x12d: {  	v37 =	vshll.u32 v35, $0x3  }
0x12e: {  	v35 =	vand.u32 $0x70, v35;
	v37 =	vand.u32 $0xC00, v37  }
0x12f: {  	v35 =	vor.u32 v35, v37  }
0x130: {  	v37 =	vor.u32 v1, v35;
	v34 =	vld.idx.msk [tilespmem:v63+s8+$0x0], $0xffff  }
0x131: {  	v35 =	vor.u32 v2, v35;
	v36 =	vld.idx.msk [tilespmem:v36+s8+$0x0], $0xffff;
	_ =	sdelay $0x3  }
0x132: {  	[tilespmem:v37+s25+$0x0] =	vst.idx.msk $0xffff, v34  }
0x133: {  	p0 =	seq.s32 s18, $0x1FF;
	[tilespmem:v35+s25+$0x0] =	vst.idx.msk $0xffff, v36  }
0x134: {  	v34 =	vld @!p0 [tilespmem:s17+$0x0];
	_ =	sdelay $0x3  }
0x135: {  	vm1 =	vmmov @!p0 $0x1  }
0x136: {  	v34 =	vnsel @!p0 vm1, $0x0, v34  }
0x137: {  	(xrf0) =	vadd.scan.msk.s32 @!p0 $0xffff, v34;
	_ =	sdelay $0x5  }
0x138: {  	v34, _, _ =	vpop @!p0 (xrf0)  }
0x139: {  	(v2sf) =	vpush @!p0 v34, $0xF;
	_ =	sdelay $0xe  }
0x13a: {  	s4 =	spop @!p0 (v2sf)  }
0x13b: {  	s4 =	sand.u32 @!p0 $0xFFFFF80, s4  }
0x13c: {  	s6 =	simm.s32 @!p0 $0x200;
	s5 =	sadd.s32 @!p0 s2, s4;
	s4 =	simm.s32 @!p0 $0x0  }
0x13d: {  	[tilespmem:s6], [sflag:$0x1] =	stream.linear.gather @!p0 [hbm4b:s5+s4], $0x400, $0x38;
	[tilespmem:$0x14200] =	vst v63  }
0x13e: {  	s7 =	simm.s32 @!p0 $0x600;
	s6 =	sadd.s32 @!p0 $0xF4280, s5  }
0x13f: {  	[tilespmem:s7], [sflag:$0x1] =	stream.linear.gather @!p0 [hbm4b:s6+s4], $0x400, $0x38;
	[tilespmem:$0x14200] =	vst v63  }
0x140: {  	s6 =	sadd.s32 @!p0 $0x1E8500, s5;
	s7 =	simm.s32 @!p0 $0xA00  }
0x141: {  	[tilespmem:s7], [sflag:$0x1] =	stream.linear.gather @!p0 [hbm4b:s6+s4], $0x400, $0x38;
	[tilespmem:$0x14200] =	vst v63  }
0x142: {  	s5 =	sadd.s32 @!p0 $0x2DC780, s5;
	s6 =	simm.s32 @!p0 $0xE00  }
0x143: {  	[tilespmem:s6], [sflag:$0x1] =	stream.linear.gather @!p0 [hbm4b:s5+s4], $0x400, $0x38;
	[tilespmem:$0x14200] =	vst v63  }
0x144: {  	_ =	swait.ge [sflag:s26], $0x1000  }
0x145: {  	[sflag:s26] =	ssyncset.done $0x0  }
0x146: {  	[sflag:s26] =	ssyncadd.s32 $0xFFFFF000  }
0x147: {  	v39 =	vld [tilespmem:s17+$0xFFFFFFF0];
	_ =	sdelay $0x3  }
0x148: {  	vm1 =	vcmask $0x308  }
0x149: {  	v34 =	vsel vm1, $0x0, v39  }
0x14a: {  	(xrf0) =	vadd.scan.msk.s32 $0xffff, v34;
	_ =	sdelay $0x5  }
0x14b: {  	v34, _, _ =	vpop (xrf0)  }
0x14c: {  	(v2sf) =	vpush v34, $0xF;
	_ =	sdelay $0xe  }
0x14d: {  	s6 =	spop (v2sf)  }
0x14e: {  	s5 =	sand.u32 $0x7F, s6  }
0x14f: {  	s7 =	sadd.s32 $0xFFFFFFF2, s18;
	v40 =	vor.u32 s5, v4  }
0x150: {  	v41 =	vmov s7;
	v42 =	vor.u32 s5, v5  }
0x151: {  	v43 =	vshll.u32 v41, $0x3  }
0x152: {  	v35 =	vand.u32 $0x71, v41;
	v37 =	vand.u32 $0xC00, v43  }
0x153: {  	v35 =	vor.u32 v35, v37  }
0x154: {  	v37 =	vor.u32 v1, v35;
	v34 =	vld.idx.msk [tilespmem:v40+s8+$0x0], $0xffff  }
0x155: {  	v35 =	vor.u32 v2, v35;
	v36 =	vld.idx.msk [tilespmem:v42+s8+$0x0], $0xffff;
	_ =	sdelay $0x3  }
0x156: {  	[tilespmem:v37+s25+$0x0] =	vst.idx.msk $0xffff, v34  }
0x157: {  	[tilespmem:v35+s25+$0x0] =	vst.idx.msk $0xffff, v36  }
0x158: {  	v34 =	vld @!p0 [tilespmem:s17+$0x0];
	_ =	sdelay $0x3  }
0x159: {  	vm1 =	vcmask @!p0 $0x308  }
0x15a: {  	v34 =	vsel @!p0 vm1, $0x0, v34  }
0x15b: {  	(xrf0) =	vadd.scan.msk.s32 @!p0 $0xffff, v34;
	_ =	sdelay $0x5  }
0x15c: {  	v34, _, _ =	vpop @!p0 (xrf0)  }
0x15d: {  	(v2sf) =	vpush @!p0 v34, $0xF;
	_ =	sdelay $0xe  }
0x15e: {  	s5 =	spop @!p0 (v2sf)  }
0x15f: {  	s5 =	sand.u32 @!p0 $0xFFFFF80, s5  }
0x160: {  	s6 =	simm.s32 @!p0 $0x1200;
	s5 =	sadd.s32 @!p0 s2, s5  }
0x161: {  	[tilespmem:s6], [sflag:$0x2] =	stream.linear.gather @!p0 [hbm4b:s5+s4], $0x400, $0x38;
	[tilespmem:$0x14200] =	vst v63  }
0x162: {  	s7 =	simm.s32 @!p0 $0x1600;
	s6 =	sadd.s32 @!p0 $0xF4280, s5  }
0x163: {  	[tilespmem:s7], [sflag:$0x2] =	stream.linear.gather @!p0 [hbm4b:s6+s4], $0x400, $0x38;
	[tilespmem:$0x14200] =	vst v63  }
0x164: {  	s6 =	sadd.s32 @!p0 $0x1E8500, s5;
	s7 =	simm.s32 @!p0 $0x1A00  }
0x165: {  	[tilespmem:s7], [sflag:$0x2] =	stream.linear.gather @!p0 [hbm4b:s6+s4], $0x400, $0x38;
	[tilespmem:$0x14200] =	vst v63  }
0x166: {  	s5 =	sadd.s32 @!p0 $0x2DC780, s5;
	s6 =	simm.s32 @!p0 $0x1E00  }
0x167: {  	[tilespmem:s6], [sflag:$0x2] =	stream.linear.gather @!p0 [hbm4b:s5+s4], $0x400, $0x38;
	[tilespmem:$0x14200] =	vst v63  }
0x168: {  	_ =	swait.ge [sflag:s28], $0x1000  }
0x169: {  	[sflag:s28] =	ssyncset.done $0x0  }
0x16a: {  	[sflag:s28] =	ssyncadd.s32 $0xFFFFF000  }
0x16b: {  	v44 =	vld [tilespmem:s17+$0xFFFFFFF0];
	_ =	sdelay $0x4  }
0x16c: {  	v34 =	vsel vm2, $0x0, v44  }
0x16d: {  	(xrf0) =	vadd.scan.msk.s32 $0xffff, v34;
	_ =	sdelay $0x5  }
0x16e: {  	v34, _, _ =	vpop (xrf0)  }
0x16f: {  	(v2sf) =	vpush v34, $0xF;
	_ =	sdelay $0xe  }
0x170: {  	s6 =	spop (v2sf)  }
0x171: {  	s5 =	sand.u32 $0x7F, s6  }
0x172: {  	s7 =	sadd.s32 $0xFFFFFFF3, s18;
	v45 =	vor.u32 s5, v6  }
0x173: {  	v46 =	vmov s7;
	v47 =	vor.u32 s5, v7  }
0x174: {  	v48 =	vshll.u32 v46, $0x3  }
0x175: {  	v35 =	vand.u32 $0x72, v46;
	v37 =	vand.u32 $0xC00, v48  }
0x176: {  	v35 =	vor.u32 v35, v37  }
0x177: {  	v37 =	vor.u32 v1, v35;
	v34 =	vld.idx.msk [tilespmem:v45+s8+$0x0], $0xffff  }
0x178: {  	v35 =	vor.u32 v2, v35;
	v36 =	vld.idx.msk [tilespmem:v47+s8+$0x0], $0xffff;
	_ =	sdelay $0x3  }
0x179: {  	[tilespmem:v37+s25+$0x0] =	vst.idx.msk $0xffff, v34  }
0x17a: {  	[tilespmem:v35+s25+$0x0] =	vst.idx.msk $0xffff, v36  }
0x17b: {  	v34 =	vld @!p0 [tilespmem:s17+$0x0];
	_ =	sdelay $0x3  }
0x17c: {  	vm1 =	vcmask @!p0 $0x70C  }
0x17d: {  	v34 =	vsel @!p0 vm1, $0x0, v34  }
0x17e: {  	(xrf0) =	vadd.scan.msk.s32 @!p0 $0xffff, v34;
	_ =	sdelay $0x5  }
0x17f: {  	v34, _, _ =	vpop @!p0 (xrf0)  }
0x180: {  	(v2sf) =	vpush @!p0 v34, $0xF;
	_ =	sdelay $0xe  }
0x181: {  	s5 =	spop @!p0 (v2sf)  }
0x182: {  	s5 =	sand.u32 @!p0 $0xFFFFF80, s5  }
0x183: {  	s6 =	simm.s32 @!p0 $0x2200;
	s5 =	sadd.s32 @!p0 s2, s5  }
0x184: {  	[tilespmem:s6], [sflag:$0x3] =	stream.linear.gather @!p0 [hbm4b:s5+s4], $0x400, $0x38;
	[tilespmem:$0x14200] =	vst v63  }
0x185: {  	s7 =	simm.s32 @!p0 $0x2600;
	s6 =	sadd.s32 @!p0 $0xF4280, s5  }
0x186: {  	[tilespmem:s7], [sflag:$0x3] =	stream.linear.gather @!p0 [hbm4b:s6+s4], $0x400, $0x38;
	[tilespmem:$0x14200] =	vst v63  }
0x187: {  	s6 =	sadd.s32 @!p0 $0x1E8500, s5;
	s7 =	simm.s32 @!p0 $0x2A00  }
0x188: {  	[tilespmem:s7], [sflag:$0x3] =	stream.linear.gather @!p0 [hbm4b:s6+s4], $0x400, $0x38;
	[tilespmem:$0x14200] =	vst v63  }
0x189: {  	s5 =	sadd.s32 @!p0 $0x2DC780, s5;
	s6 =	simm.s32 @!p0 $0x2E00  }
0x18a: {  	[tilespmem:s6], [sflag:$0x3] =	stream.linear.gather @!p0 [hbm4b:s5+s4], $0x400, $0x38;
	[tilespmem:$0x14200] =	vst v63  }
0x18b: {  	_ =	swait.ge [sflag:s29], $0x1000  }
0x18c: {  	[sflag:s29] =	ssyncset.done $0x0  }
0x18d: {  	[sflag:s29] =	ssyncadd.s32 $0xFFFFF000  }
0x18e: {  	v49 =	vld [tilespmem:s17+$0xFFFFFFF0];
	_ =	sdelay $0x4  }
0x18f: {  	v34 =	vsel vm3, $0x0, v49  }
0x190: {  	(xrf0) =	vadd.scan.msk.s32 $0xffff, v34;
	_ =	sdelay $0x5  }
0x191: {  	v34, _, _ =	vpop (xrf0)  }
0x192: {  	(v2sf) =	vpush v34, $0xF;
	_ =	sdelay $0xe  }
0x193: {  	s6 =	spop (v2sf)  }
0x194: {  	s5 =	sand.u32 $0x7F, s6  }
0x195: {  	s7 =	sadd.s32 $0xFFFFFFF4, s18;
	v50 =	vor.u32 s5, v8  }
0x196: {  	v51 =	vmov s7;
	v52 =	vor.u32 s5, v9  }
0x197: {  	v53 =	vshll.u32 v51, $0x3  }
0x198: {  	v35 =	vand.u32 $0x73, v51;
	v37 =	vand.u32 $0xC00, v53  }
0x199: {  	v35 =	vor.u32 v35, v37  }
0x19a: {  	v37 =	vor.u32 v1, v35;
	v34 =	vld.idx.msk [tilespmem:v50+s8+$0x0], $0xffff  }
0x19b: {  	v35 =	vor.u32 v2, v35;
	v36 =	vld.idx.msk [tilespmem:v52+s8+$0x0], $0xffff;
	_ =	sdelay $0x3  }
0x19c: {  	[tilespmem:v37+s25+$0x0] =	vst.idx.msk $0xffff, v34  }
0x19d: {  	[tilespmem:v35+s25+$0x0] =	vst.idx.msk $0xffff, v36  }
0x19e: {  	v34 =	vld @!p0 [tilespmem:s17+$0x0];
	_ =	sdelay $0x3  }
0x19f: {  	vm1 =	vcmask @!p0 $0xB10  }
0x1a0: {  	v34 =	vsel @!p0 vm1, $0x0, v34  }
0x1a1: {  	(xrf0) =	vadd.scan.msk.s32 @!p0 $0xffff, v34;
	_ =	sdelay $0x5  }
0x1a2: {  	v34, _, _ =	vpop @!p0 (xrf0)  }
0x1a3: {  	(v2sf) =	vpush @!p0 v34, $0xF;
	_ =	sdelay $0xe  }
0x1a4: {  	s5 =	spop @!p0 (v2sf)  }
0x1a5: {  	s5 =	sand.u32 @!p0 $0xFFFFF80, s5  }
0x1a6: {  	s6 =	simm.s32 @!p0 $0x3200;
	s5 =	sadd.s32 @!p0 s2, s5  }
0x1a7: {  	[tilespmem:s6], [sflag:$0x4] =	stream.linear.gather @!p0 [hbm4b:s5+s4], $0x400, $0x38;
	[tilespmem:$0x14200] =	vst v63  }
0x1a8: {  	s7 =	simm.s32 @!p0 $0x3600;
	s6 =	sadd.s32 @!p0 $0xF4280, s5  }
0x1a9: {  	[tilespmem:s7], [sflag:$0x4] =	stream.linear.gather @!p0 [hbm4b:s6+s4], $0x400, $0x38;
	[tilespmem:$0x14200] =	vst v63  }
0x1aa: {  	s6 =	sadd.s32 @!p0 $0x1E8500, s5;
	s7 =	simm.s32 @!p0 $0x3A00  }
0x1ab: {  	[tilespmem:s7], [sflag:$0x4] =	stream.linear.gather @!p0 [hbm4b:s6+s4], $0x400, $0x38;
	[tilespmem:$0x14200] =	vst v63  }
0x1ac: {  	s5 =	sadd.s32 @!p0 $0x2DC780, s5;
	s6 =	simm.s32 @!p0 $0x3E00  }
0x1ad: {  	[tilespmem:s6], [sflag:$0x4] =	stream.linear.gather @!p0 [hbm4b:s5+s4], $0x400, $0x38;
	[tilespmem:$0x14200] =	vst v63  }
0x1ae: {  	_ =	swait.ge [sflag:s30], $0x1000  }
0x1af: {  	[sflag:s30] =	ssyncset.done $0x0  }
0x1b0: {  	[sflag:s30] =	ssyncadd.s32 $0xFFFFF000  }
0x1b1: {  	v54 =	vld [tilespmem:s17+$0xFFFFFFF0];
	_ =	sdelay $0x4  }
0x1b2: {  	v34 =	vsel vm4, $0x0, v54  }
0x1b3: {  	(xrf0) =	vadd.scan.msk.s32 $0xffff, v34;
	_ =	sdelay $0x5  }
0x1b4: {  	v34, _, _ =	vpop (xrf0)  }
0x1b5: {  	(v2sf) =	vpush v34, $0xF;
	_ =	sdelay $0xe  }
0x1b6: {  	s6 =	spop (v2sf)  }
0x1b7: {  	s5 =	sand.u32 $0x7F, s6  }
0x1b8: {  	s7 =	sadd.s32 $0xFFFFFFF5, s18;
	v55 =	vor.u32 s5, v10  }
0x1b9: {  	v56 =	vmov s7;
	v57 =	vor.u32 s5, v11  }
0x1ba: {  	v58 =	vshll.u32 v56, $0x3  }
0x1bb: {  	v35 =	vand.u32 $0x74, v56;
	v37 =	vand.u32 $0xC00, v58  }
0x1bc: {  	v35 =	vor.u32 v35, v37  }
0x1bd: {  	v37 =	vor.u32 v1, v35;
	v34 =	vld.idx.msk [tilespmem:v55+s8+$0x0], $0xffff  }
0x1be: {  	v35 =	vor.u32 v2, v35;
	v36 =	vld.idx.msk [tilespmem:v57+s8+$0x0], $0xffff;
	_ =	sdelay $0x3  }
0x1bf: {  	[tilespmem:v37+s25+$0x0] =	vst.idx.msk $0xffff, v34  }
0x1c0: {  	[tilespmem:v35+s25+$0x0] =	vst.idx.msk $0xffff, v36  }
0x1c1: {  	v34 =	vld @!p0 [tilespmem:s17+$0x0];
	_ =	sdelay $0x3  }
0x1c2: {  	vm1 =	vcmask @!p0 $0xF14  }
0x1c3: {  	v34 =	vsel @!p0 vm1, $0x0, v34  }
0x1c4: {  	(xrf0) =	vadd.scan.msk.s32 @!p0 $0xffff, v34;
	_ =	sdelay $0x5  }
0x1c5: {  	v34, _, _ =	vpop @!p0 (xrf0)  }
0x1c6: {  	(v2sf) =	vpush @!p0 v34, $0xF;
	_ =	sdelay $0xe  }
0x1c7: {  	s5 =	spop @!p0 (v2sf)  }
0x1c8: {  	s5 =	sand.u32 @!p0 $0xFFFFF80, s5  }
0x1c9: {  	s6 =	simm.s32 @!p0 $0x4200;
	s5 =	sadd.s32 @!p0 s2, s5  }
0x1ca: {  	[tilespmem:s6], [sflag:$0x5] =	stream.linear.gather @!p0 [hbm4b:s5+s4], $0x400, $0x38;
	[tilespmem:$0x14200] =	vst v63  }
0x1cb: {  	s7 =	simm.s32 @!p0 $0x4600;
	s6 =	sadd.s32 @!p0 $0xF4280, s5  }
0x1cc: {  	[tilespmem:s7], [sflag:$0x5] =	stream.linear.gather @!p0 [hbm4b:s6+s4], $0x400, $0x38;
	[tilespmem:$0x14200] =	vst v63  }
0x1cd: {  	s6 =	sadd.s32 @!p0 $0x1E8500, s5;
	s7 =	simm.s32 @!p0 $0x4A00  }
0x1ce: {  	[tilespmem:s7], [sflag:$0x5] =	stream.linear.gather @!p0 [hbm4b:s6+s4], $0x400, $0x38;
	[tilespmem:$0x14200] =	vst v63  }
0x1cf: {  	s5 =	sadd.s32 @!p0 $0x2DC780, s5;
	s6 =	simm.s32 @!p0 $0x4E00  }
0x1d0: {  	[tilespmem:s6], [sflag:$0x5] =	stream.linear.gather @!p0 [hbm4b:s5+s4], $0x400, $0x38;
	[tilespmem:$0x14200] =	vst v63  }
0x1d1: {  	_ =	swait.ge [sflag:s31], $0x1000  }
0x1d2: {  	[sflag:s31] =	ssyncset.done $0x0  }
0x1d3: {  	[sflag:s31] =	ssyncadd.s32 $0xFFFFF000  }
0x1d4: {  	v59 =	vld [tilespmem:s17+$0xFFFFFFF0];
	_ =	sdelay $0x4  }
0x1d5: {  	v34 =	vsel vm5, $0x0, v59  }
0x1d6: {  	(xrf0) =	vadd.scan.msk.s32 $0xffff, v34;
	_ =	sdelay $0x5  }
0x1d7: {  	v34, _, _ =	vpop (xrf0)  }
0x1d8: {  	(v2sf) =	vpush v34, $0xF;
	_ =	sdelay $0xe  }
0x1d9: {  	s6 =	spop (v2sf)  }
0x1da: {  	s5 =	sand.u32 $0x7F, s6  }
0x1db: {  	s7 =	sadd.s32 $0xFFFFFFF6, s18;
	v60 =	vor.u32 s5, v12  }
0x1dc: {  	v61 =	vmov s7;
	v62 =	vor.u32 s5, v13  }
0x1dd: {  	v63 =	vshll.u32 v61, $0x3  }
0x1de: {  	v35 =	vand.u32 $0x75, v61;
	v37 =	vand.u32 $0xC00, v63  }
0x1df: {  	v35 =	vor.u32 v35, v37  }
0x1e0: {  	v37 =	vor.u32 v1, v35;
	v34 =	vld.idx.msk [tilespmem:v60+s8+$0x0], $0xffff  }
0x1e1: {  	v35 =	vor.u32 v2, v35;
	v36 =	vld.idx.msk [tilespmem:v62+s8+$0x0], $0xffff;
	_ =	sdelay $0x3  }
0x1e2: {  	[tilespmem:v37+s25+$0x0] =	vst.idx.msk $0xffff, v34  }
0x1e3: {  	[tilespmem:v35+s25+$0x0] =	vst.idx.msk $0xffff, v36  }
0x1e4: {  	v34 =	vld @!p0 [tilespmem:s17+$0x0];
	_ =	sdelay $0x3  }
0x1e5: {  	vm1 =	vcmask @!p0 $0x1318  }
0x1e6: {  	v34 =	vsel @!p0 vm1, $0x0, v34  }
0x1e7: {  	(xrf0) =	vadd.scan.msk.s32 @!p0 $0xffff, v34;
	_ =	sdelay $0x5  }
0x1e8: {  	v34, _, _ =	vpop @!p0 (xrf0)  }
0x1e9: {  	(v2sf) =	vpush @!p0 v34, $0xF;
	_ =	sdelay $0xe  }
0x1ea: {  	s5 =	spop @!p0 (v2sf)  }
0x1eb: {  	s5 =	sand.u32 @!p0 $0xFFFFF80, s5  }
0x1ec: {  	s6 =	simm.s32 @!p0 $0x5200;
	s5 =	sadd.s32 @!p0 s2, s5  }
0x1ed: {  	[tilespmem:s6], [sflag:$0x6] =	stream.linear.gather @!p0 [hbm4b:s5+s4], $0x400, $0x38;
	[tilespmem:$0x14200] =	vst v63  }
0x1ee: {  	s7 =	simm.s32 @!p0 $0x5600;
	s6 =	sadd.s32 @!p0 $0xF4280, s5  }
0x1ef: {  	[tilespmem:s7], [sflag:$0x6] =	stream.linear.gather @!p0 [hbm4b:s6+s4], $0x400, $0x38;
	[tilespmem:$0x14200] =	vst v63  }
0x1f0: {  	s6 =	sadd.s32 @!p0 $0x1E8500, s5;
	s7 =	simm.s32 @!p0 $0x5A00  }
0x1f1: {  	[tilespmem:s7], [sflag:$0x6] =	stream.linear.gather @!p0 [hbm4b:s6+s4], $0x400, $0x38;
	[tilespmem:$0x14200] =	vst v63  }
0x1f2: {  	s5 =	sadd.s32 @!p0 $0x2DC780, s5;
	s6 =	simm.s32 @!p0 $0x5E00  }
0x1f3: {  	[tilespmem:s6], [sflag:$0x6] =	stream.linear.gather @!p0 [hbm4b:s5+s4], $0x400, $0x38;
	[tilespmem:$0x14200] =	vst v63  }
0x1f4: {  	_ =	swait.ge [sflag:s0], $0x1000  }
0x1f5: {  	[sflag:s0] =	ssyncset.done $0x0  }
0x1f6: {  	[sflag:s0] =	ssyncadd.s32 $0xFFFFF000  }
0x1f7: {  	v39 =	vld [tilespmem:s17+$0xFFFFFFF0];
	_ =	sdelay $0x4  }
0x1f8: {  	v34 =	vsel vm6, $0x0, v39  }
0x1f9: {  	(xrf0) =	vadd.scan.msk.s32 $0xffff, v34;
	_ =	sdelay $0x5  }
0x1fa: {  	v34, _, _ =	vpop (xrf0)  }
0x1fb: {  	(v2sf) =	vpush v34, $0xF;
	_ =	sdelay $0xe  }
0x1fc: {  	s6 =	spop (v2sf)  }
0x1fd: {  	s5 =	sand.u32 $0x7F, s6  }
0x1fe: {  	s7 =	sadd.s32 $0xFFFFFFF7, s18;
	v40 =	vor.u32 s5, v14  }
0x1ff: {  	v41 =	vmov s7;
	v42 =	vor.u32 s5, v15  }
0x200: {  	v43 =	vshll.u32 v41, $0x3  }
0x201: {  	v35 =	vand.u32 $0x76, v41;
	v37 =	vand.u32 $0xC00, v43  }
0x202: {  	v35 =	vor.u32 v35, v37  }
0x203: {  	v37 =	vor.u32 v1, v35;
	v34 =	vld.idx.msk [tilespmem:v40+s8+$0x0], $0xffff  }
0x204: {  	v35 =	vor.u32 v2, v35;
	v36 =	vld.idx.msk [tilespmem:v42+s8+$0x0], $0xffff;
	_ =	sdelay $0x3  }
0x205: {  	[tilespmem:v37+s25+$0x0] =	vst.idx.msk $0xffff, v34  }
0x206: {  	[tilespmem:v35+s25+$0x0] =	vst.idx.msk $0xffff, v36  }
0x207: {  	v34 =	vld @!p0 [tilespmem:s17+$0x0];
	_ =	sdelay $0x3  }
0x208: {  	vm1 =	vcmask @!p0 $0x171C  }
0x209: {  	v34 =	vsel @!p0 vm1, $0x0, v34  }
0x20a: {  	(xrf0) =	vadd.scan.msk.s32 @!p0 $0xffff, v34;
	_ =	sdelay $0x5  }
0x20b: {  	v34, _, _ =	vpop @!p0 (xrf0)  }
0x20c: {  	(v2sf) =	vpush @!p0 v34, $0xF;
	_ =	sdelay $0xe  }
0x20d: {  	s5 =	spop @!p0 (v2sf)  }
0x20e: {  	s5 =	sand.u32 @!p0 $0xFFFFF80, s5  }
0x20f: {  	s6 =	simm.s32 @!p0 $0x6200;
	s5 =	sadd.s32 @!p0 s2, s5  }
0x210: {  	[tilespmem:s6], [sflag:$0x7] =	stream.linear.gather @!p0 [hbm4b:s5+s4], $0x400, $0x38;
	[tilespmem:$0x14200] =	vst v63  }
0x211: {  	s7 =	simm.s32 @!p0 $0x6600;
	s6 =	sadd.s32 @!p0 $0xF4280, s5  }
0x212: {  	[tilespmem:s7], [sflag:$0x7] =	stream.linear.gather @!p0 [hbm4b:s6+s4], $0x400, $0x38;
	[tilespmem:$0x14200] =	vst v63  }
0x213: {  	s6 =	sadd.s32 @!p0 $0x1E8500, s5;
	s7 =	simm.s32 @!p0 $0x6A00  }
0x214: {  	[tilespmem:s7], [sflag:$0x7] =	stream.linear.gather @!p0 [hbm4b:s6+s4], $0x400, $0x38;
	[tilespmem:$0x14200] =	vst v63  }
0x215: {  	s5 =	sadd.s32 @!p0 $0x2DC780, s5;
	s6 =	simm.s32 @!p0 $0x6E00  }
0x216: {  	[tilespmem:s6], [sflag:$0x7] =	stream.linear.gather @!p0 [hbm4b:s5+s4], $0x400, $0x38;
	[tilespmem:$0x14200] =	vst v63  }
0x217: {  	_ =	swait.ge [sflag:s1], $0x1000  }
0x218: {  	[sflag:s1] =	ssyncset.done $0x0  }
0x219: {  	[sflag:s1] =	ssyncadd.s32 $0xFFFFF000  }
0x21a: {  	v44 =	vld [tilespmem:s17+$0xFFFFFFF0];
	_ =	sdelay $0x4  }
0x21b: {  	v34 =	vsel vm7, $0x0, v44  }
0x21c: {  	(xrf0) =	vadd.scan.msk.s32 $0xffff, v34;
	_ =	sdelay $0x5  }
0x21d: {  	v34, _, _ =	vpop (xrf0)  }
0x21e: {  	(v2sf) =	vpush v34, $0xF;
	_ =	sdelay $0xe  }
0x21f: {  	s6 =	spop (v2sf)  }
0x220: {  	s5 =	sand.u32 $0x7F, s6  }
0x221: {  	s7 =	sadd.s32 $0xFFFFFFF8, s18;
	v45 =	vor.u32 s5, v16  }
0x222: {  	v46 =	vmov s7;
	v47 =	vor.u32 s5, v17  }
0x223: {  	v48 =	vshll.u32 v46, $0x3  }
0x224: {  	v35 =	vand.u32 $0x77, v46;
	v37 =	vand.u32 $0xC00, v48  }
0x225: {  	v35 =	vor.u32 v35, v37  }
0x226: {  	v37 =	vor.u32 v1, v35;
	v34 =	vld.idx.msk [tilespmem:v45+s8+$0x0], $0xffff  }
0x227: {  	v35 =	vor.u32 v2, v35;
	v36 =	vld.idx.msk [tilespmem:v47+s8+$0x0], $0xffff;
	_ =	sdelay $0x3  }
0x228: {  	[tilespmem:v37+s25+$0x0] =	vst.idx.msk $0xffff, v34  }
0x229: {  	[tilespmem:v35+s25+$0x0] =	vst.idx.msk $0xffff, v36  }
0x22a: {  	v34 =	vld @!p0 [tilespmem:s17+$0x0];
	_ =	sdelay $0x3  }
0x22b: {  	vm1 =	vcmask @!p0 $0x1B20  }
0x22c: {  	v34 =	vsel @!p0 vm1, $0x0, v34  }
0x22d: {  	(xrf0) =	vadd.scan.msk.s32 @!p0 $0xffff, v34;
	_ =	sdelay $0x5  }
0x22e: {  	v34, _, _ =	vpop @!p0 (xrf0)  }
0x22f: {  	(v2sf) =	vpush @!p0 v34, $0xF;
	_ =	sdelay $0xe  }
0x230: {  	s5 =	spop @!p0 (v2sf)  }
0x231: {  	s5 =	sand.u32 @!p0 $0xFFFFF80, s5  }
0x232: {  	s6 =	simm.s32 @!p0 $0x7200;
	s5 =	sadd.s32 @!p0 s2, s5  }
0x233: {  	[tilespmem:s6], [sflag:$0x8] =	stream.linear.gather @!p0 [hbm4b:s5+s4], $0x400, $0x38;
	[tilespmem:$0x14200] =	vst v63  }
0x234: {  	s7 =	simm.s32 @!p0 $0x7600;
	s6 =	sadd.s32 @!p0 $0xF4280, s5  }
0x235: {  	[tilespmem:s7], [sflag:$0x8] =	stream.linear.gather @!p0 [hbm4b:s6+s4], $0x400, $0x38;
	[tilespmem:$0x14200] =	vst v63  }
0x236: {  	s6 =	sadd.s32 @!p0 $0x1E8500, s5;
	s7 =	simm.s32 @!p0 $0x7A00  }
0x237: {  	[tilespmem:s7], [sflag:$0x8] =	stream.linear.gather @!p0 [hbm4b:s6+s4], $0x400, $0x38;
	[tilespmem:$0x14200] =	vst v63  }
0x238: {  	s5 =	sadd.s32 @!p0 $0x2DC780, s5;
	s6 =	simm.s32 @!p0 $0x7E00  }
0x239: {  	[tilespmem:s6], [sflag:$0x8] =	stream.linear.gather @!p0 [hbm4b:s5+s4], $0x400, $0x38;
	[tilespmem:$0x14200] =	vst v63  }
0x23a: {  	_ =	swait.ge [sflag:s9], $0x1000  }
0x23b: {  	[sflag:s9] =	ssyncset.done $0x0  }
0x23c: {  	[sflag:s9] =	ssyncadd.s32 $0xFFFFF000  }
0x23d: {  	v49 =	vld [tilespmem:s17+$0xFFFFFFF0];
	_ =	sdelay $0x4  }
0x23e: {  	v34 =	vsel vm8, $0x0, v49  }
0x23f: {  	(xrf0) =	vadd.scan.msk.s32 $0xffff, v34;
	_ =	sdelay $0x5  }
0x240: {  	v34, _, _ =	vpop (xrf0)  }
0x241: {  	(v2sf) =	vpush v34, $0xF;
	_ =	sdelay $0xe  }
0x242: {  	s6 =	spop (v2sf)  }
0x243: {  	s5 =	sand.u32 $0x7F, s6  }
0x244: {  	s7 =	sadd.s32 $0xFFFFFFF9, s18;
	v50 =	vor.u32 s5, v18  }
0x245: {  	v51 =	vmov s7;
	v52 =	vor.u32 s5, v19  }
0x246: {  	v53 =	vshll.u32 v51, $0x3  }
0x247: {  	v35 =	vand.u32 $0x78, v51;
	v37 =	vand.u32 $0xC00, v53  }
0x248: {  	v35 =	vor.u32 v35, v37  }
0x249: {  	v37 =	vor.u32 v1, v35;
	v34 =	vld.idx.msk [tilespmem:v50+s8+$0x0], $0xffff  }
0x24a: {  	v35 =	vor.u32 v2, v35;
	v36 =	vld.idx.msk [tilespmem:v52+s8+$0x0], $0xffff;
	_ =	sdelay $0x3  }
0x24b: {  	[tilespmem:v37+s25+$0x0] =	vst.idx.msk $0xffff, v34  }
0x24c: {  	[tilespmem:v35+s25+$0x0] =	vst.idx.msk $0xffff, v36  }
0x24d: {  	v34 =	vld @!p0 [tilespmem:s17+$0x0];
	_ =	sdelay $0x3  }
0x24e: {  	vm1 =	vcmask @!p0 $0x1F24  }
0x24f: {  	v34 =	vsel @!p0 vm1, $0x0, v34  }
0x250: {  	(xrf0) =	vadd.scan.msk.s32 @!p0 $0xffff, v34;
	_ =	sdelay $0x5  }
0x251: {  	v34, _, _ =	vpop @!p0 (xrf0)  }
0x252: {  	(v2sf) =	vpush @!p0 v34, $0xF;
	_ =	sdelay $0xe  }
0x253: {  	s5 =	spop @!p0 (v2sf)  }
0x254: {  	s5 =	sand.u32 @!p0 $0xFFFFF80, s5  }
0x255: {  	s6 =	simm.s32 @!p0 $0x8200;
	s5 =	sadd.s32 @!p0 s2, s5  }
0x256: {  	[tilespmem:s6], [sflag:$0x9] =	stream.linear.gather @!p0 [hbm4b:s5+s4], $0x400, $0x38;
	[tilespmem:$0x14200] =	vst v63  }
0x257: {  	s7 =	simm.s32 @!p0 $0x8600;
	s6 =	sadd.s32 @!p0 $0xF4280, s5  }
0x258: {  	[tilespmem:s7], [sflag:$0x9] =	stream.linear.gather @!p0 [hbm4b:s6+s4], $0x400, $0x38;
	[tilespmem:$0x14200] =	vst v63  }
0x259: {  	s6 =	sadd.s32 @!p0 $0x1E8500, s5;
	s7 =	simm.s32 @!p0 $0x8A00  }
0x25a: {  	[tilespmem:s7], [sflag:$0x9] =	stream.linear.gather @!p0 [hbm4b:s6+s4], $0x400, $0x38;
	[tilespmem:$0x14200] =	vst v63  }
0x25b: {  	s5 =	sadd.s32 @!p0 $0x2DC780, s5;
	s6 =	simm.s32 @!p0 $0x8E00  }
0x25c: {  	[tilespmem:s6], [sflag:$0x9] =	stream.linear.gather @!p0 [hbm4b:s5+s4], $0x400, $0x38;
	[tilespmem:$0x14200] =	vst v63  }
0x25d: {  	_ =	swait.ge [sflag:s10], $0x1000  }
0x25e: {  	[sflag:s10] =	ssyncset.done $0x0  }
0x25f: {  	[sflag:s10] =	ssyncadd.s32 $0xFFFFF000  }
0x260: {  	v54 =	vld [tilespmem:s17+$0xFFFFFFF0];
	_ =	sdelay $0x4  }
0x261: {  	v34 =	vsel vm9, $0x0, v54  }
0x262: {  	(xrf0) =	vadd.scan.msk.s32 $0xffff, v34;
	_ =	sdelay $0x5  }
0x263: {  	v34, _, _ =	vpop (xrf0)  }
0x264: {  	(v2sf) =	vpush v34, $0xF;
	_ =	sdelay $0xe  }
0x265: {  	s6 =	spop (v2sf)  }
0x266: {  	s5 =	sand.u32 $0x7F, s6  }
0x267: {  	s7 =	sadd.s32 $0xFFFFFFFA, s18;
	v55 =	vor.u32 s5, v20  }
0x268: {  	v56 =	vmov s7;
	v57 =	vor.u32 s5, v21  }
0x269: {  	v58 =	vshll.u32 v56, $0x3  }
0x26a: {  	v35 =	vand.u32 $0x79, v56;
	v37 =	vand.u32 $0xC00, v58  }
0x26b: {  	v35 =	vor.u32 v35, v37  }
0x26c: {  	v37 =	vor.u32 v1, v35;
	v34 =	vld.idx.msk [tilespmem:v55+s8+$0x0], $0xffff  }
0x26d: {  	v35 =	vor.u32 v2, v35;
	v36 =	vld.idx.msk [tilespmem:v57+s8+$0x0], $0xffff;
	_ =	sdelay $0x3  }
0x26e: {  	[tilespmem:v37+s25+$0x0] =	vst.idx.msk $0xffff, v34  }
0x26f: {  	[tilespmem:v35+s25+$0x0] =	vst.idx.msk $0xffff, v36  }
0x270: {  	v34 =	vld @!p0 [tilespmem:s17+$0x0];
	_ =	sdelay $0x3  }
0x271: {  	vm1 =	vcmask @!p0 $0x2328  }
0x272: {  	v34 =	vsel @!p0 vm1, $0x0, v34  }
0x273: {  	(xrf0) =	vadd.scan.msk.s32 @!p0 $0xffff, v34;
	_ =	sdelay $0x5  }
0x274: {  	v34, _, _ =	vpop @!p0 (xrf0)  }
0x275: {  	(v2sf) =	vpush @!p0 v34, $0xF;
	_ =	sdelay $0xe  }
0x276: {  	s5 =	spop @!p0 (v2sf)  }
0x277: {  	s5 =	sand.u32 @!p0 $0xFFFFF80, s5  }
0x278: {  	s6 =	simm.s32 @!p0 $0x9200;
	s5 =	sadd.s32 @!p0 s2, s5  }
0x279: {  	[tilespmem:s6], [sflag:$0xA] =	stream.linear.gather @!p0 [hbm4b:s5+s4], $0x400, $0x38;
	[tilespmem:$0x14200] =	vst v63  }
0x27a: {  	s7 =	simm.s32 @!p0 $0x9600;
	s6 =	sadd.s32 @!p0 $0xF4280, s5  }
0x27b: {  	[tilespmem:s7], [sflag:$0xA] =	stream.linear.gather @!p0 [hbm4b:s6+s4], $0x400, $0x38;
	[tilespmem:$0x14200] =	vst v63  }
0x27c: {  	s6 =	sadd.s32 @!p0 $0x1E8500, s5;
	s7 =	simm.s32 @!p0 $0x9A00  }
0x27d: {  	[tilespmem:s7], [sflag:$0xA] =	stream.linear.gather @!p0 [hbm4b:s6+s4], $0x400, $0x38;
	[tilespmem:$0x14200] =	vst v63  }
0x27e: {  	s5 =	sadd.s32 @!p0 $0x2DC780, s5;
	s6 =	simm.s32 @!p0 $0x9E00  }
0x27f: {  	[tilespmem:s6], [sflag:$0xA] =	stream.linear.gather @!p0 [hbm4b:s5+s4], $0x400, $0x38;
	[tilespmem:$0x14200] =	vst v63  }
0x280: {  	_ =	swait.ge [sflag:s11], $0x1000  }
0x281: {  	[sflag:s11] =	ssyncset.done $0x0  }
0x282: {  	[sflag:s11] =	ssyncadd.s32 $0xFFFFF000  }
0x283: {  	v59 =	vld [tilespmem:s17+$0xFFFFFFF0];
	_ =	sdelay $0x4  }
0x284: {  	v34 =	vsel vm10, $0x0, v59  }
0x285: {  	(xrf0) =	vadd.scan.msk.s32 $0xffff, v34;
	_ =	sdelay $0x5  }
0x286: {  	v34, _, _ =	vpop (xrf0)  }
0x287: {  	(v2sf) =	vpush v34, $0xF;
	_ =	sdelay $0xe  }
0x288: {  	s6 =	spop (v2sf)  }
0x289: {  	s5 =	sand.u32 $0x7F, s6  }
0x28a: {  	s7 =	sadd.s32 $0xFFFFFFFB, s18;
	v60 =	vor.u32 s5, v22  }
0x28b: {  	v61 =	vmov s7;
	v62 =	vor.u32 s5, v23  }
0x28c: {  	v63 =	vshll.u32 v61, $0x3  }
0x28d: {  	v35 =	vand.u32 $0x7A, v61;
	v37 =	vand.u32 $0xC00, v63  }
0x28e: {  	v35 =	vor.u32 v35, v37  }
0x28f: {  	v37 =	vor.u32 v1, v35;
	v34 =	vld.idx.msk [tilespmem:v60+s8+$0x0], $0xffff  }
0x290: {  	v35 =	vor.u32 v2, v35;
	v36 =	vld.idx.msk [tilespmem:v62+s8+$0x0], $0xffff;
	_ =	sdelay $0x3  }
0x291: {  	[tilespmem:v37+s25+$0x0] =	vst.idx.msk $0xffff, v34  }
0x292: {  	[tilespmem:v35+s25+$0x0] =	vst.idx.msk $0xffff, v36  }
0x293: {  	v34 =	vld @!p0 [tilespmem:s17+$0x0];
	_ =	sdelay $0x3  }
0x294: {  	vm1 =	vcmask @!p0 $0x272C  }
0x295: {  	v34 =	vsel @!p0 vm1, $0x0, v34  }
0x296: {  	(xrf0) =	vadd.scan.msk.s32 @!p0 $0xffff, v34;
	_ =	sdelay $0x5  }
0x297: {  	v34, _, _ =	vpop @!p0 (xrf0)  }
0x298: {  	(v2sf) =	vpush @!p0 v34, $0xF;
	_ =	sdelay $0xe  }
0x299: {  	s5 =	spop @!p0 (v2sf)  }
0x29a: {  	s5 =	sand.u32 @!p0 $0xFFFFF80, s5  }
0x29b: {  	s6 =	simm.s32 @!p0 $0xA200;
	s5 =	sadd.s32 @!p0 s2, s5  }
0x29c: {  	[tilespmem:s6], [sflag:$0xB] =	stream.linear.gather @!p0 [hbm4b:s5+s4], $0x400, $0x38;
	[tilespmem:$0x14200] =	vst v63  }
0x29d: {  	s7 =	simm.s32 @!p0 $0xA600;
	s6 =	sadd.s32 @!p0 $0xF4280, s5  }
0x29e: {  	[tilespmem:s7], [sflag:$0xB] =	stream.linear.gather @!p0 [hbm4b:s6+s4], $0x400, $0x38;
	[tilespmem:$0x14200] =	vst v63  }
0x29f: {  	s6 =	sadd.s32 @!p0 $0x1E8500, s5;
	s7 =	simm.s32 @!p0 $0xAA00  }
0x2a0: {  	[tilespmem:s7], [sflag:$0xB] =	stream.linear.gather @!p0 [hbm4b:s6+s4], $0x400, $0x38;
	[tilespmem:$0x14200] =	vst v63  }
0x2a1: {  	s5 =	sadd.s32 @!p0 $0x2DC780, s5;
	s6 =	simm.s32 @!p0 $0xAE00  }
0x2a2: {  	[tilespmem:s6], [sflag:$0xB] =	stream.linear.gather @!p0 [hbm4b:s5+s4], $0x400, $0x38;
	[tilespmem:$0x14200] =	vst v63  }
0x2a3: {  	_ =	swait.ge [sflag:s12], $0x1000  }
0x2a4: {  	[sflag:s12] =	ssyncset.done $0x0  }
0x2a5: {  	[sflag:s12] =	ssyncadd.s32 $0xFFFFF000  }
0x2a6: {  	v39 =	vld [tilespmem:s17+$0xFFFFFFF0];
	_ =	sdelay $0x4  }
0x2a7: {  	v34 =	vsel vm11, $0x0, v39  }
0x2a8: {  	(xrf0) =	vadd.scan.msk.s32 $0xffff, v34;
	_ =	sdelay $0x5  }
0x2a9: {  	v34, _, _ =	vpop (xrf0)  }
0x2aa: {  	(v2sf) =	vpush v34, $0xF;
	_ =	sdelay $0xe  }
0x2ab: {  	s6 =	spop (v2sf)  }
0x2ac: {  	s5 =	sand.u32 $0x7F, s6  }
0x2ad: {  	s7 =	sadd.s32 $0xFFFFFFFC, s18;
	v40 =	vor.u32 s5, v24  }
0x2ae: {  	v41 =	vmov s7;
	v42 =	vor.u32 s5, v25  }
0x2af: {  	v43 =	vshll.u32 v41, $0x3  }
0x2b0: {  	v35 =	vand.u32 $0x7B, v41;
	v37 =	vand.u32 $0xC00, v43  }
0x2b1: {  	v35 =	vor.u32 v35, v37  }
0x2b2: {  	v37 =	vor.u32 v1, v35;
	v34 =	vld.idx.msk [tilespmem:v40+s8+$0x0], $0xffff  }
0x2b3: {  	v35 =	vor.u32 v2, v35;
	v36 =	vld.idx.msk [tilespmem:v42+s8+$0x0], $0xffff;
	_ =	sdelay $0x3  }
0x2b4: {  	[tilespmem:v37+s25+$0x0] =	vst.idx.msk $0xffff, v34  }
0x2b5: {  	[tilespmem:v35+s25+$0x0] =	vst.idx.msk $0xffff, v36  }
0x2b6: {  	v34 =	vld @!p0 [tilespmem:s17+$0x0];
	_ =	sdelay $0x3  }
0x2b7: {  	vm1 =	vcmask @!p0 $0x2B30  }
0x2b8: {  	v34 =	vsel @!p0 vm1, $0x0, v34  }
0x2b9: {  	(xrf0) =	vadd.scan.msk.s32 @!p0 $0xffff, v34;
	_ =	sdelay $0x5  }
0x2ba: {  	v34, _, _ =	vpop @!p0 (xrf0)  }
0x2bb: {  	(v2sf) =	vpush @!p0 v34, $0xF;
	_ =	sdelay $0xe  }
0x2bc: {  	s5 =	spop @!p0 (v2sf)  }
0x2bd: {  	s5 =	sand.u32 @!p0 $0xFFFFF80, s5  }
0x2be: {  	s6 =	simm.s32 @!p0 $0xB200;
	s5 =	sadd.s32 @!p0 s2, s5  }
0x2bf: {  	[tilespmem:s6], [sflag:$0xC] =	stream.linear.gather @!p0 [hbm4b:s5+s4], $0x400, $0x38;
	[tilespmem:$0x14200] =	vst v63  }
0x2c0: {  	s7 =	simm.s32 @!p0 $0xB600;
	s6 =	sadd.s32 @!p0 $0xF4280, s5  }
0x2c1: {  	[tilespmem:s7], [sflag:$0xC] =	stream.linear.gather @!p0 [hbm4b:s6+s4], $0x400, $0x38;
	[tilespmem:$0x14200] =	vst v63  }
0x2c2: {  	s6 =	sadd.s32 @!p0 $0x1E8500, s5;
	s7 =	simm.s32 @!p0 $0xBA00  }
0x2c3: {  	[tilespmem:s7], [sflag:$0xC] =	stream.linear.gather @!p0 [hbm4b:s6+s4], $0x400, $0x38;
	[tilespmem:$0x14200] =	vst v63  }
0x2c4: {  	s5 =	sadd.s32 @!p0 $0x2DC780, s5;
	s6 =	simm.s32 @!p0 $0xBE00  }
0x2c5: {  	[tilespmem:s6], [sflag:$0xC] =	stream.linear.gather @!p0 [hbm4b:s5+s4], $0x400, $0x38;
	[tilespmem:$0x14200] =	vst v63  }
0x2c6: {  	_ =	swait.ge [sflag:s13], $0x1000  }
0x2c7: {  	[sflag:s13] =	ssyncset.done $0x0  }
0x2c8: {  	[sflag:s13] =	ssyncadd.s32 $0xFFFFF000  }
0x2c9: {  	v44 =	vld [tilespmem:s17+$0xFFFFFFF0];
	_ =	sdelay $0x4  }
0x2ca: {  	v34 =	vsel vm12, $0x0, v44  }
0x2cb: {  	(xrf0) =	vadd.scan.msk.s32 $0xffff, v34;
	_ =	sdelay $0x5  }
0x2cc: {  	v34, _, _ =	vpop (xrf0)  }
0x2cd: {  	(v2sf) =	vpush v34, $0xF;
	_ =	sdelay $0xe  }
0x2ce: {  	s6 =	spop (v2sf)  }
0x2cf: {  	s5 =	sand.u32 $0x7F, s6  }
0x2d0: {  	s7 =	sadd.s32 $0xFFFFFFFD, s18;
	v45 =	vor.u32 s5, v26  }
0x2d1: {  	v46 =	vmov s7;
	v47 =	vor.u32 s5, v27  }
0x2d2: {  	v48 =	vshll.u32 v46, $0x3  }
0x2d3: {  	v35 =	vand.u32 $0x7C, v46;
	v37 =	vand.u32 $0xC00, v48  }
0x2d4: {  	v35 =	vor.u32 v35, v37  }
0x2d5: {  	v37 =	vor.u32 v1, v35;
	v34 =	vld.idx.msk [tilespmem:v45+s8+$0x0], $0xffff  }
0x2d6: {  	v35 =	vor.u32 v2, v35;
	v36 =	vld.idx.msk [tilespmem:v47+s8+$0x0], $0xffff;
	_ =	sdelay $0x3  }
0x2d7: {  	[tilespmem:v37+s25+$0x0] =	vst.idx.msk $0xffff, v34  }
0x2d8: {  	[tilespmem:v35+s25+$0x0] =	vst.idx.msk $0xffff, v36  }
0x2d9: {  	v34 =	vld @!p0 [tilespmem:s17+$0x0];
	_ =	sdelay $0x3  }
0x2da: {  	vm1 =	vcmask @!p0 $0x2F34  }
0x2db: {  	v34 =	vsel @!p0 vm1, $0x0, v34  }
0x2dc: {  	(xrf0) =	vadd.scan.msk.s32 @!p0 $0xffff, v34;
	_ =	sdelay $0x5  }
0x2dd: {  	v34, _, _ =	vpop @!p0 (xrf0)  }
0x2de: {  	(v2sf) =	vpush @!p0 v34, $0xF;
	_ =	sdelay $0xe  }
0x2df: {  	s5 =	spop @!p0 (v2sf)  }
0x2e0: {  	s5 =	sand.u32 @!p0 $0xFFFFF80, s5  }
0x2e1: {  	s6 =	simm.s32 @!p0 $0xC200;
	s5 =	sadd.s32 @!p0 s2, s5  }
0x2e2: {  	[tilespmem:s6], [sflag:$0xD] =	stream.linear.gather @!p0 [hbm4b:s5+s4], $0x400, $0x38;
	[tilespmem:$0x14200] =	vst v63  }
0x2e3: {  	s7 =	simm.s32 @!p0 $0xC600;
	s6 =	sadd.s32 @!p0 $0xF4280, s5  }
0x2e4: {  	[tilespmem:s7], [sflag:$0xD] =	stream.linear.gather @!p0 [hbm4b:s6+s4], $0x400, $0x38;
	[tilespmem:$0x14200] =	vst v63  }
0x2e5: {  	s6 =	sadd.s32 @!p0 $0x1E8500, s5;
	s7 =	simm.s32 @!p0 $0xCA00  }
0x2e6: {  	[tilespmem:s7], [sflag:$0xD] =	stream.linear.gather @!p0 [hbm4b:s6+s4], $0x400, $0x38;
	[tilespmem:$0x14200] =	vst v63  }
0x2e7: {  	s5 =	sadd.s32 @!p0 $0x2DC780, s5;
	s6 =	simm.s32 @!p0 $0xCE00  }
0x2e8: {  	[tilespmem:s6], [sflag:$0xD] =	stream.linear.gather @!p0 [hbm4b:s5+s4], $0x400, $0x38;
	[tilespmem:$0x14200] =	vst v63  }
0x2e9: {  	_ =	swait.ge [sflag:s14], $0x1000  }
0x2ea: {  	[sflag:s14] =	ssyncset.done $0x0  }
0x2eb: {  	[sflag:s14] =	ssyncadd.s32 $0xFFFFF000  }
0x2ec: {  	v49 =	vld [tilespmem:s17+$0xFFFFFFF0];
	_ =	sdelay $0x4  }
0x2ed: {  	v34 =	vsel vm13, $0x0, v49  }
0x2ee: {  	(xrf0) =	vadd.scan.msk.s32 $0xffff, v34;
	_ =	sdelay $0x5  }
0x2ef: {  	v34, _, _ =	vpop (xrf0)  }
0x2f0: {  	(v2sf) =	vpush v34, $0xF;
	_ =	sdelay $0xe  }
0x2f1: {  	s6 =	spop (v2sf)  }
0x2f2: {  	s5 =	sand.u32 $0x7F, s6  }
0x2f3: {  	s7 =	sadd.s32 $0xFFFFFFFE, s18;
	v50 =	vor.u32 s5, v28  }
0x2f4: {  	v51 =	vmov s7;
	v52 =	vor.u32 s5, v29  }
0x2f5: {  	v53 =	vshll.u32 v51, $0x3  }
0x2f6: {  	v35 =	vand.u32 $0x7D, v51;
	v37 =	vand.u32 $0xC00, v53  }
0x2f7: {  	v35 =	vor.u32 v35, v37  }
0x2f8: {  	v37 =	vor.u32 v1, v35;
	v34 =	vld.idx.msk [tilespmem:v50+s8+$0x0], $0xffff  }
0x2f9: {  	v35 =	vor.u32 v2, v35;
	v36 =	vld.idx.msk [tilespmem:v52+s8+$0x0], $0xffff;
	_ =	sdelay $0x3  }
0x2fa: {  	[tilespmem:v37+s25+$0x0] =	vst.idx.msk $0xffff, v34  }
0x2fb: {  	[tilespmem:v35+s25+$0x0] =	vst.idx.msk $0xffff, v36  }
0x2fc: {  	v34 =	vld @!p0 [tilespmem:s17+$0x0];
	_ =	sdelay $0x3  }
0x2fd: {  	vm1 =	vcmask @!p0 $0x3338  }
0x2fe: {  	v34 =	vsel @!p0 vm1, $0x0, v34  }
0x2ff: {  	(xrf0) =	vadd.scan.msk.s32 @!p0 $0xffff, v34;
	_ =	sdelay $0x5  }
0x300: {  	v34, _, _ =	vpop @!p0 (xrf0)  }
0x301: {  	(v2sf) =	vpush @!p0 v34, $0xF;
	_ =	sdelay $0xe  }
0x302: {  	s5 =	spop @!p0 (v2sf)  }
0x303: {  	s5 =	sand.u32 @!p0 $0xFFFFF80, s5  }
0x304: {  	s6 =	simm.s32 @!p0 $0xD200;
	s5 =	sadd.s32 @!p0 s2, s5  }
0x305: {  	[tilespmem:s6], [sflag:$0xE] =	stream.linear.gather @!p0 [hbm4b:s5+s4], $0x400, $0x38;
	[tilespmem:$0x14200] =	vst v63  }
0x306: {  	s7 =	simm.s32 @!p0 $0xD600;
	s6 =	sadd.s32 @!p0 $0xF4280, s5  }
0x307: {  	[tilespmem:s7], [sflag:$0xE] =	stream.linear.gather @!p0 [hbm4b:s6+s4], $0x400, $0x38;
	[tilespmem:$0x14200] =	vst v63  }
0x308: {  	s6 =	sadd.s32 @!p0 $0x1E8500, s5;
	s7 =	simm.s32 @!p0 $0xDA00  }
0x309: {  	[tilespmem:s7], [sflag:$0xE] =	stream.linear.gather @!p0 [hbm4b:s6+s4], $0x400, $0x38;
	[tilespmem:$0x14200] =	vst v63  }
0x30a: {  	s5 =	sadd.s32 @!p0 $0x2DC780, s5;
	s6 =	simm.s32 @!p0 $0xDE00  }
0x30b: {  	[tilespmem:s6], [sflag:$0xE] =	stream.linear.gather @!p0 [hbm4b:s5+s4], $0x400, $0x38;
	[tilespmem:$0x14200] =	vst v63  }
0x30c: {  	_ =	swait.ge [sflag:s15], $0x1000  }
0x30d: {  	[sflag:s15] =	ssyncset.done $0x0  }
0x30e: {  	[sflag:s15] =	ssyncadd.s32 $0xFFFFF000  }
0x30f: {  	v54 =	vld [tilespmem:s17+$0xFFFFFFF0];
	_ =	sdelay $0x4  }
0x310: {  	v34 =	vsel vm14, $0x0, v54  }
0x311: {  	(xrf0) =	vadd.scan.msk.s32 $0xffff, v34;
	_ =	sdelay $0x5  }
0x312: {  	v34, _, _ =	vpop (xrf0)  }
0x313: {  	(v2sf) =	vpush v34, $0xF;
	_ =	sdelay $0xe  }
0x314: {  	s6 =	spop (v2sf)  }
0x315: {  	s5 =	sand.u32 $0x7F, s6  }
0x316: {  	s7 =	sadd.s32 $0xFFFFFFFF, s18;
	v55 =	vor.u32 s5, v30  }
0x317: {  	v56 =	vmov s7;
	v57 =	vor.u32 s5, v31  }
0x318: {  	v58 =	vshll.u32 v56, $0x3  }
0x319: {  	v35 =	vand.u32 $0x7E, v56;
	v37 =	vand.u32 $0xC00, v58  }
0x31a: {  	v35 =	vor.u32 v35, v37  }
0x31b: {  	v37 =	vor.u32 v1, v35;
	v34 =	vld.idx.msk [tilespmem:v55+s8+$0x0], $0xffff  }
0x31c: {  	v35 =	vor.u32 v2, v35;
	v36 =	vld.idx.msk [tilespmem:v57+s8+$0x0], $0xffff;
	_ =	sdelay $0x3  }
0x31d: {  	[tilespmem:v37+s25+$0x0] =	vst.idx.msk $0xffff, v34  }
0x31e: {  	[tilespmem:v35+s25+$0x0] =	vst.idx.msk $0xffff, v36  }
0x31f: {  	v34 =	vld @!p0 [tilespmem:s17+$0x0];
	_ =	sdelay $0x3  }
0x320: {  	vm1 =	vcmask @!p0 $0x373C  }
0x321: {  	v34 =	vsel @!p0 vm1, $0x0, v34  }
0x322: {  	(xrf0) =	vadd.scan.msk.s32 @!p0 $0xffff, v34;
	_ =	sdelay $0x5  }
0x323: {  	v34, _, _ =	vpop @!p0 (xrf0)  }
0x324: {  	(v2sf) =	vpush @!p0 v34, $0xF;
	_ =	sdelay $0xe  }
0x325: {  	s5 =	spop @!p0 (v2sf)  }
0x326: {  	s5 =	sand.u32 @!p0 $0xFFFFF80, s5  }
0x327: {  	s6 =	simm.s32 @!p0 $0xE200;
	s5 =	sadd.s32 @!p0 s2, s5  }
0x328: {  	[tilespmem:s6], [sflag:$0xF] =	stream.linear.gather @!p0 [hbm4b:s5+s4], $0x400, $0x38;
	[tilespmem:$0x14200] =	vst v63  }
0x329: {  	s7 =	simm.s32 @!p0 $0xE600;
	s6 =	sadd.s32 @!p0 $0xF4280, s5  }
0x32a: {  	[tilespmem:s7], [sflag:$0xF] =	stream.linear.gather @!p0 [hbm4b:s6+s4], $0x400, $0x38;
	[tilespmem:$0x14200] =	vst v63  }
0x32b: {  	s6 =	sadd.s32 @!p0 $0x1E8500, s5;
	s7 =	simm.s32 @!p0 $0xEA00  }
0x32c: {  	[tilespmem:s7], [sflag:$0xF] =	stream.linear.gather @!p0 [hbm4b:s6+s4], $0x400, $0x38;
	[tilespmem:$0x14200] =	vst v63  }
0x32d: {  	s5 =	sadd.s32 @!p0 $0x2DC780, s5;
	s6 =	simm.s32 @!p0 $0xEE00  }
0x32e: {  	[tilespmem:s6], [sflag:$0xF] =	stream.linear.gather @!p0 [hbm4b:s5+s4], $0x400, $0x38;
	[tilespmem:$0x14200] =	vst v63  }
0x32f: {  	_ =	swait.ge [sflag:s16], $0x1000  }
0x330: {  	[sflag:s16] =	ssyncset.done $0x0  }
0x331: {  	[sflag:s16] =	ssyncadd.s32 $0xFFFFF000  }
0x332: {  	v59 =	vld [tilespmem:s17+$0xFFFFFFF0];
	_ =	sdelay $0x4  }
0x333: {  	v34 =	vsel vm15, $0x0, v59  }
0x334: {  	(xrf0) =	vadd.scan.msk.s32 $0xffff, v34;
	_ =	sdelay $0x5  }
0x335: {  	v34, _, _ =	vpop (xrf0)  }
0x336: {  	(v2sf) =	vpush v34, $0xF;
	_ =	sdelay $0xe  }
0x337: {  	s7 =	spop (v2sf)  }
0x338: {  	s4 =	sand.u32 $0x7F, s7  }
0x339: {  	v60 =	vor.u32 s4, v32  }
0x33a: {  	v61 =	vmov s18;
	v62 =	vor.u32 s4, v33  }
0x33b: {  	v63 =	vshll.u32 v61, $0x3  }
0x33c: {  	v37 =	vand.u32 $0xC00, v63;
	v35 =	vand.u32 $0x7F, v61  }
0x33d: {  	v35 =	vor.u32 v35, v37  }
0x33e: {  	v37 =	vor.u32 v1, v35;
	v34 =	vld.idx.msk [tilespmem:v60+s8+$0x0], $0xffff  }
0x33f: {  	v35 =	vor.u32 v2, v35;
	v36 =	vld.idx.msk [tilespmem:v62+s8+$0x0], $0xffff  }
.Ltmp2:
0x340: {  	_ = 	snop;
	(pc) =	sbr.rel @p0 .LBB2_4-.Ltmp2, $3  }
0x341: {  	_ =	sdelay $0x1  }
0x342: {  	[tilespmem:v37+s25+$0x0] =	vst.idx.msk $0xffff, v34  }
0x343: {  	[tilespmem:v35+s25+$0x0] =	vst.idx.msk $0xffff, v36  }
0x344: {  	v34 =	vld [tilespmem:s17+$0x0];
	_ =	sdelay $0x4  }
0x345: {  	v34 =	vsel vm15, $0x0, v34  }
0x346: {  	(xrf0) =	vadd.scan.msk.s32 $0xffff, v34;
	_ =	sdelay $0x5  }
0x347: {  	v34, _, _ =	vpop (xrf0)  }
0x348: {  	(v2sf) =	vpush v34, $0xF;
	_ =	sdelay $0xe  }
0x349: {  	s4 =	spop (v2sf)  }
0x34a: {  	s4 =	sand.u32 $0xFFFFF80, s4  }
0x34b: {  	s4 =	sadd.s32 s2, s4  }
0x34c: {  	[tilespmem:s20], [sflag:$0x10] =	stream.linear.gather [hbm4b:s4+s3], $0x400, $0x38;
	[tilespmem:$0x14200] =	vst v63  }
0x34d: {  	s5 =	sadd.s32 $0xF4280, s4  }
0x34e: {  	[tilespmem:s21], [sflag:$0x10] =	stream.linear.gather [hbm4b:s5+s3], $0x400, $0x38;
	[tilespmem:$0x14200] =	vst v63  }
.Ltmp3:
0x34f: {  	_ = 	snop;
	(pc) =	sbr.rel .LBB2_2-.Ltmp3, $4  }
0x350: {  	s7 =	sadd.s32 $0x1E8500, s4  }
0x351: {  	[tilespmem:s22], [sflag:$0x10] =	stream.linear.gather [hbm4b:s7+s3], $0x400, $0x38;
	[tilespmem:$0x14200] =	vst v63  }
0x352: {  	s18 =	sadd.s32 $0x10, s18;
	s17 =	sadd.s32 $0x10, s17;
	s4 =	sadd.s32 $0x2DC780, s4  }
0x353: {  	[tilespmem:s23], [sflag:$0x10] =	stream.linear.gather [hbm4b:s4+s3], $0x400, $0x38;
	[tilespmem:$0x14200] =	vst v63  }
.LBB2_5:
0x354: {  	_ =	sfence.sel $0x180000  }
0x355: {  	[bflag:$0x0] =	sbarrier.arrive $0xFFFF  }
0x356: {  	_ =	strace $0x90000047  }
0x357: {  	s0 =	stileid.u32;
	[bflag:$0x2] =	sbarrier.arrive $0xFFFF  }
0x358: {  	p0 =	sne.s32 s0, $0x0;
	s0 =	rddreg [dreg:$0x3]  }
0x359: {  	s0 =	sadd.s32 @!p0 $0x100000, s0  }
0x35a: {  	[sflag:s0] =	ssyncadd.tile.s32 @!p0 $0x1;
	_ =	shalt  }
.Lfunc_end2:
_tile_overlayer_lowered:
.L_overlay_start_2:
0x35b: {  	(tag) =	ssettag $0x2  }
0x35c: {  	s0 =	rddreg [dreg:$0x0];
	s2 =	stileid.u32  }
0x35d: {  	s1 =	rddreg [dreg:$0x1];
	p0 =	sne.s32 s2, $0x0  }
0x35e: {  	s3 =	rddreg [dreg:$0x2];
	[bflag:$0x3] =	sbarrier.arrive $0xFFFF;
	s2 =	simm.s32 @!p0 $0x1C11  }
0x35f: {  	[timem:s3], [sflag:s2] =	dma.local @!p0 [hbm:s0], s1  }
0x360: {  	s0 =	simm.s32 @!p0 $0x11  }
0x361: {  	_ =	swait.ge @!p0 [sflag:s0], s1  }
0x362: {  	s1 =	ssub.s32 @!p0 $0x0, s1;
	[sflag:s0] =	ssyncset.done @!p0 $0x0  }
0x363: {  	[sflag:s0] =	ssyncadd.s32 @!p0 s1  }
0x364: {  	[bflag:$0x3] =	sbarrier.arrive $0xFFFF  }
0x365: {  	_ =	shalt  }

</sc_bundles>
